<compile_context>
chip_gen: v7x
topology: tpu7x:2x2x1
jax: 0.10.2.dev20260603
libtpu: 0.0.44.dev20260713+nightly
codegen_flags: <defaults>
</compile_context>

<pallas_src>
import functools

import jax
import jax.numpy as jnp
from jax import lax
from jax.experimental import pallas as pl
from jax.experimental.pallas import tpu as pltpu
from jax.experimental.pallas import tpu_sc as plsc

VOCAB = 1024
D_MODEL = 1024
SEQ_LEN = 2048
BATCH = 4
MAX_TOK = 20
SCALE = 8.0 ** 0.5

NC = 2
NS = 16
NW = NC * NS
LANES = 16

W_PER_B = NW // BATCH
D_PER_W = D_MODEL // W_PER_B
D_CHUNK = 16
N_CHUNK = D_PER_W // D_CHUNK
N_GRP = SEQ_LEN // LANES

TBL_ROWS = 24
TBL = TBL_ROWS * D_MODEL


def _sc_body(x_hbm, w_hbm, out_hbm, x_v, tbl_v, idx_v, out0_v, out1_v,
             grp_s, sem0, sem1):
    wid = lax.axis_index("s") * NC + lax.axis_index("c")
    b = wid // W_PER_B
    d0 = (wid % W_PER_B) * D_PER_W

    stage = [
        pltpu.async_copy(w_hbm.at[r],
                         tbl_v.at[pl.ds(r * D_MODEL, D_MODEL)], sem0)
        for r in range(MAX_TOK)
    ]
    xcp = pltpu.async_copy(x_hbm, x_v, sem1)

    zvec = jnp.zeros((LANES,), jnp.float32)
    for buf in (out0_v, out1_v):
        @plsc.parallel_loop(0, D_CHUNK * N_GRP, unroll=8)
        def _zfill(i, buf=buf):
            dd = i // N_GRP
            g = i - dd * N_GRP
            buf[dd, pl.ds(g * LANES, LANES)] = zvec

    xcp.wait()
    lane_step = lax.iota(jnp.int32, LANES) * BATCH

    def _extract(g, ngrp):
        flat = g * (LANES * BATCH) + b + lane_step
        v = plsc.load_gather(x_v, [flat])
        slot = pl.multiple_of(ngrp * LANES, LANES)
        idx_v[pl.ds(slot, LANES)] = jnp.minimum(v, MAX_TOK) * D_MODEL + d0
        grp_s[ngrp] = g
        return ngrp + jnp.where(jnp.min(v) < MAX_TOK, 1, 0).astype(ngrp.dtype)
    ngrp = lax.fori_loop(0, N_GRP, _extract, jnp.int32(0))

    for cp in stage:
        cp.wait()

    @plsc.parallel_loop(0, MAX_TOK * (D_MODEL // LANES), unroll=4)
    def _scale(i):
        p = i * LANES
        tbl_v[pl.ds(p, LANES)] = tbl_v[pl.ds(p, LANES)] * SCALE

    @plsc.parallel_loop(0, D_MODEL // LANES, unroll=4)
    def _zero(j):
        tbl_v[pl.ds(MAX_TOK * D_MODEL + j * LANES, LANES)] = zvec

    bufs = (out0_v, out1_v)
    sems = (sem0, sem1)
    copies = [None, None]
    for c in range(N_CHUNK):
        nbuf = c % 2
        if copies[nbuf] is not None:
            copies[nbuf].wait()

        out_v = bufs[nbuf]
        doffs = [jnp.full((LANES,), c * D_CHUNK + dd, jnp.int32)
                 for dd in range(D_CHUNK)]

        @plsc.parallel_loop(0, ngrp, unroll=2)
        def _live(j, out_v=out_v, doffs=doffs):
            slot = pl.multiple_of(j * LANES, LANES)
            base = pl.multiple_of(grp_s[j] * LANES, LANES)
            rows = idx_v[pl.ds(slot, LANES)]
            vals = [plsc.load_gather(tbl_v, [rows + doffs[dd]])
                    for dd in range(D_CHUNK)]
            for dd in range(D_CHUNK):
                out_v[dd, pl.ds(base, LANES)] = vals[dd]

        copies[nbuf] = pltpu.async_copy(
            out_v, out_hbm.at[b, pl.ds(d0 + c * D_CHUNK, D_CHUNK), :],
            sems[nbuf])

    copies[0].wait()
    copies[1].wait()


_sc_embed = functools.partial(
    pl.kernel,
    mesh=plsc.VectorSubcoreMesh(
        core_axis_name="c", subcore_axis_name="s",
        num_cores=NC, num_subcores=NS),
    out_type=jax.ShapeDtypeStruct((BATCH, D_MODEL, SEQ_LEN), jnp.float32),
    compiler_params=pltpu.CompilerParams(needs_layout_passes=False),
    scratch_types=[
        pltpu.VMEM((SEQ_LEN * BATCH,), jnp.int32),
        pltpu.VMEM((TBL,), jnp.float32),
        pltpu.VMEM((SEQ_LEN,), jnp.int32),
        pltpu.VMEM((D_CHUNK, SEQ_LEN), jnp.float32),
        pltpu.VMEM((D_CHUNK, SEQ_LEN), jnp.float32),
        pltpu.SMEM((N_GRP,), jnp.int32),
        pltpu.SemaphoreType.DMA,
        pltpu.SemaphoreType.DMA,
    ],
)(_sc_body)


def kernel(x, embed_w):
    return _sc_embed(x.astype(jnp.int32).reshape(-1), embed_w)

# --- scband reference (transcript-rebuilt; emitter-appended) ---
"""Pipeline reference for scband-mixer-model-embedding-3332894621876 (READ-ONLY COPY).

The authoritative reference and input builder live on the scoring server;
editing this copy changes nothing except your own understanding.
"""

import jax, jax.numpy as jnp
import numpy as np

VOCAB = 1024
D_MODEL = 1024
SEQ_LEN = 2048
BATCH = 4
WIDTH_MULT = 8.0
MAX_TOKEN_SIZE = 20


def setup_inputs(seed: int = 0) -> dict:
    key = jax.random.key(seed)
    k1, k2 = jax.random.split(key)
    # x is (sequence_length, batch_size)
    x = jax.random.randint(k1, (SEQ_LEN, BATCH), 0, VOCAB)
    # 'mup' init: randn(fan_in, fan_out) * width_mult ** -0.5
    embed_w = jax.random.normal(k2, (VOCAB, D_MODEL), dtype=jnp.float32) * (WIDTH_MULT ** -0.5)
    return {"x": x, "embed_w": embed_w}


def reference(x, embed_w):
    # forward mutates embed_w under no_grad: zero rows >= MAX_TOKEN_SIZE
    w = embed_w.at[MAX_TOKEN_SIZE:, :].set(0.0)
    x_onehot = jax.nn.one_hot(x, VOCAB, dtype=w.dtype)
    # einsum 'lbv,vd->bdl'
    embeded = jnp.einsum('lbv,vd->bdl', x_onehot, w)
    # 'mup' multiplier
    return embeded * (WIDTH_MULT ** 0.5)

if __name__ == "__main__":
    import jax
    _d = setup_inputs()
    print(jax.jit(kernel)(*tuple(_d.values())))

</pallas_src>

<mosaic_0001>
#map = affine_map<(d0, d1) -> (0)>
#map1 = affine_map<(d0, d1) -> (0, 0)>
#map2 = affine_map<(d0, d1) -> (0, 0, 0)>
module attributes {stable_mosaic.version = 14 : i64} {
  func.func @_sc_body(%arg0: i32, %arg1: i32, %arg2: memref<8192xi32, #tpu.memory_space<hbm>>, %arg3: memref<1024x1024xf32, #tpu.memory_space<hbm>>, %arg4: memref<4x1024x2048xf32, #tpu.memory_space<hbm>>, %arg5: memref<8192xi32, #tpu.memory_space<vmem>>, %arg6: memref<24576xf32, #tpu.memory_space<vmem>>, %arg7: memref<2048xi32, #tpu.memory_space<vmem>>, %arg8: memref<16x2048xf32, #tpu.memory_space<vmem>>, %arg9: memref<16x2048xf32, #tpu.memory_space<vmem>>, %arg10: memref<128xi32, #tpu.memory_space<smem>>, %arg11: memref<!tpu.dma_semaphore, #tpu.memory_space<semaphore_mem>>, %arg12: memref<!tpu.dma_semaphore, #tpu.memory_space<semaphore_mem>>) attributes {dimension_semantics = [#tpu.dimension_semantics<core_parallel>, #tpu.dimension_semantics<subcore_parallel>], iteration_bounds = array<i64: 2, 16>, scalar_prefetch = 0 : i64, scratch_operands = 8 : i64, tpu.core_type = #tpu.core_type<sc_vector_subcore>, window_params = [{transform_indices = #map}, {transform_indices = #map1}, {transform_indices = #map2}]} {
    %mul3A = arith.constant 2 : i32
    %mul3A_0 = arith.muli %arg1, %mul3A : i32
    %add3A = arith.addi %mul3A_0, %arg0 : i32
    %jit3A = arith.constant 8 : i32
    %div3A = arith.divsi %add3A, %jit3A : i32
    %sign3A = arith.constant 0 : i32
    %sign3A_1 = arith.cmpi sgt, %add3A, %sign3A : i32
    %sign3A_2 = arith.extui %sign3A_1 : i1 to i32
    %sign3A_3 = arith.constant 0 : i32
    %sign3A_4 = arith.cmpi slt, %add3A, %sign3A_3 : i32
    %sign3A_5 = arith.extui %sign3A_4 : i1 to i32
    %sign3A_6 = arith.subi %sign3A_2, %sign3A_5 : i32
    %sign3A_7 = arith.constant 0 : i32
    %sign3A_8 = arith.cmpi sgt, %jit3A, %sign3A_7 : i32
    %sign3A_9 = arith.extui %sign3A_8 : i1 to i32
    %sign3A_10 = arith.constant 0 : i32
    %sign3A_11 = arith.cmpi slt, %jit3A, %sign3A_10 : i32
    %sign3A_12 = arith.extui %sign3A_11 : i1 to i32
    %sign3A_13 = arith.subi %sign3A_9, %sign3A_12 : i32
    %ne3A = arith.cmpi ne, %sign3A_6, %sign3A_13 : i32
    %rem3A = arith.remsi %add3A, %jit3A : i32
    %ne3A_14 = arith.constant 0 : i32
    %ne3A_15 = arith.cmpi ne, %rem3A, %ne3A_14 : i32
    %and3A = arith.andi %ne3A, %ne3A_15 : i1
    %sub3A = arith.constant 1 : i32
    %sub3A_16 = arith.subi %div3A, %sub3A : i32
    %select_n3A = arith.select %and3A, %sub3A_16, %div3A : i32
    %jit3A_17 = arith.constant 8 : i32
    %eq3A = arith.constant 0 : i32
    %eq3A_18 = arith.cmpi eq, %jit3A_17, %eq3A : i32
    %jit3A_19 = arith.constant 1 : i32
    %select_n3A_20 = arith.select %eq3A_18, %jit3A_19, %jit3A_17 : i32
    %rem3A_21 = arith.remsi %add3A, %select_n3A_20 : i32
    %ne3A_22 = arith.constant 0 : i32
    %ne3A_23 = arith.cmpi ne, %rem3A_21, %ne3A_22 : i32
    %lt3A = arith.constant 0 : i32
    %lt3A_24 = arith.cmpi slt, %rem3A_21, %lt3A : i32
    %lt3A_25 = arith.constant 0 : i32
    %lt3A_26 = arith.cmpi slt, %select_n3A_20, %lt3A_25 : i32
    %ne3A_27 = arith.xori %lt3A_24, %lt3A_26 : i1
    %and3A_28 = arith.andi %ne3A_27, %ne3A_23 : i1
    %add3A_29 = arith.addi %rem3A_21, %select_n3A_20 : i32
    %select_n3A_30 = arith.select %and3A_28, %add3A_29, %rem3A_21 : i32
    %mul3A_31 = arith.constant 128 : i32
    %mul3A_32 = arith.muli %select_n3A_30, %mul3A_31 : i32
    %dma_start3A = arith.constant 0 : i32
    %dma_start3A_33 = arith.constant 0 : i32
    %dma_start3A_34 = tpu.memref_slice %arg6[%dma_start3A_33] : memref<24576xf32, #tpu.memory_space<vmem>> -> memref<1024xf32, #tpu.memory_space<vmem>>
    %dma_start3A_35 = arith.constant 0 : i32
    %dma_start3A_36 = tpu.memref_slice %arg3[%dma_start3A, %dma_start3A_35] : memref<1024x1024xf32, #tpu.memory_space<hbm>> -> memref<1x1024xf32, #tpu.memory_space<hbm>>
    %dma_start3A_37 = tpu.memref_squeeze %dma_start3A_36 : memref<1x1024xf32, #tpu.memory_space<hbm>> -> memref<1024xf32, #tpu.memory_space<hbm>>
    %dma_start3A_38 = arith.constant 0 : i32
    %dma_start3A_39 = tpu.memref_slice %arg6[%dma_start3A_38] : memref<24576xf32, #tpu.memory_space<vmem>> -> memref<1024xf32, #tpu.memory_space<vmem>>
    %dma_start3A_40 = arith.constant 0 : i32
    %dma_start3A_41 = tpu.memref_slice %arg3[%dma_start3A, %dma_start3A_40] : memref<1024x1024xf32, #tpu.memory_space<hbm>> -> memref<1x1024xf32, #tpu.memory_space<hbm>>
    %dma_start3A_42 = tpu.memref_squeeze %dma_start3A_41 : memref<1x1024xf32, #tpu.memory_space<hbm>> -> memref<1024xf32, #tpu.memory_space<hbm>>
    tpu.enqueue_dma source(%dma_start3A_42 : memref<1024xf32, #tpu.memory_space<hbm>>) target(%dma_start3A_39 : memref<1024xf32, #tpu.memory_space<vmem>>) target_semaphore(%arg11 : memref<!tpu.dma_semaphore, #tpu.memory_space<semaphore_mem>>)
    %dma_start3A_43 = arith.constant 1 : i32
    %dma_start3A_44 = arith.constant 1024 : i32
    %dma_start3A_45 = tpu.memref_slice %arg6[%dma_start3A_44] : memref<24576xf32, #tpu.memory_space<vmem>> -> memref<1024xf32, #tpu.memory_space<vmem>>
    %dma_start3A_46 = arith.constant 0 : i32
    %dma_start3A_47 = tpu.memref_slice %arg3[%dma_start3A_43, %dma_start3A_46] : memref<1024x1024xf32, #tpu.memory_space<hbm>> -> memref<1x1024xf32, #tpu.memory_space<hbm>>
    %dma_start3A_48 = tpu.memref_squeeze %dma_start3A_47 : memref<1x1024xf32, #tpu.memory_space<hbm>> -> memref<1024xf32, #tpu.memory_space<hbm>>
    %dma_start3A_49 = arith.constant 1024 : i32
    %dma_start3A_50 = tpu.memref_slice %arg6[%dma_start3A_49] : memref<24576xf32, #tpu.memory_space<vmem>> -> memref<1024xf32, #tpu.memory_space<vmem>>
    %dma_start3A_51 = arith.constant 0 : i32
    %dma_start3A_52 = tpu.memref_slice %arg3[%dma_start3A_43, %dma_start3A_51] : memref<1024x1024xf32, #tpu.memory_space<hbm>> -> memref<1x1024xf32, #tpu.memory_space<hbm>>
    %dma_start3A_53 = tpu.memref_squeeze %dma_start3A_52 : memref<1x1024xf32, #tpu.memory_space<hbm>> -> memref<1024xf32, #tpu.memory_space<hbm>>
    tpu.enqueue_dma source(%dma_start3A_53 : memref<1024xf32, #tpu.memory_space<hbm>>) target(%dma_start3A_50 : memref<1024xf32, #tpu.memory_space<vmem>>) target_semaphore(%arg11 : memref<!tpu.dma_semaphore, #tpu.memory_space<semaphore_mem>>)
    %dma_start3A_54 = arith.constant 2 : i32
    %dma_start3A_55 = arith.constant 2048 : i32
    %dma_start3A_56 = tpu.memref_slice %arg6[%dma_start3A_55] : memref<24576xf32, #tpu.memory_space<vmem>> -> memref<1024xf32, #tpu.memory_space<vmem>>
    %dma_start3A_57 = arith.constant 0 : i32
    %dma_start3A_58 = tpu.memref_slice %arg3[%dma_start3A_54, %dma_start3A_57] : memref<1024x1024xf32, #tpu.memory_space<hbm>> -> memref<1x1024xf32, #tpu.memory_space<hbm>>
    %dma_start3A_59 = tpu.memref_squeeze %dma_start3A_58 : memref<1x1024xf32, #tpu.memory_space<hbm>> -> memref<1024xf32, #tpu.memory_space<hbm>>
    %dma_start3A_60 = arith.constant 2048 : i32
    %dma_start3A_61 = tpu.memref_slice %arg6[%dma_start3A_60] : memref<24576xf32, #tpu.memory_space<vmem>> -> memref<1024xf32, #tpu.memory_space<vmem>>
    %dma_start3A_62 = arith.constant 0 : i32
    %dma_start3A_63 = tpu.memref_slice %arg3[%dma_start3A_54, %dma_start3A_62] : memref<1024x1024xf32, #tpu.memory_space<hbm>> -> memref<1x1024xf32, #tpu.memory_space<hbm>>
    %dma_start3A_64 = tpu.memref_squeeze %dma_start3A_63 : memref<1x1024xf32, #tpu.memory_space<hbm>> -> memref<1024xf32, #tpu.memory_space<hbm>>
    tpu.enqueue_dma source(%dma_start3A_64 : memref<1024xf32, #tpu.memory_space<hbm>>) target(%dma_start3A_61 : memref<1024xf32, #tpu.memory_space<vmem>>) target_semaphore(%arg11 : memref<!tpu.dma_semaphore, #tpu.memory_space<semaphore_mem>>)
    %dma_start3A_65 = arith.constant 3 : i32
    %dma_start3A_66 = arith.constant 3072 : i32
    %dma_start3A_67 = tpu.memref_slice %arg6[%dma_start3A_66] : memref<24576xf32, #tpu.memory_space<vmem>> -> memref<1024xf32, #tpu.memory_space<vmem>>
    %dma_start3A_68 = arith.constant 0 : i32
    %dma_start3A_69 = tpu.memref_slice %arg3[%dma_start3A_65, %dma_start3A_68] : memref<1024x1024xf32, #tpu.memory_space<hbm>> -> memref<1x1024xf32, #tpu.memory_space<hbm>>
    %dma_start3A_70 = tpu.memref_squeeze %dma_start3A_69 : memref<1x1024xf32, #tpu.memory_space<hbm>> -> memref<1024xf32, #tpu.memory_space<hbm>>
    %dma_start3A_71 = arith.constant 3072 : i32
    %dma_start3A_72 = tpu.memref_slice %arg6[%dma_start3A_71] : memref<24576xf32, #tpu.memory_space<vmem>> -> memref<1024xf32, #tpu.memory_space<vmem>>
    %dma_start3A_73 = arith.constant 0 : i32
    %dma_start3A_74 = tpu.memref_slice %arg3[%dma_start3A_65, %dma_start3A_73] : memref<1024x1024xf32, #tpu.memory_space<hbm>> -> memref<1x1024xf32, #tpu.memory_space<hbm>>
    %dma_start3A_75 = tpu.memref_squeeze %dma_start3A_74 : memref<1x1024xf32, #tpu.memory_space<hbm>> -> memref<1024xf32, #tpu.memory_space<hbm>>
    tpu.enqueue_dma source(%dma_start3A_75 : memref<1024xf32, #tpu.memory_space<hbm>>) target(%dma_start3A_72 : memref<1024xf32, #tpu.memory_space<vmem>>) target_semaphore(%arg11 : memref<!tpu.dma_semaphore, #tpu.memory_space<semaphore_mem>>)
    %dma_start3A_76 = arith.constant 4 : i32
    %dma_start3A_77 = arith.constant 4096 : i32
    %dma_start3A_78 = tpu.memref_slice %arg6[%dma_start3A_77] : memref<24576xf32, #tpu.memory_space<vmem>> -> memref<1024xf32, #tpu.memory_space<vmem>>
    %dma_start3A_79 = arith.constant 0 : i32
    %dma_start3A_80 = tpu.memref_slice %arg3[%dma_start3A_76, %dma_start3A_79] : memref<1024x1024xf32, #tpu.memory_space<hbm>> -> memref<1x1024xf32, #tpu.memory_space<hbm>>
    %dma_start3A_81 = tpu.memref_squeeze %dma_start3A_80 : memref<1x1024xf32, #tpu.memory_space<hbm>> -> memref<1024xf32, #tpu.memory_space<hbm>>
    %dma_start3A_82 = arith.constant 4096 : i32
    %dma_start3A_83 = tpu.memref_slice %arg6[%dma_start3A_82] : memref<24576xf32, #tpu.memory_space<vmem>> -> memref<1024xf32, #tpu.memory_space<vmem>>
    %dma_start3A_84 = arith.constant 0 : i32
    %dma_start3A_85 = tpu.memref_slice %arg3[%dma_start3A_76, %dma_start3A_84] : memref<1024x1024xf32, #tpu.memory_space<hbm>> -> memref<1x1024xf32, #tpu.memory_space<hbm>>
    %dma_start3A_86 = tpu.memref_squeeze %dma_start3A_85 : memref<1x1024xf32, #tpu.memory_space<hbm>> -> memref<1024xf32, #tpu.memory_space<hbm>>
    tpu.enqueue_dma source(%dma_start3A_86 : memref<1024xf32, #tpu.memory_space<hbm>>) target(%dma_start3A_83 : memref<1024xf32, #tpu.memory_space<vmem>>) target_semaphore(%arg11 : memref<!tpu.dma_semaphore, #tpu.memory_space<semaphore_mem>>)
    %dma_start3A_87 = arith.constant 5 : i32
    %dma_start3A_88 = arith.constant 5120 : i32
    %dma_start3A_89 = tpu.memref_slice %arg6[%dma_start3A_88] : memref<24576xf32, #tpu.memory_space<vmem>> -> memref<1024xf32, #tpu.memory_space<vmem>>
    %dma_start3A_90 = arith.constant 0 : i32
    %dma_start3A_91 = tpu.memref_slice %arg3[%dma_start3A_87, %dma_start3A_90] : memref<1024x1024xf32, #tpu.memory_space<hbm>> -> memref<1x1024xf32, #tpu.memory_space<hbm>>
    %dma_start3A_92 = tpu.memref_squeeze %dma_start3A_91 : memref<1x1024xf32, #tpu.memory_space<hbm>> -> memref<1024xf32, #tpu.memory_space<hbm>>
    %dma_start3A_93 = arith.constant 5120 : i32
    %dma_start3A_94 = tpu.memref_slice %arg6[%dma_start3A_93] : memref<24576xf32, #tpu.memory_space<vmem>> -> memref<1024xf32, #tpu.memory_space<vmem>>
    %dma_start3A_95 = arith.constant 0 : i32
    %dma_start3A_96 = tpu.memref_slice %arg3[%dma_start3A_87, %dma_start3A_95] : memref<1024x1024xf32, #tpu.memory_space<hbm>> -> memref<1x1024xf32, #tpu.memory_space<hbm>>
    %dma_start3A_97 = tpu.memref_squeeze %dma_start3A_96 : memref<1x1024xf32, #tpu.memory_space<hbm>> -> memref<1024xf32, #tpu.memory_space<hbm>>
    tpu.enqueue_dma source(%dma_start3A_97 : memref<1024xf32, #tpu.memory_space<hbm>>) target(%dma_start3A_94 : memref<1024xf32, #tpu.memory_space<vmem>>) target_semaphore(%arg11 : memref<!tpu.dma_semaphore, #tpu.memory_space<semaphore_mem>>)
    %dma_start3A_98 = arith.constant 6 : i32
    %dma_start3A_99 = arith.constant 6144 : i32
    %dma_start3A_100 = tpu.memref_slice %arg6[%dma_start3A_99] : memref<24576xf32, #tpu.memory_space<vmem>> -> memref<1024xf32, #tpu.memory_space<vmem>>
    %dma_start3A_101 = arith.constant 0 : i32
    %dma_start3A_102 = tpu.memref_slice %arg3[%dma_start3A_98, %dma_start3A_101] : memref<1024x1024xf32, #tpu.memory_space<hbm>> -> memref<1x1024xf32, #tpu.memory_space<hbm>>
    %dma_start3A_103 = tpu.memref_squeeze %dma_start3A_102 : memref<1x1024xf32, #tpu.memory_space<hbm>> -> memref<1024xf32, #tpu.memory_space<hbm>>
    %dma_start3A_104 = arith.constant 6144 : i32
    %dma_start3A_105 = tpu.memref_slice %arg6[%dma_start3A_104] : memref<24576xf32, #tpu.memory_space<vmem>> -> memref<1024xf32, #tpu.memory_space<vmem>>
    %dma_start3A_106 = arith.constant 0 : i32
    %dma_start3A_107 = tpu.memref_slice %arg3[%dma_start3A_98, %dma_start3A_106] : memref<1024x1024xf32, #tpu.memory_space<hbm>> -> memref<1x1024xf32, #tpu.memory_space<hbm>>
    %dma_start3A_108 = tpu.memref_squeeze %dma_start3A_107 : memref<1x1024xf32, #tpu.memory_space<hbm>> -> memref<1024xf32, #tpu.memory_space<hbm>>
    tpu.enqueue_dma source(%dma_start3A_108 : memref<1024xf32, #tpu.memory_space<hbm>>) target(%dma_start3A_105 : memref<1024xf32, #tpu.memory_space<vmem>>) target_semaphore(%arg11 : memref<!tpu.dma_semaphore, #tpu.memory_space<semaphore_mem>>)
    %dma_start3A_109 = arith.constant 7 : i32
    %dma_start3A_110 = arith.constant 7168 : i32
    %dma_start3A_111 = tpu.memref_slice %arg6[%dma_start3A_110] : memref<24576xf32, #tpu.memory_space<vmem>> -> memref<1024xf32, #tpu.memory_space<vmem>>
    %dma_start3A_112 = arith.constant 0 : i32
    %dma_start3A_113 = tpu.memref_slice %arg3[%dma_start3A_109, %dma_start3A_112] : memref<1024x1024xf32, #tpu.memory_space<hbm>> -> memref<1x1024xf32, #tpu.memory_space<hbm>>
    %dma_start3A_114 = tpu.memref_squeeze %dma_start3A_113 : memref<1x1024xf32, #tpu.memory_space<hbm>> -> memref<1024xf32, #tpu.memory_space<hbm>>
    %dma_start3A_115 = arith.constant 7168 : i32
    %dma_start3A_116 = tpu.memref_slice %arg6[%dma_start3A_115] : memref<24576xf32, #tpu.memory_space<vmem>> -> memref<1024xf32, #tpu.memory_space<vmem>>
    %dma_start3A_117 = arith.constant 0 : i32
    %dma_start3A_118 = tpu.memref_slice %arg3[%dma_start3A_109, %dma_start3A_117] : memref<1024x1024xf32, #tpu.memory_space<hbm>> -> memref<1x1024xf32, #tpu.memory_space<hbm>>
    %dma_start3A_119 = tpu.memref_squeeze %dma_start3A_118 : memref<1x1024xf32, #tpu.memory_space<hbm>> -> memref<1024xf32, #tpu.memory_space<hbm>>
    tpu.enqueue_dma source(%dma_start3A_119 : memref<1024xf32, #tpu.memory_space<hbm>>) target(%dma_start3A_116 : memref<1024xf32, #tpu.memory_space<vmem>>) target_semaphore(%arg11 : memref<!tpu.dma_semaphore, #tpu.memory_space<semaphore_mem>>)
    %dma_start3A_120 = arith.constant 8 : i32
    %dma_start3A_121 = arith.constant 8192 : i32
    %dma_start3A_122 = tpu.memref_slice %arg6[%dma_start3A_121] : memref<24576xf32, #tpu.memory_space<vmem>> -> memref<1024xf32, #tpu.memory_space<vmem>>
    %dma_start3A_123 = arith.constant 0 : i32
    %dma_start3A_124 = tpu.memref_slice %arg3[%dma_start3A_120, %dma_start3A_123] : memref<1024x1024xf32, #tpu.memory_space<hbm>> -> memref<1x1024xf32, #tpu.memory_space<hbm>>
    %dma_start3A_125 = tpu.memref_squeeze %dma_start3A_124 : memref<1x1024xf32, #tpu.memory_space<hbm>> -> memref<1024xf32, #tpu.memory_space<hbm>>
    %dma_start3A_126 = arith.constant 8192 : i32
    %dma_start3A_127 = tpu.memref_slice %arg6[%dma_start3A_126] : memref<24576xf32, #tpu.memory_space<vmem>> -> memref<1024xf32, #tpu.memory_space<vmem>>
    %dma_start3A_128 = arith.constant 0 : i32
    %dma_start3A_129 = tpu.memref_slice %arg3[%dma_start3A_120, %dma_start3A_128] : memref<1024x1024xf32, #tpu.memory_space<hbm>> -> memref<1x1024xf32, #tpu.memory_space<hbm>>
    %dma_start3A_130 = tpu.memref_squeeze %dma_start3A_129 : memref<1x1024xf32, #tpu.memory_space<hbm>> -> memref<1024xf32, #tpu.memory_space<hbm>>
    tpu.enqueue_dma source(%dma_start3A_130 : memref<1024xf32, #tpu.memory_space<hbm>>) target(%dma_start3A_127 : memref<1024xf32, #tpu.memory_space<vmem>>) target_semaphore(%arg11 : memref<!tpu.dma_semaphore, #tpu.memory_space<semaphore_mem>>)
    %dma_start3A_131 = arith.constant 9 : i32
    %dma_start3A_132 = arith.constant 9216 : i32
    %dma_start3A_133 = tpu.memref_slice %arg6[%dma_start3A_132] : memref<24576xf32, #tpu.memory_space<vmem>> -> memref<1024xf32, #tpu.memory_space<vmem>>
    %dma_start3A_134 = arith.constant 0 : i32
    %dma_start3A_135 = tpu.memref_slice %arg3[%dma_start3A_131, %dma_start3A_134] : memref<1024x1024xf32, #tpu.memory_space<hbm>> -> memref<1x1024xf32, #tpu.memory_space<hbm>>
    %dma_start3A_136 = tpu.memref_squeeze %dma_start3A_135 : memref<1x1024xf32, #tpu.memory_space<hbm>> -> memref<1024xf32, #tpu.memory_space<hbm>>
    %dma_start3A_137 = arith.constant 9216 : i32
    %dma_start3A_138 = tpu.memref_slice %arg6[%dma_start3A_137] : memref<24576xf32, #tpu.memory_space<vmem>> -> memref<1024xf32, #tpu.memory_space<vmem>>
    %dma_start3A_139 = arith.constant 0 : i32
    %dma_start3A_140 = tpu.memref_slice %arg3[%dma_start3A_131, %dma_start3A_139] : memref<1024x1024xf32, #tpu.memory_space<hbm>> -> memref<1x1024xf32, #tpu.memory_space<hbm>>
    %dma_start3A_141 = tpu.memref_squeeze %dma_start3A_140 : memref<1x1024xf32, #tpu.memory_space<hbm>> -> memref<1024xf32, #tpu.memory_space<hbm>>
    tpu.enqueue_dma source(%dma_start3A_141 : memref<1024xf32, #tpu.memory_space<hbm>>) target(%dma_start3A_138 : memref<1024xf32, #tpu.memory_space<vmem>>) target_semaphore(%arg11 : memref<!tpu.dma_semaphore, #tpu.memory_space<semaphore_mem>>)
    %dma_start3A_142 = arith.constant 10 : i32
    %dma_start3A_143 = arith.constant 10240 : i32
    %dma_start3A_144 = tpu.memref_slice %arg6[%dma_start3A_143] : memref<24576xf32, #tpu.memory_space<vmem>> -> memref<1024xf32, #tpu.memory_space<vmem>>
    %dma_start3A_145 = arith.constant 0 : i32
    %dma_start3A_146 = tpu.memref_slice %arg3[%dma_start3A_142, %dma_start3A_145] : memref<1024x1024xf32, #tpu.memory_space<hbm>> -> memref<1x1024xf32, #tpu.memory_space<hbm>>
    %dma_start3A_147 = tpu.memref_squeeze %dma_start3A_146 : memref<1x1024xf32, #tpu.memory_space<hbm>> -> memref<1024xf32, #tpu.memory_space<hbm>>
    %dma_start3A_148 = arith.constant 10240 : i32
    %dma_start3A_149 = tpu.memref_slice %arg6[%dma_start3A_148] : memref<24576xf32, #tpu.memory_space<vmem>> -> memref<1024xf32, #tpu.memory_space<vmem>>
    %dma_start3A_150 = arith.constant 0 : i32
    %dma_start3A_151 = tpu.memref_slice %arg3[%dma_start3A_142, %dma_start3A_150] : memref<1024x1024xf32, #tpu.memory_space<hbm>> -> memref<1x1024xf32, #tpu.memory_space<hbm>>
    %dma_start3A_152 = tpu.memref_squeeze %dma_start3A_151 : memref<1x1024xf32, #tpu.memory_space<hbm>> -> memref<1024xf32, #tpu.memory_space<hbm>>
    tpu.enqueue_dma source(%dma_start3A_152 : memref<1024xf32, #tpu.memory_space<hbm>>) target(%dma_start3A_149 : memref<1024xf32, #tpu.memory_space<vmem>>) target_semaphore(%arg11 : memref<!tpu.dma_semaphore, #tpu.memory_space<semaphore_mem>>)
    %dma_start3A_153 = arith.constant 11 : i32
    %dma_start3A_154 = arith.constant 11264 : i32
    %dma_start3A_155 = tpu.memref_slice %arg6[%dma_start3A_154] : memref<24576xf32, #tpu.memory_space<vmem>> -> memref<1024xf32, #tpu.memory_space<vmem>>
    %dma_start3A_156 = arith.constant 0 : i32
    %dma_start3A_157 = tpu.memref_slice %arg3[%dma_start3A_153, %dma_start3A_156] : memref<1024x1024xf32, #tpu.memory_space<hbm>> -> memref<1x1024xf32, #tpu.memory_space<hbm>>
    %dma_start3A_158 = tpu.memref_squeeze %dma_start3A_157 : memref<1x1024xf32, #tpu.memory_space<hbm>> -> memref<1024xf32, #tpu.memory_space<hbm>>
    %dma_start3A_159 = arith.constant 11264 : i32
    %dma_start3A_160 = tpu.memref_slice %arg6[%dma_start3A_159] : memref<24576xf32, #tpu.memory_space<vmem>> -> memref<1024xf32, #tpu.memory_space<vmem>>
    %dma_start3A_161 = arith.constant 0 : i32
    %dma_start3A_162 = tpu.memref_slice %arg3[%dma_start3A_153, %dma_start3A_161] : memref<1024x1024xf32, #tpu.memory_space<hbm>> -> memref<1x1024xf32, #tpu.memory_space<hbm>>
    %dma_start3A_163 = tpu.memref_squeeze %dma_start3A_162 : memref<1x1024xf32, #tpu.memory_space<hbm>> -> memref<1024xf32, #tpu.memory_space<hbm>>
    tpu.enqueue_dma source(%dma_start3A_163 : memref<1024xf32, #tpu.memory_space<hbm>>) target(%dma_start3A_160 : memref<1024xf32, #tpu.memory_space<vmem>>) target_semaphore(%arg11 : memref<!tpu.dma_semaphore, #tpu.memory_space<semaphore_mem>>)
    %dma_start3A_164 = arith.constant 12 : i32
    %dma_start3A_165 = arith.constant 12288 : i32
    %dma_start3A_166 = tpu.memref_slice %arg6[%dma_start3A_165] : memref<24576xf32, #tpu.memory_space<vmem>> -> memref<1024xf32, #tpu.memory_space<vmem>>
    %dma_start3A_167 = arith.constant 0 : i32
    %dma_start3A_168 = tpu.memref_slice %arg3[%dma_start3A_164, %dma_start3A_167] : memref<1024x1024xf32, #tpu.memory_space<hbm>> -> memref<1x1024xf32, #tpu.memory_space<hbm>>
    %dma_start3A_169 = tpu.memref_squeeze %dma_start3A_168 : memref<1x1024xf32, #tpu.memory_space<hbm>> -> memref<1024xf32, #tpu.memory_space<hbm>>
    %dma_start3A_170 = arith.constant 12288 : i32
    %dma_start3A_171 = tpu.memref_slice %arg6[%dma_start3A_170] : memref<24576xf32, #tpu.memory_space<vmem>> -> memref<1024xf32, #tpu.memory_space<vmem>>
    %dma_start3A_172 = arith.constant 0 : i32
    %dma_start3A_173 = tpu.memref_slice %arg3[%dma_start3A_164, %dma_start3A_172] : memref<1024x1024xf32, #tpu.memory_space<hbm>> -> memref<1x1024xf32, #tpu.memory_space<hbm>>
    %dma_start3A_174 = tpu.memref_squeeze %dma_start3A_173 : memref<1x1024xf32, #tpu.memory_space<hbm>> -> memref<1024xf32, #tpu.memory_space<hbm>>
    tpu.enqueue_dma source(%dma_start3A_174 : memref<1024xf32, #tpu.memory_space<hbm>>) target(%dma_start3A_171 : memref<1024xf32, #tpu.memory_space<vmem>>) target_semaphore(%arg11 : memref<!tpu.dma_semaphore, #tpu.memory_space<semaphore_mem>>)
    %dma_start3A_175 = arith.constant 13 : i32
    %dma_start3A_176 = arith.constant 13312 : i32
    %dma_start3A_177 = tpu.memref_slice %arg6[%dma_start3A_176] : memref<24576xf32, #tpu.memory_space<vmem>> -> memref<1024xf32, #tpu.memory_space<vmem>>
    %dma_start3A_178 = arith.constant 0 : i32
    %dma_start3A_179 = tpu.memref_slice %arg3[%dma_start3A_175, %dma_start3A_178] : memref<1024x1024xf32, #tpu.memory_space<hbm>> -> memref<1x1024xf32, #tpu.memory_space<hbm>>
    %dma_start3A_180 = tpu.memref_squeeze %dma_start3A_179 : memref<1x1024xf32, #tpu.memory_space<hbm>> -> memref<1024xf32, #tpu.memory_space<hbm>>
    %dma_start3A_181 = arith.constant 13312 : i32
    %dma_start3A_182 = tpu.memref_slice %arg6[%dma_start3A_181] : memref<24576xf32, #tpu.memory_space<vmem>> -> memref<1024xf32, #tpu.memory_space<vmem>>
    %dma_start3A_183 = arith.constant 0 : i32
    %dma_start3A_184 = tpu.memref_slice %arg3[%dma_start3A_175, %dma_start3A_183] : memref<1024x1024xf32, #tpu.memory_space<hbm>> -> memref<1x1024xf32, #tpu.memory_space<hbm>>
    %dma_start3A_185 = tpu.memref_squeeze %dma_start3A_184 : memref<1x1024xf32, #tpu.memory_space<hbm>> -> memref<1024xf32, #tpu.memory_space<hbm>>
    tpu.enqueue_dma source(%dma_start3A_185 : memref<1024xf32, #tpu.memory_space<hbm>>) target(%dma_start3A_182 : memref<1024xf32, #tpu.memory_space<vmem>>) target_semaphore(%arg11 : memref<!tpu.dma_semaphore, #tpu.memory_space<semaphore_mem>>)
    %dma_start3A_186 = arith.constant 14 : i32
    %dma_start3A_187 = arith.constant 14336 : i32
    %dma_start3A_188 = tpu.memref_slice %arg6[%dma_start3A_187] : memref<24576xf32, #tpu.memory_space<vmem>> -> memref<1024xf32, #tpu.memory_space<vmem>>
    %dma_start3A_189 = arith.constant 0 : i32
    %dma_start3A_190 = tpu.memref_slice %arg3[%dma_start3A_186, %dma_start3A_189] : memref<1024x1024xf32, #tpu.memory_space<hbm>> -> memref<1x1024xf32, #tpu.memory_space<hbm>>
    %dma_start3A_191 = tpu.memref_squeeze %dma_start3A_190 : memref<1x1024xf32, #tpu.memory_space<hbm>> -> memref<1024xf32, #tpu.memory_space<hbm>>
    %dma_start3A_192 = arith.constant 14336 : i32
    %dma_start3A_193 = tpu.memref_slice %arg6[%dma_start3A_192] : memref<24576xf32, #tpu.memory_space<vmem>> -> memref<1024xf32, #tpu.memory_space<vmem>>
    %dma_start3A_194 = arith.constant 0 : i32
    %dma_start3A_195 = tpu.memref_slice %arg3[%dma_start3A_186, %dma_start3A_194] : memref<1024x1024xf32, #tpu.memory_space<hbm>> -> memref<1x1024xf32, #tpu.memory_space<hbm>>
    %dma_start3A_196 = tpu.memref_squeeze %dma_start3A_195 : memref<1x1024xf32, #tpu.memory_space<hbm>> -> memref<1024xf32, #tpu.memory_space<hbm>>
    tpu.enqueue_dma source(%dma_start3A_196 : memref<1024xf32, #tpu.memory_space<hbm>>) target(%dma_start3A_193 : memref<1024xf32, #tpu.memory_space<vmem>>) target_semaphore(%arg11 : memref<!tpu.dma_semaphore, #tpu.memory_space<semaphore_mem>>)
    %dma_start3A_197 = arith.constant 15 : i32
    %dma_start3A_198 = arith.constant 15360 : i32
    %dma_start3A_199 = tpu.memref_slice %arg6[%dma_start3A_198] : memref<24576xf32, #tpu.memory_space<vmem>> -> memref<1024xf32, #tpu.memory_space<vmem>>
    %dma_start3A_200 = arith.constant 0 : i32
    %dma_start3A_201 = tpu.memref_slice %arg3[%dma_start3A_197, %dma_start3A_200] : memref<1024x1024xf32, #tpu.memory_space<hbm>> -> memref<1x1024xf32, #tpu.memory_space<hbm>>
    %dma_start3A_202 = tpu.memref_squeeze %dma_start3A_201 : memref<1x1024xf32, #tpu.memory_space<hbm>> -> memref<1024xf32, #tpu.memory_space<hbm>>
    %dma_start3A_203 = arith.constant 15360 : i32
    %dma_start3A_204 = tpu.memref_slice %arg6[%dma_start3A_203] : memref<24576xf32, #tpu.memory_space<vmem>> -> memref<1024xf32, #tpu.memory_space<vmem>>
    %dma_start3A_205 = arith.constant 0 : i32
    %dma_start3A_206 = tpu.memref_slice %arg3[%dma_start3A_197, %dma_start3A_205] : memref<1024x1024xf32, #tpu.memory_space<hbm>> -> memref<1x1024xf32, #tpu.memory_space<hbm>>
    %dma_start3A_207 = tpu.memref_squeeze %dma_start3A_206 : memref<1x1024xf32, #tpu.memory_space<hbm>> -> memref<1024xf32, #tpu.memory_space<hbm>>
    tpu.enqueue_dma source(%dma_start3A_207 : memref<1024xf32, #tpu.memory_space<hbm>>) target(%dma_start3A_204 : memref<1024xf32, #tpu.memory_space<vmem>>) target_semaphore(%arg11 : memref<!tpu.dma_semaphore, #tpu.memory_space<semaphore_mem>>)
    %dma_start3A_208 = arith.constant 16 : i32
    %dma_start3A_209 = arith.constant 16384 : i32
    %dma_start3A_210 = tpu.memref_slice %arg6[%dma_start3A_209] : memref<24576xf32, #tpu.memory_space<vmem>> -> memref<1024xf32, #tpu.memory_space<vmem>>
    %dma_start3A_211 = arith.constant 0 : i32
    %dma_start3A_212 = tpu.memref_slice %arg3[%dma_start3A_208, %dma_start3A_211] : memref<1024x1024xf32, #tpu.memory_space<hbm>> -> memref<1x1024xf32, #tpu.memory_space<hbm>>
    %dma_start3A_213 = tpu.memref_squeeze %dma_start3A_212 : memref<1x1024xf32, #tpu.memory_space<hbm>> -> memref<1024xf32, #tpu.memory_space<hbm>>
    %dma_start3A_214 = arith.constant 16384 : i32
    %dma_start3A_215 = tpu.memref_slice %arg6[%dma_start3A_214] : memref<24576xf32, #tpu.memory_space<vmem>> -> memref<1024xf32, #tpu.memory_space<vmem>>
    %dma_start3A_216 = arith.constant 0 : i32
    %dma_start3A_217 = tpu.memref_slice %arg3[%dma_start3A_208, %dma_start3A_216] : memref<1024x1024xf32, #tpu.memory_space<hbm>> -> memref<1x1024xf32, #tpu.memory_space<hbm>>
    %dma_start3A_218 = tpu.memref_squeeze %dma_start3A_217 : memref<1x1024xf32, #tpu.memory_space<hbm>> -> memref<1024xf32, #tpu.memory_space<hbm>>
    tpu.enqueue_dma source(%dma_start3A_218 : memref<1024xf32, #tpu.memory_space<hbm>>) target(%dma_start3A_215 : memref<1024xf32, #tpu.memory_space<vmem>>) target_semaphore(%arg11 : memref<!tpu.dma_semaphore, #tpu.memory_space<semaphore_mem>>)
    %dma_start3A_219 = arith.constant 17 : i32
    %dma_start3A_220 = arith.constant 17408 : i32
    %dma_start3A_221 = tpu.memref_slice %arg6[%dma_start3A_220] : memref<24576xf32, #tpu.memory_space<vmem>> -> memref<1024xf32, #tpu.memory_space<vmem>>
    %dma_start3A_222 = arith.constant 0 : i32
    %dma_start3A_223 = tpu.memref_slice %arg3[%dma_start3A_219, %dma_start3A_222] : memref<1024x1024xf32, #tpu.memory_space<hbm>> -> memref<1x1024xf32, #tpu.memory_space<hbm>>
    %dma_start3A_224 = tpu.memref_squeeze %dma_start3A_223 : memref<1x1024xf32, #tpu.memory_space<hbm>> -> memref<1024xf32, #tpu.memory_space<hbm>>
    %dma_start3A_225 = arith.constant 17408 : i32
    %dma_start3A_226 = tpu.memref_slice %arg6[%dma_start3A_225] : memref<24576xf32, #tpu.memory_space<vmem>> -> memref<1024xf32, #tpu.memory_space<vmem>>
    %dma_start3A_227 = arith.constant 0 : i32
    %dma_start3A_228 = tpu.memref_slice %arg3[%dma_start3A_219, %dma_start3A_227] : memref<1024x1024xf32, #tpu.memory_space<hbm>> -> memref<1x1024xf32, #tpu.memory_space<hbm>>
    %dma_start3A_229 = tpu.memref_squeeze %dma_start3A_228 : memref<1x1024xf32, #tpu.memory_space<hbm>> -> memref<1024xf32, #tpu.memory_space<hbm>>
    tpu.enqueue_dma source(%dma_start3A_229 : memref<1024xf32, #tpu.memory_space<hbm>>) target(%dma_start3A_226 : memref<1024xf32, #tpu.memory_space<vmem>>) target_semaphore(%arg11 : memref<!tpu.dma_semaphore, #tpu.memory_space<semaphore_mem>>)
    %dma_start3A_230 = arith.constant 18 : i32
    %dma_start3A_231 = arith.constant 18432 : i32
    %dma_start3A_232 = tpu.memref_slice %arg6[%dma_start3A_231] : memref<24576xf32, #tpu.memory_space<vmem>> -> memref<1024xf32, #tpu.memory_space<vmem>>
    %dma_start3A_233 = arith.constant 0 : i32
    %dma_start3A_234 = tpu.memref_slice %arg3[%dma_start3A_230, %dma_start3A_233] : memref<1024x1024xf32, #tpu.memory_space<hbm>> -> memref<1x1024xf32, #tpu.memory_space<hbm>>
    %dma_start3A_235 = tpu.memref_squeeze %dma_start3A_234 : memref<1x1024xf32, #tpu.memory_space<hbm>> -> memref<1024xf32, #tpu.memory_space<hbm>>
    %dma_start3A_236 = arith.constant 18432 : i32
    %dma_start3A_237 = tpu.memref_slice %arg6[%dma_start3A_236] : memref<24576xf32, #tpu.memory_space<vmem>> -> memref<1024xf32, #tpu.memory_space<vmem>>
    %dma_start3A_238 = arith.constant 0 : i32
    %dma_start3A_239 = tpu.memref_slice %arg3[%dma_start3A_230, %dma_start3A_238] : memref<1024x1024xf32, #tpu.memory_space<hbm>> -> memref<1x1024xf32, #tpu.memory_space<hbm>>
    %dma_start3A_240 = tpu.memref_squeeze %dma_start3A_239 : memref<1x1024xf32, #tpu.memory_space<hbm>> -> memref<1024xf32, #tpu.memory_space<hbm>>
    tpu.enqueue_dma source(%dma_start3A_240 : memref<1024xf32, #tpu.memory_space<hbm>>) target(%dma_start3A_237 : memref<1024xf32, #tpu.memory_space<vmem>>) target_semaphore(%arg11 : memref<!tpu.dma_semaphore, #tpu.memory_space<semaphore_mem>>)
    %dma_start3A_241 = arith.constant 19 : i32
    %dma_start3A_242 = arith.constant 19456 : i32
    %dma_start3A_243 = tpu.memref_slice %arg6[%dma_start3A_242] : memref<24576xf32, #tpu.memory_space<vmem>> -> memref<1024xf32, #tpu.memory_space<vmem>>
    %dma_start3A_244 = arith.constant 0 : i32
    %dma_start3A_245 = tpu.memref_slice %arg3[%dma_start3A_241, %dma_start3A_244] : memref<1024x1024xf32, #tpu.memory_space<hbm>> -> memref<1x1024xf32, #tpu.memory_space<hbm>>
    %dma_start3A_246 = tpu.memref_squeeze %dma_start3A_245 : memref<1x1024xf32, #tpu.memory_space<hbm>> -> memref<1024xf32, #tpu.memory_space<hbm>>
    %dma_start3A_247 = arith.constant 19456 : i32
    %dma_start3A_248 = tpu.memref_slice %arg6[%dma_start3A_247] : memref<24576xf32, #tpu.memory_space<vmem>> -> memref<1024xf32, #tpu.memory_space<vmem>>
    %dma_start3A_249 = arith.constant 0 : i32
    %dma_start3A_250 = tpu.memref_slice %arg3[%dma_start3A_241, %dma_start3A_249] : memref<1024x1024xf32, #tpu.memory_space<hbm>> -> memref<1x1024xf32, #tpu.memory_space<hbm>>
    %dma_start3A_251 = tpu.memref_squeeze %dma_start3A_250 : memref<1x1024xf32, #tpu.memory_space<hbm>> -> memref<1024xf32, #tpu.memory_space<hbm>>
    tpu.enqueue_dma source(%dma_start3A_251 : memref<1024xf32, #tpu.memory_space<hbm>>) target(%dma_start3A_248 : memref<1024xf32, #tpu.memory_space<vmem>>) target_semaphore(%arg11 : memref<!tpu.dma_semaphore, #tpu.memory_space<semaphore_mem>>)
    tpu.enqueue_dma source(%arg2 : memref<8192xi32, #tpu.memory_space<hbm>>) target(%arg5 : memref<8192xi32, #tpu.memory_space<vmem>>) target_semaphore(%arg12 : memref<!tpu.dma_semaphore, #tpu.memory_space<semaphore_mem>>)
    %broadcast_in_dim3A = arith.constant 0.000000e+00 : f32
    %broadcast_in_dim3A_252 = vector.broadcast %broadcast_in_dim3A : f32 to vector<16xf32>
    %parallel_loop3A = arith.constant 0 : i32
    %parallel_loop3A_253 = arith.constant 2048 : i32
    %parallel_loop3A_254 = arith.constant 1 : i32
    scf.for %parallel_loop3A_876 = %parallel_loop3A to %parallel_loop3A_253 step %parallel_loop3A_254  : i32 {
      %parallel_loop3A_877 = arith.constant 128 : i32
      %parallel_loop3A_878 = arith.divsi %parallel_loop3A_876, %parallel_loop3A_877 : i32
      %parallel_loop3A_879 = arith.constant 0 : i32
      %parallel_loop3A_880 = arith.cmpi sgt, %parallel_loop3A_876, %parallel_loop3A_879 : i32
      %parallel_loop3A_881 = arith.extui %parallel_loop3A_880 : i1 to i32
      %parallel_loop3A_882 = arith.constant 0 : i32
      %parallel_loop3A_883 = arith.cmpi slt, %parallel_loop3A_876, %parallel_loop3A_882 : i32
      %parallel_loop3A_884 = arith.extui %parallel_loop3A_883 : i1 to i32
      %parallel_loop3A_885 = arith.subi %parallel_loop3A_881, %parallel_loop3A_884 : i32
      %parallel_loop3A_886 = arith.constant 0 : i32
      %parallel_loop3A_887 = arith.cmpi sgt, %parallel_loop3A_877, %parallel_loop3A_886 : i32
      %parallel_loop3A_888 = arith.extui %parallel_loop3A_887 : i1 to i32
      %parallel_loop3A_889 = arith.constant 0 : i32
      %parallel_loop3A_890 = arith.cmpi slt, %parallel_loop3A_877, %parallel_loop3A_889 : i32
      %parallel_loop3A_891 = arith.extui %parallel_loop3A_890 : i1 to i32
      %parallel_loop3A_892 = arith.subi %parallel_loop3A_888, %parallel_loop3A_891 : i32
      %parallel_loop3A_893 = arith.cmpi ne, %parallel_loop3A_885, %parallel_loop3A_892 : i32
      %parallel_loop3A_894 = arith.remsi %parallel_loop3A_876, %parallel_loop3A_877 : i32
      %parallel_loop3A_895 = arith.constant 0 : i32
      %parallel_loop3A_896 = arith.cmpi ne, %parallel_loop3A_894, %parallel_loop3A_895 : i32
      %parallel_loop3A_897 = arith.andi %parallel_loop3A_893, %parallel_loop3A_896 : i1
      %parallel_loop3A_898 = arith.constant 1 : i32
      %parallel_loop3A_899 = arith.subi %parallel_loop3A_878, %parallel_loop3A_898 : i32
      %parallel_loop3A_900 = arith.select %parallel_loop3A_897, %parallel_loop3A_899, %parallel_loop3A_878 : i32
      %parallel_loop3A_901 = arith.constant 128 : i32
      %parallel_loop3A_902 = arith.muli %parallel_loop3A_900, %parallel_loop3A_901 : i32
      %parallel_loop3A_903 = arith.subi %parallel_loop3A_876, %parallel_loop3A_902 : i32
      %parallel_loop3A_904 = arith.constant 16 : i32
      %parallel_loop3A_905 = arith.muli %parallel_loop3A_903, %parallel_loop3A_904 : i32
      %parallel_loop3A_906 = arith.index_cast %parallel_loop3A_900 : i32 to index
      %parallel_loop3A_907 = arith.index_cast %parallel_loop3A_905 : i32 to index
      %parallel_loop3A_908 = tpu.vector_load %arg8[%parallel_loop3A_906, %parallel_loop3A_907] {strides = array<i32>} : memref<16x2048xf32, #tpu.memory_space<vmem>>, vector<16xf32>,
      tpu.vector_store %arg8[%parallel_loop3A_906, %parallel_loop3A_907], %broadcast_in_dim3A_252 {strides = array<i32>} : memref<16x2048xf32, #tpu.memory_space<vmem>>, vector<16xf32>,
    } {sc.loop_unroll_factor = 8 : i64, sc.parallel_access}
    %parallel_loop3A_255 = arith.constant 0 : i32
    %parallel_loop3A_256 = arith.constant 2048 : i32
    %parallel_loop3A_257 = arith.constant 1 : i32
    scf.for %parallel_loop3A_876 = %parallel_loop3A_255 to %parallel_loop3A_256 step %parallel_loop3A_257  : i32 {
      %parallel_loop3A_877 = arith.constant 128 : i32
      %parallel_loop3A_878 = arith.divsi %parallel_loop3A_876, %parallel_loop3A_877 : i32
      %parallel_loop3A_879 = arith.constant 0 : i32
      %parallel_loop3A_880 = arith.cmpi sgt, %parallel_loop3A_876, %parallel_loop3A_879 : i32
      %parallel_loop3A_881 = arith.extui %parallel_loop3A_880 : i1 to i32
      %parallel_loop3A_882 = arith.constant 0 : i32
      %parallel_loop3A_883 = arith.cmpi slt, %parallel_loop3A_876, %parallel_loop3A_882 : i32
      %parallel_loop3A_884 = arith.extui %parallel_loop3A_883 : i1 to i32
      %parallel_loop3A_885 = arith.subi %parallel_loop3A_881, %parallel_loop3A_884 : i32
      %parallel_loop3A_886 = arith.constant 0 : i32
      %parallel_loop3A_887 = arith.cmpi sgt, %parallel_loop3A_877, %parallel_loop3A_886 : i32
      %parallel_loop3A_888 = arith.extui %parallel_loop3A_887 : i1 to i32
      %parallel_loop3A_889 = arith.constant 0 : i32
      %parallel_loop3A_890 = arith.cmpi slt, %parallel_loop3A_877, %parallel_loop3A_889 : i32
      %parallel_loop3A_891 = arith.extui %parallel_loop3A_890 : i1 to i32
      %parallel_loop3A_892 = arith.subi %parallel_loop3A_888, %parallel_loop3A_891 : i32
      %parallel_loop3A_893 = arith.cmpi ne, %parallel_loop3A_885, %parallel_loop3A_892 : i32
      %parallel_loop3A_894 = arith.remsi %parallel_loop3A_876, %parallel_loop3A_877 : i32
      %parallel_loop3A_895 = arith.constant 0 : i32
      %parallel_loop3A_896 = arith.cmpi ne, %parallel_loop3A_894, %parallel_loop3A_895 : i32
      %parallel_loop3A_897 = arith.andi %parallel_loop3A_893, %parallel_loop3A_896 : i1
      %parallel_loop3A_898 = arith.constant 1 : i32
      %parallel_loop3A_899 = arith.subi %parallel_loop3A_878, %parallel_loop3A_898 : i32
      %parallel_loop3A_900 = arith.select %parallel_loop3A_897, %parallel_loop3A_899, %parallel_loop3A_878 : i32
      %parallel_loop3A_901 = arith.constant 128 : i32
      %parallel_loop3A_902 = arith.muli %parallel_loop3A_900, %parallel_loop3A_901 : i32
      %parallel_loop3A_903 = arith.subi %parallel_loop3A_876, %parallel_loop3A_902 : i32
      %parallel_loop3A_904 = arith.constant 16 : i32
      %parallel_loop3A_905 = arith.muli %parallel_loop3A_903, %parallel_loop3A_904 : i32
      %parallel_loop3A_906 = arith.index_cast %parallel_loop3A_900 : i32 to index
      %parallel_loop3A_907 = arith.index_cast %parallel_loop3A_905 : i32 to index
      %parallel_loop3A_908 = tpu.vector_load %arg9[%parallel_loop3A_906, %parallel_loop3A_907] {strides = array<i32>} : memref<16x2048xf32, #tpu.memory_space<vmem>>, vector<16xf32>,
      tpu.vector_store %arg9[%parallel_loop3A_906, %parallel_loop3A_907], %broadcast_in_dim3A_252 {strides = array<i32>} : memref<16x2048xf32, #tpu.memory_space<vmem>>, vector<16xf32>,
    } {sc.loop_unroll_factor = 8 : i64, sc.parallel_access}
    tpu.wait_dma2 semaphore(%arg12 : memref<!tpu.dma_semaphore, #tpu.memory_space<semaphore_mem>>) src(%arg2 : memref<8192xi32, #tpu.memory_space<hbm>>) dst(%arg5 : memref<8192xi32, #tpu.memory_space<vmem>>)
    %iota3A = tpu.iota {dimensions = array<i32: 0>} : vector<16xi32>
    %mul3A_258 = arith.constant 4 : i32
    %mul3A_259 = vector.broadcast %mul3A_258 : i32 to vector<16xi32>
    %mul3A_260 = arith.muli %iota3A, %mul3A_259 : vector<16xi32>
    %scan3A = arith.constant 0 : i32
    %scan3A_261 = arith.constant 0 : i32
    %scan3A_262 = arith.constant 128 : i32
    %scan3A_263 = arith.addi %scan3A_261, %scan3A_262 : i32
    %scan3A_264 = arith.constant 1 : i32
    %scan3A_265 = scf.for %scan3A_876 = %scan3A_261 to %scan3A_263 step %scan3A_264 iter_args(%scan3A_877 = %scan3A) -> (i32)  : i32 {
      %mul3A_878 = arith.constant 64 : i32
      %mul3A_879 = arith.muli %scan3A_876, %mul3A_878 : i32
      %add3A_880 = arith.addi %mul3A_879, %select_n3A : i32
      %add3A_881 = vector.broadcast %add3A_880 : i32 to vector<16xi32>
      %add3A_882 = arith.addi %add3A_881, %mul3A_260 : vector<16xi32>
      %gather3A = tpu.vector_load_idx %arg5[%add3A_882] : memref<8192xi32, #tpu.memory_space<vmem>>[vector<16xi32>], vector<16xi32>,
      %mul3A_883 = arith.constant 16 : i32
      %mul3A_884 = arith.muli %scan3A_877, %mul3A_883 : i32
      %multiple_of3A = tpu.assume_multiple %mul3A_884, 16 : i32
      %min3A = arith.constant 20 : i32
      %min3A_885 = vector.broadcast %min3A : i32 to vector<16xi32>
      %min3A_886 = arith.minsi %gather3A, %min3A_885 : vector<16xi32>
      %mul3A_887 = arith.constant 1024 : i32
      %mul3A_888 = vector.broadcast %mul3A_887 : i32 to vector<16xi32>
      %mul3A_889 = arith.muli %min3A_886, %mul3A_888 : vector<16xi32>
      %add3A_890 = vector.broadcast %mul3A_32 : i32 to vector<16xi32>
      %add3A_891 = arith.addi %mul3A_889, %add3A_890 : vector<16xi32>
      %swap3A = arith.index_cast %multiple_of3A : i32 to index
      %swap3A_892 = tpu.vector_load %arg7[%swap3A] {strides = array<i32>} : memref<2048xi32, #tpu.memory_space<vmem>>, vector<16xi32>,
      tpu.vector_store %arg7[%swap3A], %add3A_891 {strides = array<i32>} : memref<2048xi32, #tpu.memory_space<vmem>>, vector<16xi32>,
      %swap3A_893 = arith.index_cast %scan3A_877 : i32 to index
      %swap3A_894 = memref.load %arg10[%swap3A_893] : memref<128xi32, #tpu.memory_space<smem>>
      memref.store %scan3A_876, %arg10[%swap3A_893] : memref<128xi32, #tpu.memory_space<smem>>
      %reduce_min3A = arith.constant true
      %reduce_min3A_895 = vector.broadcast %reduce_min3A : i1 to vector<16xi1>
      %reduce_min3A_896 = arith.constant -2147483648 : i32
      %reduce_min3A_897 = vector.broadcast %reduce_min3A_896 : i32 to vector<16xi32>
      %reduce_min3A_898 = arith.xori %gather3A, %reduce_min3A_897 : vector<16xi32>
      %reduce_min3A_899 = tpu.scan <min>, %reduce_min3A_898 masked %reduce_min3A_895 : vector<16xi32>, vector<16xi1> -> vector<16xi32>
      %reduce_min3A_900 = arith.xori %reduce_min3A_899, %reduce_min3A_897 : vector<16xi32>
      %reduce_min3A_901 = vector.extract %reduce_min3A_900[15] : i32 from vector<16xi32>
      %lt3A_902 = arith.constant 20 : i32
      %lt3A_903 = arith.cmpi slt, %reduce_min3A_901, %lt3A_902 : i32
      %jit3A_904 = arith.constant 1 : i32
      %jit3A_905 = arith.constant 0 : i32
      %select_n3A_906 = arith.select %lt3A_903, %jit3A_904, %jit3A_905 : i32
      %add3A_907 = arith.addi %scan3A_877, %select_n3A_906 : i32
      scf.yield %add3A_907 : i32
    }
    %scan3A_266 = arith.constant 128 : i32
    %dma_wait3A = arith.constant 0 : i32
    %dma_wait3A_267 = arith.constant 0 : i32
    %dma_wait3A_268 = tpu.memref_slice %arg6[%dma_wait3A_267] : memref<24576xf32, #tpu.memory_space<vmem>> -> memref<1024xf32, #tpu.memory_space<vmem>>
    %dma_wait3A_269 = arith.constant 0 : i32
    %dma_wait3A_270 = tpu.memref_slice %arg3[%dma_wait3A, %dma_wait3A_269] : memref<1024x1024xf32, #tpu.memory_space<hbm>> -> memref<1x1024xf32, #tpu.memory_space<hbm>>
    %dma_wait3A_271 = tpu.memref_squeeze %dma_wait3A_270 : memref<1x1024xf32, #tpu.memory_space<hbm>> -> memref<1024xf32, #tpu.memory_space<hbm>>
    %dma_wait3A_272 = arith.constant 0 : i32
    %dma_wait3A_273 = tpu.memref_slice %arg6[%dma_wait3A_272] : memref<24576xf32, #tpu.memory_space<vmem>> -> memref<1024xf32, #tpu.memory_space<vmem>>
    %dma_wait3A_274 = arith.constant 0 : i32
    %dma_wait3A_275 = tpu.memref_slice %arg3[%dma_wait3A, %dma_wait3A_274] : memref<1024x1024xf32, #tpu.memory_space<hbm>> -> memref<1x1024xf32, #tpu.memory_space<hbm>>
    %dma_wait3A_276 = tpu.memref_squeeze %dma_wait3A_275 : memref<1x1024xf32, #tpu.memory_space<hbm>> -> memref<1024xf32, #tpu.memory_space<hbm>>
    tpu.wait_dma2 semaphore(%arg11 : memref<!tpu.dma_semaphore, #tpu.memory_space<semaphore_mem>>) src(%dma_wait3A_276 : memref<1024xf32, #tpu.memory_space<hbm>>) dst(%dma_wait3A_273 : memref<1024xf32, #tpu.memory_space<vmem>>)
    %dma_wait3A_277 = arith.constant 1 : i32
    %dma_wait3A_278 = arith.constant 1024 : i32
    %dma_wait3A_279 = tpu.memref_slice %arg6[%dma_wait3A_278] : memref<24576xf32, #tpu.memory_space<vmem>> -> memref<1024xf32, #tpu.memory_space<vmem>>
    %dma_wait3A_280 = arith.constant 0 : i32
    %dma_wait3A_281 = tpu.memref_slice %arg3[%dma_wait3A_277, %dma_wait3A_280] : memref<1024x1024xf32, #tpu.memory_space<hbm>> -> memref<1x1024xf32, #tpu.memory_space<hbm>>
    %dma_wait3A_282 = tpu.memref_squeeze %dma_wait3A_281 : memref<1x1024xf32, #tpu.memory_space<hbm>> -> memref<1024xf32, #tpu.memory_space<hbm>>
    %dma_wait3A_283 = arith.constant 1024 : i32
    %dma_wait3A_284 = tpu.memref_slice %arg6[%dma_wait3A_283] : memref<24576xf32, #tpu.memory_space<vmem>> -> memref<1024xf32, #tpu.memory_space<vmem>>
    %dma_wait3A_285 = arith.constant 0 : i32
    %dma_wait3A_286 = tpu.memref_slice %arg3[%dma_wait3A_277, %dma_wait3A_285] : memref<1024x1024xf32, #tpu.memory_space<hbm>> -> memref<1x1024xf32, #tpu.memory_space<hbm>>
    %dma_wait3A_287 = tpu.memref_squeeze %dma_wait3A_286 : memref<1x1024xf32, #tpu.memory_space<hbm>> -> memref<1024xf32, #tpu.memory_space<hbm>>
    tpu.wait_dma2 semaphore(%arg11 : memref<!tpu.dma_semaphore, #tpu.memory_space<semaphore_mem>>) src(%dma_wait3A_287 : memref<1024xf32, #tpu.memory_space<hbm>>) dst(%dma_wait3A_284 : memref<1024xf32, #tpu.memory_space<vmem>>)
    %dma_wait3A_288 = arith.constant 2 : i32
    %dma_wait3A_289 = arith.constant 2048 : i32
    %dma_wait3A_290 = tpu.memref_slice %arg6[%dma_wait3A_289] : memref<24576xf32, #tpu.memory_space<vmem>> -> memref<1024xf32, #tpu.memory_space<vmem>>
    %dma_wait3A_291 = arith.constant 0 : i32
    %dma_wait3A_292 = tpu.memref_slice %arg3[%dma_wait3A_288, %dma_wait3A_291] : memref<1024x1024xf32, #tpu.memory_space<hbm>> -> memref<1x1024xf32, #tpu.memory_space<hbm>>
    %dma_wait3A_293 = tpu.memref_squeeze %dma_wait3A_292 : memref<1x1024xf32, #tpu.memory_space<hbm>> -> memref<1024xf32, #tpu.memory_space<hbm>>
    %dma_wait3A_294 = arith.constant 2048 : i32
    %dma_wait3A_295 = tpu.memref_slice %arg6[%dma_wait3A_294] : memref<24576xf32, #tpu.memory_space<vmem>> -> memref<1024xf32, #tpu.memory_space<vmem>>
    %dma_wait3A_296 = arith.constant 0 : i32
    %dma_wait3A_297 = tpu.memref_slice %arg3[%dma_wait3A_288, %dma_wait3A_296] : memref<1024x1024xf32, #tpu.memory_space<hbm>> -> memref<1x1024xf32, #tpu.memory_space<hbm>>
    %dma_wait3A_298 = tpu.memref_squeeze %dma_wait3A_297 : memref<1x1024xf32, #tpu.memory_space<hbm>> -> memref<1024xf32, #tpu.memory_space<hbm>>
    tpu.wait_dma2 semaphore(%arg11 : memref<!tpu.dma_semaphore, #tpu.memory_space<semaphore_mem>>) src(%dma_wait3A_298 : memref<1024xf32, #tpu.memory_space<hbm>>) dst(%dma_wait3A_295 : memref<1024xf32, #tpu.memory_space<vmem>>)
    %dma_wait3A_299 = arith.constant 3 : i32
    %dma_wait3A_300 = arith.constant 3072 : i32
    %dma_wait3A_301 = tpu.memref_slice %arg6[%dma_wait3A_300] : memref<24576xf32, #tpu.memory_space<vmem>> -> memref<1024xf32, #tpu.memory_space<vmem>>
    %dma_wait3A_302 = arith.constant 0 : i32
    %dma_wait3A_303 = tpu.memref_slice %arg3[%dma_wait3A_299, %dma_wait3A_302] : memref<1024x1024xf32, #tpu.memory_space<hbm>> -> memref<1x1024xf32, #tpu.memory_space<hbm>>
    %dma_wait3A_304 = tpu.memref_squeeze %dma_wait3A_303 : memref<1x1024xf32, #tpu.memory_space<hbm>> -> memref<1024xf32, #tpu.memory_space<hbm>>
    %dma_wait3A_305 = arith.constant 3072 : i32
    %dma_wait3A_306 = tpu.memref_slice %arg6[%dma_wait3A_305] : memref<24576xf32, #tpu.memory_space<vmem>> -> memref<1024xf32, #tpu.memory_space<vmem>>
    %dma_wait3A_307 = arith.constant 0 : i32
    %dma_wait3A_308 = tpu.memref_slice %arg3[%dma_wait3A_299, %dma_wait3A_307] : memref<1024x1024xf32, #tpu.memory_space<hbm>> -> memref<1x1024xf32, #tpu.memory_space<hbm>>
    %dma_wait3A_309 = tpu.memref_squeeze %dma_wait3A_308 : memref<1x1024xf32, #tpu.memory_space<hbm>> -> memref<1024xf32, #tpu.memory_space<hbm>>
    tpu.wait_dma2 semaphore(%arg11 : memref<!tpu.dma_semaphore, #tpu.memory_space<semaphore_mem>>) src(%dma_wait3A_309 : memref<1024xf32, #tpu.memory_space<hbm>>) dst(%dma_wait3A_306 : memref<1024xf32, #tpu.memory_space<vmem>>)
    %dma_wait3A_310 = arith.constant 4 : i32
    %dma_wait3A_311 = arith.constant 4096 : i32
    %dma_wait3A_312 = tpu.memref_slice %arg6[%dma_wait3A_311] : memref<24576xf32, #tpu.memory_space<vmem>> -> memref<1024xf32, #tpu.memory_space<vmem>>
    %dma_wait3A_313 = arith.constant 0 : i32
    %dma_wait3A_314 = tpu.memref_slice %arg3[%dma_wait3A_310, %dma_wait3A_313] : memref<1024x1024xf32, #tpu.memory_space<hbm>> -> memref<1x1024xf32, #tpu.memory_space<hbm>>
    %dma_wait3A_315 = tpu.memref_squeeze %dma_wait3A_314 : memref<1x1024xf32, #tpu.memory_space<hbm>> -> memref<1024xf32, #tpu.memory_space<hbm>>
    %dma_wait3A_316 = arith.constant 4096 : i32
    %dma_wait3A_317 = tpu.memref_slice %arg6[%dma_wait3A_316] : memref<24576xf32, #tpu.memory_space<vmem>> -> memref<1024xf32, #tpu.memory_space<vmem>>
    %dma_wait3A_318 = arith.constant 0 : i32
    %dma_wait3A_319 = tpu.memref_slice %arg3[%dma_wait3A_310, %dma_wait3A_318] : memref<1024x1024xf32, #tpu.memory_space<hbm>> -> memref<1x1024xf32, #tpu.memory_space<hbm>>
    %dma_wait3A_320 = tpu.memref_squeeze %dma_wait3A_319 : memref<1x1024xf32, #tpu.memory_space<hbm>> -> memref<1024xf32, #tpu.memory_space<hbm>>
    tpu.wait_dma2 semaphore(%arg11 : memref<!tpu.dma_semaphore, #tpu.memory_space<semaphore_mem>>) src(%dma_wait3A_320 : memref<1024xf32, #tpu.memory_space<hbm>>) dst(%dma_wait3A_317 : memref<1024xf32, #tpu.memory_space<vmem>>)
    %dma_wait3A_321 = arith.constant 5 : i32
    %dma_wait3A_322 = arith.constant 5120 : i32
    %dma_wait3A_323 = tpu.memref_slice %arg6[%dma_wait3A_322] : memref<24576xf32, #tpu.memory_space<vmem>> -> memref<1024xf32, #tpu.memory_space<vmem>>
    %dma_wait3A_324 = arith.constant 0 : i32
    %dma_wait3A_325 = tpu.memref_slice %arg3[%dma_wait3A_321, %dma_wait3A_324] : memref<1024x1024xf32, #tpu.memory_space<hbm>> -> memref<1x1024xf32, #tpu.memory_space<hbm>>
    %dma_wait3A_326 = tpu.memref_squeeze %dma_wait3A_325 : memref<1x1024xf32, #tpu.memory_space<hbm>> -> memref<1024xf32, #tpu.memory_space<hbm>>
    %dma_wait3A_327 = arith.constant 5120 : i32
    %dma_wait3A_328 = tpu.memref_slice %arg6[%dma_wait3A_327] : memref<24576xf32, #tpu.memory_space<vmem>> -> memref<1024xf32, #tpu.memory_space<vmem>>
    %dma_wait3A_329 = arith.constant 0 : i32
    %dma_wait3A_330 = tpu.memref_slice %arg3[%dma_wait3A_321, %dma_wait3A_329] : memref<1024x1024xf32, #tpu.memory_space<hbm>> -> memref<1x1024xf32, #tpu.memory_space<hbm>>
    %dma_wait3A_331 = tpu.memref_squeeze %dma_wait3A_330 : memref<1x1024xf32, #tpu.memory_space<hbm>> -> memref<1024xf32, #tpu.memory_space<hbm>>
    tpu.wait_dma2 semaphore(%arg11 : memref<!tpu.dma_semaphore, #tpu.memory_space<semaphore_mem>>) src(%dma_wait3A_331 : memref<1024xf32, #tpu.memory_space<hbm>>) dst(%dma_wait3A_328 : memref<1024xf32, #tpu.memory_space<vmem>>)
    %dma_wait3A_332 = arith.constant 6 : i32
    %dma_wait3A_333 = arith.constant 6144 : i32
    %dma_wait3A_334 = tpu.memref_slice %arg6[%dma_wait3A_333] : memref<24576xf32, #tpu.memory_space<vmem>> -> memref<1024xf32, #tpu.memory_space<vmem>>
    %dma_wait3A_335 = arith.constant 0 : i32
    %dma_wait3A_336 = tpu.memref_slice %arg3[%dma_wait3A_332, %dma_wait3A_335] : memref<1024x1024xf32, #tpu.memory_space<hbm>> -> memref<1x1024xf32, #tpu.memory_space<hbm>>
    %dma_wait3A_337 = tpu.memref_squeeze %dma_wait3A_336 : memref<1x1024xf32, #tpu.memory_space<hbm>> -> memref<1024xf32, #tpu.memory_space<hbm>>
    %dma_wait3A_338 = arith.constant 6144 : i32
    %dma_wait3A_339 = tpu.memref_slice %arg6[%dma_wait3A_338] : memref<24576xf32, #tpu.memory_space<vmem>> -> memref<1024xf32, #tpu.memory_space<vmem>>
    %dma_wait3A_340 = arith.constant 0 : i32
    %dma_wait3A_341 = tpu.memref_slice %arg3[%dma_wait3A_332, %dma_wait3A_340] : memref<1024x1024xf32, #tpu.memory_space<hbm>> -> memref<1x1024xf32, #tpu.memory_space<hbm>>
    %dma_wait3A_342 = tpu.memref_squeeze %dma_wait3A_341 : memref<1x1024xf32, #tpu.memory_space<hbm>> -> memref<1024xf32, #tpu.memory_space<hbm>>
    tpu.wait_dma2 semaphore(%arg11 : memref<!tpu.dma_semaphore, #tpu.memory_space<semaphore_mem>>) src(%dma_wait3A_342 : memref<1024xf32, #tpu.memory_space<hbm>>) dst(%dma_wait3A_339 : memref<1024xf32, #tpu.memory_space<vmem>>)
    %dma_wait3A_343 = arith.constant 7 : i32
    %dma_wait3A_344 = arith.constant 7168 : i32
    %dma_wait3A_345 = tpu.memref_slice %arg6[%dma_wait3A_344] : memref<24576xf32, #tpu.memory_space<vmem>> -> memref<1024xf32, #tpu.memory_space<vmem>>
    %dma_wait3A_346 = arith.constant 0 : i32
    %dma_wait3A_347 = tpu.memref_slice %arg3[%dma_wait3A_343, %dma_wait3A_346] : memref<1024x1024xf32, #tpu.memory_space<hbm>> -> memref<1x1024xf32, #tpu.memory_space<hbm>>
    %dma_wait3A_348 = tpu.memref_squeeze %dma_wait3A_347 : memref<1x1024xf32, #tpu.memory_space<hbm>> -> memref<1024xf32, #tpu.memory_space<hbm>>
    %dma_wait3A_349 = arith.constant 7168 : i32
    %dma_wait3A_350 = tpu.memref_slice %arg6[%dma_wait3A_349] : memref<24576xf32, #tpu.memory_space<vmem>> -> memref<1024xf32, #tpu.memory_space<vmem>>
    %dma_wait3A_351 = arith.constant 0 : i32
    %dma_wait3A_352 = tpu.memref_slice %arg3[%dma_wait3A_343, %dma_wait3A_351] : memref<1024x1024xf32, #tpu.memory_space<hbm>> -> memref<1x1024xf32, #tpu.memory_space<hbm>>
    %dma_wait3A_353 = tpu.memref_squeeze %dma_wait3A_352 : memref<1x1024xf32, #tpu.memory_space<hbm>> -> memref<1024xf32, #tpu.memory_space<hbm>>
    tpu.wait_dma2 semaphore(%arg11 : memref<!tpu.dma_semaphore, #tpu.memory_space<semaphore_mem>>) src(%dma_wait3A_353 : memref<1024xf32, #tpu.memory_space<hbm>>) dst(%dma_wait3A_350 : memref<1024xf32, #tpu.memory_space<vmem>>)
    %dma_wait3A_354 = arith.constant 8 : i32
    %dma_wait3A_355 = arith.constant 8192 : i32
    %dma_wait3A_356 = tpu.memref_slice %arg6[%dma_wait3A_355] : memref<24576xf32, #tpu.memory_space<vmem>> -> memref<1024xf32, #tpu.memory_space<vmem>>
    %dma_wait3A_357 = arith.constant 0 : i32
    %dma_wait3A_358 = tpu.memref_slice %arg3[%dma_wait3A_354, %dma_wait3A_357] : memref<1024x1024xf32, #tpu.memory_space<hbm>> -> memref<1x1024xf32, #tpu.memory_space<hbm>>
    %dma_wait3A_359 = tpu.memref_squeeze %dma_wait3A_358 : memref<1x1024xf32, #tpu.memory_space<hbm>> -> memref<1024xf32, #tpu.memory_space<hbm>>
    %dma_wait3A_360 = arith.constant 8192 : i32
    %dma_wait3A_361 = tpu.memref_slice %arg6[%dma_wait3A_360] : memref<24576xf32, #tpu.memory_space<vmem>> -> memref<1024xf32, #tpu.memory_space<vmem>>
    %dma_wait3A_362 = arith.constant 0 : i32
    %dma_wait3A_363 = tpu.memref_slice %arg3[%dma_wait3A_354, %dma_wait3A_362] : memref<1024x1024xf32, #tpu.memory_space<hbm>> -> memref<1x1024xf32, #tpu.memory_space<hbm>>
    %dma_wait3A_364 = tpu.memref_squeeze %dma_wait3A_363 : memref<1x1024xf32, #tpu.memory_space<hbm>> -> memref<1024xf32, #tpu.memory_space<hbm>>
    tpu.wait_dma2 semaphore(%arg11 : memref<!tpu.dma_semaphore, #tpu.memory_space<semaphore_mem>>) src(%dma_wait3A_364 : memref<1024xf32, #tpu.memory_space<hbm>>) dst(%dma_wait3A_361 : memref<1024xf32, #tpu.memory_space<vmem>>)
    %dma_wait3A_365 = arith.constant 9 : i32
    %dma_wait3A_366 = arith.constant 9216 : i32
    %dma_wait3A_367 = tpu.memref_slice %arg6[%dma_wait3A_366] : memref<24576xf32, #tpu.memory_space<vmem>> -> memref<1024xf32, #tpu.memory_space<vmem>>
    %dma_wait3A_368 = arith.constant 0 : i32
    %dma_wait3A_369 = tpu.memref_slice %arg3[%dma_wait3A_365, %dma_wait3A_368] : memref<1024x1024xf32, #tpu.memory_space<hbm>> -> memref<1x1024xf32, #tpu.memory_space<hbm>>
    %dma_wait3A_370 = tpu.memref_squeeze %dma_wait3A_369 : memref<1x1024xf32, #tpu.memory_space<hbm>> -> memref<1024xf32, #tpu.memory_space<hbm>>
    %dma_wait3A_371 = arith.constant 9216 : i32
    %dma_wait3A_372 = tpu.memref_slice %arg6[%dma_wait3A_371] : memref<24576xf32, #tpu.memory_space<vmem>> -> memref<1024xf32, #tpu.memory_space<vmem>>
    %dma_wait3A_373 = arith.constant 0 : i32
    %dma_wait3A_374 = tpu.memref_slice %arg3[%dma_wait3A_365, %dma_wait3A_373] : memref<1024x1024xf32, #tpu.memory_space<hbm>> -> memref<1x1024xf32, #tpu.memory_space<hbm>>
    %dma_wait3A_375 = tpu.memref_squeeze %dma_wait3A_374 : memref<1x1024xf32, #tpu.memory_space<hbm>> -> memref<1024xf32, #tpu.memory_space<hbm>>
    tpu.wait_dma2 semaphore(%arg11 : memref<!tpu.dma_semaphore, #tpu.memory_space<semaphore_mem>>) src(%dma_wait3A_375 : memref<1024xf32, #tpu.memory_space<hbm>>) dst(%dma_wait3A_372 : memref<1024xf32, #tpu.memory_space<vmem>>)
    %dma_wait3A_376 = arith.constant 10 : i32
    %dma_wait3A_377 = arith.constant 10240 : i32
    %dma_wait3A_378 = tpu.memref_slice %arg6[%dma_wait3A_377] : memref<24576xf32, #tpu.memory_space<vmem>> -> memref<1024xf32, #tpu.memory_space<vmem>>
    %dma_wait3A_379 = arith.constant 0 : i32
    %dma_wait3A_380 = tpu.memref_slice %arg3[%dma_wait3A_376, %dma_wait3A_379] : memref<1024x1024xf32, #tpu.memory_space<hbm>> -> memref<1x1024xf32, #tpu.memory_space<hbm>>
    %dma_wait3A_381 = tpu.memref_squeeze %dma_wait3A_380 : memref<1x1024xf32, #tpu.memory_space<hbm>> -> memref<1024xf32, #tpu.memory_space<hbm>>
    %dma_wait3A_382 = arith.constant 10240 : i32
    %dma_wait3A_383 = tpu.memref_slice %arg6[%dma_wait3A_382] : memref<24576xf32, #tpu.memory_space<vmem>> -> memref<1024xf32, #tpu.memory_space<vmem>>
    %dma_wait3A_384 = arith.constant 0 : i32
    %dma_wait3A_385 = tpu.memref_slice %arg3[%dma_wait3A_376, %dma_wait3A_384] : memref<1024x1024xf32, #tpu.memory_space<hbm>> -> memref<1x1024xf32, #tpu.memory_space<hbm>>
    %dma_wait3A_386 = tpu.memref_squeeze %dma_wait3A_385 : memref<1x1024xf32, #tpu.memory_space<hbm>> -> memref<1024xf32, #tpu.memory_space<hbm>>
    tpu.wait_dma2 semaphore(%arg11 : memref<!tpu.dma_semaphore, #tpu.memory_space<semaphore_mem>>) src(%dma_wait3A_386 : memref<1024xf32, #tpu.memory_space<hbm>>) dst(%dma_wait3A_383 : memref<1024xf32, #tpu.memory_space<vmem>>)
    %dma_wait3A_387 = arith.constant 11 : i32
    %dma_wait3A_388 = arith.constant 11264 : i32
    %dma_wait3A_389 = tpu.memref_slice %arg6[%dma_wait3A_388] : memref<24576xf32, #tpu.memory_space<vmem>> -> memref<1024xf32, #tpu.memory_space<vmem>>
    %dma_wait3A_390 = arith.constant 0 : i32
    %dma_wait3A_391 = tpu.memref_slice %arg3[%dma_wait3A_387, %dma_wait3A_390] : memref<1024x1024xf32, #tpu.memory_space<hbm>> -> memref<1x1024xf32, #tpu.memory_space<hbm>>
    %dma_wait3A_392 = tpu.memref_squeeze %dma_wait3A_391 : memref<1x1024xf32, #tpu.memory_space<hbm>> -> memref<1024xf32, #tpu.memory_space<hbm>>
    %dma_wait3A_393 = arith.constant 11264 : i32
    %dma_wait3A_394 = tpu.memref_slice %arg6[%dma_wait3A_393] : memref<24576xf32, #tpu.memory_space<vmem>> -> memref<1024xf32, #tpu.memory_space<vmem>>
    %dma_wait3A_395 = arith.constant 0 : i32
    %dma_wait3A_396 = tpu.memref_slice %arg3[%dma_wait3A_387, %dma_wait3A_395] : memref<1024x1024xf32, #tpu.memory_space<hbm>> -> memref<1x1024xf32, #tpu.memory_space<hbm>>
    %dma_wait3A_397 = tpu.memref_squeeze %dma_wait3A_396 : memref<1x1024xf32, #tpu.memory_space<hbm>> -> memref<1024xf32, #tpu.memory_space<hbm>>
    tpu.wait_dma2 semaphore(%arg11 : memref<!tpu.dma_semaphore, #tpu.memory_space<semaphore_mem>>) src(%dma_wait3A_397 : memref<1024xf32, #tpu.memory_space<hbm>>) dst(%dma_wait3A_394 : memref<1024xf32, #tpu.memory_space<vmem>>)
    %dma_wait3A_398 = arith.constant 12 : i32
    %dma_wait3A_399 = arith.constant 12288 : i32
    %dma_wait3A_400 = tpu.memref_slice %arg6[%dma_wait3A_399] : memref<24576xf32, #tpu.memory_space<vmem>> -> memref<1024xf32, #tpu.memory_space<vmem>>
    %dma_wait3A_401 = arith.constant 0 : i32
    %dma_wait3A_402 = tpu.memref_slice %arg3[%dma_wait3A_398, %dma_wait3A_401] : memref<1024x1024xf32, #tpu.memory_space<hbm>> -> memref<1x1024xf32, #tpu.memory_space<hbm>>
    %dma_wait3A_403 = tpu.memref_squeeze %dma_wait3A_402 : memref<1x1024xf32, #tpu.memory_space<hbm>> -> memref<1024xf32, #tpu.memory_space<hbm>>
    %dma_wait3A_404 = arith.constant 12288 : i32
    %dma_wait3A_405 = tpu.memref_slice %arg6[%dma_wait3A_404] : memref<24576xf32, #tpu.memory_space<vmem>> -> memref<1024xf32, #tpu.memory_space<vmem>>
    %dma_wait3A_406 = arith.constant 0 : i32
    %dma_wait3A_407 = tpu.memref_slice %arg3[%dma_wait3A_398, %dma_wait3A_406] : memref<1024x1024xf32, #tpu.memory_space<hbm>> -> memref<1x1024xf32, #tpu.memory_space<hbm>>
    %dma_wait3A_408 = tpu.memref_squeeze %dma_wait3A_407 : memref<1x1024xf32, #tpu.memory_space<hbm>> -> memref<1024xf32, #tpu.memory_space<hbm>>
    tpu.wait_dma2 semaphore(%arg11 : memref<!tpu.dma_semaphore, #tpu.memory_space<semaphore_mem>>) src(%dma_wait3A_408 : memref<1024xf32, #tpu.memory_space<hbm>>) dst(%dma_wait3A_405 : memref<1024xf32, #tpu.memory_space<vmem>>)
    %dma_wait3A_409 = arith.constant 13 : i32
    %dma_wait3A_410 = arith.constant 13312 : i32
    %dma_wait3A_411 = tpu.memref_slice %arg6[%dma_wait3A_410] : memref<24576xf32, #tpu.memory_space<vmem>> -> memref<1024xf32, #tpu.memory_space<vmem>>
    %dma_wait3A_412 = arith.constant 0 : i32
    %dma_wait3A_413 = tpu.memref_slice %arg3[%dma_wait3A_409, %dma_wait3A_412] : memref<1024x1024xf32, #tpu.memory_space<hbm>> -> memref<1x1024xf32, #tpu.memory_space<hbm>>
    %dma_wait3A_414 = tpu.memref_squeeze %dma_wait3A_413 : memref<1x1024xf32, #tpu.memory_space<hbm>> -> memref<1024xf32, #tpu.memory_space<hbm>>
    %dma_wait3A_415 = arith.constant 13312 : i32
    %dma_wait3A_416 = tpu.memref_slice %arg6[%dma_wait3A_415] : memref<24576xf32, #tpu.memory_space<vmem>> -> memref<1024xf32, #tpu.memory_space<vmem>>
    %dma_wait3A_417 = arith.constant 0 : i32
    %dma_wait3A_418 = tpu.memref_slice %arg3[%dma_wait3A_409, %dma_wait3A_417] : memref<1024x1024xf32, #tpu.memory_space<hbm>> -> memref<1x1024xf32, #tpu.memory_space<hbm>>
    %dma_wait3A_419 = tpu.memref_squeeze %dma_wait3A_418 : memref<1x1024xf32, #tpu.memory_space<hbm>> -> memref<1024xf32, #tpu.memory_space<hbm>>
    tpu.wait_dma2 semaphore(%arg11 : memref<!tpu.dma_semaphore, #tpu.memory_space<semaphore_mem>>) src(%dma_wait3A_419 : memref<1024xf32, #tpu.memory_space<hbm>>) dst(%dma_wait3A_416 : memref<1024xf32, #tpu.memory_space<vmem>>)
    %dma_wait3A_420 = arith.constant 14 : i32
    %dma_wait3A_421 = arith.constant 14336 : i32
    %dma_wait3A_422 = tpu.memref_slice %arg6[%dma_wait3A_421] : memref<24576xf32, #tpu.memory_space<vmem>> -> memref<1024xf32, #tpu.memory_space<vmem>>
    %dma_wait3A_423 = arith.constant 0 : i32
    %dma_wait3A_424 = tpu.memref_slice %arg3[%dma_wait3A_420, %dma_wait3A_423] : memref<1024x1024xf32, #tpu.memory_space<hbm>> -> memref<1x1024xf32, #tpu.memory_space<hbm>>
    %dma_wait3A_425 = tpu.memref_squeeze %dma_wait3A_424 : memref<1x1024xf32, #tpu.memory_space<hbm>> -> memref<1024xf32, #tpu.memory_space<hbm>>
    %dma_wait3A_426 = arith.constant 14336 : i32
    %dma_wait3A_427 = tpu.memref_slice %arg6[%dma_wait3A_426] : memref<24576xf32, #tpu.memory_space<vmem>> -> memref<1024xf32, #tpu.memory_space<vmem>>
    %dma_wait3A_428 = arith.constant 0 : i32
    %dma_wait3A_429 = tpu.memref_slice %arg3[%dma_wait3A_420, %dma_wait3A_428] : memref<1024x1024xf32, #tpu.memory_space<hbm>> -> memref<1x1024xf32, #tpu.memory_space<hbm>>
    %dma_wait3A_430 = tpu.memref_squeeze %dma_wait3A_429 : memref<1x1024xf32, #tpu.memory_space<hbm>> -> memref<1024xf32, #tpu.memory_space<hbm>>
    tpu.wait_dma2 semaphore(%arg11 : memref<!tpu.dma_semaphore, #tpu.memory_space<semaphore_mem>>) src(%dma_wait3A_430 : memref<1024xf32, #tpu.memory_space<hbm>>) dst(%dma_wait3A_427 : memref<1024xf32, #tpu.memory_space<vmem>>)
    %dma_wait3A_431 = arith.constant 15 : i32
    %dma_wait3A_432 = arith.constant 15360 : i32
    %dma_wait3A_433 = tpu.memref_slice %arg6[%dma_wait3A_432] : memref<24576xf32, #tpu.memory_space<vmem>> -> memref<1024xf32, #tpu.memory_space<vmem>>
    %dma_wait3A_434 = arith.constant 0 : i32
    %dma_wait3A_435 = tpu.memref_slice %arg3[%dma_wait3A_431, %dma_wait3A_434] : memref<1024x1024xf32, #tpu.memory_space<hbm>> -> memref<1x1024xf32, #tpu.memory_space<hbm>>
    %dma_wait3A_436 = tpu.memref_squeeze %dma_wait3A_435 : memref<1x1024xf32, #tpu.memory_space<hbm>> -> memref<1024xf32, #tpu.memory_space<hbm>>
    %dma_wait3A_437 = arith.constant 15360 : i32
    %dma_wait3A_438 = tpu.memref_slice %arg6[%dma_wait3A_437] : memref<24576xf32, #tpu.memory_space<vmem>> -> memref<1024xf32, #tpu.memory_space<vmem>>
    %dma_wait3A_439 = arith.constant 0 : i32
    %dma_wait3A_440 = tpu.memref_slice %arg3[%dma_wait3A_431, %dma_wait3A_439] : memref<1024x1024xf32, #tpu.memory_space<hbm>> -> memref<1x1024xf32, #tpu.memory_space<hbm>>
    %dma_wait3A_441 = tpu.memref_squeeze %dma_wait3A_440 : memref<1x1024xf32, #tpu.memory_space<hbm>> -> memref<1024xf32, #tpu.memory_space<hbm>>
    tpu.wait_dma2 semaphore(%arg11 : memref<!tpu.dma_semaphore, #tpu.memory_space<semaphore_mem>>) src(%dma_wait3A_441 : memref<1024xf32, #tpu.memory_space<hbm>>) dst(%dma_wait3A_438 : memref<1024xf32, #tpu.memory_space<vmem>>)
    %dma_wait3A_442 = arith.constant 16 : i32
    %dma_wait3A_443 = arith.constant 16384 : i32
    %dma_wait3A_444 = tpu.memref_slice %arg6[%dma_wait3A_443] : memref<24576xf32, #tpu.memory_space<vmem>> -> memref<1024xf32, #tpu.memory_space<vmem>>
    %dma_wait3A_445 = arith.constant 0 : i32
    %dma_wait3A_446 = tpu.memref_slice %arg3[%dma_wait3A_442, %dma_wait3A_445] : memref<1024x1024xf32, #tpu.memory_space<hbm>> -> memref<1x1024xf32, #tpu.memory_space<hbm>>
    %dma_wait3A_447 = tpu.memref_squeeze %dma_wait3A_446 : memref<1x1024xf32, #tpu.memory_space<hbm>> -> memref<1024xf32, #tpu.memory_space<hbm>>
    %dma_wait3A_448 = arith.constant 16384 : i32
    %dma_wait3A_449 = tpu.memref_slice %arg6[%dma_wait3A_448] : memref<24576xf32, #tpu.memory_space<vmem>> -> memref<1024xf32, #tpu.memory_space<vmem>>
    %dma_wait3A_450 = arith.constant 0 : i32
    %dma_wait3A_451 = tpu.memref_slice %arg3[%dma_wait3A_442, %dma_wait3A_450] : memref<1024x1024xf32, #tpu.memory_space<hbm>> -> memref<1x1024xf32, #tpu.memory_space<hbm>>
    %dma_wait3A_452 = tpu.memref_squeeze %dma_wait3A_451 : memref<1x1024xf32, #tpu.memory_space<hbm>> -> memref<1024xf32, #tpu.memory_space<hbm>>
    tpu.wait_dma2 semaphore(%arg11 : memref<!tpu.dma_semaphore, #tpu.memory_space<semaphore_mem>>) src(%dma_wait3A_452 : memref<1024xf32, #tpu.memory_space<hbm>>) dst(%dma_wait3A_449 : memref<1024xf32, #tpu.memory_space<vmem>>)
    %dma_wait3A_453 = arith.constant 17 : i32
    %dma_wait3A_454 = arith.constant 17408 : i32
    %dma_wait3A_455 = tpu.memref_slice %arg6[%dma_wait3A_454] : memref<24576xf32, #tpu.memory_space<vmem>> -> memref<1024xf32, #tpu.memory_space<vmem>>
    %dma_wait3A_456 = arith.constant 0 : i32
    %dma_wait3A_457 = tpu.memref_slice %arg3[%dma_wait3A_453, %dma_wait3A_456] : memref<1024x1024xf32, #tpu.memory_space<hbm>> -> memref<1x1024xf32, #tpu.memory_space<hbm>>
    %dma_wait3A_458 = tpu.memref_squeeze %dma_wait3A_457 : memref<1x1024xf32, #tpu.memory_space<hbm>> -> memref<1024xf32, #tpu.memory_space<hbm>>
    %dma_wait3A_459 = arith.constant 17408 : i32
    %dma_wait3A_460 = tpu.memref_slice %arg6[%dma_wait3A_459] : memref<24576xf32, #tpu.memory_space<vmem>> -> memref<1024xf32, #tpu.memory_space<vmem>>
    %dma_wait3A_461 = arith.constant 0 : i32
    %dma_wait3A_462 = tpu.memref_slice %arg3[%dma_wait3A_453, %dma_wait3A_461] : memref<1024x1024xf32, #tpu.memory_space<hbm>> -> memref<1x1024xf32, #tpu.memory_space<hbm>>
    %dma_wait3A_463 = tpu.memref_squeeze %dma_wait3A_462 : memref<1x1024xf32, #tpu.memory_space<hbm>> -> memref<1024xf32, #tpu.memory_space<hbm>>
    tpu.wait_dma2 semaphore(%arg11 : memref<!tpu.dma_semaphore, #tpu.memory_space<semaphore_mem>>) src(%dma_wait3A_463 : memref<1024xf32, #tpu.memory_space<hbm>>) dst(%dma_wait3A_460 : memref<1024xf32, #tpu.memory_space<vmem>>)
    %dma_wait3A_464 = arith.constant 18 : i32
    %dma_wait3A_465 = arith.constant 18432 : i32
    %dma_wait3A_466 = tpu.memref_slice %arg6[%dma_wait3A_465] : memref<24576xf32, #tpu.memory_space<vmem>> -> memref<1024xf32, #tpu.memory_space<vmem>>
    %dma_wait3A_467 = arith.constant 0 : i32
    %dma_wait3A_468 = tpu.memref_slice %arg3[%dma_wait3A_464, %dma_wait3A_467] : memref<1024x1024xf32, #tpu.memory_space<hbm>> -> memref<1x1024xf32, #tpu.memory_space<hbm>>
    %dma_wait3A_469 = tpu.memref_squeeze %dma_wait3A_468 : memref<1x1024xf32, #tpu.memory_space<hbm>> -> memref<1024xf32, #tpu.memory_space<hbm>>
    %dma_wait3A_470 = arith.constant 18432 : i32
    %dma_wait3A_471 = tpu.memref_slice %arg6[%dma_wait3A_470] : memref<24576xf32, #tpu.memory_space<vmem>> -> memref<1024xf32, #tpu.memory_space<vmem>>
    %dma_wait3A_472 = arith.constant 0 : i32
    %dma_wait3A_473 = tpu.memref_slice %arg3[%dma_wait3A_464, %dma_wait3A_472] : memref<1024x1024xf32, #tpu.memory_space<hbm>> -> memref<1x1024xf32, #tpu.memory_space<hbm>>
    %dma_wait3A_474 = tpu.memref_squeeze %dma_wait3A_473 : memref<1x1024xf32, #tpu.memory_space<hbm>> -> memref<1024xf32, #tpu.memory_space<hbm>>
    tpu.wait_dma2 semaphore(%arg11 : memref<!tpu.dma_semaphore, #tpu.memory_space<semaphore_mem>>) src(%dma_wait3A_474 : memref<1024xf32, #tpu.memory_space<hbm>>) dst(%dma_wait3A_471 : memref<1024xf32, #tpu.memory_space<vmem>>)
    %dma_wait3A_475 = arith.constant 19 : i32
    %dma_wait3A_476 = arith.constant 19456 : i32
    %dma_wait3A_477 = tpu.memref_slice %arg6[%dma_wait3A_476] : memref<24576xf32, #tpu.memory_space<vmem>> -> memref<1024xf32, #tpu.memory_space<vmem>>
    %dma_wait3A_478 = arith.constant 0 : i32
    %dma_wait3A_479 = tpu.memref_slice %arg3[%dma_wait3A_475, %dma_wait3A_478] : memref<1024x1024xf32, #tpu.memory_space<hbm>> -> memref<1x1024xf32, #tpu.memory_space<hbm>>
    %dma_wait3A_480 = tpu.memref_squeeze %dma_wait3A_479 : memref<1x1024xf32, #tpu.memory_space<hbm>> -> memref<1024xf32, #tpu.memory_space<hbm>>
    %dma_wait3A_481 = arith.constant 19456 : i32
    %dma_wait3A_482 = tpu.memref_slice %arg6[%dma_wait3A_481] : memref<24576xf32, #tpu.memory_space<vmem>> -> memref<1024xf32, #tpu.memory_space<vmem>>
    %dma_wait3A_483 = arith.constant 0 : i32
    %dma_wait3A_484 = tpu.memref_slice %arg3[%dma_wait3A_475, %dma_wait3A_483] : memref<1024x1024xf32, #tpu.memory_space<hbm>> -> memref<1x1024xf32, #tpu.memory_space<hbm>>
    %dma_wait3A_485 = tpu.memref_squeeze %dma_wait3A_484 : memref<1x1024xf32, #tpu.memory_space<hbm>> -> memref<1024xf32, #tpu.memory_space<hbm>>
    tpu.wait_dma2 semaphore(%arg11 : memref<!tpu.dma_semaphore, #tpu.memory_space<semaphore_mem>>) src(%dma_wait3A_485 : memref<1024xf32, #tpu.memory_space<hbm>>) dst(%dma_wait3A_482 : memref<1024xf32, #tpu.memory_space<vmem>>)
    %parallel_loop3A_486 = arith.constant 0 : i32
    %parallel_loop3A_487 = arith.constant 1280 : i32
    %parallel_loop3A_488 = arith.constant 1 : i32
    scf.for %parallel_loop3A_876 = %parallel_loop3A_486 to %parallel_loop3A_487 step %parallel_loop3A_488  : i32 {
      %parallel_loop3A_877 = arith.constant 16 : i32
      %parallel_loop3A_878 = arith.muli %parallel_loop3A_876, %parallel_loop3A_877 : i32
      %parallel_loop3A_879 = arith.index_cast %parallel_loop3A_878 : i32 to index
      %parallel_loop3A_880 = tpu.vector_load %arg6[%parallel_loop3A_879] {strides = array<i32>} : memref<24576xf32, #tpu.memory_space<vmem>>, vector<16xf32>,
      %parallel_loop3A_881 = arith.constant 2.82842708 : f32
      %parallel_loop3A_882 = vector.broadcast %parallel_loop3A_881 : f32 to vector<16xf32>
      %parallel_loop3A_883 = arith.mulf %parallel_loop3A_880, %parallel_loop3A_882 : vector<16xf32>
      %parallel_loop3A_884 = arith.index_cast %parallel_loop3A_878 : i32 to index
      %parallel_loop3A_885 = tpu.vector_load %arg6[%parallel_loop3A_884] {strides = array<i32>} : memref<24576xf32, #tpu.memory_space<vmem>>, vector<16xf32>,
      tpu.vector_store %arg6[%parallel_loop3A_884], %parallel_loop3A_883 {strides = array<i32>} : memref<24576xf32, #tpu.memory_space<vmem>>, vector<16xf32>,
    } {sc.loop_unroll_factor = 4 : i64, sc.parallel_access}
    %parallel_loop3A_489 = arith.constant 0 : i32
    %parallel_loop3A_490 = arith.constant 64 : i32
    %parallel_loop3A_491 = arith.constant 1 : i32
    scf.for %parallel_loop3A_876 = %parallel_loop3A_489 to %parallel_loop3A_490 step %parallel_loop3A_491  : i32 {
      %parallel_loop3A_877 = arith.constant 16 : i32
      %parallel_loop3A_878 = arith.muli %parallel_loop3A_876, %parallel_loop3A_877 : i32
      %parallel_loop3A_879 = arith.constant 20480 : i32
      %parallel_loop3A_880 = arith.addi %parallel_loop3A_879, %parallel_loop3A_878 : i32
      %parallel_loop3A_881 = arith.index_cast %parallel_loop3A_880 : i32 to index
      %parallel_loop3A_882 = tpu.vector_load %arg6[%parallel_loop3A_881] {strides = array<i32>} : memref<24576xf32, #tpu.memory_space<vmem>>, vector<16xf32>,
      tpu.vector_store %arg6[%parallel_loop3A_881], %broadcast_in_dim3A_252 {strides = array<i32>} : memref<24576xf32, #tpu.memory_space<vmem>>, vector<16xf32>,
    } {sc.loop_unroll_factor = 4 : i64, sc.parallel_access}
    %broadcast_in_dim3A_492 = arith.constant 0 : i32
    %broadcast_in_dim3A_493 = vector.broadcast %broadcast_in_dim3A_492 : i32 to vector<16xi32>
    %broadcast_in_dim3A_494 = arith.constant 1 : i32
    %broadcast_in_dim3A_495 = vector.broadcast %broadcast_in_dim3A_494 : i32 to vector<16xi32>
    %broadcast_in_dim3A_496 = arith.constant 2 : i32
    %broadcast_in_dim3A_497 = vector.broadcast %broadcast_in_dim3A_496 : i32 to vector<16xi32>
    %broadcast_in_dim3A_498 = arith.constant 3 : i32
    %broadcast_in_dim3A_499 = vector.broadcast %broadcast_in_dim3A_498 : i32 to vector<16xi32>
    %broadcast_in_dim3A_500 = arith.constant 4 : i32
    %broadcast_in_dim3A_501 = vector.broadcast %broadcast_in_dim3A_500 : i32 to vector<16xi32>
    %broadcast_in_dim3A_502 = arith.constant 5 : i32
    %broadcast_in_dim3A_503 = vector.broadcast %broadcast_in_dim3A_502 : i32 to vector<16xi32>
    %broadcast_in_dim3A_504 = arith.constant 6 : i32
    %broadcast_in_dim3A_505 = vector.broadcast %broadcast_in_dim3A_504 : i32 to vector<16xi32>
    %broadcast_in_dim3A_506 = arith.constant 7 : i32
    %broadcast_in_dim3A_507 = vector.broadcast %broadcast_in_dim3A_506 : i32 to vector<16xi32>
    %broadcast_in_dim3A_508 = arith.constant 8 : i32
    %broadcast_in_dim3A_509 = vector.broadcast %broadcast_in_dim3A_508 : i32 to vector<16xi32>
    %broadcast_in_dim3A_510 = arith.constant 9 : i32
    %broadcast_in_dim3A_511 = vector.broadcast %broadcast_in_dim3A_510 : i32 to vector<16xi32>
    %broadcast_in_dim3A_512 = arith.constant 10 : i32
    %broadcast_in_dim3A_513 = vector.broadcast %broadcast_in_dim3A_512 : i32 to vector<16xi32>
    %broadcast_in_dim3A_514 = arith.constant 11 : i32
    %broadcast_in_dim3A_515 = vector.broadcast %broadcast_in_dim3A_514 : i32 to vector<16xi32>
    %broadcast_in_dim3A_516 = arith.constant 12 : i32
    %broadcast_in_dim3A_517 = vector.broadcast %broadcast_in_dim3A_516 : i32 to vector<16xi32>
    %broadcast_in_dim3A_518 = arith.constant 13 : i32
    %broadcast_in_dim3A_519 = vector.broadcast %broadcast_in_dim3A_518 : i32 to vector<16xi32>
    %broadcast_in_dim3A_520 = arith.constant 14 : i32
    %broadcast_in_dim3A_521 = vector.broadcast %broadcast_in_dim3A_520 : i32 to vector<16xi32>
    %broadcast_in_dim3A_522 = arith.constant 15 : i32
    %broadcast_in_dim3A_523 = vector.broadcast %broadcast_in_dim3A_522 : i32 to vector<16xi32>
    %parallel_loop3A_524 = arith.constant 0 : i32
    %parallel_loop3A_525 = arith.constant 1 : i32
    scf.for %parallel_loop3A_876 = %parallel_loop3A_524 to %scan3A_265 step %parallel_loop3A_525  : i32 {
      %parallel_loop3A_877 = arith.constant 16 : i32
      %parallel_loop3A_878 = arith.muli %parallel_loop3A_876, %parallel_loop3A_877 : i32
      %parallel_loop3A_879 = tpu.assume_multiple %parallel_loop3A_878, 16 : i32
      %parallel_loop3A_880 = arith.index_cast %parallel_loop3A_876 : i32 to index
      %parallel_loop3A_881 = memref.load %arg10[%parallel_loop3A_880] : memref<128xi32, #tpu.memory_space<smem>>
      %parallel_loop3A_882 = arith.constant 16 : i32
      %parallel_loop3A_883 = arith.muli %parallel_loop3A_881, %parallel_loop3A_882 : i32
      %parallel_loop3A_884 = tpu.assume_multiple %parallel_loop3A_883, 16 : i32
      %parallel_loop3A_885 = arith.index_cast %parallel_loop3A_879 : i32 to index
      %parallel_loop3A_886 = tpu.vector_load %arg7[%parallel_loop3A_885] {strides = array<i32>} : memref<2048xi32, #tpu.memory_space<vmem>>, vector<16xi32>,
      %parallel_loop3A_887 = arith.addi %parallel_loop3A_886, %broadcast_in_dim3A_493 : vector<16xi32>
      %parallel_loop3A_888 = tpu.vector_load_idx %arg6[%parallel_loop3A_887] : memref<24576xf32, #tpu.memory_space<vmem>>[vector<16xi32>], vector<16xf32>,
      %parallel_loop3A_889 = arith.addi %parallel_loop3A_886, %broadcast_in_dim3A_495 : vector<16xi32>
      %parallel_loop3A_890 = tpu.vector_load_idx %arg6[%parallel_loop3A_889] : memref<24576xf32, #tpu.memory_space<vmem>>[vector<16xi32>], vector<16xf32>,
      %parallel_loop3A_891 = arith.addi %parallel_loop3A_886, %broadcast_in_dim3A_497 : vector<16xi32>
      %parallel_loop3A_892 = tpu.vector_load_idx %arg6[%parallel_loop3A_891] : memref<24576xf32, #tpu.memory_space<vmem>>[vector<16xi32>], vector<16xf32>,
      %parallel_loop3A_893 = arith.addi %parallel_loop3A_886, %broadcast_in_dim3A_499 : vector<16xi32>
      %parallel_loop3A_894 = tpu.vector_load_idx %arg6[%parallel_loop3A_893] : memref<24576xf32, #tpu.memory_space<vmem>>[vector<16xi32>], vector<16xf32>,
      %parallel_loop3A_895 = arith.addi %parallel_loop3A_886, %broadcast_in_dim3A_501 : vector<16xi32>
      %parallel_loop3A_896 = tpu.vector_load_idx %arg6[%parallel_loop3A_895] : memref<24576xf32, #tpu.memory_space<vmem>>[vector<16xi32>], vector<16xf32>,
      %parallel_loop3A_897 = arith.addi %parallel_loop3A_886, %broadcast_in_dim3A_503 : vector<16xi32>
      %parallel_loop3A_898 = tpu.vector_load_idx %arg6[%parallel_loop3A_897] : memref<24576xf32, #tpu.memory_space<vmem>>[vector<16xi32>], vector<16xf32>,
      %parallel_loop3A_899 = arith.addi %parallel_loop3A_886, %broadcast_in_dim3A_505 : vector<16xi32>
      %parallel_loop3A_900 = tpu.vector_load_idx %arg6[%parallel_loop3A_899] : memref<24576xf32, #tpu.memory_space<vmem>>[vector<16xi32>], vector<16xf32>,
      %parallel_loop3A_901 = arith.addi %parallel_loop3A_886, %broadcast_in_dim3A_507 : vector<16xi32>
      %parallel_loop3A_902 = tpu.vector_load_idx %arg6[%parallel_loop3A_901] : memref<24576xf32, #tpu.memory_space<vmem>>[vector<16xi32>], vector<16xf32>,
      %parallel_loop3A_903 = arith.addi %parallel_loop3A_886, %broadcast_in_dim3A_509 : vector<16xi32>
      %parallel_loop3A_904 = tpu.vector_load_idx %arg6[%parallel_loop3A_903] : memref<24576xf32, #tpu.memory_space<vmem>>[vector<16xi32>], vector<16xf32>,
      %parallel_loop3A_905 = arith.addi %parallel_loop3A_886, %broadcast_in_dim3A_511 : vector<16xi32>
      %parallel_loop3A_906 = tpu.vector_load_idx %arg6[%parallel_loop3A_905] : memref<24576xf32, #tpu.memory_space<vmem>>[vector<16xi32>], vector<16xf32>,
      %parallel_loop3A_907 = arith.addi %parallel_loop3A_886, %broadcast_in_dim3A_513 : vector<16xi32>
      %parallel_loop3A_908 = tpu.vector_load_idx %arg6[%parallel_loop3A_907] : memref<24576xf32, #tpu.memory_space<vmem>>[vector<16xi32>], vector<16xf32>,
      %parallel_loop3A_909 = arith.addi %parallel_loop3A_886, %broadcast_in_dim3A_515 : vector<16xi32>
      %parallel_loop3A_910 = tpu.vector_load_idx %arg6[%parallel_loop3A_909] : memref<24576xf32, #tpu.memory_space<vmem>>[vector<16xi32>], vector<16xf32>,
      %parallel_loop3A_911 = arith.addi %parallel_loop3A_886, %broadcast_in_dim3A_517 : vector<16xi32>
      %parallel_loop3A_912 = tpu.vector_load_idx %arg6[%parallel_loop3A_911] : memref<24576xf32, #tpu.memory_space<vmem>>[vector<16xi32>], vector<16xf32>,
      %parallel_loop3A_913 = arith.addi %parallel_loop3A_886, %broadcast_in_dim3A_519 : vector<16xi32>
      %parallel_loop3A_914 = tpu.vector_load_idx %arg6[%parallel_loop3A_913] : memref<24576xf32, #tpu.memory_space<vmem>>[vector<16xi32>], vector<16xf32>,
      %parallel_loop3A_915 = arith.addi %parallel_loop3A_886, %broadcast_in_dim3A_521 : vector<16xi32>
      %parallel_loop3A_916 = tpu.vector_load_idx %arg6[%parallel_loop3A_915] : memref<24576xf32, #tpu.memory_space<vmem>>[vector<16xi32>], vector<16xf32>,
      %parallel_loop3A_917 = arith.addi %parallel_loop3A_886, %broadcast_in_dim3A_523 : vector<16xi32>
      %parallel_loop3A_918 = tpu.vector_load_idx %arg6[%parallel_loop3A_917] : memref<24576xf32, #tpu.memory_space<vmem>>[vector<16xi32>], vector<16xf32>,
      %parallel_loop3A_919 = arith.constant 0 : i32
      %parallel_loop3A_920 = arith.index_cast %parallel_loop3A_919 : i32 to index
      %parallel_loop3A_921 = arith.index_cast %parallel_loop3A_884 : i32 to index
      %parallel_loop3A_922 = tpu.vector_load %arg8[%parallel_loop3A_920, %parallel_loop3A_921] {strides = array<i32>} : memref<16x2048xf32, #tpu.memory_space<vmem>>, vector<16xf32>,
      tpu.vector_store %arg8[%parallel_loop3A_920, %parallel_loop3A_921], %parallel_loop3A_888 {strides = array<i32>} : memref<16x2048xf32, #tpu.memory_space<vmem>>, vector<16xf32>,
      %parallel_loop3A_923 = arith.constant 1 : i32
      %parallel_loop3A_924 = arith.index_cast %parallel_loop3A_923 : i32 to index
      %parallel_loop3A_925 = arith.index_cast %parallel_loop3A_884 : i32 to index
      %parallel_loop3A_926 = tpu.vector_load %arg8[%parallel_loop3A_924, %parallel_loop3A_925] {strides = array<i32>} : memref<16x2048xf32, #tpu.memory_space<vmem>>, vector<16xf32>,
      tpu.vector_store %arg8[%parallel_loop3A_924, %parallel_loop3A_925], %parallel_loop3A_890 {strides = array<i32>} : memref<16x2048xf32, #tpu.memory_space<vmem>>, vector<16xf32>,
      %parallel_loop3A_927 = arith.constant 2 : i32
      %parallel_loop3A_928 = arith.index_cast %parallel_loop3A_927 : i32 to index
      %parallel_loop3A_929 = arith.index_cast %parallel_loop3A_884 : i32 to index
      %parallel_loop3A_930 = tpu.vector_load %arg8[%parallel_loop3A_928, %parallel_loop3A_929] {strides = array<i32>} : memref<16x2048xf32, #tpu.memory_space<vmem>>, vector<16xf32>,
      tpu.vector_store %arg8[%parallel_loop3A_928, %parallel_loop3A_929], %parallel_loop3A_892 {strides = array<i32>} : memref<16x2048xf32, #tpu.memory_space<vmem>>, vector<16xf32>,
      %parallel_loop3A_931 = arith.constant 3 : i32
      %parallel_loop3A_932 = arith.index_cast %parallel_loop3A_931 : i32 to index
      %parallel_loop3A_933 = arith.index_cast %parallel_loop3A_884 : i32 to index
      %parallel_loop3A_934 = tpu.vector_load %arg8[%parallel_loop3A_932, %parallel_loop3A_933] {strides = array<i32>} : memref<16x2048xf32, #tpu.memory_space<vmem>>, vector<16xf32>,
      tpu.vector_store %arg8[%parallel_loop3A_932, %parallel_loop3A_933], %parallel_loop3A_894 {strides = array<i32>} : memref<16x2048xf32, #tpu.memory_space<vmem>>, vector<16xf32>,
      %parallel_loop3A_935 = arith.constant 4 : i32
      %parallel_loop3A_936 = arith.index_cast %parallel_loop3A_935 : i32 to index
      %parallel_loop3A_937 = arith.index_cast %parallel_loop3A_884 : i32 to index
      %parallel_loop3A_938 = tpu.vector_load %arg8[%parallel_loop3A_936, %parallel_loop3A_937] {strides = array<i32>} : memref<16x2048xf32, #tpu.memory_space<vmem>>, vector<16xf32>,
      tpu.vector_store %arg8[%parallel_loop3A_936, %parallel_loop3A_937], %parallel_loop3A_896 {strides = array<i32>} : memref<16x2048xf32, #tpu.memory_space<vmem>>, vector<16xf32>,
      %parallel_loop3A_939 = arith.constant 5 : i32
      %parallel_loop3A_940 = arith.index_cast %parallel_loop3A_939 : i32 to index
      %parallel_loop3A_941 = arith.index_cast %parallel_loop3A_884 : i32 to index
      %parallel_loop3A_942 = tpu.vector_load %arg8[%parallel_loop3A_940, %parallel_loop3A_941] {strides = array<i32>} : memref<16x2048xf32, #tpu.memory_space<vmem>>, vector<16xf32>,
      tpu.vector_store %arg8[%parallel_loop3A_940, %parallel_loop3A_941], %parallel_loop3A_898 {strides = array<i32>} : memref<16x2048xf32, #tpu.memory_space<vmem>>, vector<16xf32>,
      %parallel_loop3A_943 = arith.constant 6 : i32
      %parallel_loop3A_944 = arith.index_cast %parallel_loop3A_943 : i32 to index
      %parallel_loop3A_945 = arith.index_cast %parallel_loop3A_884 : i32 to index
      %parallel_loop3A_946 = tpu.vector_load %arg8[%parallel_loop3A_944, %parallel_loop3A_945] {strides = array<i32>} : memref<16x2048xf32, #tpu.memory_space<vmem>>, vector<16xf32>,
      tpu.vector_store %arg8[%parallel_loop3A_944, %parallel_loop3A_945], %parallel_loop3A_900 {strides = array<i32>} : memref<16x2048xf32, #tpu.memory_space<vmem>>, vector<16xf32>,
      %parallel_loop3A_947 = arith.constant 7 : i32
      %parallel_loop3A_948 = arith.index_cast %parallel_loop3A_947 : i32 to index
      %parallel_loop3A_949 = arith.index_cast %parallel_loop3A_884 : i32 to index
      %parallel_loop3A_950 = tpu.vector_load %arg8[%parallel_loop3A_948, %parallel_loop3A_949] {strides = array<i32>} : memref<16x2048xf32, #tpu.memory_space<vmem>>, vector<16xf32>,
      tpu.vector_store %arg8[%parallel_loop3A_948, %parallel_loop3A_949], %parallel_loop3A_902 {strides = array<i32>} : memref<16x2048xf32, #tpu.memory_space<vmem>>, vector<16xf32>,
      %parallel_loop3A_951 = arith.constant 8 : i32
      %parallel_loop3A_952 = arith.index_cast %parallel_loop3A_951 : i32 to index
      %parallel_loop3A_953 = arith.index_cast %parallel_loop3A_884 : i32 to index
      %parallel_loop3A_954 = tpu.vector_load %arg8[%parallel_loop3A_952, %parallel_loop3A_953] {strides = array<i32>} : memref<16x2048xf32, #tpu.memory_space<vmem>>, vector<16xf32>,
      tpu.vector_store %arg8[%parallel_loop3A_952, %parallel_loop3A_953], %parallel_loop3A_904 {strides = array<i32>} : memref<16x2048xf32, #tpu.memory_space<vmem>>, vector<16xf32>,
      %parallel_loop3A_955 = arith.constant 9 : i32
      %parallel_loop3A_956 = arith.index_cast %parallel_loop3A_955 : i32 to index
      %parallel_loop3A_957 = arith.index_cast %parallel_loop3A_884 : i32 to index
      %parallel_loop3A_958 = tpu.vector_load %arg8[%parallel_loop3A_956, %parallel_loop3A_957] {strides = array<i32>} : memref<16x2048xf32, #tpu.memory_space<vmem>>, vector<16xf32>,
      tpu.vector_store %arg8[%parallel_loop3A_956, %parallel_loop3A_957], %parallel_loop3A_906 {strides = array<i32>} : memref<16x2048xf32, #tpu.memory_space<vmem>>, vector<16xf32>,
      %parallel_loop3A_959 = arith.constant 10 : i32
      %parallel_loop3A_960 = arith.index_cast %parallel_loop3A_959 : i32 to index
      %parallel_loop3A_961 = arith.index_cast %parallel_loop3A_884 : i32 to index
      %parallel_loop3A_962 = tpu.vector_load %arg8[%parallel_loop3A_960, %parallel_loop3A_961] {strides = array<i32>} : memref<16x2048xf32, #tpu.memory_space<vmem>>, vector<16xf32>,
      tpu.vector_store %arg8[%parallel_loop3A_960, %parallel_loop3A_961], %parallel_loop3A_908 {strides = array<i32>} : memref<16x2048xf32, #tpu.memory_space<vmem>>, vector<16xf32>,
      %parallel_loop3A_963 = arith.constant 11 : i32
      %parallel_loop3A_964 = arith.index_cast %parallel_loop3A_963 : i32 to index
      %parallel_loop3A_965 = arith.index_cast %parallel_loop3A_884 : i32 to index
      %parallel_loop3A_966 = tpu.vector_load %arg8[%parallel_loop3A_964, %parallel_loop3A_965] {strides = array<i32>} : memref<16x2048xf32, #tpu.memory_space<vmem>>, vector<16xf32>,
      tpu.vector_store %arg8[%parallel_loop3A_964, %parallel_loop3A_965], %parallel_loop3A_910 {strides = array<i32>} : memref<16x2048xf32, #tpu.memory_space<vmem>>, vector<16xf32>,
      %parallel_loop3A_967 = arith.constant 12 : i32
      %parallel_loop3A_968 = arith.index_cast %parallel_loop3A_967 : i32 to index
      %parallel_loop3A_969 = arith.index_cast %parallel_loop3A_884 : i32 to index
      %parallel_loop3A_970 = tpu.vector_load %arg8[%parallel_loop3A_968, %parallel_loop3A_969] {strides = array<i32>} : memref<16x2048xf32, #tpu.memory_space<vmem>>, vector<16xf32>,
      tpu.vector_store %arg8[%parallel_loop3A_968, %parallel_loop3A_969], %parallel_loop3A_912 {strides = array<i32>} : memref<16x2048xf32, #tpu.memory_space<vmem>>, vector<16xf32>,
      %parallel_loop3A_971 = arith.constant 13 : i32
      %parallel_loop3A_972 = arith.index_cast %parallel_loop3A_971 : i32 to index
      %parallel_loop3A_973 = arith.index_cast %parallel_loop3A_884 : i32 to index
      %parallel_loop3A_974 = tpu.vector_load %arg8[%parallel_loop3A_972, %parallel_loop3A_973] {strides = array<i32>} : memref<16x2048xf32, #tpu.memory_space<vmem>>, vector<16xf32>,
      tpu.vector_store %arg8[%parallel_loop3A_972, %parallel_loop3A_973], %parallel_loop3A_914 {strides = array<i32>} : memref<16x2048xf32, #tpu.memory_space<vmem>>, vector<16xf32>,
      %parallel_loop3A_975 = arith.constant 14 : i32
      %parallel_loop3A_976 = arith.index_cast %parallel_loop3A_975 : i32 to index
      %parallel_loop3A_977 = arith.index_cast %parallel_loop3A_884 : i32 to index
      %parallel_loop3A_978 = tpu.vector_load %arg8[%parallel_loop3A_976, %parallel_loop3A_977] {strides = array<i32>} : memref<16x2048xf32, #tpu.memory_space<vmem>>, vector<16xf32>,
      tpu.vector_store %arg8[%parallel_loop3A_976, %parallel_loop3A_977], %parallel_loop3A_916 {strides = array<i32>} : memref<16x2048xf32, #tpu.memory_space<vmem>>, vector<16xf32>,
      %parallel_loop3A_979 = arith.constant 15 : i32
      %parallel_loop3A_980 = arith.index_cast %parallel_loop3A_979 : i32 to index
      %parallel_loop3A_981 = arith.index_cast %parallel_loop3A_884 : i32 to index
      %parallel_loop3A_982 = tpu.vector_load %arg8[%parallel_loop3A_980, %parallel_loop3A_981] {strides = array<i32>} : memref<16x2048xf32, #tpu.memory_space<vmem>>, vector<16xf32>,
      tpu.vector_store %arg8[%parallel_loop3A_980, %parallel_loop3A_981], %parallel_loop3A_918 {strides = array<i32>} : memref<16x2048xf32, #tpu.memory_space<vmem>>, vector<16xf32>,
    } {sc.loop_unroll_factor = 2 : i64, sc.parallel_access}
    %add3A_526 = arith.constant 0 : i32
    %add3A_527 = arith.addi %mul3A_32, %add3A_526 : i32
    %dma_start3A_528 = arith.constant 0 : i32
    %dma_start3A_529 = tpu.memref_slice %arg4[%select_n3A, %add3A_527, %dma_start3A_528] : memref<4x1024x2048xf32, #tpu.memory_space<hbm>> -> memref<1x16x2048xf32, #tpu.memory_space<hbm>>
    %dma_start3A_530 = tpu.memref_squeeze %dma_start3A_529 : memref<1x16x2048xf32, #tpu.memory_space<hbm>> -> memref<16x2048xf32, #tpu.memory_space<hbm>>
    %dma_start3A_531 = arith.constant 0 : i32
    %dma_start3A_532 = tpu.memref_slice %arg4[%select_n3A, %add3A_527, %dma_start3A_531] : memref<4x1024x2048xf32, #tpu.memory_space<hbm>> -> memref<1x16x2048xf32, #tpu.memory_space<hbm>>
    %dma_start3A_533 = tpu.memref_squeeze %dma_start3A_532 : memref<1x16x2048xf32, #tpu.memory_space<hbm>> -> memref<16x2048xf32, #tpu.memory_space<hbm>>
    tpu.enqueue_dma source(%arg8 : memref<16x2048xf32, #tpu.memory_space<vmem>>) target(%dma_start3A_533 : memref<16x2048xf32, #tpu.memory_space<hbm>>) target_semaphore(%arg11 : memref<!tpu.dma_semaphore, #tpu.memory_space<semaphore_mem>>)
    %broadcast_in_dim3A_534 = arith.constant 16 : i32
    %broadcast_in_dim3A_535 = vector.broadcast %broadcast_in_dim3A_534 : i32 to vector<16xi32>
    %broadcast_in_dim3A_536 = arith.constant 17 : i32
    %broadcast_in_dim3A_537 = vector.broadcast %broadcast_in_dim3A_536 : i32 to vector<16xi32>
    %broadcast_in_dim3A_538 = arith.constant 18 : i32
    %broadcast_in_dim3A_539 = vector.broadcast %broadcast_in_dim3A_538 : i32 to vector<16xi32>
    %broadcast_in_dim3A_540 = arith.constant 19 : i32
    %broadcast_in_dim3A_541 = vector.broadcast %broadcast_in_dim3A_540 : i32 to vector<16xi32>
    %broadcast_in_dim3A_542 = arith.constant 20 : i32
    %broadcast_in_dim3A_543 = vector.broadcast %broadcast_in_dim3A_542 : i32 to vector<16xi32>
    %broadcast_in_dim3A_544 = arith.constant 21 : i32
    %broadcast_in_dim3A_545 = vector.broadcast %broadcast_in_dim3A_544 : i32 to vector<16xi32>
    %broadcast_in_dim3A_546 = arith.constant 22 : i32
    %broadcast_in_dim3A_547 = vector.broadcast %broadcast_in_dim3A_546 : i32 to vector<16xi32>
    %broadcast_in_dim3A_548 = arith.constant 23 : i32
    %broadcast_in_dim3A_549 = vector.broadcast %broadcast_in_dim3A_548 : i32 to vector<16xi32>
    %broadcast_in_dim3A_550 = arith.constant 24 : i32
    %broadcast_in_dim3A_551 = vector.broadcast %broadcast_in_dim3A_550 : i32 to vector<16xi32>
    %broadcast_in_dim3A_552 = arith.constant 25 : i32
    %broadcast_in_dim3A_553 = vector.broadcast %broadcast_in_dim3A_552 : i32 to vector<16xi32>
    %broadcast_in_dim3A_554 = arith.constant 26 : i32
    %broadcast_in_dim3A_555 = vector.broadcast %broadcast_in_dim3A_554 : i32 to vector<16xi32>
    %broadcast_in_dim3A_556 = arith.constant 27 : i32
    %broadcast_in_dim3A_557 = vector.broadcast %broadcast_in_dim3A_556 : i32 to vector<16xi32>
    %broadcast_in_dim3A_558 = arith.constant 28 : i32
    %broadcast_in_dim3A_559 = vector.broadcast %broadcast_in_dim3A_558 : i32 to vector<16xi32>
    %broadcast_in_dim3A_560 = arith.constant 29 : i32
    %broadcast_in_dim3A_561 = vector.broadcast %broadcast_in_dim3A_560 : i32 to vector<16xi32>
    %broadcast_in_dim3A_562 = arith.constant 30 : i32
    %broadcast_in_dim3A_563 = vector.broadcast %broadcast_in_dim3A_562 : i32 to vector<16xi32>
    %broadcast_in_dim3A_564 = arith.constant 31 : i32
    %broadcast_in_dim3A_565 = vector.broadcast %broadcast_in_dim3A_564 : i32 to vector<16xi32>
    %parallel_loop3A_566 = arith.constant 0 : i32
    %parallel_loop3A_567 = arith.constant 1 : i32
    scf.for %parallel_loop3A_876 = %parallel_loop3A_566 to %scan3A_265 step %parallel_loop3A_567  : i32 {
      %parallel_loop3A_877 = arith.constant 16 : i32
      %parallel_loop3A_878 = arith.muli %parallel_loop3A_876, %parallel_loop3A_877 : i32
      %parallel_loop3A_879 = tpu.assume_multiple %parallel_loop3A_878, 16 : i32
      %parallel_loop3A_880 = arith.index_cast %parallel_loop3A_876 : i32 to index
      %parallel_loop3A_881 = memref.load %arg10[%parallel_loop3A_880] : memref<128xi32, #tpu.memory_space<smem>>
      %parallel_loop3A_882 = arith.constant 16 : i32
      %parallel_loop3A_883 = arith.muli %parallel_loop3A_881, %parallel_loop3A_882 : i32
      %parallel_loop3A_884 = tpu.assume_multiple %parallel_loop3A_883, 16 : i32
      %parallel_loop3A_885 = arith.index_cast %parallel_loop3A_879 : i32 to index
      %parallel_loop3A_886 = tpu.vector_load %arg7[%parallel_loop3A_885] {strides = array<i32>} : memref<2048xi32, #tpu.memory_space<vmem>>, vector<16xi32>,
      %parallel_loop3A_887 = arith.addi %parallel_loop3A_886, %broadcast_in_dim3A_535 : vector<16xi32>
      %parallel_loop3A_888 = tpu.vector_load_idx %arg6[%parallel_loop3A_887] : memref<24576xf32, #tpu.memory_space<vmem>>[vector<16xi32>], vector<16xf32>,
      %parallel_loop3A_889 = arith.addi %parallel_loop3A_886, %broadcast_in_dim3A_537 : vector<16xi32>
      %parallel_loop3A_890 = tpu.vector_load_idx %arg6[%parallel_loop3A_889] : memref<24576xf32, #tpu.memory_space<vmem>>[vector<16xi32>], vector<16xf32>,
      %parallel_loop3A_891 = arith.addi %parallel_loop3A_886, %broadcast_in_dim3A_539 : vector<16xi32>
      %parallel_loop3A_892 = tpu.vector_load_idx %arg6[%parallel_loop3A_891] : memref<24576xf32, #tpu.memory_space<vmem>>[vector<16xi32>], vector<16xf32>,
      %parallel_loop3A_893 = arith.addi %parallel_loop3A_886, %broadcast_in_dim3A_541 : vector<16xi32>
      %parallel_loop3A_894 = tpu.vector_load_idx %arg6[%parallel_loop3A_893] : memref<24576xf32, #tpu.memory_space<vmem>>[vector<16xi32>], vector<16xf32>,
      %parallel_loop3A_895 = arith.addi %parallel_loop3A_886, %broadcast_in_dim3A_543 : vector<16xi32>
      %parallel_loop3A_896 = tpu.vector_load_idx %arg6[%parallel_loop3A_895] : memref<24576xf32, #tpu.memory_space<vmem>>[vector<16xi32>], vector<16xf32>,
      %parallel_loop3A_897 = arith.addi %parallel_loop3A_886, %broadcast_in_dim3A_545 : vector<16xi32>
      %parallel_loop3A_898 = tpu.vector_load_idx %arg6[%parallel_loop3A_897] : memref<24576xf32, #tpu.memory_space<vmem>>[vector<16xi32>], vector<16xf32>,
      %parallel_loop3A_899 = arith.addi %parallel_loop3A_886, %broadcast_in_dim3A_547 : vector<16xi32>
      %parallel_loop3A_900 = tpu.vector_load_idx %arg6[%parallel_loop3A_899] : memref<24576xf32, #tpu.memory_space<vmem>>[vector<16xi32>], vector<16xf32>,
      %parallel_loop3A_901 = arith.addi %parallel_loop3A_886, %broadcast_in_dim3A_549 : vector<16xi32>
      %parallel_loop3A_902 = tpu.vector_load_idx %arg6[%parallel_loop3A_901] : memref<24576xf32, #tpu.memory_space<vmem>>[vector<16xi32>], vector<16xf32>,
      %parallel_loop3A_903 = arith.addi %parallel_loop3A_886, %broadcast_in_dim3A_551 : vector<16xi32>
      %parallel_loop3A_904 = tpu.vector_load_idx %arg6[%parallel_loop3A_903] : memref<24576xf32, #tpu.memory_space<vmem>>[vector<16xi32>], vector<16xf32>,
      %parallel_loop3A_905 = arith.addi %parallel_loop3A_886, %broadcast_in_dim3A_553 : vector<16xi32>
      %parallel_loop3A_906 = tpu.vector_load_idx %arg6[%parallel_loop3A_905] : memref<24576xf32, #tpu.memory_space<vmem>>[vector<16xi32>], vector<16xf32>,
      %parallel_loop3A_907 = arith.addi %parallel_loop3A_886, %broadcast_in_dim3A_555 : vector<16xi32>
      %parallel_loop3A_908 = tpu.vector_load_idx %arg6[%parallel_loop3A_907] : memref<24576xf32, #tpu.memory_space<vmem>>[vector<16xi32>], vector<16xf32>,
      %parallel_loop3A_909 = arith.addi %parallel_loop3A_886, %broadcast_in_dim3A_557 : vector<16xi32>
      %parallel_loop3A_910 = tpu.vector_load_idx %arg6[%parallel_loop3A_909] : memref<24576xf32, #tpu.memory_space<vmem>>[vector<16xi32>], vector<16xf32>,
      %parallel_loop3A_911 = arith.addi %parallel_loop3A_886, %broadcast_in_dim3A_559 : vector<16xi32>
      %parallel_loop3A_912 = tpu.vector_load_idx %arg6[%parallel_loop3A_911] : memref<24576xf32, #tpu.memory_space<vmem>>[vector<16xi32>], vector<16xf32>,
      %parallel_loop3A_913 = arith.addi %parallel_loop3A_886, %broadcast_in_dim3A_561 : vector<16xi32>
      %parallel_loop3A_914 = tpu.vector_load_idx %arg6[%parallel_loop3A_913] : memref<24576xf32, #tpu.memory_space<vmem>>[vector<16xi32>], vector<16xf32>,
      %parallel_loop3A_915 = arith.addi %parallel_loop3A_886, %broadcast_in_dim3A_563 : vector<16xi32>
      %parallel_loop3A_916 = tpu.vector_load_idx %arg6[%parallel_loop3A_915] : memref<24576xf32, #tpu.memory_space<vmem>>[vector<16xi32>], vector<16xf32>,
      %parallel_loop3A_917 = arith.addi %parallel_loop3A_886, %broadcast_in_dim3A_565 : vector<16xi32>
      %parallel_loop3A_918 = tpu.vector_load_idx %arg6[%parallel_loop3A_917] : memref<24576xf32, #tpu.memory_space<vmem>>[vector<16xi32>], vector<16xf32>,
      %parallel_loop3A_919 = arith.constant 0 : i32
      %parallel_loop3A_920 = arith.index_cast %parallel_loop3A_919 : i32 to index
      %parallel_loop3A_921 = arith.index_cast %parallel_loop3A_884 : i32 to index
      %parallel_loop3A_922 = tpu.vector_load %arg9[%parallel_loop3A_920, %parallel_loop3A_921] {strides = array<i32>} : memref<16x2048xf32, #tpu.memory_space<vmem>>, vector<16xf32>,
      tpu.vector_store %arg9[%parallel_loop3A_920, %parallel_loop3A_921], %parallel_loop3A_888 {strides = array<i32>} : memref<16x2048xf32, #tpu.memory_space<vmem>>, vector<16xf32>,
      %parallel_loop3A_923 = arith.constant 1 : i32
      %parallel_loop3A_924 = arith.index_cast %parallel_loop3A_923 : i32 to index
      %parallel_loop3A_925 = arith.index_cast %parallel_loop3A_884 : i32 to index
      %parallel_loop3A_926 = tpu.vector_load %arg9[%parallel_loop3A_924, %parallel_loop3A_925] {strides = array<i32>} : memref<16x2048xf32, #tpu.memory_space<vmem>>, vector<16xf32>,
      tpu.vector_store %arg9[%parallel_loop3A_924, %parallel_loop3A_925], %parallel_loop3A_890 {strides = array<i32>} : memref<16x2048xf32, #tpu.memory_space<vmem>>, vector<16xf32>,
      %parallel_loop3A_927 = arith.constant 2 : i32
      %parallel_loop3A_928 = arith.index_cast %parallel_loop3A_927 : i32 to index
      %parallel_loop3A_929 = arith.index_cast %parallel_loop3A_884 : i32 to index
      %parallel_loop3A_930 = tpu.vector_load %arg9[%parallel_loop3A_928, %parallel_loop3A_929] {strides = array<i32>} : memref<16x2048xf32, #tpu.memory_space<vmem>>, vector<16xf32>,
      tpu.vector_store %arg9[%parallel_loop3A_928, %parallel_loop3A_929], %parallel_loop3A_892 {strides = array<i32>} : memref<16x2048xf32, #tpu.memory_space<vmem>>, vector<16xf32>,
      %parallel_loop3A_931 = arith.constant 3 : i32
      %parallel_loop3A_932 = arith.index_cast %parallel_loop3A_931 : i32 to index
      %parallel_loop3A_933 = arith.index_cast %parallel_loop3A_884 : i32 to index
      %parallel_loop3A_934 = tpu.vector_load %arg9[%parallel_loop3A_932, %parallel_loop3A_933] {strides = array<i32>} : memref<16x2048xf32, #tpu.memory_space<vmem>>, vector<16xf32>,
      tpu.vector_store %arg9[%parallel_loop3A_932, %parallel_loop3A_933], %parallel_loop3A_894 {strides = array<i32>} : memref<16x2048xf32, #tpu.memory_space<vmem>>, vector<16xf32>,
      %parallel_loop3A_935 = arith.constant 4 : i32
      %parallel_loop3A_936 = arith.index_cast %parallel_loop3A_935 : i32 to index
      %parallel_loop3A_937 = arith.index_cast %parallel_loop3A_884 : i32 to index
      %parallel_loop3A_938 = tpu.vector_load %arg9[%parallel_loop3A_936, %parallel_loop3A_937] {strides = array<i32>} : memref<16x2048xf32, #tpu.memory_space<vmem>>, vector<16xf32>,
      tpu.vector_store %arg9[%parallel_loop3A_936, %parallel_loop3A_937], %parallel_loop3A_896 {strides = array<i32>} : memref<16x2048xf32, #tpu.memory_space<vmem>>, vector<16xf32>,
      %parallel_loop3A_939 = arith.constant 5 : i32
      %parallel_loop3A_940 = arith.index_cast %parallel_loop3A_939 : i32 to index
      %parallel_loop3A_941 = arith.index_cast %parallel_loop3A_884 : i32 to index
      %parallel_loop3A_942 = tpu.vector_load %arg9[%parallel_loop3A_940, %parallel_loop3A_941] {strides = array<i32>} : memref<16x2048xf32, #tpu.memory_space<vmem>>, vector<16xf32>,
      tpu.vector_store %arg9[%parallel_loop3A_940, %parallel_loop3A_941], %parallel_loop3A_898 {strides = array<i32>} : memref<16x2048xf32, #tpu.memory_space<vmem>>, vector<16xf32>,
      %parallel_loop3A_943 = arith.constant 6 : i32
      %parallel_loop3A_944 = arith.index_cast %parallel_loop3A_943 : i32 to index
      %parallel_loop3A_945 = arith.index_cast %parallel_loop3A_884 : i32 to index
      %parallel_loop3A_946 = tpu.vector_load %arg9[%parallel_loop3A_944, %parallel_loop3A_945] {strides = array<i32>} : memref<16x2048xf32, #tpu.memory_space<vmem>>, vector<16xf32>,
      tpu.vector_store %arg9[%parallel_loop3A_944, %parallel_loop3A_945], %parallel_loop3A_900 {strides = array<i32>} : memref<16x2048xf32, #tpu.memory_space<vmem>>, vector<16xf32>,
      %parallel_loop3A_947 = arith.constant 7 : i32
      %parallel_loop3A_948 = arith.index_cast %parallel_loop3A_947 : i32 to index
      %parallel_loop3A_949 = arith.index_cast %parallel_loop3A_884 : i32 to index
      %parallel_loop3A_950 = tpu.vector_load %arg9[%parallel_loop3A_948, %parallel_loop3A_949] {strides = array<i32>} : memref<16x2048xf32, #tpu.memory_space<vmem>>, vector<16xf32>,
      tpu.vector_store %arg9[%parallel_loop3A_948, %parallel_loop3A_949], %parallel_loop3A_902 {strides = array<i32>} : memref<16x2048xf32, #tpu.memory_space<vmem>>, vector<16xf32>,
      %parallel_loop3A_951 = arith.constant 8 : i32
      %parallel_loop3A_952 = arith.index_cast %parallel_loop3A_951 : i32 to index
      %parallel_loop3A_953 = arith.index_cast %parallel_loop3A_884 : i32 to index
      %parallel_loop3A_954 = tpu.vector_load %arg9[%parallel_loop3A_952, %parallel_loop3A_953] {strides = array<i32>} : memref<16x2048xf32, #tpu.memory_space<vmem>>, vector<16xf32>,
      tpu.vector_store %arg9[%parallel_loop3A_952, %parallel_loop3A_953], %parallel_loop3A_904 {strides = array<i32>} : memref<16x2048xf32, #tpu.memory_space<vmem>>, vector<16xf32>,
      %parallel_loop3A_955 = arith.constant 9 : i32
      %parallel_loop3A_956 = arith.index_cast %parallel_loop3A_955 : i32 to index
      %parallel_loop3A_957 = arith.index_cast %parallel_loop3A_884 : i32 to index
      %parallel_loop3A_958 = tpu.vector_load %arg9[%parallel_loop3A_956, %parallel_loop3A_957] {strides = array<i32>} : memref<16x2048xf32, #tpu.memory_space<vmem>>, vector<16xf32>,
      tpu.vector_store %arg9[%parallel_loop3A_956, %parallel_loop3A_957], %parallel_loop3A_906 {strides = array<i32>} : memref<16x2048xf32, #tpu.memory_space<vmem>>, vector<16xf32>,
      %parallel_loop3A_959 = arith.constant 10 : i32
      %parallel_loop3A_960 = arith.index_cast %parallel_loop3A_959 : i32 to index
      %parallel_loop3A_961 = arith.index_cast %parallel_loop3A_884 : i32 to index
      %parallel_loop3A_962 = tpu.vector_load %arg9[%parallel_loop3A_960, %parallel_loop3A_961] {strides = array<i32>} : memref<16x2048xf32, #tpu.memory_space<vmem>>, vector<16xf32>,
      tpu.vector_store %arg9[%parallel_loop3A_960, %parallel_loop3A_961], %parallel_loop3A_908 {strides = array<i32>} : memref<16x2048xf32, #tpu.memory_space<vmem>>, vector<16xf32>,
      %parallel_loop3A_963 = arith.constant 11 : i32
      %parallel_loop3A_964 = arith.index_cast %parallel_loop3A_963 : i32 to index
      %parallel_loop3A_965 = arith.index_cast %parallel_loop3A_884 : i32 to index
      %parallel_loop3A_966 = tpu.vector_load %arg9[%parallel_loop3A_964, %parallel_loop3A_965] {strides = array<i32>} : memref<16x2048xf32, #tpu.memory_space<vmem>>, vector<16xf32>,
      tpu.vector_store %arg9[%parallel_loop3A_964, %parallel_loop3A_965], %parallel_loop3A_910 {strides = array<i32>} : memref<16x2048xf32, #tpu.memory_space<vmem>>, vector<16xf32>,
      %parallel_loop3A_967 = arith.constant 12 : i32
      %parallel_loop3A_968 = arith.index_cast %parallel_loop3A_967 : i32 to index
      %parallel_loop3A_969 = arith.index_cast %parallel_loop3A_884 : i32 to index
      %parallel_loop3A_970 = tpu.vector_load %arg9[%parallel_loop3A_968, %parallel_loop3A_969] {strides = array<i32>} : memref<16x2048xf32, #tpu.memory_space<vmem>>, vector<16xf32>,
      tpu.vector_store %arg9[%parallel_loop3A_968, %parallel_loop3A_969], %parallel_loop3A_912 {strides = array<i32>} : memref<16x2048xf32, #tpu.memory_space<vmem>>, vector<16xf32>,
      %parallel_loop3A_971 = arith.constant 13 : i32
      %parallel_loop3A_972 = arith.index_cast %parallel_loop3A_971 : i32 to index
      %parallel_loop3A_973 = arith.index_cast %parallel_loop3A_884 : i32 to index
      %parallel_loop3A_974 = tpu.vector_load %arg9[%parallel_loop3A_972, %parallel_loop3A_973] {strides = array<i32>} : memref<16x2048xf32, #tpu.memory_space<vmem>>, vector<16xf32>,
      tpu.vector_store %arg9[%parallel_loop3A_972, %parallel_loop3A_973], %parallel_loop3A_914 {strides = array<i32>} : memref<16x2048xf32, #tpu.memory_space<vmem>>, vector<16xf32>,
      %parallel_loop3A_975 = arith.constant 14 : i32
      %parallel_loop3A_976 = arith.index_cast %parallel_loop3A_975 : i32 to index
      %parallel_loop3A_977 = arith.index_cast %parallel_loop3A_884 : i32 to index
      %parallel_loop3A_978 = tpu.vector_load %arg9[%parallel_loop3A_976, %parallel_loop3A_977] {strides = array<i32>} : memref<16x2048xf32, #tpu.memory_space<vmem>>, vector<16xf32>,
      tpu.vector_store %arg9[%parallel_loop3A_976, %parallel_loop3A_977], %parallel_loop3A_916 {strides = array<i32>} : memref<16x2048xf32, #tpu.memory_space<vmem>>, vector<16xf32>,
      %parallel_loop3A_979 = arith.constant 15 : i32
      %parallel_loop3A_980 = arith.index_cast %parallel_loop3A_979 : i32 to index
      %parallel_loop3A_981 = arith.index_cast %parallel_loop3A_884 : i32 to index
      %parallel_loop3A_982 = tpu.vector_load %arg9[%parallel_loop3A_980, %parallel_loop3A_981] {strides = array<i32>} : memref<16x2048xf32, #tpu.memory_space<vmem>>, vector<16xf32>,
      tpu.vector_store %arg9[%parallel_loop3A_980, %parallel_loop3A_981], %parallel_loop3A_918 {strides = array<i32>} : memref<16x2048xf32, #tpu.memory_space<vmem>>, vector<16xf32>,
    } {sc.loop_unroll_factor = 2 : i64, sc.parallel_access}
    %add3A_568 = arith.constant 16 : i32
    %add3A_569 = arith.addi %mul3A_32, %add3A_568 : i32
    %dma_start3A_570 = arith.constant 0 : i32
    %dma_start3A_571 = tpu.memref_slice %arg4[%select_n3A, %add3A_569, %dma_start3A_570] : memref<4x1024x2048xf32, #tpu.memory_space<hbm>> -> memref<1x16x2048xf32, #tpu.memory_space<hbm>>
    %dma_start3A_572 = tpu.memref_squeeze %dma_start3A_571 : memref<1x16x2048xf32, #tpu.memory_space<hbm>> -> memref<16x2048xf32, #tpu.memory_space<hbm>>
    %dma_start3A_573 = arith.constant 0 : i32
    %dma_start3A_574 = tpu.memref_slice %arg4[%select_n3A, %add3A_569, %dma_start3A_573] : memref<4x1024x2048xf32, #tpu.memory_space<hbm>> -> memref<1x16x2048xf32, #tpu.memory_space<hbm>>
    %dma_start3A_575 = tpu.memref_squeeze %dma_start3A_574 : memref<1x16x2048xf32, #tpu.memory_space<hbm>> -> memref<16x2048xf32, #tpu.memory_space<hbm>>
    tpu.enqueue_dma source(%arg9 : memref<16x2048xf32, #tpu.memory_space<vmem>>) target(%dma_start3A_575 : memref<16x2048xf32, #tpu.memory_space<hbm>>) target_semaphore(%arg12 : memref<!tpu.dma_semaphore, #tpu.memory_space<semaphore_mem>>)
    %dma_wait3A_576 = arith.constant 0 : i32
    %dma_wait3A_577 = tpu.memref_slice %arg4[%select_n3A, %add3A_527, %dma_wait3A_576] : memref<4x1024x2048xf32, #tpu.memory_space<hbm>> -> memref<1x16x2048xf32, #tpu.memory_space<hbm>>
    %dma_wait3A_578 = tpu.memref_squeeze %dma_wait3A_577 : memref<1x16x2048xf32, #tpu.memory_space<hbm>> -> memref<16x2048xf32, #tpu.memory_space<hbm>>
    %dma_wait3A_579 = arith.constant 0 : i32
    %dma_wait3A_580 = tpu.memref_slice %arg4[%select_n3A, %add3A_527, %dma_wait3A_579] : memref<4x1024x2048xf32, #tpu.memory_space<hbm>> -> memref<1x16x2048xf32, #tpu.memory_space<hbm>>
    %dma_wait3A_581 = tpu.memref_squeeze %dma_wait3A_580 : memref<1x16x2048xf32, #tpu.memory_space<hbm>> -> memref<16x2048xf32, #tpu.memory_space<hbm>>
    tpu.wait_dma2 semaphore(%arg11 : memref<!tpu.dma_semaphore, #tpu.memory_space<semaphore_mem>>) src(%arg8 : memref<16x2048xf32, #tpu.memory_space<vmem>>) dst(%dma_wait3A_581 : memref<16x2048xf32, #tpu.memory_space<hbm>>)
    %broadcast_in_dim3A_582 = arith.constant 32 : i32
    %broadcast_in_dim3A_583 = vector.broadcast %broadcast_in_dim3A_582 : i32 to vector<16xi32>
    %broadcast_in_dim3A_584 = arith.constant 33 : i32
    %broadcast_in_dim3A_585 = vector.broadcast %broadcast_in_dim3A_584 : i32 to vector<16xi32>
    %broadcast_in_dim3A_586 = arith.constant 34 : i32
    %broadcast_in_dim3A_587 = vector.broadcast %broadcast_in_dim3A_586 : i32 to vector<16xi32>
    %broadcast_in_dim3A_588 = arith.constant 35 : i32
    %broadcast_in_dim3A_589 = vector.broadcast %broadcast_in_dim3A_588 : i32 to vector<16xi32>
    %broadcast_in_dim3A_590 = arith.constant 36 : i32
    %broadcast_in_dim3A_591 = vector.broadcast %broadcast_in_dim3A_590 : i32 to vector<16xi32>
    %broadcast_in_dim3A_592 = arith.constant 37 : i32
    %broadcast_in_dim3A_593 = vector.broadcast %broadcast_in_dim3A_592 : i32 to vector<16xi32>
    %broadcast_in_dim3A_594 = arith.constant 38 : i32
    %broadcast_in_dim3A_595 = vector.broadcast %broadcast_in_dim3A_594 : i32 to vector<16xi32>
    %broadcast_in_dim3A_596 = arith.constant 39 : i32
    %broadcast_in_dim3A_597 = vector.broadcast %broadcast_in_dim3A_596 : i32 to vector<16xi32>
    %broadcast_in_dim3A_598 = arith.constant 40 : i32
    %broadcast_in_dim3A_599 = vector.broadcast %broadcast_in_dim3A_598 : i32 to vector<16xi32>
    %broadcast_in_dim3A_600 = arith.constant 41 : i32
    %broadcast_in_dim3A_601 = vector.broadcast %broadcast_in_dim3A_600 : i32 to vector<16xi32>
    %broadcast_in_dim3A_602 = arith.constant 42 : i32
    %broadcast_in_dim3A_603 = vector.broadcast %broadcast_in_dim3A_602 : i32 to vector<16xi32>
    %broadcast_in_dim3A_604 = arith.constant 43 : i32
    %broadcast_in_dim3A_605 = vector.broadcast %broadcast_in_dim3A_604 : i32 to vector<16xi32>
    %broadcast_in_dim3A_606 = arith.constant 44 : i32
    %broadcast_in_dim3A_607 = vector.broadcast %broadcast_in_dim3A_606 : i32 to vector<16xi32>
    %broadcast_in_dim3A_608 = arith.constant 45 : i32
    %broadcast_in_dim3A_609 = vector.broadcast %broadcast_in_dim3A_608 : i32 to vector<16xi32>
    %broadcast_in_dim3A_610 = arith.constant 46 : i32
    %broadcast_in_dim3A_611 = vector.broadcast %broadcast_in_dim3A_610 : i32 to vector<16xi32>
    %broadcast_in_dim3A_612 = arith.constant 47 : i32
    %broadcast_in_dim3A_613 = vector.broadcast %broadcast_in_dim3A_612 : i32 to vector<16xi32>
    %parallel_loop3A_614 = arith.constant 0 : i32
    %parallel_loop3A_615 = arith.constant 1 : i32
    scf.for %parallel_loop3A_876 = %parallel_loop3A_614 to %scan3A_265 step %parallel_loop3A_615  : i32 {
      %parallel_loop3A_877 = arith.constant 16 : i32
      %parallel_loop3A_878 = arith.muli %parallel_loop3A_876, %parallel_loop3A_877 : i32
      %parallel_loop3A_879 = tpu.assume_multiple %parallel_loop3A_878, 16 : i32
      %parallel_loop3A_880 = arith.index_cast %parallel_loop3A_876 : i32 to index
      %parallel_loop3A_881 = memref.load %arg10[%parallel_loop3A_880] : memref<128xi32, #tpu.memory_space<smem>>
      %parallel_loop3A_882 = arith.constant 16 : i32
      %parallel_loop3A_883 = arith.muli %parallel_loop3A_881, %parallel_loop3A_882 : i32
      %parallel_loop3A_884 = tpu.assume_multiple %parallel_loop3A_883, 16 : i32
      %parallel_loop3A_885 = arith.index_cast %parallel_loop3A_879 : i32 to index
      %parallel_loop3A_886 = tpu.vector_load %arg7[%parallel_loop3A_885] {strides = array<i32>} : memref<2048xi32, #tpu.memory_space<vmem>>, vector<16xi32>,
      %parallel_loop3A_887 = arith.addi %parallel_loop3A_886, %broadcast_in_dim3A_583 : vector<16xi32>
      %parallel_loop3A_888 = tpu.vector_load_idx %arg6[%parallel_loop3A_887] : memref<24576xf32, #tpu.memory_space<vmem>>[vector<16xi32>], vector<16xf32>,
      %parallel_loop3A_889 = arith.addi %parallel_loop3A_886, %broadcast_in_dim3A_585 : vector<16xi32>
      %parallel_loop3A_890 = tpu.vector_load_idx %arg6[%parallel_loop3A_889] : memref<24576xf32, #tpu.memory_space<vmem>>[vector<16xi32>], vector<16xf32>,
      %parallel_loop3A_891 = arith.addi %parallel_loop3A_886, %broadcast_in_dim3A_587 : vector<16xi32>
      %parallel_loop3A_892 = tpu.vector_load_idx %arg6[%parallel_loop3A_891] : memref<24576xf32, #tpu.memory_space<vmem>>[vector<16xi32>], vector<16xf32>,
      %parallel_loop3A_893 = arith.addi %parallel_loop3A_886, %broadcast_in_dim3A_589 : vector<16xi32>
      %parallel_loop3A_894 = tpu.vector_load_idx %arg6[%parallel_loop3A_893] : memref<24576xf32, #tpu.memory_space<vmem>>[vector<16xi32>], vector<16xf32>,
      %parallel_loop3A_895 = arith.addi %parallel_loop3A_886, %broadcast_in_dim3A_591 : vector<16xi32>
      %parallel_loop3A_896 = tpu.vector_load_idx %arg6[%parallel_loop3A_895] : memref<24576xf32, #tpu.memory_space<vmem>>[vector<16xi32>], vector<16xf32>,
      %parallel_loop3A_897 = arith.addi %parallel_loop3A_886, %broadcast_in_dim3A_593 : vector<16xi32>
      %parallel_loop3A_898 = tpu.vector_load_idx %arg6[%parallel_loop3A_897] : memref<24576xf32, #tpu.memory_space<vmem>>[vector<16xi32>], vector<16xf32>,
      %parallel_loop3A_899 = arith.addi %parallel_loop3A_886, %broadcast_in_dim3A_595 : vector<16xi32>
      %parallel_loop3A_900 = tpu.vector_load_idx %arg6[%parallel_loop3A_899] : memref<24576xf32, #tpu.memory_space<vmem>>[vector<16xi32>], vector<16xf32>,
      %parallel_loop3A_901 = arith.addi %parallel_loop3A_886, %broadcast_in_dim3A_597 : vector<16xi32>
      %parallel_loop3A_902 = tpu.vector_load_idx %arg6[%parallel_loop3A_901] : memref<24576xf32, #tpu.memory_space<vmem>>[vector<16xi32>], vector<16xf32>,
      %parallel_loop3A_903 = arith.addi %parallel_loop3A_886, %broadcast_in_dim3A_599 : vector<16xi32>
      %parallel_loop3A_904 = tpu.vector_load_idx %arg6[%parallel_loop3A_903] : memref<24576xf32, #tpu.memory_space<vmem>>[vector<16xi32>], vector<16xf32>,
      %parallel_loop3A_905 = arith.addi %parallel_loop3A_886, %broadcast_in_dim3A_601 : vector<16xi32>
      %parallel_loop3A_906 = tpu.vector_load_idx %arg6[%parallel_loop3A_905] : memref<24576xf32, #tpu.memory_space<vmem>>[vector<16xi32>], vector<16xf32>,
      %parallel_loop3A_907 = arith.addi %parallel_loop3A_886, %broadcast_in_dim3A_603 : vector<16xi32>
      %parallel_loop3A_908 = tpu.vector_load_idx %arg6[%parallel_loop3A_907] : memref<24576xf32, #tpu.memory_space<vmem>>[vector<16xi32>], vector<16xf32>,
      %parallel_loop3A_909 = arith.addi %parallel_loop3A_886, %broadcast_in_dim3A_605 : vector<16xi32>
      %parallel_loop3A_910 = tpu.vector_load_idx %arg6[%parallel_loop3A_909] : memref<24576xf32, #tpu.memory_space<vmem>>[vector<16xi32>], vector<16xf32>,
      %parallel_loop3A_911 = arith.addi %parallel_loop3A_886, %broadcast_in_dim3A_607 : vector<16xi32>
      %parallel_loop3A_912 = tpu.vector_load_idx %arg6[%parallel_loop3A_911] : memref<24576xf32, #tpu.memory_space<vmem>>[vector<16xi32>], vector<16xf32>,
      %parallel_loop3A_913 = arith.addi %parallel_loop3A_886, %broadcast_in_dim3A_609 : vector<16xi32>
      %parallel_loop3A_914 = tpu.vector_load_idx %arg6[%parallel_loop3A_913] : memref<24576xf32, #tpu.memory_space<vmem>>[vector<16xi32>], vector<16xf32>,
      %parallel_loop3A_915 = arith.addi %parallel_loop3A_886, %broadcast_in_dim3A_611 : vector<16xi32>
      %parallel_loop3A_916 = tpu.vector_load_idx %arg6[%parallel_loop3A_915] : memref<24576xf32, #tpu.memory_space<vmem>>[vector<16xi32>], vector<16xf32>,
      %parallel_loop3A_917 = arith.addi %parallel_loop3A_886, %broadcast_in_dim3A_613 : vector<16xi32>
      %parallel_loop3A_918 = tpu.vector_load_idx %arg6[%parallel_loop3A_917] : memref<24576xf32, #tpu.memory_space<vmem>>[vector<16xi32>], vector<16xf32>,
      %parallel_loop3A_919 = arith.constant 0 : i32
      %parallel_loop3A_920 = arith.index_cast %parallel_loop3A_919 : i32 to index
      %parallel_loop3A_921 = arith.index_cast %parallel_loop3A_884 : i32 to index
      %parallel_loop3A_922 = tpu.vector_load %arg8[%parallel_loop3A_920, %parallel_loop3A_921] {strides = array<i32>} : memref<16x2048xf32, #tpu.memory_space<vmem>>, vector<16xf32>,
      tpu.vector_store %arg8[%parallel_loop3A_920, %parallel_loop3A_921], %parallel_loop3A_888 {strides = array<i32>} : memref<16x2048xf32, #tpu.memory_space<vmem>>, vector<16xf32>,
      %parallel_loop3A_923 = arith.constant 1 : i32
      %parallel_loop3A_924 = arith.index_cast %parallel_loop3A_923 : i32 to index
      %parallel_loop3A_925 = arith.index_cast %parallel_loop3A_884 : i32 to index
      %parallel_loop3A_926 = tpu.vector_load %arg8[%parallel_loop3A_924, %parallel_loop3A_925] {strides = array<i32>} : memref<16x2048xf32, #tpu.memory_space<vmem>>, vector<16xf32>,
      tpu.vector_store %arg8[%parallel_loop3A_924, %parallel_loop3A_925], %parallel_loop3A_890 {strides = array<i32>} : memref<16x2048xf32, #tpu.memory_space<vmem>>, vector<16xf32>,
      %parallel_loop3A_927 = arith.constant 2 : i32
      %parallel_loop3A_928 = arith.index_cast %parallel_loop3A_927 : i32 to index
      %parallel_loop3A_929 = arith.index_cast %parallel_loop3A_884 : i32 to index
      %parallel_loop3A_930 = tpu.vector_load %arg8[%parallel_loop3A_928, %parallel_loop3A_929] {strides = array<i32>} : memref<16x2048xf32, #tpu.memory_space<vmem>>, vector<16xf32>,
      tpu.vector_store %arg8[%parallel_loop3A_928, %parallel_loop3A_929], %parallel_loop3A_892 {strides = array<i32>} : memref<16x2048xf32, #tpu.memory_space<vmem>>, vector<16xf32>,
      %parallel_loop3A_931 = arith.constant 3 : i32
      %parallel_loop3A_932 = arith.index_cast %parallel_loop3A_931 : i32 to index
      %parallel_loop3A_933 = arith.index_cast %parallel_loop3A_884 : i32 to index
      %parallel_loop3A_934 = tpu.vector_load %arg8[%parallel_loop3A_932, %parallel_loop3A_933] {strides = array<i32>} : memref<16x2048xf32, #tpu.memory_space<vmem>>, vector<16xf32>,
      tpu.vector_store %arg8[%parallel_loop3A_932, %parallel_loop3A_933], %parallel_loop3A_894 {strides = array<i32>} : memref<16x2048xf32, #tpu.memory_space<vmem>>, vector<16xf32>,
      %parallel_loop3A_935 = arith.constant 4 : i32
      %parallel_loop3A_936 = arith.index_cast %parallel_loop3A_935 : i32 to index
      %parallel_loop3A_937 = arith.index_cast %parallel_loop3A_884 : i32 to index
      %parallel_loop3A_938 = tpu.vector_load %arg8[%parallel_loop3A_936, %parallel_loop3A_937] {strides = array<i32>} : memref<16x2048xf32, #tpu.memory_space<vmem>>, vector<16xf32>,
      tpu.vector_store %arg8[%parallel_loop3A_936, %parallel_loop3A_937], %parallel_loop3A_896 {strides = array<i32>} : memref<16x2048xf32, #tpu.memory_space<vmem>>, vector<16xf32>,
      %parallel_loop3A_939 = arith.constant 5 : i32
      %parallel_loop3A_940 = arith.index_cast %parallel_loop3A_939 : i32 to index
      %parallel_loop3A_941 = arith.index_cast %parallel_loop3A_884 : i32 to index
      %parallel_loop3A_942 = tpu.vector_load %arg8[%parallel_loop3A_940, %parallel_loop3A_941] {strides = array<i32>} : memref<16x2048xf32, #tpu.memory_space<vmem>>, vector<16xf32>,
      tpu.vector_store %arg8[%parallel_loop3A_940, %parallel_loop3A_941], %parallel_loop3A_898 {strides = array<i32>} : memref<16x2048xf32, #tpu.memory_space<vmem>>, vector<16xf32>,
      %parallel_loop3A_943 = arith.constant 6 : i32
      %parallel_loop3A_944 = arith.index_cast %parallel_loop3A_943 : i32 to index
      %parallel_loop3A_945 = arith.index_cast %parallel_loop3A_884 : i32 to index
      %parallel_loop3A_946 = tpu.vector_load %arg8[%parallel_loop3A_944, %parallel_loop3A_945] {strides = array<i32>} : memref<16x2048xf32, #tpu.memory_space<vmem>>, vector<16xf32>,
      tpu.vector_store %arg8[%parallel_loop3A_944, %parallel_loop3A_945], %parallel_loop3A_900 {strides = array<i32>} : memref<16x2048xf32, #tpu.memory_space<vmem>>, vector<16xf32>,
      %parallel_loop3A_947 = arith.constant 7 : i32
      %parallel_loop3A_948 = arith.index_cast %parallel_loop3A_947 : i32 to index
      %parallel_loop3A_949 = arith.index_cast %parallel_loop3A_884 : i32 to index
      %parallel_loop3A_950 = tpu.vector_load %arg8[%parallel_loop3A_948, %parallel_loop3A_949] {strides = array<i32>} : memref<16x2048xf32, #tpu.memory_space<vmem>>, vector<16xf32>,
      tpu.vector_store %arg8[%parallel_loop3A_948, %parallel_loop3A_949], %parallel_loop3A_902 {strides = array<i32>} : memref<16x2048xf32, #tpu.memory_space<vmem>>, vector<16xf32>,
      %parallel_loop3A_951 = arith.constant 8 : i32
      %parallel_loop3A_952 = arith.index_cast %parallel_loop3A_951 : i32 to index
      %parallel_loop3A_953 = arith.index_cast %parallel_loop3A_884 : i32 to index
      %parallel_loop3A_954 = tpu.vector_load %arg8[%parallel_loop3A_952, %parallel_loop3A_953] {strides = array<i32>} : memref<16x2048xf32, #tpu.memory_space<vmem>>, vector<16xf32>,
      tpu.vector_store %arg8[%parallel_loop3A_952, %parallel_loop3A_953], %parallel_loop3A_904 {strides = array<i32>} : memref<16x2048xf32, #tpu.memory_space<vmem>>, vector<16xf32>,
      %parallel_loop3A_955 = arith.constant 9 : i32
      %parallel_loop3A_956 = arith.index_cast %parallel_loop3A_955 : i32 to index
      %parallel_loop3A_957 = arith.index_cast %parallel_loop3A_884 : i32 to index
      %parallel_loop3A_958 = tpu.vector_load %arg8[%parallel_loop3A_956, %parallel_loop3A_957] {strides = array<i32>} : memref<16x2048xf32, #tpu.memory_space<vmem>>, vector<16xf32>,
      tpu.vector_store %arg8[%parallel_loop3A_956, %parallel_loop3A_957], %parallel_loop3A_906 {strides = array<i32>} : memref<16x2048xf32, #tpu.memory_space<vmem>>, vector<16xf32>,
      %parallel_loop3A_959 = arith.constant 10 : i32
      %parallel_loop3A_960 = arith.index_cast %parallel_loop3A_959 : i32 to index
      %parallel_loop3A_961 = arith.index_cast %parallel_loop3A_884 : i32 to index
      %parallel_loop3A_962 = tpu.vector_load %arg8[%parallel_loop3A_960, %parallel_loop3A_961] {strides = array<i32>} : memref<16x2048xf32, #tpu.memory_space<vmem>>, vector<16xf32>,
      tpu.vector_store %arg8[%parallel_loop3A_960, %parallel_loop3A_961], %parallel_loop3A_908 {strides = array<i32>} : memref<16x2048xf32, #tpu.memory_space<vmem>>, vector<16xf32>,
      %parallel_loop3A_963 = arith.constant 11 : i32
      %parallel_loop3A_964 = arith.index_cast %parallel_loop3A_963 : i32 to index
      %parallel_loop3A_965 = arith.index_cast %parallel_loop3A_884 : i32 to index
      %parallel_loop3A_966 = tpu.vector_load %arg8[%parallel_loop3A_964, %parallel_loop3A_965] {strides = array<i32>} : memref<16x2048xf32, #tpu.memory_space<vmem>>, vector<16xf32>,
      tpu.vector_store %arg8[%parallel_loop3A_964, %parallel_loop3A_965], %parallel_loop3A_910 {strides = array<i32>} : memref<16x2048xf32, #tpu.memory_space<vmem>>, vector<16xf32>,
      %parallel_loop3A_967 = arith.constant 12 : i32
      %parallel_loop3A_968 = arith.index_cast %parallel_loop3A_967 : i32 to index
      %parallel_loop3A_969 = arith.index_cast %parallel_loop3A_884 : i32 to index
      %parallel_loop3A_970 = tpu.vector_load %arg8[%parallel_loop3A_968, %parallel_loop3A_969] {strides = array<i32>} : memref<16x2048xf32, #tpu.memory_space<vmem>>, vector<16xf32>,
      tpu.vector_store %arg8[%parallel_loop3A_968, %parallel_loop3A_969], %parallel_loop3A_912 {strides = array<i32>} : memref<16x2048xf32, #tpu.memory_space<vmem>>, vector<16xf32>,
      %parallel_loop3A_971 = arith.constant 13 : i32
      %parallel_loop3A_972 = arith.index_cast %parallel_loop3A_971 : i32 to index
      %parallel_loop3A_973 = arith.index_cast %parallel_loop3A_884 : i32 to index
      %parallel_loop3A_974 = tpu.vector_load %arg8[%parallel_loop3A_972, %parallel_loop3A_973] {strides = array<i32>} : memref<16x2048xf32, #tpu.memory_space<vmem>>, vector<16xf32>,
      tpu.vector_store %arg8[%parallel_loop3A_972, %parallel_loop3A_973], %parallel_loop3A_914 {strides = array<i32>} : memref<16x2048xf32, #tpu.memory_space<vmem>>, vector<16xf32>,
      %parallel_loop3A_975 = arith.constant 14 : i32
      %parallel_loop3A_976 = arith.index_cast %parallel_loop3A_975 : i32 to index
      %parallel_loop3A_977 = arith.index_cast %parallel_loop3A_884 : i32 to index
      %parallel_loop3A_978 = tpu.vector_load %arg8[%parallel_loop3A_976, %parallel_loop3A_977] {strides = array<i32>} : memref<16x2048xf32, #tpu.memory_space<vmem>>, vector<16xf32>,
      tpu.vector_store %arg8[%parallel_loop3A_976, %parallel_loop3A_977], %parallel_loop3A_916 {strides = array<i32>} : memref<16x2048xf32, #tpu.memory_space<vmem>>, vector<16xf32>,
      %parallel_loop3A_979 = arith.constant 15 : i32
      %parallel_loop3A_980 = arith.index_cast %parallel_loop3A_979 : i32 to index
      %parallel_loop3A_981 = arith.index_cast %parallel_loop3A_884 : i32 to index
      %parallel_loop3A_982 = tpu.vector_load %arg8[%parallel_loop3A_980, %parallel_loop3A_981] {strides = array<i32>} : memref<16x2048xf32, #tpu.memory_space<vmem>>, vector<16xf32>,
      tpu.vector_store %arg8[%parallel_loop3A_980, %parallel_loop3A_981], %parallel_loop3A_918 {strides = array<i32>} : memref<16x2048xf32, #tpu.memory_space<vmem>>, vector<16xf32>,
    } {sc.loop_unroll_factor = 2 : i64, sc.parallel_access}
    %add3A_616 = arith.constant 32 : i32
    %add3A_617 = arith.addi %mul3A_32, %add3A_616 : i32
    %dma_start3A_618 = arith.constant 0 : i32
    %dma_start3A_619 = tpu.memref_slice %arg4[%select_n3A, %add3A_617, %dma_start3A_618] : memref<4x1024x2048xf32, #tpu.memory_space<hbm>> -> memref<1x16x2048xf32, #tpu.memory_space<hbm>>
    %dma_start3A_620 = tpu.memref_squeeze %dma_start3A_619 : memref<1x16x2048xf32, #tpu.memory_space<hbm>> -> memref<16x2048xf32, #tpu.memory_space<hbm>>
    %dma_start3A_621 = arith.constant 0 : i32
    %dma_start3A_622 = tpu.memref_slice %arg4[%select_n3A, %add3A_617, %dma_start3A_621] : memref<4x1024x2048xf32, #tpu.memory_space<hbm>> -> memref<1x16x2048xf32, #tpu.memory_space<hbm>>
    %dma_start3A_623 = tpu.memref_squeeze %dma_start3A_622 : memref<1x16x2048xf32, #tpu.memory_space<hbm>> -> memref<16x2048xf32, #tpu.memory_space<hbm>>
    tpu.enqueue_dma source(%arg8 : memref<16x2048xf32, #tpu.memory_space<vmem>>) target(%dma_start3A_623 : memref<16x2048xf32, #tpu.memory_space<hbm>>) target_semaphore(%arg11 : memref<!tpu.dma_semaphore, #tpu.memory_space<semaphore_mem>>)
    %dma_wait3A_624 = arith.constant 0 : i32
    %dma_wait3A_625 = tpu.memref_slice %arg4[%select_n3A, %add3A_569, %dma_wait3A_624] : memref<4x1024x2048xf32, #tpu.memory_space<hbm>> -> memref<1x16x2048xf32, #tpu.memory_space<hbm>>
    %dma_wait3A_626 = tpu.memref_squeeze %dma_wait3A_625 : memref<1x16x2048xf32, #tpu.memory_space<hbm>> -> memref<16x2048xf32, #tpu.memory_space<hbm>>
    %dma_wait3A_627 = arith.constant 0 : i32
    %dma_wait3A_628 = tpu.memref_slice %arg4[%select_n3A, %add3A_569, %dma_wait3A_627] : memref<4x1024x2048xf32, #tpu.memory_space<hbm>> -> memref<1x16x2048xf32, #tpu.memory_space<hbm>>
    %dma_wait3A_629 = tpu.memref_squeeze %dma_wait3A_628 : memref<1x16x2048xf32, #tpu.memory_space<hbm>> -> memref<16x2048xf32, #tpu.memory_space<hbm>>
    tpu.wait_dma2 semaphore(%arg12 : memref<!tpu.dma_semaphore, #tpu.memory_space<semaphore_mem>>) src(%arg9 : memref<16x2048xf32, #tpu.memory_space<vmem>>) dst(%dma_wait3A_629 : memref<16x2048xf32, #tpu.memory_space<hbm>>)
    %broadcast_in_dim3A_630 = arith.constant 48 : i32
    %broadcast_in_dim3A_631 = vector.broadcast %broadcast_in_dim3A_630 : i32 to vector<16xi32>
    %broadcast_in_dim3A_632 = arith.constant 49 : i32
    %broadcast_in_dim3A_633 = vector.broadcast %broadcast_in_dim3A_632 : i32 to vector<16xi32>
    %broadcast_in_dim3A_634 = arith.constant 50 : i32
    %broadcast_in_dim3A_635 = vector.broadcast %broadcast_in_dim3A_634 : i32 to vector<16xi32>
    %broadcast_in_dim3A_636 = arith.constant 51 : i32
    %broadcast_in_dim3A_637 = vector.broadcast %broadcast_in_dim3A_636 : i32 to vector<16xi32>
    %broadcast_in_dim3A_638 = arith.constant 52 : i32
    %broadcast_in_dim3A_639 = vector.broadcast %broadcast_in_dim3A_638 : i32 to vector<16xi32>
    %broadcast_in_dim3A_640 = arith.constant 53 : i32
    %broadcast_in_dim3A_641 = vector.broadcast %broadcast_in_dim3A_640 : i32 to vector<16xi32>
    %broadcast_in_dim3A_642 = arith.constant 54 : i32
    %broadcast_in_dim3A_643 = vector.broadcast %broadcast_in_dim3A_642 : i32 to vector<16xi32>
    %broadcast_in_dim3A_644 = arith.constant 55 : i32
    %broadcast_in_dim3A_645 = vector.broadcast %broadcast_in_dim3A_644 : i32 to vector<16xi32>
    %broadcast_in_dim3A_646 = arith.constant 56 : i32
    %broadcast_in_dim3A_647 = vector.broadcast %broadcast_in_dim3A_646 : i32 to vector<16xi32>
    %broadcast_in_dim3A_648 = arith.constant 57 : i32
    %broadcast_in_dim3A_649 = vector.broadcast %broadcast_in_dim3A_648 : i32 to vector<16xi32>
    %broadcast_in_dim3A_650 = arith.constant 58 : i32
    %broadcast_in_dim3A_651 = vector.broadcast %broadcast_in_dim3A_650 : i32 to vector<16xi32>
    %broadcast_in_dim3A_652 = arith.constant 59 : i32
    %broadcast_in_dim3A_653 = vector.broadcast %broadcast_in_dim3A_652 : i32 to vector<16xi32>
    %broadcast_in_dim3A_654 = arith.constant 60 : i32
    %broadcast_in_dim3A_655 = vector.broadcast %broadcast_in_dim3A_654 : i32 to vector<16xi32>
    %broadcast_in_dim3A_656 = arith.constant 61 : i32
    %broadcast_in_dim3A_657 = vector.broadcast %broadcast_in_dim3A_656 : i32 to vector<16xi32>
    %broadcast_in_dim3A_658 = arith.constant 62 : i32
    %broadcast_in_dim3A_659 = vector.broadcast %broadcast_in_dim3A_658 : i32 to vector<16xi32>
    %broadcast_in_dim3A_660 = arith.constant 63 : i32
    %broadcast_in_dim3A_661 = vector.broadcast %broadcast_in_dim3A_660 : i32 to vector<16xi32>
    %parallel_loop3A_662 = arith.constant 0 : i32
    %parallel_loop3A_663 = arith.constant 1 : i32
    scf.for %parallel_loop3A_876 = %parallel_loop3A_662 to %scan3A_265 step %parallel_loop3A_663  : i32 {
      %parallel_loop3A_877 = arith.constant 16 : i32
      %parallel_loop3A_878 = arith.muli %parallel_loop3A_876, %parallel_loop3A_877 : i32
      %parallel_loop3A_879 = tpu.assume_multiple %parallel_loop3A_878, 16 : i32
      %parallel_loop3A_880 = arith.index_cast %parallel_loop3A_876 : i32 to index
      %parallel_loop3A_881 = memref.load %arg10[%parallel_loop3A_880] : memref<128xi32, #tpu.memory_space<smem>>
      %parallel_loop3A_882 = arith.constant 16 : i32
      %parallel_loop3A_883 = arith.muli %parallel_loop3A_881, %parallel_loop3A_882 : i32
      %parallel_loop3A_884 = tpu.assume_multiple %parallel_loop3A_883, 16 : i32
      %parallel_loop3A_885 = arith.index_cast %parallel_loop3A_879 : i32 to index
      %parallel_loop3A_886 = tpu.vector_load %arg7[%parallel_loop3A_885] {strides = array<i32>} : memref<2048xi32, #tpu.memory_space<vmem>>, vector<16xi32>,
      %parallel_loop3A_887 = arith.addi %parallel_loop3A_886, %broadcast_in_dim3A_631 : vector<16xi32>
      %parallel_loop3A_888 = tpu.vector_load_idx %arg6[%parallel_loop3A_887] : memref<24576xf32, #tpu.memory_space<vmem>>[vector<16xi32>], vector<16xf32>,
      %parallel_loop3A_889 = arith.addi %parallel_loop3A_886, %broadcast_in_dim3A_633 : vector<16xi32>
      %parallel_loop3A_890 = tpu.vector_load_idx %arg6[%parallel_loop3A_889] : memref<24576xf32, #tpu.memory_space<vmem>>[vector<16xi32>], vector<16xf32>,
      %parallel_loop3A_891 = arith.addi %parallel_loop3A_886, %broadcast_in_dim3A_635 : vector<16xi32>
      %parallel_loop3A_892 = tpu.vector_load_idx %arg6[%parallel_loop3A_891] : memref<24576xf32, #tpu.memory_space<vmem>>[vector<16xi32>], vector<16xf32>,
      %parallel_loop3A_893 = arith.addi %parallel_loop3A_886, %broadcast_in_dim3A_637 : vector<16xi32>
      %parallel_loop3A_894 = tpu.vector_load_idx %arg6[%parallel_loop3A_893] : memref<24576xf32, #tpu.memory_space<vmem>>[vector<16xi32>], vector<16xf32>,
      %parallel_loop3A_895 = arith.addi %parallel_loop3A_886, %broadcast_in_dim3A_639 : vector<16xi32>
      %parallel_loop3A_896 = tpu.vector_load_idx %arg6[%parallel_loop3A_895] : memref<24576xf32, #tpu.memory_space<vmem>>[vector<16xi32>], vector<16xf32>,
      %parallel_loop3A_897 = arith.addi %parallel_loop3A_886, %broadcast_in_dim3A_641 : vector<16xi32>
      %parallel_loop3A_898 = tpu.vector_load_idx %arg6[%parallel_loop3A_897] : memref<24576xf32, #tpu.memory_space<vmem>>[vector<16xi32>], vector<16xf32>,
      %parallel_loop3A_899 = arith.addi %parallel_loop3A_886, %broadcast_in_dim3A_643 : vector<16xi32>
      %parallel_loop3A_900 = tpu.vector_load_idx %arg6[%parallel_loop3A_899] : memref<24576xf32, #tpu.memory_space<vmem>>[vector<16xi32>], vector<16xf32>,
      %parallel_loop3A_901 = arith.addi %parallel_loop3A_886, %broadcast_in_dim3A_645 : vector<16xi32>
      %parallel_loop3A_902 = tpu.vector_load_idx %arg6[%parallel_loop3A_901] : memref<24576xf32, #tpu.memory_space<vmem>>[vector<16xi32>], vector<16xf32>,
      %parallel_loop3A_903 = arith.addi %parallel_loop3A_886, %broadcast_in_dim3A_647 : vector<16xi32>
      %parallel_loop3A_904 = tpu.vector_load_idx %arg6[%parallel_loop3A_903] : memref<24576xf32, #tpu.memory_space<vmem>>[vector<16xi32>], vector<16xf32>,
      %parallel_loop3A_905 = arith.addi %parallel_loop3A_886, %broadcast_in_dim3A_649 : vector<16xi32>
      %parallel_loop3A_906 = tpu.vector_load_idx %arg6[%parallel_loop3A_905] : memref<24576xf32, #tpu.memory_space<vmem>>[vector<16xi32>], vector<16xf32>,
      %parallel_loop3A_907 = arith.addi %parallel_loop3A_886, %broadcast_in_dim3A_651 : vector<16xi32>
      %parallel_loop3A_908 = tpu.vector_load_idx %arg6[%parallel_loop3A_907] : memref<24576xf32, #tpu.memory_space<vmem>>[vector<16xi32>], vector<16xf32>,
      %parallel_loop3A_909 = arith.addi %parallel_loop3A_886, %broadcast_in_dim3A_653 : vector<16xi32>
      %parallel_loop3A_910 = tpu.vector_load_idx %arg6[%parallel_loop3A_909] : memref<24576xf32, #tpu.memory_space<vmem>>[vector<16xi32>], vector<16xf32>,
      %parallel_loop3A_911 = arith.addi %parallel_loop3A_886, %broadcast_in_dim3A_655 : vector<16xi32>
      %parallel_loop3A_912 = tpu.vector_load_idx %arg6[%parallel_loop3A_911] : memref<24576xf32, #tpu.memory_space<vmem>>[vector<16xi32>], vector<16xf32>,
      %parallel_loop3A_913 = arith.addi %parallel_loop3A_886, %broadcast_in_dim3A_657 : vector<16xi32>
      %parallel_loop3A_914 = tpu.vector_load_idx %arg6[%parallel_loop3A_913] : memref<24576xf32, #tpu.memory_space<vmem>>[vector<16xi32>], vector<16xf32>,
      %parallel_loop3A_915 = arith.addi %parallel_loop3A_886, %broadcast_in_dim3A_659 : vector<16xi32>
      %parallel_loop3A_916 = tpu.vector_load_idx %arg6[%parallel_loop3A_915] : memref<24576xf32, #tpu.memory_space<vmem>>[vector<16xi32>], vector<16xf32>,
      %parallel_loop3A_917 = arith.addi %parallel_loop3A_886, %broadcast_in_dim3A_661 : vector<16xi32>
      %parallel_loop3A_918 = tpu.vector_load_idx %arg6[%parallel_loop3A_917] : memref<24576xf32, #tpu.memory_space<vmem>>[vector<16xi32>], vector<16xf32>,
      %parallel_loop3A_919 = arith.constant 0 : i32
      %parallel_loop3A_920 = arith.index_cast %parallel_loop3A_919 : i32 to index
      %parallel_loop3A_921 = arith.index_cast %parallel_loop3A_884 : i32 to index
      %parallel_loop3A_922 = tpu.vector_load %arg9[%parallel_loop3A_920, %parallel_loop3A_921] {strides = array<i32>} : memref<16x2048xf32, #tpu.memory_space<vmem>>, vector<16xf32>,
      tpu.vector_store %arg9[%parallel_loop3A_920, %parallel_loop3A_921], %parallel_loop3A_888 {strides = array<i32>} : memref<16x2048xf32, #tpu.memory_space<vmem>>, vector<16xf32>,
      %parallel_loop3A_923 = arith.constant 1 : i32
      %parallel_loop3A_924 = arith.index_cast %parallel_loop3A_923 : i32 to index
      %parallel_loop3A_925 = arith.index_cast %parallel_loop3A_884 : i32 to index
      %parallel_loop3A_926 = tpu.vector_load %arg9[%parallel_loop3A_924, %parallel_loop3A_925] {strides = array<i32>} : memref<16x2048xf32, #tpu.memory_space<vmem>>, vector<16xf32>,
      tpu.vector_store %arg9[%parallel_loop3A_924, %parallel_loop3A_925], %parallel_loop3A_890 {strides = array<i32>} : memref<16x2048xf32, #tpu.memory_space<vmem>>, vector<16xf32>,
      %parallel_loop3A_927 = arith.constant 2 : i32
      %parallel_loop3A_928 = arith.index_cast %parallel_loop3A_927 : i32 to index
      %parallel_loop3A_929 = arith.index_cast %parallel_loop3A_884 : i32 to index
      %parallel_loop3A_930 = tpu.vector_load %arg9[%parallel_loop3A_928, %parallel_loop3A_929] {strides = array<i32>} : memref<16x2048xf32, #tpu.memory_space<vmem>>, vector<16xf32>,
      tpu.vector_store %arg9[%parallel_loop3A_928, %parallel_loop3A_929], %parallel_loop3A_892 {strides = array<i32>} : memref<16x2048xf32, #tpu.memory_space<vmem>>, vector<16xf32>,
      %parallel_loop3A_931 = arith.constant 3 : i32
      %parallel_loop3A_932 = arith.index_cast %parallel_loop3A_931 : i32 to index
      %parallel_loop3A_933 = arith.index_cast %parallel_loop3A_884 : i32 to index
      %parallel_loop3A_934 = tpu.vector_load %arg9[%parallel_loop3A_932, %parallel_loop3A_933] {strides = array<i32>} : memref<16x2048xf32, #tpu.memory_space<vmem>>, vector<16xf32>,
      tpu.vector_store %arg9[%parallel_loop3A_932, %parallel_loop3A_933], %parallel_loop3A_894 {strides = array<i32>} : memref<16x2048xf32, #tpu.memory_space<vmem>>, vector<16xf32>,
      %parallel_loop3A_935 = arith.constant 4 : i32
      %parallel_loop3A_936 = arith.index_cast %parallel_loop3A_935 : i32 to index
      %parallel_loop3A_937 = arith.index_cast %parallel_loop3A_884 : i32 to index
      %parallel_loop3A_938 = tpu.vector_load %arg9[%parallel_loop3A_936, %parallel_loop3A_937] {strides = array<i32>} : memref<16x2048xf32, #tpu.memory_space<vmem>>, vector<16xf32>,
      tpu.vector_store %arg9[%parallel_loop3A_936, %parallel_loop3A_937], %parallel_loop3A_896 {strides = array<i32>} : memref<16x2048xf32, #tpu.memory_space<vmem>>, vector<16xf32>,
      %parallel_loop3A_939 = arith.constant 5 : i32
      %parallel_loop3A_940 = arith.index_cast %parallel_loop3A_939 : i32 to index
      %parallel_loop3A_941 = arith.index_cast %parallel_loop3A_884 : i32 to index
      %parallel_loop3A_942 = tpu.vector_load %arg9[%parallel_loop3A_940, %parallel_loop3A_941] {strides = array<i32>} : memref<16x2048xf32, #tpu.memory_space<vmem>>, vector<16xf32>,
      tpu.vector_store %arg9[%parallel_loop3A_940, %parallel_loop3A_941], %parallel_loop3A_898 {strides = array<i32>} : memref<16x2048xf32, #tpu.memory_space<vmem>>, vector<16xf32>,
      %parallel_loop3A_943 = arith.constant 6 : i32
      %parallel_loop3A_944 = arith.index_cast %parallel_loop3A_943 : i32 to index
      %parallel_loop3A_945 = arith.index_cast %parallel_loop3A_884 : i32 to index
      %parallel_loop3A_946 = tpu.vector_load %arg9[%parallel_loop3A_944, %parallel_loop3A_945] {strides = array<i32>} : memref<16x2048xf32, #tpu.memory_space<vmem>>, vector<16xf32>,
      tpu.vector_store %arg9[%parallel_loop3A_944, %parallel_loop3A_945], %parallel_loop3A_900 {strides = array<i32>} : memref<16x2048xf32, #tpu.memory_space<vmem>>, vector<16xf32>,
      %parallel_loop3A_947 = arith.constant 7 : i32
      %parallel_loop3A_948 = arith.index_cast %parallel_loop3A_947 : i32 to index
      %parallel_loop3A_949 = arith.index_cast %parallel_loop3A_884 : i32 to index
      %parallel_loop3A_950 = tpu.vector_load %arg9[%parallel_loop3A_948, %parallel_loop3A_949] {strides = array<i32>} : memref<16x2048xf32, #tpu.memory_space<vmem>>, vector<16xf32>,
      tpu.vector_store %arg9[%parallel_loop3A_948, %parallel_loop3A_949], %parallel_loop3A_902 {strides = array<i32>} : memref<16x2048xf32, #tpu.memory_space<vmem>>, vector<16xf32>,
      %parallel_loop3A_951 = arith.constant 8 : i32
      %parallel_loop3A_952 = arith.index_cast %parallel_loop3A_951 : i32 to index
      %parallel_loop3A_953 = arith.index_cast %parallel_loop3A_884 : i32 to index
      %parallel_loop3A_954 = tpu.vector_load %arg9[%parallel_loop3A_952, %parallel_loop3A_953] {strides = array<i32>} : memref<16x2048xf32, #tpu.memory_space<vmem>>, vector<16xf32>,
      tpu.vector_store %arg9[%parallel_loop3A_952, %parallel_loop3A_953], %parallel_loop3A_904 {strides = array<i32>} : memref<16x2048xf32, #tpu.memory_space<vmem>>, vector<16xf32>,
      %parallel_loop3A_955 = arith.constant 9 : i32
      %parallel_loop3A_956 = arith.index_cast %parallel_loop3A_955 : i32 to index
      %parallel_loop3A_957 = arith.index_cast %parallel_loop3A_884 : i32 to index
      %parallel_loop3A_958 = tpu.vector_load %arg9[%parallel_loop3A_956, %parallel_loop3A_957] {strides = array<i32>} : memref<16x2048xf32, #tpu.memory_space<vmem>>, vector<16xf32>,
      tpu.vector_store %arg9[%parallel_loop3A_956, %parallel_loop3A_957], %parallel_loop3A_906 {strides = array<i32>} : memref<16x2048xf32, #tpu.memory_space<vmem>>, vector<16xf32>,
      %parallel_loop3A_959 = arith.constant 10 : i32
      %parallel_loop3A_960 = arith.index_cast %parallel_loop3A_959 : i32 to index
      %parallel_loop3A_961 = arith.index_cast %parallel_loop3A_884 : i32 to index
      %parallel_loop3A_962 = tpu.vector_load %arg9[%parallel_loop3A_960, %parallel_loop3A_961] {strides = array<i32>} : memref<16x2048xf32, #tpu.memory_space<vmem>>, vector<16xf32>,
      tpu.vector_store %arg9[%parallel_loop3A_960, %parallel_loop3A_961], %parallel_loop3A_908 {strides = array<i32>} : memref<16x2048xf32, #tpu.memory_space<vmem>>, vector<16xf32>,
      %parallel_loop3A_963 = arith.constant 11 : i32
      %parallel_loop3A_964 = arith.index_cast %parallel_loop3A_963 : i32 to index
      %parallel_loop3A_965 = arith.index_cast %parallel_loop3A_884 : i32 to index
      %parallel_loop3A_966 = tpu.vector_load %arg9[%parallel_loop3A_964, %parallel_loop3A_965] {strides = array<i32>} : memref<16x2048xf32, #tpu.memory_space<vmem>>, vector<16xf32>,
      tpu.vector_store %arg9[%parallel_loop3A_964, %parallel_loop3A_965], %parallel_loop3A_910 {strides = array<i32>} : memref<16x2048xf32, #tpu.memory_space<vmem>>, vector<16xf32>,
      %parallel_loop3A_967 = arith.constant 12 : i32
      %parallel_loop3A_968 = arith.index_cast %parallel_loop3A_967 : i32 to index
      %parallel_loop3A_969 = arith.index_cast %parallel_loop3A_884 : i32 to index
      %parallel_loop3A_970 = tpu.vector_load %arg9[%parallel_loop3A_968, %parallel_loop3A_969] {strides = array<i32>} : memref<16x2048xf32, #tpu.memory_space<vmem>>, vector<16xf32>,
      tpu.vector_store %arg9[%parallel_loop3A_968, %parallel_loop3A_969], %parallel_loop3A_912 {strides = array<i32>} : memref<16x2048xf32, #tpu.memory_space<vmem>>, vector<16xf32>,
      %parallel_loop3A_971 = arith.constant 13 : i32
      %parallel_loop3A_972 = arith.index_cast %parallel_loop3A_971 : i32 to index
      %parallel_loop3A_973 = arith.index_cast %parallel_loop3A_884 : i32 to index
      %parallel_loop3A_974 = tpu.vector_load %arg9[%parallel_loop3A_972, %parallel_loop3A_973] {strides = array<i32>} : memref<16x2048xf32, #tpu.memory_space<vmem>>, vector<16xf32>,
      tpu.vector_store %arg9[%parallel_loop3A_972, %parallel_loop3A_973], %parallel_loop3A_914 {strides = array<i32>} : memref<16x2048xf32, #tpu.memory_space<vmem>>, vector<16xf32>,
      %parallel_loop3A_975 = arith.constant 14 : i32
      %parallel_loop3A_976 = arith.index_cast %parallel_loop3A_975 : i32 to index
      %parallel_loop3A_977 = arith.index_cast %parallel_loop3A_884 : i32 to index
      %parallel_loop3A_978 = tpu.vector_load %arg9[%parallel_loop3A_976, %parallel_loop3A_977] {strides = array<i32>} : memref<16x2048xf32, #tpu.memory_space<vmem>>, vector<16xf32>,
      tpu.vector_store %arg9[%parallel_loop3A_976, %parallel_loop3A_977], %parallel_loop3A_916 {strides = array<i32>} : memref<16x2048xf32, #tpu.memory_space<vmem>>, vector<16xf32>,
      %parallel_loop3A_979 = arith.constant 15 : i32
      %parallel_loop3A_980 = arith.index_cast %parallel_loop3A_979 : i32 to index
      %parallel_loop3A_981 = arith.index_cast %parallel_loop3A_884 : i32 to index
      %parallel_loop3A_982 = tpu.vector_load %arg9[%parallel_loop3A_980, %parallel_loop3A_981] {strides = array<i32>} : memref<16x2048xf32, #tpu.memory_space<vmem>>, vector<16xf32>,
      tpu.vector_store %arg9[%parallel_loop3A_980, %parallel_loop3A_981], %parallel_loop3A_918 {strides = array<i32>} : memref<16x2048xf32, #tpu.memory_space<vmem>>, vector<16xf32>,
    } {sc.loop_unroll_factor = 2 : i64, sc.parallel_access}
    %add3A_664 = arith.constant 48 : i32
    %add3A_665 = arith.addi %mul3A_32, %add3A_664 : i32
    %dma_start3A_666 = arith.constant 0 : i32
    %dma_start3A_667 = tpu.memref_slice %arg4[%select_n3A, %add3A_665, %dma_start3A_666] : memref<4x1024x2048xf32, #tpu.memory_space<hbm>> -> memref<1x16x2048xf32, #tpu.memory_space<hbm>>
    %dma_start3A_668 = tpu.memref_squeeze %dma_start3A_667 : memref<1x16x2048xf32, #tpu.memory_space<hbm>> -> memref<16x2048xf32, #tpu.memory_space<hbm>>
    %dma_start3A_669 = arith.constant 0 : i32
    %dma_start3A_670 = tpu.memref_slice %arg4[%select_n3A, %add3A_665, %dma_start3A_669] : memref<4x1024x2048xf32, #tpu.memory_space<hbm>> -> memref<1x16x2048xf32, #tpu.memory_space<hbm>>
    %dma_start3A_671 = tpu.memref_squeeze %dma_start3A_670 : memref<1x16x2048xf32, #tpu.memory_space<hbm>> -> memref<16x2048xf32, #tpu.memory_space<hbm>>
    tpu.enqueue_dma source(%arg9 : memref<16x2048xf32, #tpu.memory_space<vmem>>) target(%dma_start3A_671 : memref<16x2048xf32, #tpu.memory_space<hbm>>) target_semaphore(%arg12 : memref<!tpu.dma_semaphore, #tpu.memory_space<semaphore_mem>>)
    %dma_wait3A_672 = arith.constant 0 : i32
    %dma_wait3A_673 = tpu.memref_slice %arg4[%select_n3A, %add3A_617, %dma_wait3A_672] : memref<4x1024x2048xf32, #tpu.memory_space<hbm>> -> memref<1x16x2048xf32, #tpu.memory_space<hbm>>
    %dma_wait3A_674 = tpu.memref_squeeze %dma_wait3A_673 : memref<1x16x2048xf32, #tpu.memory_space<hbm>> -> memref<16x2048xf32, #tpu.memory_space<hbm>>
    %dma_wait3A_675 = arith.constant 0 : i32
    %dma_wait3A_676 = tpu.memref_slice %arg4[%select_n3A, %add3A_617, %dma_wait3A_675] : memref<4x1024x2048xf32, #tpu.memory_space<hbm>> -> memref<1x16x2048xf32, #tpu.memory_space<hbm>>
    %dma_wait3A_677 = tpu.memref_squeeze %dma_wait3A_676 : memref<1x16x2048xf32, #tpu.memory_space<hbm>> -> memref<16x2048xf32, #tpu.memory_space<hbm>>
    tpu.wait_dma2 semaphore(%arg11 : memref<!tpu.dma_semaphore, #tpu.memory_space<semaphore_mem>>) src(%arg8 : memref<16x2048xf32, #tpu.memory_space<vmem>>) dst(%dma_wait3A_677 : memref<16x2048xf32, #tpu.memory_space<hbm>>)
    %broadcast_in_dim3A_678 = arith.constant 64 : i32
    %broadcast_in_dim3A_679 = vector.broadcast %broadcast_in_dim3A_678 : i32 to vector<16xi32>
    %broadcast_in_dim3A_680 = arith.constant 65 : i32
    %broadcast_in_dim3A_681 = vector.broadcast %broadcast_in_dim3A_680 : i32 to vector<16xi32>
    %broadcast_in_dim3A_682 = arith.constant 66 : i32
    %broadcast_in_dim3A_683 = vector.broadcast %broadcast_in_dim3A_682 : i32 to vector<16xi32>
    %broadcast_in_dim3A_684 = arith.constant 67 : i32
    %broadcast_in_dim3A_685 = vector.broadcast %broadcast_in_dim3A_684 : i32 to vector<16xi32>
    %broadcast_in_dim3A_686 = arith.constant 68 : i32
    %broadcast_in_dim3A_687 = vector.broadcast %broadcast_in_dim3A_686 : i32 to vector<16xi32>
    %broadcast_in_dim3A_688 = arith.constant 69 : i32
    %broadcast_in_dim3A_689 = vector.broadcast %broadcast_in_dim3A_688 : i32 to vector<16xi32>
    %broadcast_in_dim3A_690 = arith.constant 70 : i32
    %broadcast_in_dim3A_691 = vector.broadcast %broadcast_in_dim3A_690 : i32 to vector<16xi32>
    %broadcast_in_dim3A_692 = arith.constant 71 : i32
    %broadcast_in_dim3A_693 = vector.broadcast %broadcast_in_dim3A_692 : i32 to vector<16xi32>
    %broadcast_in_dim3A_694 = arith.constant 72 : i32
    %broadcast_in_dim3A_695 = vector.broadcast %broadcast_in_dim3A_694 : i32 to vector<16xi32>
    %broadcast_in_dim3A_696 = arith.constant 73 : i32
    %broadcast_in_dim3A_697 = vector.broadcast %broadcast_in_dim3A_696 : i32 to vector<16xi32>
    %broadcast_in_dim3A_698 = arith.constant 74 : i32
    %broadcast_in_dim3A_699 = vector.broadcast %broadcast_in_dim3A_698 : i32 to vector<16xi32>
    %broadcast_in_dim3A_700 = arith.constant 75 : i32
    %broadcast_in_dim3A_701 = vector.broadcast %broadcast_in_dim3A_700 : i32 to vector<16xi32>
    %broadcast_in_dim3A_702 = arith.constant 76 : i32
    %broadcast_in_dim3A_703 = vector.broadcast %broadcast_in_dim3A_702 : i32 to vector<16xi32>
    %broadcast_in_dim3A_704 = arith.constant 77 : i32
    %broadcast_in_dim3A_705 = vector.broadcast %broadcast_in_dim3A_704 : i32 to vector<16xi32>
    %broadcast_in_dim3A_706 = arith.constant 78 : i32
    %broadcast_in_dim3A_707 = vector.broadcast %broadcast_in_dim3A_706 : i32 to vector<16xi32>
    %broadcast_in_dim3A_708 = arith.constant 79 : i32
    %broadcast_in_dim3A_709 = vector.broadcast %broadcast_in_dim3A_708 : i32 to vector<16xi32>
    %parallel_loop3A_710 = arith.constant 0 : i32
    %parallel_loop3A_711 = arith.constant 1 : i32
    scf.for %parallel_loop3A_876 = %parallel_loop3A_710 to %scan3A_265 step %parallel_loop3A_711  : i32 {
      %parallel_loop3A_877 = arith.constant 16 : i32
      %parallel_loop3A_878 = arith.muli %parallel_loop3A_876, %parallel_loop3A_877 : i32
      %parallel_loop3A_879 = tpu.assume_multiple %parallel_loop3A_878, 16 : i32
      %parallel_loop3A_880 = arith.index_cast %parallel_loop3A_876 : i32 to index
      %parallel_loop3A_881 = memref.load %arg10[%parallel_loop3A_880] : memref<128xi32, #tpu.memory_space<smem>>
      %parallel_loop3A_882 = arith.constant 16 : i32
      %parallel_loop3A_883 = arith.muli %parallel_loop3A_881, %parallel_loop3A_882 : i32
      %parallel_loop3A_884 = tpu.assume_multiple %parallel_loop3A_883, 16 : i32
      %parallel_loop3A_885 = arith.index_cast %parallel_loop3A_879 : i32 to index
      %parallel_loop3A_886 = tpu.vector_load %arg7[%parallel_loop3A_885] {strides = array<i32>} : memref<2048xi32, #tpu.memory_space<vmem>>, vector<16xi32>,
      %parallel_loop3A_887 = arith.addi %parallel_loop3A_886, %broadcast_in_dim3A_679 : vector<16xi32>
      %parallel_loop3A_888 = tpu.vector_load_idx %arg6[%parallel_loop3A_887] : memref<24576xf32, #tpu.memory_space<vmem>>[vector<16xi32>], vector<16xf32>,
      %parallel_loop3A_889 = arith.addi %parallel_loop3A_886, %broadcast_in_dim3A_681 : vector<16xi32>
      %parallel_loop3A_890 = tpu.vector_load_idx %arg6[%parallel_loop3A_889] : memref<24576xf32, #tpu.memory_space<vmem>>[vector<16xi32>], vector<16xf32>,
      %parallel_loop3A_891 = arith.addi %parallel_loop3A_886, %broadcast_in_dim3A_683 : vector<16xi32>
      %parallel_loop3A_892 = tpu.vector_load_idx %arg6[%parallel_loop3A_891] : memref<24576xf32, #tpu.memory_space<vmem>>[vector<16xi32>], vector<16xf32>,
      %parallel_loop3A_893 = arith.addi %parallel_loop3A_886, %broadcast_in_dim3A_685 : vector<16xi32>
      %parallel_loop3A_894 = tpu.vector_load_idx %arg6[%parallel_loop3A_893] : memref<24576xf32, #tpu.memory_space<vmem>>[vector<16xi32>], vector<16xf32>,
      %parallel_loop3A_895 = arith.addi %parallel_loop3A_886, %broadcast_in_dim3A_687 : vector<16xi32>
      %parallel_loop3A_896 = tpu.vector_load_idx %arg6[%parallel_loop3A_895] : memref<24576xf32, #tpu.memory_space<vmem>>[vector<16xi32>], vector<16xf32>,
      %parallel_loop3A_897 = arith.addi %parallel_loop3A_886, %broadcast_in_dim3A_689 : vector<16xi32>
      %parallel_loop3A_898 = tpu.vector_load_idx %arg6[%parallel_loop3A_897] : memref<24576xf32, #tpu.memory_space<vmem>>[vector<16xi32>], vector<16xf32>,
      %parallel_loop3A_899 = arith.addi %parallel_loop3A_886, %broadcast_in_dim3A_691 : vector<16xi32>
      %parallel_loop3A_900 = tpu.vector_load_idx %arg6[%parallel_loop3A_899] : memref<24576xf32, #tpu.memory_space<vmem>>[vector<16xi32>], vector<16xf32>,
      %parallel_loop3A_901 = arith.addi %parallel_loop3A_886, %broadcast_in_dim3A_693 : vector<16xi32>
      %parallel_loop3A_902 = tpu.vector_load_idx %arg6[%parallel_loop3A_901] : memref<24576xf32, #tpu.memory_space<vmem>>[vector<16xi32>], vector<16xf32>,
      %parallel_loop3A_903 = arith.addi %parallel_loop3A_886, %broadcast_in_dim3A_695 : vector<16xi32>
      %parallel_loop3A_904 = tpu.vector_load_idx %arg6[%parallel_loop3A_903] : memref<24576xf32, #tpu.memory_space<vmem>>[vector<16xi32>], vector<16xf32>,
      %parallel_loop3A_905 = arith.addi %parallel_loop3A_886, %broadcast_in_dim3A_697 : vector<16xi32>
      %parallel_loop3A_906 = tpu.vector_load_idx %arg6[%parallel_loop3A_905] : memref<24576xf32, #tpu.memory_space<vmem>>[vector<16xi32>], vector<16xf32>,
      %parallel_loop3A_907 = arith.addi %parallel_loop3A_886, %broadcast_in_dim3A_699 : vector<16xi32>
      %parallel_loop3A_908 = tpu.vector_load_idx %arg6[%parallel_loop3A_907] : memref<24576xf32, #tpu.memory_space<vmem>>[vector<16xi32>], vector<16xf32>,
      %parallel_loop3A_909 = arith.addi %parallel_loop3A_886, %broadcast_in_dim3A_701 : vector<16xi32>
      %parallel_loop3A_910 = tpu.vector_load_idx %arg6[%parallel_loop3A_909] : memref<24576xf32, #tpu.memory_space<vmem>>[vector<16xi32>], vector<16xf32>,
      %parallel_loop3A_911 = arith.addi %parallel_loop3A_886, %broadcast_in_dim3A_703 : vector<16xi32>
      %parallel_loop3A_912 = tpu.vector_load_idx %arg6[%parallel_loop3A_911] : memref<24576xf32, #tpu.memory_space<vmem>>[vector<16xi32>], vector<16xf32>,
      %parallel_loop3A_913 = arith.addi %parallel_loop3A_886, %broadcast_in_dim3A_705 : vector<16xi32>
      %parallel_loop3A_914 = tpu.vector_load_idx %arg6[%parallel_loop3A_913] : memref<24576xf32, #tpu.memory_space<vmem>>[vector<16xi32>], vector<16xf32>,
      %parallel_loop3A_915 = arith.addi %parallel_loop3A_886, %broadcast_in_dim3A_707 : vector<16xi32>
      %parallel_loop3A_916 = tpu.vector_load_idx %arg6[%parallel_loop3A_915] : memref<24576xf32, #tpu.memory_space<vmem>>[vector<16xi32>], vector<16xf32>,
      %parallel_loop3A_917 = arith.addi %parallel_loop3A_886, %broadcast_in_dim3A_709 : vector<16xi32>
      %parallel_loop3A_918 = tpu.vector_load_idx %arg6[%parallel_loop3A_917] : memref<24576xf32, #tpu.memory_space<vmem>>[vector<16xi32>], vector<16xf32>,
      %parallel_loop3A_919 = arith.constant 0 : i32
      %parallel_loop3A_920 = arith.index_cast %parallel_loop3A_919 : i32 to index
      %parallel_loop3A_921 = arith.index_cast %parallel_loop3A_884 : i32 to index
      %parallel_loop3A_922 = tpu.vector_load %arg8[%parallel_loop3A_920, %parallel_loop3A_921] {strides = array<i32>} : memref<16x2048xf32, #tpu.memory_space<vmem>>, vector<16xf32>,
      tpu.vector_store %arg8[%parallel_loop3A_920, %parallel_loop3A_921], %parallel_loop3A_888 {strides = array<i32>} : memref<16x2048xf32, #tpu.memory_space<vmem>>, vector<16xf32>,
      %parallel_loop3A_923 = arith.constant 1 : i32
      %parallel_loop3A_924 = arith.index_cast %parallel_loop3A_923 : i32 to index
      %parallel_loop3A_925 = arith.index_cast %parallel_loop3A_884 : i32 to index
      %parallel_loop3A_926 = tpu.vector_load %arg8[%parallel_loop3A_924, %parallel_loop3A_925] {strides = array<i32>} : memref<16x2048xf32, #tpu.memory_space<vmem>>, vector<16xf32>,
      tpu.vector_store %arg8[%parallel_loop3A_924, %parallel_loop3A_925], %parallel_loop3A_890 {strides = array<i32>} : memref<16x2048xf32, #tpu.memory_space<vmem>>, vector<16xf32>,
      %parallel_loop3A_927 = arith.constant 2 : i32
      %parallel_loop3A_928 = arith.index_cast %parallel_loop3A_927 : i32 to index
      %parallel_loop3A_929 = arith.index_cast %parallel_loop3A_884 : i32 to index
      %parallel_loop3A_930 = tpu.vector_load %arg8[%parallel_loop3A_928, %parallel_loop3A_929] {strides = array<i32>} : memref<16x2048xf32, #tpu.memory_space<vmem>>, vector<16xf32>,
      tpu.vector_store %arg8[%parallel_loop3A_928, %parallel_loop3A_929], %parallel_loop3A_892 {strides = array<i32>} : memref<16x2048xf32, #tpu.memory_space<vmem>>, vector<16xf32>,
      %parallel_loop3A_931 = arith.constant 3 : i32
      %parallel_loop3A_932 = arith.index_cast %parallel_loop3A_931 : i32 to index
      %parallel_loop3A_933 = arith.index_cast %parallel_loop3A_884 : i32 to index
      %parallel_loop3A_934 = tpu.vector_load %arg8[%parallel_loop3A_932, %parallel_loop3A_933] {strides = array<i32>} : memref<16x2048xf32, #tpu.memory_space<vmem>>, vector<16xf32>,
      tpu.vector_store %arg8[%parallel_loop3A_932, %parallel_loop3A_933], %parallel_loop3A_894 {strides = array<i32>} : memref<16x2048xf32, #tpu.memory_space<vmem>>, vector<16xf32>,
      %parallel_loop3A_935 = arith.constant 4 : i32
      %parallel_loop3A_936 = arith.index_cast %parallel_loop3A_935 : i32 to index
      %parallel_loop3A_937 = arith.index_cast %parallel_loop3A_884 : i32 to index
      %parallel_loop3A_938 = tpu.vector_load %arg8[%parallel_loop3A_936, %parallel_loop3A_937] {strides = array<i32>} : memref<16x2048xf32, #tpu.memory_space<vmem>>, vector<16xf32>,
      tpu.vector_store %arg8[%parallel_loop3A_936, %parallel_loop3A_937], %parallel_loop3A_896 {strides = array<i32>} : memref<16x2048xf32, #tpu.memory_space<vmem>>, vector<16xf32>,
      %parallel_loop3A_939 = arith.constant 5 : i32
      %parallel_loop3A_940 = arith.index_cast %parallel_loop3A_939 : i32 to index
      %parallel_loop3A_941 = arith.index_cast %parallel_loop3A_884 : i32 to index
      %parallel_loop3A_942 = tpu.vector_load %arg8[%parallel_loop3A_940, %parallel_loop3A_941] {strides = array<i32>} : memref<16x2048xf32, #tpu.memory_space<vmem>>, vector<16xf32>,
      tpu.vector_store %arg8[%parallel_loop3A_940, %parallel_loop3A_941], %parallel_loop3A_898 {strides = array<i32>} : memref<16x2048xf32, #tpu.memory_space<vmem>>, vector<16xf32>,
      %parallel_loop3A_943 = arith.constant 6 : i32
      %parallel_loop3A_944 = arith.index_cast %parallel_loop3A_943 : i32 to index
      %parallel_loop3A_945 = arith.index_cast %parallel_loop3A_884 : i32 to index
      %parallel_loop3A_946 = tpu.vector_load %arg8[%parallel_loop3A_944, %parallel_loop3A_945] {strides = array<i32>} : memref<16x2048xf32, #tpu.memory_space<vmem>>, vector<16xf32>,
      tpu.vector_store %arg8[%parallel_loop3A_944, %parallel_loop3A_945], %parallel_loop3A_900 {strides = array<i32>} : memref<16x2048xf32, #tpu.memory_space<vmem>>, vector<16xf32>,
      %parallel_loop3A_947 = arith.constant 7 : i32
      %parallel_loop3A_948 = arith.index_cast %parallel_loop3A_947 : i32 to index
      %parallel_loop3A_949 = arith.index_cast %parallel_loop3A_884 : i32 to index
      %parallel_loop3A_950 = tpu.vector_load %arg8[%parallel_loop3A_948, %parallel_loop3A_949] {strides = array<i32>} : memref<16x2048xf32, #tpu.memory_space<vmem>>, vector<16xf32>,
      tpu.vector_store %arg8[%parallel_loop3A_948, %parallel_loop3A_949], %parallel_loop3A_902 {strides = array<i32>} : memref<16x2048xf32, #tpu.memory_space<vmem>>, vector<16xf32>,
      %parallel_loop3A_951 = arith.constant 8 : i32
      %parallel_loop3A_952 = arith.index_cast %parallel_loop3A_951 : i32 to index
      %parallel_loop3A_953 = arith.index_cast %parallel_loop3A_884 : i32 to index
      %parallel_loop3A_954 = tpu.vector_load %arg8[%parallel_loop3A_952, %parallel_loop3A_953] {strides = array<i32>} : memref<16x2048xf32, #tpu.memory_space<vmem>>, vector<16xf32>,
      tpu.vector_store %arg8[%parallel_loop3A_952, %parallel_loop3A_953], %parallel_loop3A_904 {strides = array<i32>} : memref<16x2048xf32, #tpu.memory_space<vmem>>, vector<16xf32>,
      %parallel_loop3A_955 = arith.constant 9 : i32
      %parallel_loop3A_956 = arith.index_cast %parallel_loop3A_955 : i32 to index
      %parallel_loop3A_957 = arith.index_cast %parallel_loop3A_884 : i32 to index
      %parallel_loop3A_958 = tpu.vector_load %arg8[%parallel_loop3A_956, %parallel_loop3A_957] {strides = array<i32>} : memref<16x2048xf32, #tpu.memory_space<vmem>>, vector<16xf32>,
      tpu.vector_store %arg8[%parallel_loop3A_956, %parallel_loop3A_957], %parallel_loop3A_906 {strides = array<i32>} : memref<16x2048xf32, #tpu.memory_space<vmem>>, vector<16xf32>,
      %parallel_loop3A_959 = arith.constant 10 : i32
      %parallel_loop3A_960 = arith.index_cast %parallel_loop3A_959 : i32 to index
      %parallel_loop3A_961 = arith.index_cast %parallel_loop3A_884 : i32 to index
      %parallel_loop3A_962 = tpu.vector_load %arg8[%parallel_loop3A_960, %parallel_loop3A_961] {strides = array<i32>} : memref<16x2048xf32, #tpu.memory_space<vmem>>, vector<16xf32>,
      tpu.vector_store %arg8[%parallel_loop3A_960, %parallel_loop3A_961], %parallel_loop3A_908 {strides = array<i32>} : memref<16x2048xf32, #tpu.memory_space<vmem>>, vector<16xf32>,
      %parallel_loop3A_963 = arith.constant 11 : i32
      %parallel_loop3A_964 = arith.index_cast %parallel_loop3A_963 : i32 to index
      %parallel_loop3A_965 = arith.index_cast %parallel_loop3A_884 : i32 to index
      %parallel_loop3A_966 = tpu.vector_load %arg8[%parallel_loop3A_964, %parallel_loop3A_965] {strides = array<i32>} : memref<16x2048xf32, #tpu.memory_space<vmem>>, vector<16xf32>,
      tpu.vector_store %arg8[%parallel_loop3A_964, %parallel_loop3A_965], %parallel_loop3A_910 {strides = array<i32>} : memref<16x2048xf32, #tpu.memory_space<vmem>>, vector<16xf32>,
      %parallel_loop3A_967 = arith.constant 12 : i32
      %parallel_loop3A_968 = arith.index_cast %parallel_loop3A_967 : i32 to index
      %parallel_loop3A_969 = arith.index_cast %parallel_loop3A_884 : i32 to index
      %parallel_loop3A_970 = tpu.vector_load %arg8[%parallel_loop3A_968, %parallel_loop3A_969] {strides = array<i32>} : memref<16x2048xf32, #tpu.memory_space<vmem>>, vector<16xf32>,
      tpu.vector_store %arg8[%parallel_loop3A_968, %parallel_loop3A_969], %parallel_loop3A_912 {strides = array<i32>} : memref<16x2048xf32, #tpu.memory_space<vmem>>, vector<16xf32>,
      %parallel_loop3A_971 = arith.constant 13 : i32
      %parallel_loop3A_972 = arith.index_cast %parallel_loop3A_971 : i32 to index
      %parallel_loop3A_973 = arith.index_cast %parallel_loop3A_884 : i32 to index
      %parallel_loop3A_974 = tpu.vector_load %arg8[%parallel_loop3A_972, %parallel_loop3A_973] {strides = array<i32>} : memref<16x2048xf32, #tpu.memory_space<vmem>>, vector<16xf32>,
      tpu.vector_store %arg8[%parallel_loop3A_972, %parallel_loop3A_973], %parallel_loop3A_914 {strides = array<i32>} : memref<16x2048xf32, #tpu.memory_space<vmem>>, vector<16xf32>,
      %parallel_loop3A_975 = arith.constant 14 : i32
      %parallel_loop3A_976 = arith.index_cast %parallel_loop3A_975 : i32 to index
      %parallel_loop3A_977 = arith.index_cast %parallel_loop3A_884 : i32 to index
      %parallel_loop3A_978 = tpu.vector_load %arg8[%parallel_loop3A_976, %parallel_loop3A_977] {strides = array<i32>} : memref<16x2048xf32, #tpu.memory_space<vmem>>, vector<16xf32>,
      tpu.vector_store %arg8[%parallel_loop3A_976, %parallel_loop3A_977], %parallel_loop3A_916 {strides = array<i32>} : memref<16x2048xf32, #tpu.memory_space<vmem>>, vector<16xf32>,
      %parallel_loop3A_979 = arith.constant 15 : i32
      %parallel_loop3A_980 = arith.index_cast %parallel_loop3A_979 : i32 to index
      %parallel_loop3A_981 = arith.index_cast %parallel_loop3A_884 : i32 to index
      %parallel_loop3A_982 = tpu.vector_load %arg8[%parallel_loop3A_980, %parallel_loop3A_981] {strides = array<i32>} : memref<16x2048xf32, #tpu.memory_space<vmem>>, vector<16xf32>,
      tpu.vector_store %arg8[%parallel_loop3A_980, %parallel_loop3A_981], %parallel_loop3A_918 {strides = array<i32>} : memref<16x2048xf32, #tpu.memory_space<vmem>>, vector<16xf32>,
    } {sc.loop_unroll_factor = 2 : i64, sc.parallel_access}
    %add3A_712 = arith.constant 64 : i32
    %add3A_713 = arith.addi %mul3A_32, %add3A_712 : i32
    %dma_start3A_714 = arith.constant 0 : i32
    %dma_start3A_715 = tpu.memref_slice %arg4[%select_n3A, %add3A_713, %dma_start3A_714] : memref<4x1024x2048xf32, #tpu.memory_space<hbm>> -> memref<1x16x2048xf32, #tpu.memory_space<hbm>>
    %dma_start3A_716 = tpu.memref_squeeze %dma_start3A_715 : memref<1x16x2048xf32, #tpu.memory_space<hbm>> -> memref<16x2048xf32, #tpu.memory_space<hbm>>
    %dma_start3A_717 = arith.constant 0 : i32
    %dma_start3A_718 = tpu.memref_slice %arg4[%select_n3A, %add3A_713, %dma_start3A_717] : memref<4x1024x2048xf32, #tpu.memory_space<hbm>> -> memref<1x16x2048xf32, #tpu.memory_space<hbm>>
    %dma_start3A_719 = tpu.memref_squeeze %dma_start3A_718 : memref<1x16x2048xf32, #tpu.memory_space<hbm>> -> memref<16x2048xf32, #tpu.memory_space<hbm>>
    tpu.enqueue_dma source(%arg8 : memref<16x2048xf32, #tpu.memory_space<vmem>>) target(%dma_start3A_719 : memref<16x2048xf32, #tpu.memory_space<hbm>>) target_semaphore(%arg11 : memref<!tpu.dma_semaphore, #tpu.memory_space<semaphore_mem>>)
    %dma_wait3A_720 = arith.constant 0 : i32
    %dma_wait3A_721 = tpu.memref_slice %arg4[%select_n3A, %add3A_665, %dma_wait3A_720] : memref<4x1024x2048xf32, #tpu.memory_space<hbm>> -> memref<1x16x2048xf32, #tpu.memory_space<hbm>>
    %dma_wait3A_722 = tpu.memref_squeeze %dma_wait3A_721 : memref<1x16x2048xf32, #tpu.memory_space<hbm>> -> memref<16x2048xf32, #tpu.memory_space<hbm>>
    %dma_wait3A_723 = arith.constant 0 : i32
    %dma_wait3A_724 = tpu.memref_slice %arg4[%select_n3A, %add3A_665, %dma_wait3A_723] : memref<4x1024x2048xf32, #tpu.memory_space<hbm>> -> memref<1x16x2048xf32, #tpu.memory_space<hbm>>
    %dma_wait3A_725 = tpu.memref_squeeze %dma_wait3A_724 : memref<1x16x2048xf32, #tpu.memory_space<hbm>> -> memref<16x2048xf32, #tpu.memory_space<hbm>>
    tpu.wait_dma2 semaphore(%arg12 : memref<!tpu.dma_semaphore, #tpu.memory_space<semaphore_mem>>) src(%arg9 : memref<16x2048xf32, #tpu.memory_space<vmem>>) dst(%dma_wait3A_725 : memref<16x2048xf32, #tpu.memory_space<hbm>>)
    %broadcast_in_dim3A_726 = arith.constant 80 : i32
    %broadcast_in_dim3A_727 = vector.broadcast %broadcast_in_dim3A_726 : i32 to vector<16xi32>
    %broadcast_in_dim3A_728 = arith.constant 81 : i32
    %broadcast_in_dim3A_729 = vector.broadcast %broadcast_in_dim3A_728 : i32 to vector<16xi32>
    %broadcast_in_dim3A_730 = arith.constant 82 : i32
    %broadcast_in_dim3A_731 = vector.broadcast %broadcast_in_dim3A_730 : i32 to vector<16xi32>
    %broadcast_in_dim3A_732 = arith.constant 83 : i32
    %broadcast_in_dim3A_733 = vector.broadcast %broadcast_in_dim3A_732 : i32 to vector<16xi32>
    %broadcast_in_dim3A_734 = arith.constant 84 : i32
    %broadcast_in_dim3A_735 = vector.broadcast %broadcast_in_dim3A_734 : i32 to vector<16xi32>
    %broadcast_in_dim3A_736 = arith.constant 85 : i32
    %broadcast_in_dim3A_737 = vector.broadcast %broadcast_in_dim3A_736 : i32 to vector<16xi32>
    %broadcast_in_dim3A_738 = arith.constant 86 : i32
    %broadcast_in_dim3A_739 = vector.broadcast %broadcast_in_dim3A_738 : i32 to vector<16xi32>
    %broadcast_in_dim3A_740 = arith.constant 87 : i32
    %broadcast_in_dim3A_741 = vector.broadcast %broadcast_in_dim3A_740 : i32 to vector<16xi32>
    %broadcast_in_dim3A_742 = arith.constant 88 : i32
    %broadcast_in_dim3A_743 = vector.broadcast %broadcast_in_dim3A_742 : i32 to vector<16xi32>
    %broadcast_in_dim3A_744 = arith.constant 89 : i32
    %broadcast_in_dim3A_745 = vector.broadcast %broadcast_in_dim3A_744 : i32 to vector<16xi32>
    %broadcast_in_dim3A_746 = arith.constant 90 : i32
    %broadcast_in_dim3A_747 = vector.broadcast %broadcast_in_dim3A_746 : i32 to vector<16xi32>
    %broadcast_in_dim3A_748 = arith.constant 91 : i32
    %broadcast_in_dim3A_749 = vector.broadcast %broadcast_in_dim3A_748 : i32 to vector<16xi32>
    %broadcast_in_dim3A_750 = arith.constant 92 : i32
    %broadcast_in_dim3A_751 = vector.broadcast %broadcast_in_dim3A_750 : i32 to vector<16xi32>
    %broadcast_in_dim3A_752 = arith.constant 93 : i32
    %broadcast_in_dim3A_753 = vector.broadcast %broadcast_in_dim3A_752 : i32 to vector<16xi32>
    %broadcast_in_dim3A_754 = arith.constant 94 : i32
    %broadcast_in_dim3A_755 = vector.broadcast %broadcast_in_dim3A_754 : i32 to vector<16xi32>
    %broadcast_in_dim3A_756 = arith.constant 95 : i32
    %broadcast_in_dim3A_757 = vector.broadcast %broadcast_in_dim3A_756 : i32 to vector<16xi32>
    %parallel_loop3A_758 = arith.constant 0 : i32
    %parallel_loop3A_759 = arith.constant 1 : i32
    scf.for %parallel_loop3A_876 = %parallel_loop3A_758 to %scan3A_265 step %parallel_loop3A_759  : i32 {
      %parallel_loop3A_877 = arith.constant 16 : i32
      %parallel_loop3A_878 = arith.muli %parallel_loop3A_876, %parallel_loop3A_877 : i32
      %parallel_loop3A_879 = tpu.assume_multiple %parallel_loop3A_878, 16 : i32
      %parallel_loop3A_880 = arith.index_cast %parallel_loop3A_876 : i32 to index
      %parallel_loop3A_881 = memref.load %arg10[%parallel_loop3A_880] : memref<128xi32, #tpu.memory_space<smem>>
      %parallel_loop3A_882 = arith.constant 16 : i32
      %parallel_loop3A_883 = arith.muli %parallel_loop3A_881, %parallel_loop3A_882 : i32
      %parallel_loop3A_884 = tpu.assume_multiple %parallel_loop3A_883, 16 : i32
      %parallel_loop3A_885 = arith.index_cast %parallel_loop3A_879 : i32 to index
      %parallel_loop3A_886 = tpu.vector_load %arg7[%parallel_loop3A_885] {strides = array<i32>} : memref<2048xi32, #tpu.memory_space<vmem>>, vector<16xi32>,
      %parallel_loop3A_887 = arith.addi %parallel_loop3A_886, %broadcast_in_dim3A_727 : vector<16xi32>
      %parallel_loop3A_888 = tpu.vector_load_idx %arg6[%parallel_loop3A_887] : memref<24576xf32, #tpu.memory_space<vmem>>[vector<16xi32>], vector<16xf32>,
      %parallel_loop3A_889 = arith.addi %parallel_loop3A_886, %broadcast_in_dim3A_729 : vector<16xi32>
      %parallel_loop3A_890 = tpu.vector_load_idx %arg6[%parallel_loop3A_889] : memref<24576xf32, #tpu.memory_space<vmem>>[vector<16xi32>], vector<16xf32>,
      %parallel_loop3A_891 = arith.addi %parallel_loop3A_886, %broadcast_in_dim3A_731 : vector<16xi32>
      %parallel_loop3A_892 = tpu.vector_load_idx %arg6[%parallel_loop3A_891] : memref<24576xf32, #tpu.memory_space<vmem>>[vector<16xi32>], vector<16xf32>,
      %parallel_loop3A_893 = arith.addi %parallel_loop3A_886, %broadcast_in_dim3A_733 : vector<16xi32>
      %parallel_loop3A_894 = tpu.vector_load_idx %arg6[%parallel_loop3A_893] : memref<24576xf32, #tpu.memory_space<vmem>>[vector<16xi32>], vector<16xf32>,
      %parallel_loop3A_895 = arith.addi %parallel_loop3A_886, %broadcast_in_dim3A_735 : vector<16xi32>
      %parallel_loop3A_896 = tpu.vector_load_idx %arg6[%parallel_loop3A_895] : memref<24576xf32, #tpu.memory_space<vmem>>[vector<16xi32>], vector<16xf32>,
      %parallel_loop3A_897 = arith.addi %parallel_loop3A_886, %broadcast_in_dim3A_737 : vector<16xi32>
      %parallel_loop3A_898 = tpu.vector_load_idx %arg6[%parallel_loop3A_897] : memref<24576xf32, #tpu.memory_space<vmem>>[vector<16xi32>], vector<16xf32>,
      %parallel_loop3A_899 = arith.addi %parallel_loop3A_886, %broadcast_in_dim3A_739 : vector<16xi32>
      %parallel_loop3A_900 = tpu.vector_load_idx %arg6[%parallel_loop3A_899] : memref<24576xf32, #tpu.memory_space<vmem>>[vector<16xi32>], vector<16xf32>,
      %parallel_loop3A_901 = arith.addi %parallel_loop3A_886, %broadcast_in_dim3A_741 : vector<16xi32>
      %parallel_loop3A_902 = tpu.vector_load_idx %arg6[%parallel_loop3A_901] : memref<24576xf32, #tpu.memory_space<vmem>>[vector<16xi32>], vector<16xf32>,
      %parallel_loop3A_903 = arith.addi %parallel_loop3A_886, %broadcast_in_dim3A_743 : vector<16xi32>
      %parallel_loop3A_904 = tpu.vector_load_idx %arg6[%parallel_loop3A_903] : memref<24576xf32, #tpu.memory_space<vmem>>[vector<16xi32>], vector<16xf32>,
      %parallel_loop3A_905 = arith.addi %parallel_loop3A_886, %broadcast_in_dim3A_745 : vector<16xi32>
      %parallel_loop3A_906 = tpu.vector_load_idx %arg6[%parallel_loop3A_905] : memref<24576xf32, #tpu.memory_space<vmem>>[vector<16xi32>], vector<16xf32>,
      %parallel_loop3A_907 = arith.addi %parallel_loop3A_886, %broadcast_in_dim3A_747 : vector<16xi32>
      %parallel_loop3A_908 = tpu.vector_load_idx %arg6[%parallel_loop3A_907] : memref<24576xf32, #tpu.memory_space<vmem>>[vector<16xi32>], vector<16xf32>,
      %parallel_loop3A_909 = arith.addi %parallel_loop3A_886, %broadcast_in_dim3A_749 : vector<16xi32>
      %parallel_loop3A_910 = tpu.vector_load_idx %arg6[%parallel_loop3A_909] : memref<24576xf32, #tpu.memory_space<vmem>>[vector<16xi32>], vector<16xf32>,
      %parallel_loop3A_911 = arith.addi %parallel_loop3A_886, %broadcast_in_dim3A_751 : vector<16xi32>
      %parallel_loop3A_912 = tpu.vector_load_idx %arg6[%parallel_loop3A_911] : memref<24576xf32, #tpu.memory_space<vmem>>[vector<16xi32>], vector<16xf32>,
      %parallel_loop3A_913 = arith.addi %parallel_loop3A_886, %broadcast_in_dim3A_753 : vector<16xi32>
      %parallel_loop3A_914 = tpu.vector_load_idx %arg6[%parallel_loop3A_913] : memref<24576xf32, #tpu.memory_space<vmem>>[vector<16xi32>], vector<16xf32>,
      %parallel_loop3A_915 = arith.addi %parallel_loop3A_886, %broadcast_in_dim3A_755 : vector<16xi32>
      %parallel_loop3A_916 = tpu.vector_load_idx %arg6[%parallel_loop3A_915] : memref<24576xf32, #tpu.memory_space<vmem>>[vector<16xi32>], vector<16xf32>,
      %parallel_loop3A_917 = arith.addi %parallel_loop3A_886, %broadcast_in_dim3A_757 : vector<16xi32>
      %parallel_loop3A_918 = tpu.vector_load_idx %arg6[%parallel_loop3A_917] : memref<24576xf32, #tpu.memory_space<vmem>>[vector<16xi32>], vector<16xf32>,
      %parallel_loop3A_919 = arith.constant 0 : i32
      %parallel_loop3A_920 = arith.index_cast %parallel_loop3A_919 : i32 to index
      %parallel_loop3A_921 = arith.index_cast %parallel_loop3A_884 : i32 to index
      %parallel_loop3A_922 = tpu.vector_load %arg9[%parallel_loop3A_920, %parallel_loop3A_921] {strides = array<i32>} : memref<16x2048xf32, #tpu.memory_space<vmem>>, vector<16xf32>,
      tpu.vector_store %arg9[%parallel_loop3A_920, %parallel_loop3A_921], %parallel_loop3A_888 {strides = array<i32>} : memref<16x2048xf32, #tpu.memory_space<vmem>>, vector<16xf32>,
      %parallel_loop3A_923 = arith.constant 1 : i32
      %parallel_loop3A_924 = arith.index_cast %parallel_loop3A_923 : i32 to index
      %parallel_loop3A_925 = arith.index_cast %parallel_loop3A_884 : i32 to index
      %parallel_loop3A_926 = tpu.vector_load %arg9[%parallel_loop3A_924, %parallel_loop3A_925] {strides = array<i32>} : memref<16x2048xf32, #tpu.memory_space<vmem>>, vector<16xf32>,
      tpu.vector_store %arg9[%parallel_loop3A_924, %parallel_loop3A_925], %parallel_loop3A_890 {strides = array<i32>} : memref<16x2048xf32, #tpu.memory_space<vmem>>, vector<16xf32>,
      %parallel_loop3A_927 = arith.constant 2 : i32
      %parallel_loop3A_928 = arith.index_cast %parallel_loop3A_927 : i32 to index
      %parallel_loop3A_929 = arith.index_cast %parallel_loop3A_884 : i32 to index
      %parallel_loop3A_930 = tpu.vector_load %arg9[%parallel_loop3A_928, %parallel_loop3A_929] {strides = array<i32>} : memref<16x2048xf32, #tpu.memory_space<vmem>>, vector<16xf32>,
      tpu.vector_store %arg9[%parallel_loop3A_928, %parallel_loop3A_929], %parallel_loop3A_892 {strides = array<i32>} : memref<16x2048xf32, #tpu.memory_space<vmem>>, vector<16xf32>,
      %parallel_loop3A_931 = arith.constant 3 : i32
      %parallel_loop3A_932 = arith.index_cast %parallel_loop3A_931 : i32 to index
      %parallel_loop3A_933 = arith.index_cast %parallel_loop3A_884 : i32 to index
      %parallel_loop3A_934 = tpu.vector_load %arg9[%parallel_loop3A_932, %parallel_loop3A_933] {strides = array<i32>} : memref<16x2048xf32, #tpu.memory_space<vmem>>, vector<16xf32>,
      tpu.vector_store %arg9[%parallel_loop3A_932, %parallel_loop3A_933], %parallel_loop3A_894 {strides = array<i32>} : memref<16x2048xf32, #tpu.memory_space<vmem>>, vector<16xf32>,
      %parallel_loop3A_935 = arith.constant 4 : i32
      %parallel_loop3A_936 = arith.index_cast %parallel_loop3A_935 : i32 to index
      %parallel_loop3A_937 = arith.index_cast %parallel_loop3A_884 : i32 to index
      %parallel_loop3A_938 = tpu.vector_load %arg9[%parallel_loop3A_936, %parallel_loop3A_937] {strides = array<i32>} : memref<16x2048xf32, #tpu.memory_space<vmem>>, vector<16xf32>,
      tpu.vector_store %arg9[%parallel_loop3A_936, %parallel_loop3A_937], %parallel_loop3A_896 {strides = array<i32>} : memref<16x2048xf32, #tpu.memory_space<vmem>>, vector<16xf32>,
      %parallel_loop3A_939 = arith.constant 5 : i32
      %parallel_loop3A_940 = arith.index_cast %parallel_loop3A_939 : i32 to index
      %parallel_loop3A_941 = arith.index_cast %parallel_loop3A_884 : i32 to index
      %parallel_loop3A_942 = tpu.vector_load %arg9[%parallel_loop3A_940, %parallel_loop3A_941] {strides = array<i32>} : memref<16x2048xf32, #tpu.memory_space<vmem>>, vector<16xf32>,
      tpu.vector_store %arg9[%parallel_loop3A_940, %parallel_loop3A_941], %parallel_loop3A_898 {strides = array<i32>} : memref<16x2048xf32, #tpu.memory_space<vmem>>, vector<16xf32>,
      %parallel_loop3A_943 = arith.constant 6 : i32
      %parallel_loop3A_944 = arith.index_cast %parallel_loop3A_943 : i32 to index
      %parallel_loop3A_945 = arith.index_cast %parallel_loop3A_884 : i32 to index
      %parallel_loop3A_946 = tpu.vector_load %arg9[%parallel_loop3A_944, %parallel_loop3A_945] {strides = array<i32>} : memref<16x2048xf32, #tpu.memory_space<vmem>>, vector<16xf32>,
      tpu.vector_store %arg9[%parallel_loop3A_944, %parallel_loop3A_945], %parallel_loop3A_900 {strides = array<i32>} : memref<16x2048xf32, #tpu.memory_space<vmem>>, vector<16xf32>,
      %parallel_loop3A_947 = arith.constant 7 : i32
      %parallel_loop3A_948 = arith.index_cast %parallel_loop3A_947 : i32 to index
      %parallel_loop3A_949 = arith.index_cast %parallel_loop3A_884 : i32 to index
      %parallel_loop3A_950 = tpu.vector_load %arg9[%parallel_loop3A_948, %parallel_loop3A_949] {strides = array<i32>} : memref<16x2048xf32, #tpu.memory_space<vmem>>, vector<16xf32>,
      tpu.vector_store %arg9[%parallel_loop3A_948, %parallel_loop3A_949], %parallel_loop3A_902 {strides = array<i32>} : memref<16x2048xf32, #tpu.memory_space<vmem>>, vector<16xf32>,
      %parallel_loop3A_951 = arith.constant 8 : i32
      %parallel_loop3A_952 = arith.index_cast %parallel_loop3A_951 : i32 to index
      %parallel_loop3A_953 = arith.index_cast %parallel_loop3A_884 : i32 to index
      %parallel_loop3A_954 = tpu.vector_load %arg9[%parallel_loop3A_952, %parallel_loop3A_953] {strides = array<i32>} : memref<16x2048xf32, #tpu.memory_space<vmem>>, vector<16xf32>,
      tpu.vector_store %arg9[%parallel_loop3A_952, %parallel_loop3A_953], %parallel_loop3A_904 {strides = array<i32>} : memref<16x2048xf32, #tpu.memory_space<vmem>>, vector<16xf32>,
      %parallel_loop3A_955 = arith.constant 9 : i32
      %parallel_loop3A_956 = arith.index_cast %parallel_loop3A_955 : i32 to index
      %parallel_loop3A_957 = arith.index_cast %parallel_loop3A_884 : i32 to index
      %parallel_loop3A_958 = tpu.vector_load %arg9[%parallel_loop3A_956, %parallel_loop3A_957] {strides = array<i32>} : memref<16x2048xf32, #tpu.memory_space<vmem>>, vector<16xf32>,
      tpu.vector_store %arg9[%parallel_loop3A_956, %parallel_loop3A_957], %parallel_loop3A_906 {strides = array<i32>} : memref<16x2048xf32, #tpu.memory_space<vmem>>, vector<16xf32>,
      %parallel_loop3A_959 = arith.constant 10 : i32
      %parallel_loop3A_960 = arith.index_cast %parallel_loop3A_959 : i32 to index
      %parallel_loop3A_961 = arith.index_cast %parallel_loop3A_884 : i32 to index
      %parallel_loop3A_962 = tpu.vector_load %arg9[%parallel_loop3A_960, %parallel_loop3A_961] {strides = array<i32>} : memref<16x2048xf32, #tpu.memory_space<vmem>>, vector<16xf32>,
      tpu.vector_store %arg9[%parallel_loop3A_960, %parallel_loop3A_961], %parallel_loop3A_908 {strides = array<i32>} : memref<16x2048xf32, #tpu.memory_space<vmem>>, vector<16xf32>,
      %parallel_loop3A_963 = arith.constant 11 : i32
      %parallel_loop3A_964 = arith.index_cast %parallel_loop3A_963 : i32 to index
      %parallel_loop3A_965 = arith.index_cast %parallel_loop3A_884 : i32 to index
      %parallel_loop3A_966 = tpu.vector_load %arg9[%parallel_loop3A_964, %parallel_loop3A_965] {strides = array<i32>} : memref<16x2048xf32, #tpu.memory_space<vmem>>, vector<16xf32>,
      tpu.vector_store %arg9[%parallel_loop3A_964, %parallel_loop3A_965], %parallel_loop3A_910 {strides = array<i32>} : memref<16x2048xf32, #tpu.memory_space<vmem>>, vector<16xf32>,
      %parallel_loop3A_967 = arith.constant 12 : i32
      %parallel_loop3A_968 = arith.index_cast %parallel_loop3A_967 : i32 to index
      %parallel_loop3A_969 = arith.index_cast %parallel_loop3A_884 : i32 to index
      %parallel_loop3A_970 = tpu.vector_load %arg9[%parallel_loop3A_968, %parallel_loop3A_969] {strides = array<i32>} : memref<16x2048xf32, #tpu.memory_space<vmem>>, vector<16xf32>,
      tpu.vector_store %arg9[%parallel_loop3A_968, %parallel_loop3A_969], %parallel_loop3A_912 {strides = array<i32>} : memref<16x2048xf32, #tpu.memory_space<vmem>>, vector<16xf32>,
      %parallel_loop3A_971 = arith.constant 13 : i32
      %parallel_loop3A_972 = arith.index_cast %parallel_loop3A_971 : i32 to index
      %parallel_loop3A_973 = arith.index_cast %parallel_loop3A_884 : i32 to index
      %parallel_loop3A_974 = tpu.vector_load %arg9[%parallel_loop3A_972, %parallel_loop3A_973] {strides = array<i32>} : memref<16x2048xf32, #tpu.memory_space<vmem>>, vector<16xf32>,
      tpu.vector_store %arg9[%parallel_loop3A_972, %parallel_loop3A_973], %parallel_loop3A_914 {strides = array<i32>} : memref<16x2048xf32, #tpu.memory_space<vmem>>, vector<16xf32>,
      %parallel_loop3A_975 = arith.constant 14 : i32
      %parallel_loop3A_976 = arith.index_cast %parallel_loop3A_975 : i32 to index
      %parallel_loop3A_977 = arith.index_cast %parallel_loop3A_884 : i32 to index
      %parallel_loop3A_978 = tpu.vector_load %arg9[%parallel_loop3A_976, %parallel_loop3A_977] {strides = array<i32>} : memref<16x2048xf32, #tpu.memory_space<vmem>>, vector<16xf32>,
      tpu.vector_store %arg9[%parallel_loop3A_976, %parallel_loop3A_977], %parallel_loop3A_916 {strides = array<i32>} : memref<16x2048xf32, #tpu.memory_space<vmem>>, vector<16xf32>,
      %parallel_loop3A_979 = arith.constant 15 : i32
      %parallel_loop3A_980 = arith.index_cast %parallel_loop3A_979 : i32 to index
      %parallel_loop3A_981 = arith.index_cast %parallel_loop3A_884 : i32 to index
      %parallel_loop3A_982 = tpu.vector_load %arg9[%parallel_loop3A_980, %parallel_loop3A_981] {strides = array<i32>} : memref<16x2048xf32, #tpu.memory_space<vmem>>, vector<16xf32>,
      tpu.vector_store %arg9[%parallel_loop3A_980, %parallel_loop3A_981], %parallel_loop3A_918 {strides = array<i32>} : memref<16x2048xf32, #tpu.memory_space<vmem>>, vector<16xf32>,
    } {sc.loop_unroll_factor = 2 : i64, sc.parallel_access}
    %add3A_760 = arith.constant 80 : i32
    %add3A_761 = arith.addi %mul3A_32, %add3A_760 : i32
    %dma_start3A_762 = arith.constant 0 : i32
    %dma_start3A_763 = tpu.memref_slice %arg4[%select_n3A, %add3A_761, %dma_start3A_762] : memref<4x1024x2048xf32, #tpu.memory_space<hbm>> -> memref<1x16x2048xf32, #tpu.memory_space<hbm>>
    %dma_start3A_764 = tpu.memref_squeeze %dma_start3A_763 : memref<1x16x2048xf32, #tpu.memory_space<hbm>> -> memref<16x2048xf32, #tpu.memory_space<hbm>>
    %dma_start3A_765 = arith.constant 0 : i32
    %dma_start3A_766 = tpu.memref_slice %arg4[%select_n3A, %add3A_761, %dma_start3A_765] : memref<4x1024x2048xf32, #tpu.memory_space<hbm>> -> memref<1x16x2048xf32, #tpu.memory_space<hbm>>
    %dma_start3A_767 = tpu.memref_squeeze %dma_start3A_766 : memref<1x16x2048xf32, #tpu.memory_space<hbm>> -> memref<16x2048xf32, #tpu.memory_space<hbm>>
    tpu.enqueue_dma source(%arg9 : memref<16x2048xf32, #tpu.memory_space<vmem>>) target(%dma_start3A_767 : memref<16x2048xf32, #tpu.memory_space<hbm>>) target_semaphore(%arg12 : memref<!tpu.dma_semaphore, #tpu.memory_space<semaphore_mem>>)
    %dma_wait3A_768 = arith.constant 0 : i32
    %dma_wait3A_769 = tpu.memref_slice %arg4[%select_n3A, %add3A_713, %dma_wait3A_768] : memref<4x1024x2048xf32, #tpu.memory_space<hbm>> -> memref<1x16x2048xf32, #tpu.memory_space<hbm>>
    %dma_wait3A_770 = tpu.memref_squeeze %dma_wait3A_769 : memref<1x16x2048xf32, #tpu.memory_space<hbm>> -> memref<16x2048xf32, #tpu.memory_space<hbm>>
    %dma_wait3A_771 = arith.constant 0 : i32
    %dma_wait3A_772 = tpu.memref_slice %arg4[%select_n3A, %add3A_713, %dma_wait3A_771] : memref<4x1024x2048xf32, #tpu.memory_space<hbm>> -> memref<1x16x2048xf32, #tpu.memory_space<hbm>>
    %dma_wait3A_773 = tpu.memref_squeeze %dma_wait3A_772 : memref<1x16x2048xf32, #tpu.memory_space<hbm>> -> memref<16x2048xf32, #tpu.memory_space<hbm>>
    tpu.wait_dma2 semaphore(%arg11 : memref<!tpu.dma_semaphore, #tpu.memory_space<semaphore_mem>>) src(%arg8 : memref<16x2048xf32, #tpu.memory_space<vmem>>) dst(%dma_wait3A_773 : memref<16x2048xf32, #tpu.memory_space<hbm>>)
    %broadcast_in_dim3A_774 = arith.constant 96 : i32
    %broadcast_in_dim3A_775 = vector.broadcast %broadcast_in_dim3A_774 : i32 to vector<16xi32>
    %broadcast_in_dim3A_776 = arith.constant 97 : i32
    %broadcast_in_dim3A_777 = vector.broadcast %broadcast_in_dim3A_776 : i32 to vector<16xi32>
    %broadcast_in_dim3A_778 = arith.constant 98 : i32
    %broadcast_in_dim3A_779 = vector.broadcast %broadcast_in_dim3A_778 : i32 to vector<16xi32>
    %broadcast_in_dim3A_780 = arith.constant 99 : i32
    %broadcast_in_dim3A_781 = vector.broadcast %broadcast_in_dim3A_780 : i32 to vector<16xi32>
    %broadcast_in_dim3A_782 = arith.constant 100 : i32
    %broadcast_in_dim3A_783 = vector.broadcast %broadcast_in_dim3A_782 : i32 to vector<16xi32>
    %broadcast_in_dim3A_784 = arith.constant 101 : i32
    %broadcast_in_dim3A_785 = vector.broadcast %broadcast_in_dim3A_784 : i32 to vector<16xi32>
    %broadcast_in_dim3A_786 = arith.constant 102 : i32
    %broadcast_in_dim3A_787 = vector.broadcast %broadcast_in_dim3A_786 : i32 to vector<16xi32>
    %broadcast_in_dim3A_788 = arith.constant 103 : i32
    %broadcast_in_dim3A_789 = vector.broadcast %broadcast_in_dim3A_788 : i32 to vector<16xi32>
    %broadcast_in_dim3A_790 = arith.constant 104 : i32
    %broadcast_in_dim3A_791 = vector.broadcast %broadcast_in_dim3A_790 : i32 to vector<16xi32>
    %broadcast_in_dim3A_792 = arith.constant 105 : i32
    %broadcast_in_dim3A_793 = vector.broadcast %broadcast_in_dim3A_792 : i32 to vector<16xi32>
    %broadcast_in_dim3A_794 = arith.constant 106 : i32
    %broadcast_in_dim3A_795 = vector.broadcast %broadcast_in_dim3A_794 : i32 to vector<16xi32>
    %broadcast_in_dim3A_796 = arith.constant 107 : i32
    %broadcast_in_dim3A_797 = vector.broadcast %broadcast_in_dim3A_796 : i32 to vector<16xi32>
    %broadcast_in_dim3A_798 = arith.constant 108 : i32
    %broadcast_in_dim3A_799 = vector.broadcast %broadcast_in_dim3A_798 : i32 to vector<16xi32>
    %broadcast_in_dim3A_800 = arith.constant 109 : i32
    %broadcast_in_dim3A_801 = vector.broadcast %broadcast_in_dim3A_800 : i32 to vector<16xi32>
    %broadcast_in_dim3A_802 = arith.constant 110 : i32
    %broadcast_in_dim3A_803 = vector.broadcast %broadcast_in_dim3A_802 : i32 to vector<16xi32>
    %broadcast_in_dim3A_804 = arith.constant 111 : i32
    %broadcast_in_dim3A_805 = vector.broadcast %broadcast_in_dim3A_804 : i32 to vector<16xi32>
    %parallel_loop3A_806 = arith.constant 0 : i32
    %parallel_loop3A_807 = arith.constant 1 : i32
    scf.for %parallel_loop3A_876 = %parallel_loop3A_806 to %scan3A_265 step %parallel_loop3A_807  : i32 {
      %parallel_loop3A_877 = arith.constant 16 : i32
      %parallel_loop3A_878 = arith.muli %parallel_loop3A_876, %parallel_loop3A_877 : i32
      %parallel_loop3A_879 = tpu.assume_multiple %parallel_loop3A_878, 16 : i32
      %parallel_loop3A_880 = arith.index_cast %parallel_loop3A_876 : i32 to index
      %parallel_loop3A_881 = memref.load %arg10[%parallel_loop3A_880] : memref<128xi32, #tpu.memory_space<smem>>
      %parallel_loop3A_882 = arith.constant 16 : i32
      %parallel_loop3A_883 = arith.muli %parallel_loop3A_881, %parallel_loop3A_882 : i32
      %parallel_loop3A_884 = tpu.assume_multiple %parallel_loop3A_883, 16 : i32
      %parallel_loop3A_885 = arith.index_cast %parallel_loop3A_879 : i32 to index
      %parallel_loop3A_886 = tpu.vector_load %arg7[%parallel_loop3A_885] {strides = array<i32>} : memref<2048xi32, #tpu.memory_space<vmem>>, vector<16xi32>,
      %parallel_loop3A_887 = arith.addi %parallel_loop3A_886, %broadcast_in_dim3A_775 : vector<16xi32>
      %parallel_loop3A_888 = tpu.vector_load_idx %arg6[%parallel_loop3A_887] : memref<24576xf32, #tpu.memory_space<vmem>>[vector<16xi32>], vector<16xf32>,
      %parallel_loop3A_889 = arith.addi %parallel_loop3A_886, %broadcast_in_dim3A_777 : vector<16xi32>
      %parallel_loop3A_890 = tpu.vector_load_idx %arg6[%parallel_loop3A_889] : memref<24576xf32, #tpu.memory_space<vmem>>[vector<16xi32>], vector<16xf32>,
      %parallel_loop3A_891 = arith.addi %parallel_loop3A_886, %broadcast_in_dim3A_779 : vector<16xi32>
      %parallel_loop3A_892 = tpu.vector_load_idx %arg6[%parallel_loop3A_891] : memref<24576xf32, #tpu.memory_space<vmem>>[vector<16xi32>], vector<16xf32>,
      %parallel_loop3A_893 = arith.addi %parallel_loop3A_886, %broadcast_in_dim3A_781 : vector<16xi32>
      %parallel_loop3A_894 = tpu.vector_load_idx %arg6[%parallel_loop3A_893] : memref<24576xf32, #tpu.memory_space<vmem>>[vector<16xi32>], vector<16xf32>,
      %parallel_loop3A_895 = arith.addi %parallel_loop3A_886, %broadcast_in_dim3A_783 : vector<16xi32>
      %parallel_loop3A_896 = tpu.vector_load_idx %arg6[%parallel_loop3A_895] : memref<24576xf32, #tpu.memory_space<vmem>>[vector<16xi32>], vector<16xf32>,
      %parallel_loop3A_897 = arith.addi %parallel_loop3A_886, %broadcast_in_dim3A_785 : vector<16xi32>
      %parallel_loop3A_898 = tpu.vector_load_idx %arg6[%parallel_loop3A_897] : memref<24576xf32, #tpu.memory_space<vmem>>[vector<16xi32>], vector<16xf32>,
      %parallel_loop3A_899 = arith.addi %parallel_loop3A_886, %broadcast_in_dim3A_787 : vector<16xi32>
      %parallel_loop3A_900 = tpu.vector_load_idx %arg6[%parallel_loop3A_899] : memref<24576xf32, #tpu.memory_space<vmem>>[vector<16xi32>], vector<16xf32>,
      %parallel_loop3A_901 = arith.addi %parallel_loop3A_886, %broadcast_in_dim3A_789 : vector<16xi32>
      %parallel_loop3A_902 = tpu.vector_load_idx %arg6[%parallel_loop3A_901] : memref<24576xf32, #tpu.memory_space<vmem>>[vector<16xi32>], vector<16xf32>,
      %parallel_loop3A_903 = arith.addi %parallel_loop3A_886, %broadcast_in_dim3A_791 : vector<16xi32>
      %parallel_loop3A_904 = tpu.vector_load_idx %arg6[%parallel_loop3A_903] : memref<24576xf32, #tpu.memory_space<vmem>>[vector<16xi32>], vector<16xf32>,
      %parallel_loop3A_905 = arith.addi %parallel_loop3A_886, %broadcast_in_dim3A_793 : vector<16xi32>
      %parallel_loop3A_906 = tpu.vector_load_idx %arg6[%parallel_loop3A_905] : memref<24576xf32, #tpu.memory_space<vmem>>[vector<16xi32>], vector<16xf32>,
      %parallel_loop3A_907 = arith.addi %parallel_loop3A_886, %broadcast_in_dim3A_795 : vector<16xi32>
      %parallel_loop3A_908 = tpu.vector_load_idx %arg6[%parallel_loop3A_907] : memref<24576xf32, #tpu.memory_space<vmem>>[vector<16xi32>], vector<16xf32>,
      %parallel_loop3A_909 = arith.addi %parallel_loop3A_886, %broadcast_in_dim3A_797 : vector<16xi32>
      %parallel_loop3A_910 = tpu.vector_load_idx %arg6[%parallel_loop3A_909] : memref<24576xf32, #tpu.memory_space<vmem>>[vector<16xi32>], vector<16xf32>,
      %parallel_loop3A_911 = arith.addi %parallel_loop3A_886, %broadcast_in_dim3A_799 : vector<16xi32>
      %parallel_loop3A_912 = tpu.vector_load_idx %arg6[%parallel_loop3A_911] : memref<24576xf32, #tpu.memory_space<vmem>>[vector<16xi32>], vector<16xf32>,
      %parallel_loop3A_913 = arith.addi %parallel_loop3A_886, %broadcast_in_dim3A_801 : vector<16xi32>
      %parallel_loop3A_914 = tpu.vector_load_idx %arg6[%parallel_loop3A_913] : memref<24576xf32, #tpu.memory_space<vmem>>[vector<16xi32>], vector<16xf32>,
      %parallel_loop3A_915 = arith.addi %parallel_loop3A_886, %broadcast_in_dim3A_803 : vector<16xi32>
      %parallel_loop3A_916 = tpu.vector_load_idx %arg6[%parallel_loop3A_915] : memref<24576xf32, #tpu.memory_space<vmem>>[vector<16xi32>], vector<16xf32>,
      %parallel_loop3A_917 = arith.addi %parallel_loop3A_886, %broadcast_in_dim3A_805 : vector<16xi32>
      %parallel_loop3A_918 = tpu.vector_load_idx %arg6[%parallel_loop3A_917] : memref<24576xf32, #tpu.memory_space<vmem>>[vector<16xi32>], vector<16xf32>,
      %parallel_loop3A_919 = arith.constant 0 : i32
      %parallel_loop3A_920 = arith.index_cast %parallel_loop3A_919 : i32 to index
      %parallel_loop3A_921 = arith.index_cast %parallel_loop3A_884 : i32 to index
      %parallel_loop3A_922 = tpu.vector_load %arg8[%parallel_loop3A_920, %parallel_loop3A_921] {strides = array<i32>} : memref<16x2048xf32, #tpu.memory_space<vmem>>, vector<16xf32>,
      tpu.vector_store %arg8[%parallel_loop3A_920, %parallel_loop3A_921], %parallel_loop3A_888 {strides = array<i32>} : memref<16x2048xf32, #tpu.memory_space<vmem>>, vector<16xf32>,
      %parallel_loop3A_923 = arith.constant 1 : i32
      %parallel_loop3A_924 = arith.index_cast %parallel_loop3A_923 : i32 to index
      %parallel_loop3A_925 = arith.index_cast %parallel_loop3A_884 : i32 to index
      %parallel_loop3A_926 = tpu.vector_load %arg8[%parallel_loop3A_924, %parallel_loop3A_925] {strides = array<i32>} : memref<16x2048xf32, #tpu.memory_space<vmem>>, vector<16xf32>,
      tpu.vector_store %arg8[%parallel_loop3A_924, %parallel_loop3A_925], %parallel_loop3A_890 {strides = array<i32>} : memref<16x2048xf32, #tpu.memory_space<vmem>>, vector<16xf32>,
      %parallel_loop3A_927 = arith.constant 2 : i32
      %parallel_loop3A_928 = arith.index_cast %parallel_loop3A_927 : i32 to index
      %parallel_loop3A_929 = arith.index_cast %parallel_loop3A_884 : i32 to index
      %parallel_loop3A_930 = tpu.vector_load %arg8[%parallel_loop3A_928, %parallel_loop3A_929] {strides = array<i32>} : memref<16x2048xf32, #tpu.memory_space<vmem>>, vector<16xf32>,
      tpu.vector_store %arg8[%parallel_loop3A_928, %parallel_loop3A_929], %parallel_loop3A_892 {strides = array<i32>} : memref<16x2048xf32, #tpu.memory_space<vmem>>, vector<16xf32>,
      %parallel_loop3A_931 = arith.constant 3 : i32
      %parallel_loop3A_932 = arith.index_cast %parallel_loop3A_931 : i32 to index
      %parallel_loop3A_933 = arith.index_cast %parallel_loop3A_884 : i32 to index
      %parallel_loop3A_934 = tpu.vector_load %arg8[%parallel_loop3A_932, %parallel_loop3A_933] {strides = array<i32>} : memref<16x2048xf32, #tpu.memory_space<vmem>>, vector<16xf32>,
      tpu.vector_store %arg8[%parallel_loop3A_932, %parallel_loop3A_933], %parallel_loop3A_894 {strides = array<i32>} : memref<16x2048xf32, #tpu.memory_space<vmem>>, vector<16xf32>,
      %parallel_loop3A_935 = arith.constant 4 : i32
      %parallel_loop3A_936 = arith.index_cast %parallel_loop3A_935 : i32 to index
      %parallel_loop3A_937 = arith.index_cast %parallel_loop3A_884 : i32 to index
      %parallel_loop3A_938 = tpu.vector_load %arg8[%parallel_loop3A_936, %parallel_loop3A_937] {strides = array<i32>} : memref<16x2048xf32, #tpu.memory_space<vmem>>, vector<16xf32>,
      tpu.vector_store %arg8[%parallel_loop3A_936, %parallel_loop3A_937], %parallel_loop3A_896 {strides = array<i32>} : memref<16x2048xf32, #tpu.memory_space<vmem>>, vector<16xf32>,
      %parallel_loop3A_939 = arith.constant 5 : i32
      %parallel_loop3A_940 = arith.index_cast %parallel_loop3A_939 : i32 to index
      %parallel_loop3A_941 = arith.index_cast %parallel_loop3A_884 : i32 to index
      %parallel_loop3A_942 = tpu.vector_load %arg8[%parallel_loop3A_940, %parallel_loop3A_941] {strides = array<i32>} : memref<16x2048xf32, #tpu.memory_space<vmem>>, vector<16xf32>,
      tpu.vector_store %arg8[%parallel_loop3A_940, %parallel_loop3A_941], %parallel_loop3A_898 {strides = array<i32>} : memref<16x2048xf32, #tpu.memory_space<vmem>>, vector<16xf32>,
      %parallel_loop3A_943 = arith.constant 6 : i32
      %parallel_loop3A_944 = arith.index_cast %parallel_loop3A_943 : i32 to index
      %parallel_loop3A_945 = arith.index_cast %parallel_loop3A_884 : i32 to index
      %parallel_loop3A_946 = tpu.vector_load %arg8[%parallel_loop3A_944, %parallel_loop3A_945] {strides = array<i32>} : memref<16x2048xf32, #tpu.memory_space<vmem>>, vector<16xf32>,
      tpu.vector_store %arg8[%parallel_loop3A_944, %parallel_loop3A_945], %parallel_loop3A_900 {strides = array<i32>} : memref<16x2048xf32, #tpu.memory_space<vmem>>, vector<16xf32>,
      %parallel_loop3A_947 = arith.constant 7 : i32
      %parallel_loop3A_948 = arith.index_cast %parallel_loop3A_947 : i32 to index
      %parallel_loop3A_949 = arith.index_cast %parallel_loop3A_884 : i32 to index
      %parallel_loop3A_950 = tpu.vector_load %arg8[%parallel_loop3A_948, %parallel_loop3A_949] {strides = array<i32>} : memref<16x2048xf32, #tpu.memory_space<vmem>>, vector<16xf32>,
      tpu.vector_store %arg8[%parallel_loop3A_948, %parallel_loop3A_949], %parallel_loop3A_902 {strides = array<i32>} : memref<16x2048xf32, #tpu.memory_space<vmem>>, vector<16xf32>,
      %parallel_loop3A_951 = arith.constant 8 : i32
      %parallel_loop3A_952 = arith.index_cast %parallel_loop3A_951 : i32 to index
      %parallel_loop3A_953 = arith.index_cast %parallel_loop3A_884 : i32 to index
      %parallel_loop3A_954 = tpu.vector_load %arg8[%parallel_loop3A_952, %parallel_loop3A_953] {strides = array<i32>} : memref<16x2048xf32, #tpu.memory_space<vmem>>, vector<16xf32>,
      tpu.vector_store %arg8[%parallel_loop3A_952, %parallel_loop3A_953], %parallel_loop3A_904 {strides = array<i32>} : memref<16x2048xf32, #tpu.memory_space<vmem>>, vector<16xf32>,
      %parallel_loop3A_955 = arith.constant 9 : i32
      %parallel_loop3A_956 = arith.index_cast %parallel_loop3A_955 : i32 to index
      %parallel_loop3A_957 = arith.index_cast %parallel_loop3A_884 : i32 to index
      %parallel_loop3A_958 = tpu.vector_load %arg8[%parallel_loop3A_956, %parallel_loop3A_957] {strides = array<i32>} : memref<16x2048xf32, #tpu.memory_space<vmem>>, vector<16xf32>,
      tpu.vector_store %arg8[%parallel_loop3A_956, %parallel_loop3A_957], %parallel_loop3A_906 {strides = array<i32>} : memref<16x2048xf32, #tpu.memory_space<vmem>>, vector<16xf32>,
      %parallel_loop3A_959 = arith.constant 10 : i32
      %parallel_loop3A_960 = arith.index_cast %parallel_loop3A_959 : i32 to index
      %parallel_loop3A_961 = arith.index_cast %parallel_loop3A_884 : i32 to index
      %parallel_loop3A_962 = tpu.vector_load %arg8[%parallel_loop3A_960, %parallel_loop3A_961] {strides = array<i32>} : memref<16x2048xf32, #tpu.memory_space<vmem>>, vector<16xf32>,
      tpu.vector_store %arg8[%parallel_loop3A_960, %parallel_loop3A_961], %parallel_loop3A_908 {strides = array<i32>} : memref<16x2048xf32, #tpu.memory_space<vmem>>, vector<16xf32>,
      %parallel_loop3A_963 = arith.constant 11 : i32
      %parallel_loop3A_964 = arith.index_cast %parallel_loop3A_963 : i32 to index
      %parallel_loop3A_965 = arith.index_cast %parallel_loop3A_884 : i32 to index
      %parallel_loop3A_966 = tpu.vector_load %arg8[%parallel_loop3A_964, %parallel_loop3A_965] {strides = array<i32>} : memref<16x2048xf32, #tpu.memory_space<vmem>>, vector<16xf32>,
      tpu.vector_store %arg8[%parallel_loop3A_964, %parallel_loop3A_965], %parallel_loop3A_910 {strides = array<i32>} : memref<16x2048xf32, #tpu.memory_space<vmem>>, vector<16xf32>,
      %parallel_loop3A_967 = arith.constant 12 : i32
      %parallel_loop3A_968 = arith.index_cast %parallel_loop3A_967 : i32 to index
      %parallel_loop3A_969 = arith.index_cast %parallel_loop3A_884 : i32 to index
      %parallel_loop3A_970 = tpu.vector_load %arg8[%parallel_loop3A_968, %parallel_loop3A_969] {strides = array<i32>} : memref<16x2048xf32, #tpu.memory_space<vmem>>, vector<16xf32>,
      tpu.vector_store %arg8[%parallel_loop3A_968, %parallel_loop3A_969], %parallel_loop3A_912 {strides = array<i32>} : memref<16x2048xf32, #tpu.memory_space<vmem>>, vector<16xf32>,
      %parallel_loop3A_971 = arith.constant 13 : i32
      %parallel_loop3A_972 = arith.index_cast %parallel_loop3A_971 : i32 to index
      %parallel_loop3A_973 = arith.index_cast %parallel_loop3A_884 : i32 to index
      %parallel_loop3A_974 = tpu.vector_load %arg8[%parallel_loop3A_972, %parallel_loop3A_973] {strides = array<i32>} : memref<16x2048xf32, #tpu.memory_space<vmem>>, vector<16xf32>,
      tpu.vector_store %arg8[%parallel_loop3A_972, %parallel_loop3A_973], %parallel_loop3A_914 {strides = array<i32>} : memref<16x2048xf32, #tpu.memory_space<vmem>>, vector<16xf32>,
      %parallel_loop3A_975 = arith.constant 14 : i32
      %parallel_loop3A_976 = arith.index_cast %parallel_loop3A_975 : i32 to index
      %parallel_loop3A_977 = arith.index_cast %parallel_loop3A_884 : i32 to index
      %parallel_loop3A_978 = tpu.vector_load %arg8[%parallel_loop3A_976, %parallel_loop3A_977] {strides = array<i32>} : memref<16x2048xf32, #tpu.memory_space<vmem>>, vector<16xf32>,
      tpu.vector_store %arg8[%parallel_loop3A_976, %parallel_loop3A_977], %parallel_loop3A_916 {strides = array<i32>} : memref<16x2048xf32, #tpu.memory_space<vmem>>, vector<16xf32>,
      %parallel_loop3A_979 = arith.constant 15 : i32
      %parallel_loop3A_980 = arith.index_cast %parallel_loop3A_979 : i32 to index
      %parallel_loop3A_981 = arith.index_cast %parallel_loop3A_884 : i32 to index
      %parallel_loop3A_982 = tpu.vector_load %arg8[%parallel_loop3A_980, %parallel_loop3A_981] {strides = array<i32>} : memref<16x2048xf32, #tpu.memory_space<vmem>>, vector<16xf32>,
      tpu.vector_store %arg8[%parallel_loop3A_980, %parallel_loop3A_981], %parallel_loop3A_918 {strides = array<i32>} : memref<16x2048xf32, #tpu.memory_space<vmem>>, vector<16xf32>,
    } {sc.loop_unroll_factor = 2 : i64, sc.parallel_access}
    %add3A_808 = arith.constant 96 : i32
    %add3A_809 = arith.addi %mul3A_32, %add3A_808 : i32
    %dma_start3A_810 = arith.constant 0 : i32
    %dma_start3A_811 = tpu.memref_slice %arg4[%select_n3A, %add3A_809, %dma_start3A_810] : memref<4x1024x2048xf32, #tpu.memory_space<hbm>> -> memref<1x16x2048xf32, #tpu.memory_space<hbm>>
    %dma_start3A_812 = tpu.memref_squeeze %dma_start3A_811 : memref<1x16x2048xf32, #tpu.memory_space<hbm>> -> memref<16x2048xf32, #tpu.memory_space<hbm>>
    %dma_start3A_813 = arith.constant 0 : i32
    %dma_start3A_814 = tpu.memref_slice %arg4[%select_n3A, %add3A_809, %dma_start3A_813] : memref<4x1024x2048xf32, #tpu.memory_space<hbm>> -> memref<1x16x2048xf32, #tpu.memory_space<hbm>>
    %dma_start3A_815 = tpu.memref_squeeze %dma_start3A_814 : memref<1x16x2048xf32, #tpu.memory_space<hbm>> -> memref<16x2048xf32, #tpu.memory_space<hbm>>
    tpu.enqueue_dma source(%arg8 : memref<16x2048xf32, #tpu.memory_space<vmem>>) target(%dma_start3A_815 : memref<16x2048xf32, #tpu.memory_space<hbm>>) target_semaphore(%arg11 : memref<!tpu.dma_semaphore, #tpu.memory_space<semaphore_mem>>)
    %dma_wait3A_816 = arith.constant 0 : i32
    %dma_wait3A_817 = tpu.memref_slice %arg4[%select_n3A, %add3A_761, %dma_wait3A_816] : memref<4x1024x2048xf32, #tpu.memory_space<hbm>> -> memref<1x16x2048xf32, #tpu.memory_space<hbm>>
    %dma_wait3A_818 = tpu.memref_squeeze %dma_wait3A_817 : memref<1x16x2048xf32, #tpu.memory_space<hbm>> -> memref<16x2048xf32, #tpu.memory_space<hbm>>
    %dma_wait3A_819 = arith.constant 0 : i32
    %dma_wait3A_820 = tpu.memref_slice %arg4[%select_n3A, %add3A_761, %dma_wait3A_819] : memref<4x1024x2048xf32, #tpu.memory_space<hbm>> -> memref<1x16x2048xf32, #tpu.memory_space<hbm>>
    %dma_wait3A_821 = tpu.memref_squeeze %dma_wait3A_820 : memref<1x16x2048xf32, #tpu.memory_space<hbm>> -> memref<16x2048xf32, #tpu.memory_space<hbm>>
    tpu.wait_dma2 semaphore(%arg12 : memref<!tpu.dma_semaphore, #tpu.memory_space<semaphore_mem>>) src(%arg9 : memref<16x2048xf32, #tpu.memory_space<vmem>>) dst(%dma_wait3A_821 : memref<16x2048xf32, #tpu.memory_space<hbm>>)
    %broadcast_in_dim3A_822 = arith.constant 112 : i32
    %broadcast_in_dim3A_823 = vector.broadcast %broadcast_in_dim3A_822 : i32 to vector<16xi32>
    %broadcast_in_dim3A_824 = arith.constant 113 : i32
    %broadcast_in_dim3A_825 = vector.broadcast %broadcast_in_dim3A_824 : i32 to vector<16xi32>
    %broadcast_in_dim3A_826 = arith.constant 114 : i32
    %broadcast_in_dim3A_827 = vector.broadcast %broadcast_in_dim3A_826 : i32 to vector<16xi32>
    %broadcast_in_dim3A_828 = arith.constant 115 : i32
    %broadcast_in_dim3A_829 = vector.broadcast %broadcast_in_dim3A_828 : i32 to vector<16xi32>
    %broadcast_in_dim3A_830 = arith.constant 116 : i32
    %broadcast_in_dim3A_831 = vector.broadcast %broadcast_in_dim3A_830 : i32 to vector<16xi32>
    %broadcast_in_dim3A_832 = arith.constant 117 : i32
    %broadcast_in_dim3A_833 = vector.broadcast %broadcast_in_dim3A_832 : i32 to vector<16xi32>
    %broadcast_in_dim3A_834 = arith.constant 118 : i32
    %broadcast_in_dim3A_835 = vector.broadcast %broadcast_in_dim3A_834 : i32 to vector<16xi32>
    %broadcast_in_dim3A_836 = arith.constant 119 : i32
    %broadcast_in_dim3A_837 = vector.broadcast %broadcast_in_dim3A_836 : i32 to vector<16xi32>
    %broadcast_in_dim3A_838 = arith.constant 120 : i32
    %broadcast_in_dim3A_839 = vector.broadcast %broadcast_in_dim3A_838 : i32 to vector<16xi32>
    %broadcast_in_dim3A_840 = arith.constant 121 : i32
    %broadcast_in_dim3A_841 = vector.broadcast %broadcast_in_dim3A_840 : i32 to vector<16xi32>
    %broadcast_in_dim3A_842 = arith.constant 122 : i32
    %broadcast_in_dim3A_843 = vector.broadcast %broadcast_in_dim3A_842 : i32 to vector<16xi32>
    %broadcast_in_dim3A_844 = arith.constant 123 : i32
    %broadcast_in_dim3A_845 = vector.broadcast %broadcast_in_dim3A_844 : i32 to vector<16xi32>
    %broadcast_in_dim3A_846 = arith.constant 124 : i32
    %broadcast_in_dim3A_847 = vector.broadcast %broadcast_in_dim3A_846 : i32 to vector<16xi32>
    %broadcast_in_dim3A_848 = arith.constant 125 : i32
    %broadcast_in_dim3A_849 = vector.broadcast %broadcast_in_dim3A_848 : i32 to vector<16xi32>
    %broadcast_in_dim3A_850 = arith.constant 126 : i32
    %broadcast_in_dim3A_851 = vector.broadcast %broadcast_in_dim3A_850 : i32 to vector<16xi32>
    %broadcast_in_dim3A_852 = arith.constant 127 : i32
    %broadcast_in_dim3A_853 = vector.broadcast %broadcast_in_dim3A_852 : i32 to vector<16xi32>
    %parallel_loop3A_854 = arith.constant 0 : i32
    %parallel_loop3A_855 = arith.constant 1 : i32
    scf.for %parallel_loop3A_876 = %parallel_loop3A_854 to %scan3A_265 step %parallel_loop3A_855  : i32 {
      %parallel_loop3A_877 = arith.constant 16 : i32
      %parallel_loop3A_878 = arith.muli %parallel_loop3A_876, %parallel_loop3A_877 : i32
      %parallel_loop3A_879 = tpu.assume_multiple %parallel_loop3A_878, 16 : i32
      %parallel_loop3A_880 = arith.index_cast %parallel_loop3A_876 : i32 to index
      %parallel_loop3A_881 = memref.load %arg10[%parallel_loop3A_880] : memref<128xi32, #tpu.memory_space<smem>>
      %parallel_loop3A_882 = arith.constant 16 : i32
      %parallel_loop3A_883 = arith.muli %parallel_loop3A_881, %parallel_loop3A_882 : i32
      %parallel_loop3A_884 = tpu.assume_multiple %parallel_loop3A_883, 16 : i32
      %parallel_loop3A_885 = arith.index_cast %parallel_loop3A_879 : i32 to index
      %parallel_loop3A_886 = tpu.vector_load %arg7[%parallel_loop3A_885] {strides = array<i32>} : memref<2048xi32, #tpu.memory_space<vmem>>, vector<16xi32>,
      %parallel_loop3A_887 = arith.addi %parallel_loop3A_886, %broadcast_in_dim3A_823 : vector<16xi32>
      %parallel_loop3A_888 = tpu.vector_load_idx %arg6[%parallel_loop3A_887] : memref<24576xf32, #tpu.memory_space<vmem>>[vector<16xi32>], vector<16xf32>,
      %parallel_loop3A_889 = arith.addi %parallel_loop3A_886, %broadcast_in_dim3A_825 : vector<16xi32>
      %parallel_loop3A_890 = tpu.vector_load_idx %arg6[%parallel_loop3A_889] : memref<24576xf32, #tpu.memory_space<vmem>>[vector<16xi32>], vector<16xf32>,
      %parallel_loop3A_891 = arith.addi %parallel_loop3A_886, %broadcast_in_dim3A_827 : vector<16xi32>
      %parallel_loop3A_892 = tpu.vector_load_idx %arg6[%parallel_loop3A_891] : memref<24576xf32, #tpu.memory_space<vmem>>[vector<16xi32>], vector<16xf32>,
      %parallel_loop3A_893 = arith.addi %parallel_loop3A_886, %broadcast_in_dim3A_829 : vector<16xi32>
      %parallel_loop3A_894 = tpu.vector_load_idx %arg6[%parallel_loop3A_893] : memref<24576xf32, #tpu.memory_space<vmem>>[vector<16xi32>], vector<16xf32>,
      %parallel_loop3A_895 = arith.addi %parallel_loop3A_886, %broadcast_in_dim3A_831 : vector<16xi32>
      %parallel_loop3A_896 = tpu.vector_load_idx %arg6[%parallel_loop3A_895] : memref<24576xf32, #tpu.memory_space<vmem>>[vector<16xi32>], vector<16xf32>,
      %parallel_loop3A_897 = arith.addi %parallel_loop3A_886, %broadcast_in_dim3A_833 : vector<16xi32>
      %parallel_loop3A_898 = tpu.vector_load_idx %arg6[%parallel_loop3A_897] : memref<24576xf32, #tpu.memory_space<vmem>>[vector<16xi32>], vector<16xf32>,
      %parallel_loop3A_899 = arith.addi %parallel_loop3A_886, %broadcast_in_dim3A_835 : vector<16xi32>
      %parallel_loop3A_900 = tpu.vector_load_idx %arg6[%parallel_loop3A_899] : memref<24576xf32, #tpu.memory_space<vmem>>[vector<16xi32>], vector<16xf32>,
      %parallel_loop3A_901 = arith.addi %parallel_loop3A_886, %broadcast_in_dim3A_837 : vector<16xi32>
      %parallel_loop3A_902 = tpu.vector_load_idx %arg6[%parallel_loop3A_901] : memref<24576xf32, #tpu.memory_space<vmem>>[vector<16xi32>], vector<16xf32>,
      %parallel_loop3A_903 = arith.addi %parallel_loop3A_886, %broadcast_in_dim3A_839 : vector<16xi32>
      %parallel_loop3A_904 = tpu.vector_load_idx %arg6[%parallel_loop3A_903] : memref<24576xf32, #tpu.memory_space<vmem>>[vector<16xi32>], vector<16xf32>,
      %parallel_loop3A_905 = arith.addi %parallel_loop3A_886, %broadcast_in_dim3A_841 : vector<16xi32>
      %parallel_loop3A_906 = tpu.vector_load_idx %arg6[%parallel_loop3A_905] : memref<24576xf32, #tpu.memory_space<vmem>>[vector<16xi32>], vector<16xf32>,
      %parallel_loop3A_907 = arith.addi %parallel_loop3A_886, %broadcast_in_dim3A_843 : vector<16xi32>
      %parallel_loop3A_908 = tpu.vector_load_idx %arg6[%parallel_loop3A_907] : memref<24576xf32, #tpu.memory_space<vmem>>[vector<16xi32>], vector<16xf32>,
      %parallel_loop3A_909 = arith.addi %parallel_loop3A_886, %broadcast_in_dim3A_845 : vector<16xi32>
      %parallel_loop3A_910 = tpu.vector_load_idx %arg6[%parallel_loop3A_909] : memref<24576xf32, #tpu.memory_space<vmem>>[vector<16xi32>], vector<16xf32>,
      %parallel_loop3A_911 = arith.addi %parallel_loop3A_886, %broadcast_in_dim3A_847 : vector<16xi32>
      %parallel_loop3A_912 = tpu.vector_load_idx %arg6[%parallel_loop3A_911] : memref<24576xf32, #tpu.memory_space<vmem>>[vector<16xi32>], vector<16xf32>,
      %parallel_loop3A_913 = arith.addi %parallel_loop3A_886, %broadcast_in_dim3A_849 : vector<16xi32>
      %parallel_loop3A_914 = tpu.vector_load_idx %arg6[%parallel_loop3A_913] : memref<24576xf32, #tpu.memory_space<vmem>>[vector<16xi32>], vector<16xf32>,
      %parallel_loop3A_915 = arith.addi %parallel_loop3A_886, %broadcast_in_dim3A_851 : vector<16xi32>
      %parallel_loop3A_916 = tpu.vector_load_idx %arg6[%parallel_loop3A_915] : memref<24576xf32, #tpu.memory_space<vmem>>[vector<16xi32>], vector<16xf32>,
      %parallel_loop3A_917 = arith.addi %parallel_loop3A_886, %broadcast_in_dim3A_853 : vector<16xi32>
      %parallel_loop3A_918 = tpu.vector_load_idx %arg6[%parallel_loop3A_917] : memref<24576xf32, #tpu.memory_space<vmem>>[vector<16xi32>], vector<16xf32>,
      %parallel_loop3A_919 = arith.constant 0 : i32
      %parallel_loop3A_920 = arith.index_cast %parallel_loop3A_919 : i32 to index
      %parallel_loop3A_921 = arith.index_cast %parallel_loop3A_884 : i32 to index
      %parallel_loop3A_922 = tpu.vector_load %arg9[%parallel_loop3A_920, %parallel_loop3A_921] {strides = array<i32>} : memref<16x2048xf32, #tpu.memory_space<vmem>>, vector<16xf32>,
      tpu.vector_store %arg9[%parallel_loop3A_920, %parallel_loop3A_921], %parallel_loop3A_888 {strides = array<i32>} : memref<16x2048xf32, #tpu.memory_space<vmem>>, vector<16xf32>,
      %parallel_loop3A_923 = arith.constant 1 : i32
      %parallel_loop3A_924 = arith.index_cast %parallel_loop3A_923 : i32 to index
      %parallel_loop3A_925 = arith.index_cast %parallel_loop3A_884 : i32 to index
      %parallel_loop3A_926 = tpu.vector_load %arg9[%parallel_loop3A_924, %parallel_loop3A_925] {strides = array<i32>} : memref<16x2048xf32, #tpu.memory_space<vmem>>, vector<16xf32>,
      tpu.vector_store %arg9[%parallel_loop3A_924, %parallel_loop3A_925], %parallel_loop3A_890 {strides = array<i32>} : memref<16x2048xf32, #tpu.memory_space<vmem>>, vector<16xf32>,
      %parallel_loop3A_927 = arith.constant 2 : i32
      %parallel_loop3A_928 = arith.index_cast %parallel_loop3A_927 : i32 to index
      %parallel_loop3A_929 = arith.index_cast %parallel_loop3A_884 : i32 to index
      %parallel_loop3A_930 = tpu.vector_load %arg9[%parallel_loop3A_928, %parallel_loop3A_929] {strides = array<i32>} : memref<16x2048xf32, #tpu.memory_space<vmem>>, vector<16xf32>,
      tpu.vector_store %arg9[%parallel_loop3A_928, %parallel_loop3A_929], %parallel_loop3A_892 {strides = array<i32>} : memref<16x2048xf32, #tpu.memory_space<vmem>>, vector<16xf32>,
      %parallel_loop3A_931 = arith.constant 3 : i32
      %parallel_loop3A_932 = arith.index_cast %parallel_loop3A_931 : i32 to index
      %parallel_loop3A_933 = arith.index_cast %parallel_loop3A_884 : i32 to index
      %parallel_loop3A_934 = tpu.vector_load %arg9[%parallel_loop3A_932, %parallel_loop3A_933] {strides = array<i32>} : memref<16x2048xf32, #tpu.memory_space<vmem>>, vector<16xf32>,
      tpu.vector_store %arg9[%parallel_loop3A_932, %parallel_loop3A_933], %parallel_loop3A_894 {strides = array<i32>} : memref<16x2048xf32, #tpu.memory_space<vmem>>, vector<16xf32>,
      %parallel_loop3A_935 = arith.constant 4 : i32
      %parallel_loop3A_936 = arith.index_cast %parallel_loop3A_935 : i32 to index
      %parallel_loop3A_937 = arith.index_cast %parallel_loop3A_884 : i32 to index
      %parallel_loop3A_938 = tpu.vector_load %arg9[%parallel_loop3A_936, %parallel_loop3A_937] {strides = array<i32>} : memref<16x2048xf32, #tpu.memory_space<vmem>>, vector<16xf32>,
      tpu.vector_store %arg9[%parallel_loop3A_936, %parallel_loop3A_937], %parallel_loop3A_896 {strides = array<i32>} : memref<16x2048xf32, #tpu.memory_space<vmem>>, vector<16xf32>,
      %parallel_loop3A_939 = arith.constant 5 : i32
      %parallel_loop3A_940 = arith.index_cast %parallel_loop3A_939 : i32 to index
      %parallel_loop3A_941 = arith.index_cast %parallel_loop3A_884 : i32 to index
      %parallel_loop3A_942 = tpu.vector_load %arg9[%parallel_loop3A_940, %parallel_loop3A_941] {strides = array<i32>} : memref<16x2048xf32, #tpu.memory_space<vmem>>, vector<16xf32>,
      tpu.vector_store %arg9[%parallel_loop3A_940, %parallel_loop3A_941], %parallel_loop3A_898 {strides = array<i32>} : memref<16x2048xf32, #tpu.memory_space<vmem>>, vector<16xf32>,
      %parallel_loop3A_943 = arith.constant 6 : i32
      %parallel_loop3A_944 = arith.index_cast %parallel_loop3A_943 : i32 to index
      %parallel_loop3A_945 = arith.index_cast %parallel_loop3A_884 : i32 to index
      %parallel_loop3A_946 = tpu.vector_load %arg9[%parallel_loop3A_944, %parallel_loop3A_945] {strides = array<i32>} : memref<16x2048xf32, #tpu.memory_space<vmem>>, vector<16xf32>,
      tpu.vector_store %arg9[%parallel_loop3A_944, %parallel_loop3A_945], %parallel_loop3A_900 {strides = array<i32>} : memref<16x2048xf32, #tpu.memory_space<vmem>>, vector<16xf32>,
      %parallel_loop3A_947 = arith.constant 7 : i32
      %parallel_loop3A_948 = arith.index_cast %parallel_loop3A_947 : i32 to index
      %parallel_loop3A_949 = arith.index_cast %parallel_loop3A_884 : i32 to index
      %parallel_loop3A_950 = tpu.vector_load %arg9[%parallel_loop3A_948, %parallel_loop3A_949] {strides = array<i32>} : memref<16x2048xf32, #tpu.memory_space<vmem>>, vector<16xf32>,
      tpu.vector_store %arg9[%parallel_loop3A_948, %parallel_loop3A_949], %parallel_loop3A_902 {strides = array<i32>} : memref<16x2048xf32, #tpu.memory_space<vmem>>, vector<16xf32>,
      %parallel_loop3A_951 = arith.constant 8 : i32
      %parallel_loop3A_952 = arith.index_cast %parallel_loop3A_951 : i32 to index
      %parallel_loop3A_953 = arith.index_cast %parallel_loop3A_884 : i32 to index
      %parallel_loop3A_954 = tpu.vector_load %arg9[%parallel_loop3A_952, %parallel_loop3A_953] {strides = array<i32>} : memref<16x2048xf32, #tpu.memory_space<vmem>>, vector<16xf32>,
      tpu.vector_store %arg9[%parallel_loop3A_952, %parallel_loop3A_953], %parallel_loop3A_904 {strides = array<i32>} : memref<16x2048xf32, #tpu.memory_space<vmem>>, vector<16xf32>,
      %parallel_loop3A_955 = arith.constant 9 : i32
      %parallel_loop3A_956 = arith.index_cast %parallel_loop3A_955 : i32 to index
      %parallel_loop3A_957 = arith.index_cast %parallel_loop3A_884 : i32 to index
      %parallel_loop3A_958 = tpu.vector_load %arg9[%parallel_loop3A_956, %parallel_loop3A_957] {strides = array<i32>} : memref<16x2048xf32, #tpu.memory_space<vmem>>, vector<16xf32>,
      tpu.vector_store %arg9[%parallel_loop3A_956, %parallel_loop3A_957], %parallel_loop3A_906 {strides = array<i32>} : memref<16x2048xf32, #tpu.memory_space<vmem>>, vector<16xf32>,
      %parallel_loop3A_959 = arith.constant 10 : i32
      %parallel_loop3A_960 = arith.index_cast %parallel_loop3A_959 : i32 to index
      %parallel_loop3A_961 = arith.index_cast %parallel_loop3A_884 : i32 to index
      %parallel_loop3A_962 = tpu.vector_load %arg9[%parallel_loop3A_960, %parallel_loop3A_961] {strides = array<i32>} : memref<16x2048xf32, #tpu.memory_space<vmem>>, vector<16xf32>,
      tpu.vector_store %arg9[%parallel_loop3A_960, %parallel_loop3A_961], %parallel_loop3A_908 {strides = array<i32>} : memref<16x2048xf32, #tpu.memory_space<vmem>>, vector<16xf32>,
      %parallel_loop3A_963 = arith.constant 11 : i32
      %parallel_loop3A_964 = arith.index_cast %parallel_loop3A_963 : i32 to index
      %parallel_loop3A_965 = arith.index_cast %parallel_loop3A_884 : i32 to index
      %parallel_loop3A_966 = tpu.vector_load %arg9[%parallel_loop3A_964, %parallel_loop3A_965] {strides = array<i32>} : memref<16x2048xf32, #tpu.memory_space<vmem>>, vector<16xf32>,
      tpu.vector_store %arg9[%parallel_loop3A_964, %parallel_loop3A_965], %parallel_loop3A_910 {strides = array<i32>} : memref<16x2048xf32, #tpu.memory_space<vmem>>, vector<16xf32>,
      %parallel_loop3A_967 = arith.constant 12 : i32
      %parallel_loop3A_968 = arith.index_cast %parallel_loop3A_967 : i32 to index
      %parallel_loop3A_969 = arith.index_cast %parallel_loop3A_884 : i32 to index
      %parallel_loop3A_970 = tpu.vector_load %arg9[%parallel_loop3A_968, %parallel_loop3A_969] {strides = array<i32>} : memref<16x2048xf32, #tpu.memory_space<vmem>>, vector<16xf32>,
      tpu.vector_store %arg9[%parallel_loop3A_968, %parallel_loop3A_969], %parallel_loop3A_912 {strides = array<i32>} : memref<16x2048xf32, #tpu.memory_space<vmem>>, vector<16xf32>,
      %parallel_loop3A_971 = arith.constant 13 : i32
      %parallel_loop3A_972 = arith.index_cast %parallel_loop3A_971 : i32 to index
      %parallel_loop3A_973 = arith.index_cast %parallel_loop3A_884 : i32 to index
      %parallel_loop3A_974 = tpu.vector_load %arg9[%parallel_loop3A_972, %parallel_loop3A_973] {strides = array<i32>} : memref<16x2048xf32, #tpu.memory_space<vmem>>, vector<16xf32>,
      tpu.vector_store %arg9[%parallel_loop3A_972, %parallel_loop3A_973], %parallel_loop3A_914 {strides = array<i32>} : memref<16x2048xf32, #tpu.memory_space<vmem>>, vector<16xf32>,
      %parallel_loop3A_975 = arith.constant 14 : i32
      %parallel_loop3A_976 = arith.index_cast %parallel_loop3A_975 : i32 to index
      %parallel_loop3A_977 = arith.index_cast %parallel_loop3A_884 : i32 to index
      %parallel_loop3A_978 = tpu.vector_load %arg9[%parallel_loop3A_976, %parallel_loop3A_977] {strides = array<i32>} : memref<16x2048xf32, #tpu.memory_space<vmem>>, vector<16xf32>,
      tpu.vector_store %arg9[%parallel_loop3A_976, %parallel_loop3A_977], %parallel_loop3A_916 {strides = array<i32>} : memref<16x2048xf32, #tpu.memory_space<vmem>>, vector<16xf32>,
      %parallel_loop3A_979 = arith.constant 15 : i32
      %parallel_loop3A_980 = arith.index_cast %parallel_loop3A_979 : i32 to index
      %parallel_loop3A_981 = arith.index_cast %parallel_loop3A_884 : i32 to index
      %parallel_loop3A_982 = tpu.vector_load %arg9[%parallel_loop3A_980, %parallel_loop3A_981] {strides = array<i32>} : memref<16x2048xf32, #tpu.memory_space<vmem>>, vector<16xf32>,
      tpu.vector_store %arg9[%parallel_loop3A_980, %parallel_loop3A_981], %parallel_loop3A_918 {strides = array<i32>} : memref<16x2048xf32, #tpu.memory_space<vmem>>, vector<16xf32>,
    } {sc.loop_unroll_factor = 2 : i64, sc.parallel_access}
    %add3A_856 = arith.constant 112 : i32
    %add3A_857 = arith.addi %mul3A_32, %add3A_856 : i32
    %dma_start3A_858 = arith.constant 0 : i32
    %dma_start3A_859 = tpu.memref_slice %arg4[%select_n3A, %add3A_857, %dma_start3A_858] : memref<4x1024x2048xf32, #tpu.memory_space<hbm>> -> memref<1x16x2048xf32, #tpu.memory_space<hbm>>
    %dma_start3A_860 = tpu.memref_squeeze %dma_start3A_859 : memref<1x16x2048xf32, #tpu.memory_space<hbm>> -> memref<16x2048xf32, #tpu.memory_space<hbm>>
    %dma_start3A_861 = arith.constant 0 : i32
    %dma_start3A_862 = tpu.memref_slice %arg4[%select_n3A, %add3A_857, %dma_start3A_861] : memref<4x1024x2048xf32, #tpu.memory_space<hbm>> -> memref<1x16x2048xf32, #tpu.memory_space<hbm>>
    %dma_start3A_863 = tpu.memref_squeeze %dma_start3A_862 : memref<1x16x2048xf32, #tpu.memory_space<hbm>> -> memref<16x2048xf32, #tpu.memory_space<hbm>>
    tpu.enqueue_dma source(%arg9 : memref<16x2048xf32, #tpu.memory_space<vmem>>) target(%dma_start3A_863 : memref<16x2048xf32, #tpu.memory_space<hbm>>) target_semaphore(%arg12 : memref<!tpu.dma_semaphore, #tpu.memory_space<semaphore_mem>>)
    %dma_wait3A_864 = arith.constant 0 : i32
    %dma_wait3A_865 = tpu.memref_slice %arg4[%select_n3A, %add3A_809, %dma_wait3A_864] : memref<4x1024x2048xf32, #tpu.memory_space<hbm>> -> memref<1x16x2048xf32, #tpu.memory_space<hbm>>
    %dma_wait3A_866 = tpu.memref_squeeze %dma_wait3A_865 : memref<1x16x2048xf32, #tpu.memory_space<hbm>> -> memref<16x2048xf32, #tpu.memory_space<hbm>>
    %dma_wait3A_867 = arith.constant 0 : i32
    %dma_wait3A_868 = tpu.memref_slice %arg4[%select_n3A, %add3A_809, %dma_wait3A_867] : memref<4x1024x2048xf32, #tpu.memory_space<hbm>> -> memref<1x16x2048xf32, #tpu.memory_space<hbm>>
    %dma_wait3A_869 = tpu.memref_squeeze %dma_wait3A_868 : memref<1x16x2048xf32, #tpu.memory_space<hbm>> -> memref<16x2048xf32, #tpu.memory_space<hbm>>
    tpu.wait_dma2 semaphore(%arg11 : memref<!tpu.dma_semaphore, #tpu.memory_space<semaphore_mem>>) src(%arg8 : memref<16x2048xf32, #tpu.memory_space<vmem>>) dst(%dma_wait3A_869 : memref<16x2048xf32, #tpu.memory_space<hbm>>)
    %dma_wait3A_870 = arith.constant 0 : i32
    %dma_wait3A_871 = tpu.memref_slice %arg4[%select_n3A, %add3A_857, %dma_wait3A_870] : memref<4x1024x2048xf32, #tpu.memory_space<hbm>> -> memref<1x16x2048xf32, #tpu.memory_space<hbm>>
    %dma_wait3A_872 = tpu.memref_squeeze %dma_wait3A_871 : memref<1x16x2048xf32, #tpu.memory_space<hbm>> -> memref<16x2048xf32, #tpu.memory_space<hbm>>
    %dma_wait3A_873 = arith.constant 0 : i32
    %dma_wait3A_874 = tpu.memref_slice %arg4[%select_n3A, %add3A_857, %dma_wait3A_873] : memref<4x1024x2048xf32, #tpu.memory_space<hbm>> -> memref<1x16x2048xf32, #tpu.memory_space<hbm>>
    %dma_wait3A_875 = tpu.memref_squeeze %dma_wait3A_874 : memref<1x16x2048xf32, #tpu.memory_space<hbm>> -> memref<16x2048xf32, #tpu.memory_space<hbm>>
    tpu.wait_dma2 semaphore(%arg12 : memref<!tpu.dma_semaphore, #tpu.memory_space<semaphore_mem>>) src(%arg9 : memref<16x2048xf32, #tpu.memory_space<vmem>>) dst(%dma_wait3A_875 : memref<16x2048xf32, #tpu.memory_space<hbm>>)
    return
  }
}

</mosaic_0001>

<sc_bundles>
// kernel: kernel.3.cloned.1.call-start
scs
__scs_entry_jumppad:
0x0: {  	(pc) =	sbr.rel $0x88, $3  }
0x1: {  	(tag) =	ssettag $0x0;
	lr =	simm.s32 $0x1  }
0x2: {  	[smem:$0x3F9F] =	sst lr;
	_ =	strace $0xD0000000  }
0x3: {  	_ = 	snop  }
0x4: {  	_ = 	snop  }
0x5: {  	_ = 	snop  }
0x6: {  	_ = 	snop  }
0x7: {  	_ = 	snop  }
__scs_overlays_trampoline_lowered:
0x8: {  	[smem:$0x3FAE] =	sst s0  }
0x9: {  	[smem:$0x3FAF] =	sst s1  }
0xa: {  	[smem:$0x3FB0] =	sst s2  }
0xb: {  	[smem:$0x3FB1] =	sst s3  }
0xc: {  	[smem:$0x3FB2] =	sst s4  }
0xd: {  	[smem:$0x3FB3] =	sst s5  }
0xe: {  	[smem:$0x3FB4] =	sst s6  }
0xf: {  	[smem:$0x3FB5] =	sst s7  }
0x10: {  	[smem:$0x3FB6] =	sst s8  }
0x11: {  	[smem:$0x3FB7] =	sst s9;
	s0 =	simm.s32 @!p0 $0x0  }
0x12: {  	s1 =	sld [smem:$0x3F9D];
	s0 =	simm.s32 @p0 $0x1  }
0x13: {  	[smem:$0x3FB8] =	sst s0;
	s0 =	simm.s32 @!p1 $0x0  }
0x14: {  	s2 =	sld [smem:$0x3F9C];
	s0 =	simm.s32 @p1 $0x1  }
0x15: {  	[smem:$0x3FB9] =	sst s0;
	s0 =	simm.s32 @!p2 $0x0  }
0x16: {  	s3 =	sld [smem:$0x3FDB];
	s0 =	simm.s32 @p2 $0x1  }
0x17: {  	s4 =	simm.s32 $0x1BF5;
	[smem:$0x3FBB] =	sst s0  }
0x18: {  	s0 =	sld [smem:$0x3F9E];
	_ =	swait.ge [sflag:s4], $0x0  }
0x19: {  	s7 =	sld [smem:$0x3F9F]  }
0x1a: {  	s8 =	sadd.s32 $0xFFFFE003, lr  }
0x1b: {  	s9 =	sadd.s32 $0xFFFFFEF7, lr;
	s5 =	simm.s32 $0xFFFFFFFF;
	p2 =	slt.u32 s8, $0xFFFFF086  }
0x1c: {  	p1 =	slt.u32 s9, $0xF7A;
	s5 =	simm.s32 @!p2 $0x0  }
0x1d: {  	s5 =	simm.s32 @p1 $0x1;
	p0 =	seq.s32 s7, s2  }
0x1e: {  	s7 =	smul.u32 @!p0 $0xF7A, s2;
	p2 =	seq.s32 @!p0 s5, $0x0  }
0x1f: {  	s9 =	smul.u32 $0xF7A, s1;
	s8 =	simm.s32 @!p0 $0x1BF5;
	p2 =	por !p2, p0  }
0x20: {  	[sflag:s8] =	ssyncset.s32 @!p0 $0xFFFFF086;
	s6 =	sadd.s32 @!p0 s3, s7;
	s7 =	simm.s32 @!p0 $0x108  }
0x21: {  	s3 =	sadd.s32 s3, s9;
	s6 =	sadd.s32 @!p0 $0x88, s6;
	s7 =	simm.s32 @p2 $0x1082  }
0x22: {  	[simem:s7], [sflag:s8] =	dma.local @!p0 [hbm:s6], $0xF7A  }
0x23: {  	s9 =	sor.u32 $0xD0000000, s2;
	s6 =	simm.s32 $0x108;
	_ =	swait.ge @!p0 [sflag:s8], $0x0  }
0x24: {  	s3 =	sadd.s32 $0x88, s3;
	s6 =	simm.s32 @!p1 $0x1082;
	[sflag:s4] =	ssyncset.s32 $0xFFFFF086  }
0x25: {  	[simem:s6], [sflag:s4] =	dma.local [hbm:s3], $0xF7A  }
0x26: {  	[smem:$0x3F9F] =	sst s1;
	(tag) =	ssettag s2;
	_ =	strace s9  }
0x27: {  	s1 =	sld [smem:$0x3FAF]  }
0x28: {  	s2 =	sld [smem:$0x3FB0]  }
0x29: {  	s4 =	sld [smem:$0x3FB2]  }
0x2a: {  	p0 =	seq.s32 s5, $0x0;
	s5 =	sld [smem:$0x3FB3]  }
0x2b: {  	s6 =	sld [smem:$0x3FB4]  }
0x2c: {  	s7 =	sld [smem:$0x3FB5]  }
0x2d: {  	s3 =	simm.s32 $0x108;
	s8 =	sld [smem:$0x3FB6]  }
0x2e: {  	s3 =	simm.s32 @!p0 $0x1082;
	s9 =	sld [smem:$0x3FB7]  }
0x2f: {  	lr =	sadd.s32 s0, s3;
	s0 =	sld [smem:$0x3FAE]  }
0x30: {  	s3 =	sld [smem:$0x3FB1]  }
0x31: {  	[smem:$0x3FBA] =	sst s10  }
0x32: {  	s10 =	sld [smem:$0x3FB8];
	_ =	sdelay $0x3  }
0x33: {  	p0 =	seq.s32 s10, $0x1;
	s10 =	sld [smem:$0x3FBA];
	_ =	sdelay $0x3  }
0x34: {  	[smem:$0x3FBA] =	sst s10  }
0x35: {  	s10 =	sld [smem:$0x3FB9];
	_ =	sdelay $0x3  }
0x36: {  	p1 =	seq.s32 s10, $0x1;
	s10 =	sld [smem:$0x3FBA];
	_ =	sdelay $0x3  }
0x37: {  	[smem:$0x3FBA] =	sst s10  }
0x38: {  	s10 =	sld [smem:$0x3FBB]  }
0x39: {  	_ = 	snop;
	(pc) =	sbr.ind lr, $3  }
0x3a: {  	_ = 	snop  }
0x3b: {  	_ = 	snop  }
0x3c: {  	p2 =	seq.s32 s10, $0x1;
	s10 =	sld [smem:$0x3FBA]  }
0x3d: {  	_ =	shalt  }
0x3e: {  	_ =	shalt  }
0x3f: {  	_ =	shalt  }
0x40: {  	_ =	shalt  }
0x41: {  	_ =	shalt  }
0x42: {  	_ =	shalt  }
0x43: {  	_ =	shalt  }
0x44: {  	_ =	shalt  }
0x45: {  	_ =	shalt  }
0x46: {  	_ =	shalt  }
0x47: {  	_ =	shalt  }
0x48: {  	_ =	shalt  }
0x49: {  	_ =	shalt  }
0x4a: {  	_ =	shalt  }
0x4b: {  	_ =	shalt  }
0x4c: {  	_ =	shalt  }
0x4d: {  	_ =	shalt  }
0x4e: {  	_ =	shalt  }
0x4f: {  	_ =	shalt  }
0x50: {  	_ =	shalt  }
0x51: {  	_ =	shalt  }
0x52: {  	_ =	shalt  }
0x53: {  	_ =	shalt  }
0x54: {  	_ =	shalt  }
0x55: {  	_ =	shalt  }
0x56: {  	_ =	shalt  }
0x57: {  	_ =	shalt  }
0x58: {  	_ =	shalt  }
0x59: {  	_ =	shalt  }
0x5a: {  	_ =	shalt  }
0x5b: {  	_ =	shalt  }
0x5c: {  	_ =	shalt  }
0x5d: {  	_ =	shalt  }
0x5e: {  	_ =	shalt  }
0x5f: {  	_ =	shalt  }
0x60: {  	_ =	shalt  }
0x61: {  	_ =	shalt  }
0x62: {  	_ =	shalt  }
0x63: {  	_ =	shalt  }
0x64: {  	_ =	shalt  }
0x65: {  	_ =	shalt  }
0x66: {  	_ =	shalt  }
0x67: {  	_ =	shalt  }
0x68: {  	_ =	shalt  }
0x69: {  	_ =	shalt  }
0x6a: {  	_ =	shalt  }
0x6b: {  	_ =	shalt  }
0x6c: {  	_ =	shalt  }
0x6d: {  	_ =	shalt  }
0x6e: {  	_ =	shalt  }
0x6f: {  	_ =	shalt  }
0x70: {  	_ =	shalt  }
0x71: {  	_ =	shalt  }
0x72: {  	_ =	shalt  }
0x73: {  	_ =	shalt  }
0x74: {  	_ =	shalt  }
0x75: {  	_ =	shalt  }
0x76: {  	_ =	shalt  }
0x77: {  	_ =	shalt  }
0x78: {  	_ =	shalt  }
0x79: {  	_ =	shalt  }
0x7a: {  	_ =	shalt  }
0x7b: {  	_ =	shalt  }
0x7c: {  	_ =	shalt  }
0x7d: {  	_ =	shalt  }
0x7e: {  	_ =	shalt  }
0x7f: {  	_ =	shalt  }
0x80: {  	_ =	shalt  }
0x81: {  	_ =	shalt  }
0x82: {  	_ =	shalt  }
0x83: {  	_ =	shalt  }
0x84: {  	_ =	shalt  }
0x85: {  	_ =	shalt  }
0x86: {  	_ =	shalt  }
0x87: {  	_ =	shalt  }
.Lfunc_end0:
.L_simem_size_0:
called_computation_lowered:
.L_overlay_start_0:
0x88: {  	s2 =	sld [smem:$0x3FD9]  }
0x89: {  	s3 =	sld [smem:$0x3FFE];
	_ =	sdelay $0x1  }
0x8a: {  	s1 =	srdreg.scid  }
0x8b: {  	s0 =	sand.u32 $0x1, s1  }
0x8c: {  	s17 =	sshll.u32 s0, $0xA;
	s2 =	sadd.s32 s3, s2  }
0x8d: {  	s2 =	sadd.s32 s2, s17  }
0x8e: {  	[smem:$0x3FC6] =	sst s2  }
0x8f: {  	_ = 	snop  }
0x90: {  	s2 =	sld [smem:$0x3FC8]  }
0x91: {  	s18 =	sld [smem:$0x3FD0];
	(tm) =	ssettm $0x1  }
0x92: {  	s4 =	sld [smem:$0x3FFB];
	_ =	sdelay $0x3  }
0x93: {  	_ =	strace s4  }
0x94: {  	s4 =	sld [smem:$0x3FFC];
	_ =	sdelay $0x3  }
0x95: {  	_ =	strace s4  }
0x96: {  	s4 =	sld [smem:$0x3FFD];
	_ =	sdelay $0x3  }
0x97: {  	_ =	strace s4  }
0x98: {  	_ =	strace $0x8FFFFFFF  }
0x99: {  	s19 =	sld [smem:$0x3FDB];
	_ =	sdelay $0x1  }
0x9a: {  	s5 =	simm.s32 $_scs_section_size  }
0x9b: {  	s6 =	simm.s32 $_size__tile_overlayer_lowered;
	s7 =	simm.s32 $_tile_overlayer_lowered  }
0x9c: {  	s22 =	simm.s32 $0x1BFF;
	s21 =	sshll.u32 s7, $0x1;
	s4 =	sadd.s32 s5, s19  }
0x9d: {  	s8 =	simm.s32 $0x0;
	s20 =	sshll.u32 s6, $0x1;
	s6 =	sadd.s32 s21, s4  }
0x9e: {  	[timem:s8], [sflag:s22] =	dma.local [hbm:s6], s20  }
0x9f: {  	_ =	swait.ge [sflag:s22], s20  }
0xa0: {  	s5 =	ssub.s32 $0x0, s20;
	[sflag:s22] =	ssyncset.done $0x0  }
0xa1: {  	[sflag:s22] =	ssyncadd.s32 s5;
	_ =	sdelay $0x1  }
0xa2: {  	s23 =	simm.s32 $0x1B8B  }
0xa3: {  	_ =	swait.ge [sflag:s23], $0x1  }
0xa4: {  	[sflag:s23] =	ssyncset.done $0x0  }
0xa5: {  	s25 =	simm.s32 $0x1B8E;
	s24 =	sld [smem:$0x3FFE];
	[sflag:s23] =	ssyncadd.s32 $0xFFFFFFFF  }
0xa6: {  	s26 =	simm.s32 $execute0_lowered;
	[smem:$0x3FD2] =	sst s25  }
0xa7: {  	s6 =	sshll.u32 s26, $0x1;
	_ =	strace $0x80000046;
	[dreg:$0x1] =	wrdreg $0xFFFFFFFF  }
0xa8: {  	s28 =	simm.s32 $_size_execute0_lowered;
	s4 =	sadd.s32 s4, s6;
	[dreg:$0x0] =	wrdreg $0x0  }
0xa9: {  	s6 =	sshll.u32 s28, $0x1;
	[dreg:$0x2] =	wrdreg s4  }
0xaa: {  	[dreg:$0x3] =	wrdreg s6  }
0xab: {  	[dreg:$0x4] =	wrdreg $0xC0  }
0xac: {  	_ =	task [dreg:s8], $0x5FFFF  }
0xad: {  	[dreg:$0x1] =	wrdreg $0xFFFFFFFF  }
0xae: {  	[dreg:$0x0] =	wrdreg $0x60  }
0xaf: {  	[dreg:$0x2] =	wrdreg s24  }
0xb0: {  	[dreg:$0x3] =	wrdreg s2  }
0xb1: {  	[dreg:$0x4] =	wrdreg s18  }
0xb2: {  	[dreg:$0x5] =	wrdreg $0x9  }
0xb3: {  	_ =	task.clear_ibuf [dreg:s8], $0x6FFFF;
	_ =	strace $0x90000046  }
0xb4: {  	s29 =	simm.s32 $0x9;
	_ =	strace $0x80000048  }
0xb5: {  	_ =	swait.ge [sflag:s29], $0x1  }
0xb6: {  	[sflag:s29] =	ssyncadd.s32 $0xFFFFFFFF  }
0xb7: {  	_ =	strace $0x90000048  }
0xb8: {  	_ =	sfence  }
0xb9: {  	s30 =	sld [smem:$0x0];
	_ =	sdelay $0x2  }
0xba: {  	s31 =	sshll.u32 s1, $0xD;
	s1 =	sshrl.u32 s1, $0x2  }
0xbb: {  	s3 =	sand.u32 $0x4000, s31;
	s1 =	sadd.s32 s1, s30  }
0xbc: {  	s0 =	sor.u32 s3, s0;
	s1 =	sshll.u32 s1, $0x11  }
0xbd: {  	s0 =	sor.u32 s1, s0  }
0xbe: {  	s0 =	sadd.s32 $0x8F2B, s0  }
0xbf: {  	[sflag:s0] =	ssyncadd.remote.s32 $0x1  }
0xc0: {  	_ =	sfence.sel $0xFFFF  }
0xc1: {  	[dreg:$0x0] =	wrdreg $0xFFFFFFFF;
	(pc) =	sbr.abs _section_cstart, $3  }
0xc2: {  	[dreg:$0x1] =	wrdreg $0xFFFFFFFF  }
0xc3: {  	_ =	task.clear_ibuf [dreg:s8], $0x2FFFF;
	_ =	strace $0x9FFFFFFF  }
0xc4: {  	(tm) =	ssettm $0x7FFFFFFF  }
0xc5: {  	_ =	shalt  }
tec
execute0_lowered:
.L_overlay_start_1:
0x0: {  	(tag) =	ssettag $0x1  }
0x1: {  	s0 =	rddreg [dreg:$0x0]  }
0x2: {  	s7 =	rddreg [dreg:$0x1]  }
0x3: {  	s1 =	rddreg [dreg:$0x2];
	s3 =	simm.s32 $0x0  }
0x4: {  	[smem:$0x7FF] =	sst s3;
	s0 =	sadd.s32 $0x400, s0  }
0x5: {  	s29 =	sadd.s32 $0x10, s7;
	_ =	strace $0x80000047;
	[dreg:$0x4] =	wrdreg s0  }
0x6: {  	s9 =	sadd.s32 $0x40, s7;
	[dreg:$0x5] =	wrdreg s29  }
0x7: {  	s11 =	sadd.s32 $0x50, s7;
	[dreg:$0x8] =	wrdreg s9  }
0x8: {  	s12 =	sadd.s32 $0x60, s7;
	[dreg:$0x9] =	wrdreg s11  }
0x9: {  	s13 =	sadd.s32 $0x70, s7;
	[dreg:$0xa] =	wrdreg s12  }
0xa: {  	s14 =	sadd.s32 $0x400, s7;
	[dreg:$0xb] =	wrdreg s13  }
0xb: {  	s15 =	sadd.s32 $0x410, s7;
	[dreg:$0xc] =	wrdreg s14  }
0xc: {  	s16 =	sadd.s32 $0x420, s7;
	[dreg:$0xd] =	wrdreg s15  }
0xd: {  	s17 =	sadd.s32 $0x430, s7;
	[dreg:$0xe] =	wrdreg s16  }
0xe: {  	s18 =	sadd.s32 $0x440, s7;
	[dreg:$0xf] =	wrdreg s17  }
0xf: {  	s19 =	sadd.s32 $0x450, s7;
	[dreg:$0x10] =	wrdreg s18  }
0x10: {  	s20 =	sadd.s32 $0x460, s7;
	[dreg:$0x11] =	wrdreg s19  }
0x11: {  	s22 =	sadd.s32 $0x470, s7;
	[dreg:$0x12] =	wrdreg s20  }
0x12: {  	s2 =	srdreg.scid;
	s23 =	sadd.s32 $0x800, s7;
	[dreg:$0x13] =	wrdreg s22  }
0x13: {  	s8 =	stileid.u32;
	s24 =	sadd.s32 $0x810, s7;
	[dreg:$0x14] =	wrdreg s23  }
0x14: {  	s2 =	sand.u32 $0x1, s2;
	s25 =	sadd.s32 $0x820, s7;
	[dreg:$0x15] =	wrdreg s24  }
0x15: {  	s5 =	sshll.u32 s8, $0x1;
	s26 =	sadd.s32 $0x830, s7;
	[dreg:$0x17] =	wrdreg s25  }
0x16: {  	s4 =	ssub.s32 $0x2, s2;
	s5 =	sand.u32 $0x6, s5;
	[dreg:$0x18] =	wrdreg s26  }
0x17: {  	s9 =	simm.s32 $0x1;
	s11 =	simm.s32 $0x10800;
	s12 =	simm.s32 $0x0  }
0x18: {  	s6 =	sshrl.u32 s4, $0x1;
	s2 =	sor.u32 s2, s5;
	s5 =	sshrl.u32 s8, $0x2  }
0x19: {  	s8 =	sadd.s32 $0x30, s7;
	s28 =	ssub.s32 s4, s6;
	s10 =	sshll.u32 s2, $0x7  }
0x1a: {  	s6 =	sadd.s32 $0x20, s7;
	[dreg:$0x7] =	wrdreg s8;
	s21 =	sshll.u32 s5, $0x12  }
0x1b: {  	s2 =	sshll.u32 s2, $0xF;
	s4 =	simm.s32 $0x80;
	s7 =	simm.s32 $0x2000  }
0x1c: {  	s8 =	simm.s32 $0x2;
	[dreg:$0x6] =	wrdreg s6;
	s2 =	sor.u32 s21, s2  }
.Ltmp0:
0x1d: {  	s0 =	smax.u32 s28, $0x1;
	s6 =	simm.s32 $0x400;
	(pc) =	sbr.rel .LBB2_1-.Ltmp0, $4  }
0x1e: {  	v0 =	vmov s10;
	s10 =	simm.s32 $0x8800;
	s22 =	sadd.s32 s1, s2;
	[dreg:$0x16] =	wrdreg s0  }
0x1f: {  	s28 =	sadd.s32 $0x1000, s22;
	s29 =	sadd.s32 $0x2000, s22;
	s30 =	sadd.s32 $0x3000, s22  }
0x20: {  	v2 =	vlaneseq.u32;
	s31 =	sadd.s32 $0x4000, s22;
	s0 =	sadd.s32 $0x5000, s22;
	[dreg:$0x19] =	wrdreg s28  }
0x21: {  	v1 =	vimm.f32 $0.0e+00;
	v2 =	vmul.u32 $0x4, v2;
	s2 =	sadd.s32 $0x6000, s22;
	s1 =	sadd.s32 $0x7000, s22;
	[dreg:$0x1a] =	wrdreg s29  }
.LBB2_66:
0x22: {  	[hbm4b:s1+s3] =	stream.linear.scatter [tilespmem:s11], [sflag:$0x2], $0x8000, $0x38;
	[tilespmem:$0x18800] =	vst v63  }
0x23: {  	_ =	swait.ge [sflag:s9], $0x8000  }
0x24: {  	[sflag:s9] =	ssyncset.done $0x0  }
0x25: {  	[sflag:s9] =	ssyncadd.s32 $0xFFFF8000  }
0x26: {  	_ =	swait.ge [sflag:s8], $0x8000  }
0x27: {  	s12 =	sadd.s32 $0x1, s12;
	s13 =	rddreg [dreg:$0x16]  }
0x28: {  	p0 =	sne.s32 s12, s13  }
.Ltmp1:
0x29: {  	_ = 	snop;
	(pc) =	sbr.rel @!p0 .LBB2_67-.Ltmp1, $3  }
0x2a: {  	_ =	sdelay $0x1  }
0x2b: {  	[sflag:s8] =	ssyncset.done $0x0  }
0x2c: {  	[sflag:s8] =	ssyncadd.s32 $0xFFFF8000  }
.LBB2_1:
0x2d: {  	s13 =	rddreg [dreg:$0x1]  }
0x2e: {  	s15 =	rddreg [dreg:$0x5]  }
0x2f: {  	s16 =	rddreg [dreg:$0x6]  }
0x30: {  	[tilespmem:s7], [sflag:$0x1] =	stream.strided.gather [hbm4b:s13+s4], $0x400, s6, s4, $0x38;
	[tilespmem:$0x18800] =	vst v63  }
0x31: {  	s14 =	simm.s32 $0x2400;
	s18 =	rddreg [dreg:$0x7]  }
0x32: {  	[tilespmem:s14], [sflag:$0x1] =	stream.strided.gather [hbm4b:s15+s4], $0x400, s6, s4, $0x38;
	[tilespmem:$0x18800] =	vst v63  }
0x33: {  	s17 =	simm.s32 $0x2800;
	s20 =	rddreg [dreg:$0x8]  }
0x34: {  	[tilespmem:s17], [sflag:$0x1] =	stream.strided.gather [hbm4b:s16+s4], $0x400, s6, s4, $0x38;
	[tilespmem:$0x18800] =	vst v63  }
0x35: {  	s19 =	simm.s32 $0x2C00;
	s23 =	rddreg [dreg:$0x9]  }
0x36: {  	[tilespmem:s19], [sflag:$0x1] =	stream.strided.gather [hbm4b:s18+s4], $0x400, s6, s4, $0x38;
	[tilespmem:$0x18800] =	vst v63  }
0x37: {  	s21 =	simm.s32 $0x3000;
	s25 =	rddreg [dreg:$0xa]  }
0x38: {  	[tilespmem:s21], [sflag:$0x1] =	stream.strided.gather [hbm4b:s20+s4], $0x400, s6, s4, $0x38;
	[tilespmem:$0x18800] =	vst v63  }
0x39: {  	s24 =	simm.s32 $0x3400;
	s28 =	rddreg [dreg:$0xb]  }
0x3a: {  	[tilespmem:s24], [sflag:$0x1] =	stream.strided.gather [hbm4b:s23+s4], $0x400, s6, s4, $0x38;
	[tilespmem:$0x18800] =	vst v63  }
0x3b: {  	s26 =	simm.s32 $0x3800;
	s14 =	rddreg [dreg:$0xc]  }
0x3c: {  	[tilespmem:s26], [sflag:$0x1] =	stream.strided.gather [hbm4b:s25+s4], $0x400, s6, s4, $0x38;
	[tilespmem:$0x18800] =	vst v63  }
0x3d: {  	s29 =	simm.s32 $0x3C00;
	s16 =	rddreg [dreg:$0xd]  }
0x3e: {  	[tilespmem:s29], [sflag:$0x1] =	stream.strided.gather [hbm4b:s28+s4], $0x400, s6, s4, $0x38;
	[tilespmem:$0x18800] =	vst v63  }
0x3f: {  	s15 =	simm.s32 $0x4000;
	s18 =	rddreg [dreg:$0xe]  }
0x40: {  	[tilespmem:s15], [sflag:$0x1] =	stream.strided.gather [hbm4b:s14+s4], $0x400, s6, s4, $0x38;
	[tilespmem:$0x18800] =	vst v63  }
0x41: {  	s17 =	simm.s32 $0x4400;
	s20 =	rddreg [dreg:$0xf]  }
0x42: {  	[tilespmem:s17], [sflag:$0x1] =	stream.strided.gather [hbm4b:s16+s4], $0x400, s6, s4, $0x38;
	[tilespmem:$0x18800] =	vst v63  }
0x43: {  	s19 =	simm.s32 $0x4800;
	s23 =	rddreg [dreg:$0x10]  }
0x44: {  	[tilespmem:s19], [sflag:$0x1] =	stream.strided.gather [hbm4b:s18+s4], $0x400, s6, s4, $0x38;
	[tilespmem:$0x18800] =	vst v63  }
0x45: {  	s21 =	simm.s32 $0x4C00;
	s25 =	rddreg [dreg:$0x11]  }
0x46: {  	[tilespmem:s21], [sflag:$0x1] =	stream.strided.gather [hbm4b:s20+s4], $0x400, s6, s4, $0x38;
	[tilespmem:$0x18800] =	vst v63  }
0x47: {  	s24 =	simm.s32 $0x5000;
	s28 =	rddreg [dreg:$0x12]  }
0x48: {  	[tilespmem:s24], [sflag:$0x1] =	stream.strided.gather [hbm4b:s23+s4], $0x400, s6, s4, $0x38;
	[tilespmem:$0x18800] =	vst v63  }
0x49: {  	s26 =	simm.s32 $0x5400;
	s29 =	simm.s32 $0x5800;
	s14 =	rddreg [dreg:$0x13]  }
0x4a: {  	[tilespmem:s26], [sflag:$0x1] =	stream.strided.gather [hbm4b:s25+s4], $0x400, s6, s4, $0x38;
	[tilespmem:$0x18800] =	vst v63  }
0x4b: {  	s15 =	simm.s32 $0x5C00;
	s16 =	rddreg [dreg:$0x14];
	s17 =	simm.s32 $0x6000  }
0x4c: {  	[tilespmem:s29], [sflag:$0x1] =	stream.strided.gather [hbm4b:s28+s4], $0x400, s6, s4, $0x38;
	[tilespmem:$0x18800] =	vst v63  }
0x4d: {  	s18 =	rddreg [dreg:$0x15];
	s26 =	simm.s32 $0x0;
	s28 =	simm.s32 $0x0  }
0x4e: {  	[tilespmem:s15], [sflag:$0x1] =	stream.strided.gather [hbm4b:s14+s4], $0x400, s6, s4, $0x38;
	[tilespmem:$0x18800] =	vst v63  }
0x4f: {  	s13 =	sand.u32 $0xFFFF0000, s26;
	s15 =	simm.s32 $0x0;
	s14 =	sand.u32 $0xE00, s28  }
0x50: {  	[tilespmem:s17], [sflag:$0x1] =	stream.strided.gather [hbm4b:s16+s4], $0x400, s6, s4, $0x38;
	[tilespmem:$0x18800] =	vst v63  }
0x51: {  	s19 =	simm.s32 $0x6400;
	s13 =	sor.u32 s14, s13;
	s29 =	sand.u32 $0xFFFF0000, s15  }
0x52: {  	[tilespmem:s19], [sflag:$0x1] =	stream.strided.gather [hbm4b:s18+s4], $0x400, s6, s4, $0x38;
	[tilespmem:$0x18800] =	vst v63  }
0x53: {  	s20 =	rddreg [dreg:$0x17];
	s21 =	simm.s32 $0x6800;
	s13 =	ssub.s32 s13, s29  }
0x54: {  	[tilespmem:s21], [sflag:$0x1] =	stream.strided.gather [hbm4b:s20+s4], $0x400, s6, s4, $0x38;
	[tilespmem:$0x18800] =	vst v63  }
0x55: {  	s23 =	rddreg [dreg:$0x18];
	s24 =	simm.s32 $0x6C00;
	s13 =	sshra.s32 s13, $0x2  }
0x56: {  	[tilespmem:s24], [sflag:$0x1] =	stream.strided.gather [hbm4b:s23+s4], $0x400, s6, s4, $0x38;
	[tilespmem:$0x18800] =	vst v63  }
0x57: {  	s25 =	rddreg [dreg:$0x4];
	s15 =	simm.s32 $0x8840;
	s14 =	sadd.s32 $0x8840, s13  }
0x58: {  	[tilespmem:s3], [sflag:$0x2] =	stream.linear.gather [hbm4b:s25+s3], $0x2000, $0x38;
	[tilespmem:$0x18800] =	vst v63  }
0x59: {  	s16 =	simm.s32 $0x0;
	s17 =	simm.s32 $0x8;
	s13 =	simm.s32 $0x10840;
	[tilespmem:s14+$0x30] =	vst v1  }
.LBB2_2:
0x5a: {  	s18 =	sshll.u32 s17, $0x9;
	[tilespmem:s14+$0xFFFFFFC0] =	vst v1  }
0x5b: {  	s19 =	sshll.u32 s17, $0x6;
	s20 =	sshll.u32 s17, $0x2;
	s16 =	sadd.s32 $0x8, s16;
	[tilespmem:s14+$0xFFFFFFD0] =	vst v1  }
0x5c: {  	s19 =	sand.u32 $0xFFFF0000, s19;
	s20 =	sand.u32 $0xE00, s20;
	p0 =	slt.u32 s16, $0x7F8;
	[tilespmem:s14+$0xFFFFFFE0] =	vst v1  }
.Ltmp2:
0x5d: {  	s18 =	sand.u32 $0xFFFF0000, s18;
	s19 =	sor.u32 s20, s19;
	[tilespmem:s14+$0xFFFFFFF0] =	vst v1;
	(pc) =	sbr.rel @p0 .LBB2_2-.Ltmp2, $4  }
0x5e: {  	s18 =	ssub.s32 s19, s18;
	[tilespmem:s14+$0x0] =	vst v1  }
0x5f: {  	s15 =	sadd.s32 $0x400, s15;
	s18 =	sshra.s32 s18, $0x2;
	[tilespmem:s14+$0x10] =	vst v1  }
0x60: {  	[tilespmem:s14+$0x20] =	vst v1;
	s14 =	sadd.s32 s18, s15  }
0x61: {  	s17 =	sadd.s32 $0x8, s17;
	[tilespmem:s14+$0x30] =	vst v1  }
0x62: {  	[tilespmem:s14+$0xFFFFFFC0] =	vst v1  }
0x63: {  	[tilespmem:s14+$0xFFFFFFD0] =	vst v1;
	s15 =	simm.s32 $0x0;
	s16 =	simm.s32 $0x0  }
0x64: {  	[tilespmem:s14+$0xFFFFFFE0] =	vst v1;
	s17 =	simm.s32 $0x0;
	s15 =	sand.u32 $0xFFFF0000, s15;
	s16 =	sand.u32 $0xE00, s16  }
0x65: {  	[tilespmem:s14+$0xFFFFFFF0] =	vst v1;
	s29 =	sand.u32 $0xFFFF0000, s17;
	s15 =	sor.u32 s16, s15  }
0x66: {  	[tilespmem:s14+$0x0] =	vst v1;
	s15 =	ssub.s32 s15, s29  }
0x67: {  	[tilespmem:s14+$0x10] =	vst v1;
	s15 =	sshra.s32 s15, $0x2  }
0x68: {  	[tilespmem:s14+$0x20] =	vst v1;
	s14 =	sadd.s32 $0x10840, s15  }
0x69: {  	s16 =	simm.s32 $0x8;
	s15 =	simm.s32 $0x0;
	[tilespmem:s14+$0x30] =	vst v1  }
.LBB2_4:
0x6a: {  	s17 =	sshll.u32 s16, $0x9;
	[tilespmem:s14+$0xFFFFFFC0] =	vst v1  }
0x6b: {  	s18 =	sshll.u32 s16, $0x6;
	s19 =	sshll.u32 s16, $0x2;
	s15 =	sadd.s32 $0x8, s15;
	[tilespmem:s14+$0xFFFFFFD0] =	vst v1  }
0x6c: {  	s18 =	sand.u32 $0xFFFF0000, s18;
	s19 =	sand.u32 $0xE00, s19;
	p0 =	slt.u32 s15, $0x7F8;
	[tilespmem:s14+$0xFFFFFFE0] =	vst v1  }
.Ltmp3:
0x6d: {  	s17 =	sand.u32 $0xFFFF0000, s17;
	s18 =	sor.u32 s19, s18;
	[tilespmem:s14+$0xFFFFFFF0] =	vst v1;
	(pc) =	sbr.rel @p0 .LBB2_4-.Ltmp3, $4  }
0x6e: {  	s17 =	ssub.s32 s18, s17;
	[tilespmem:s14+$0x0] =	vst v1  }
0x6f: {  	s13 =	sadd.s32 $0x400, s13;
	s17 =	sshra.s32 s17, $0x2;
	[tilespmem:s14+$0x10] =	vst v1  }
0x70: {  	[tilespmem:s14+$0x20] =	vst v1;
	s14 =	sadd.s32 s17, s13  }
0x71: {  	s16 =	sadd.s32 $0x8, s16;
	[tilespmem:s14+$0x30] =	vst v1  }
0x72: {  	[tilespmem:s14+$0xFFFFFFC0] =	vst v1  }
0x73: {  	[tilespmem:s14+$0xFFFFFFD0] =	vst v1  }
0x74: {  	[tilespmem:s14+$0xFFFFFFE0] =	vst v1  }
0x75: {  	[tilespmem:s14+$0xFFFFFFF0] =	vst v1  }
0x76: {  	[tilespmem:s14+$0x0] =	vst v1  }
0x77: {  	[tilespmem:s14+$0x10] =	vst v1;
	v3 =	vor.u32 s5, v2  }
0x78: {  	[tilespmem:s14+$0x20] =	vst v1  }
0x79: {  	_ =	swait.ge [sflag:s8], $0x2000  }
0x7a: {  	[sflag:s8] =	ssyncset.done $0x0  }
0x7b: {  	[sflag:s8] =	ssyncadd.s32 $0xFFFFE000  }
0x7c: {  	v3 =	vld.idx.msk [tilespmem:v3+s3+$0x0], $0xffff;
	_ =	sdelay $0x4  }
0x7d: {  	v4 =	vxor.u32 $0x80000000, v3  }
0x7e: {  	(xrf0) =	vmin.scan.msk.u32 $0xffff, v4;
	_ =	sdelay $0x5  }
0x7f: {  	s16 =	sadd.s32 $0x40, s5;
	v4, _, _ =	vpop (xrf0)  }
0x80: {  	vm0 =	vlt.s32 v3, $0x14;
	(v2sf) =	vpush v4, $0xF;
	v4 =	vor.u32 s16, v2  }
0x81: {  	v3 =	vnsel vm0, $0x14, v3  }
0x82: {  	v3 =	vshll.u32 v3, $0xA  }
0x83: {  	s13 =	simm.s32 $0x0;
	v3 =	vor.u32 v0, v3  }
0x84: {  	[tilespmem:s13+$0x8000] =	vst v3  }
0x85: {  	v3 =	vld.idx.msk [tilespmem:v4+s3+$0x0], $0xffff;
	_ =	sdelay $0x4  }
0x86: {  	v4 =	vxor.u32 $0x80000000, v3  }
0x87: {  	(xrf0) =	vmin.scan.msk.u32 $0xffff, v4;
	_ =	sdelay $0x2  }
0x88: {  	s14 =	simm.s32 $0x1  }
0x89: {  	s15 =	simm.s32 $0x2;
	s18 =	simm.s32 $0x1;
	vm15 =	vlt.s32 v3, $0x14;
	s17 =	spop (v2sf)  }
0x8a: {  	s13 =	simm.s32 $0x0;
	s16 =	sadd.s32 $0x40, s16;
	v3 =	vnsel vm15, $0x14, v3;
	p0 =	slt.u32 s17, $0x80000014  }
0x8b: {  	[smem:s13] =	sst s13;
	v4 =	vor.u32 s16, v2;
	v3 =	vshll.u32 v3, $0xA;
	s17 =	simm.s32 $0x3;
	v5, _, _ =	vpop (xrf0);
	s18 =	simm.s32 @!p0 $0x0  }
.LBB2_6:
0x8c: {  	p0 =	sne.s32 s17, $0x7F  }
0x8d: {  	(v2sf) =	vpush v5, $0xF;
	s13 =	sadd.s32 s18, s13;
	s18 =	smov.u32 s17;
	s17 =	sadd.s32 $0x1, s17  }
0x8e: {  	s19 =	sshll.u32 s13, $0x6;
	[smem:s13] =	sst s14;
	s14 =	smov.u32 s15  }
0x8f: {  	v3 =	vor.u32 v0, v3;
	s15 =	smov.u32 s18;
	s19 =	sshra.s32 s19, $0x2  }
0x90: {  	[tilespmem:s19+$0x8000] =	vst v3  }
0x91: {  	v3 =	vld.idx.msk [tilespmem:v4+s3+$0x0], $0xffff;
	_ =	sdelay $0x5  }
0x92: {  	vm0 =	vlt.s32 v3, $0x14;
	v4 =	vxor.u32 $0x80000000, v3  }
0x93: {  	v3 =	vnsel vm0, $0x14, v3;
	(xrf0) =	vmin.scan.msk.u32 $0xffff, v4  }
0x94: {  	v3 =	vshll.u32 v3, $0xA  }
.Ltmp4:
0x95: {  	(pc) =	sbr.rel @p0 .LBB2_6-.Ltmp4, $4  }
0x96: {  	_ = 	snop  }
0x97: {  	s18 =	spop (v2sf)  }
0x98: {  	s16 =	sadd.s32 $0x40, s16;
	p1 =	slt.u32 s18, $0x80000014;
	s18 =	simm.s32 $0x1  }
0x99: {  	v4 =	vor.u32 s16, v2;
	v5, _, _ =	vpop (xrf0);
	s18 =	simm.s32 @!p1 $0x0  }
0x9a: {  	s16 =	sadd.s32 s18, s13  }
0x9b: {  	s13 =	sshll.u32 s16, $0x6  }
0x9c: {  	v3 =	vor.u32 v0, v3;
	s13 =	sshra.s32 s13, $0x2  }
0x9d: {  	[tilespmem:s13+$0x8000] =	vst v3  }
0x9e: {  	v3 =	vld.idx.msk [tilespmem:v4+s3+$0x0], $0xffff;
	_ =	sdelay $0x4  }
0x9f: {  	v4 =	vxor.u32 $0x80000000, v3  }
0xa0: {  	(xrf0) =	vmin.scan.msk.u32 $0xffff, v4  }
0xa1: {  	(v2sf) =	vpush v5, $0xF;
	_ =	sdelay $0x4  }
0xa2: {  	v4, _, _ =	vpop (xrf0)  }
0xa3: {  	(v2sf) =	vpush v4, $0xF;
	_ =	sdelay $0x8  }
0xa4: {  	s26 =	spop (v2sf)  }
0xa5: {  	s13 =	simm.s32 $0x1;
	p0 =	slt.u32 s26, $0x80000014  }
0xa6: {  	vm0 =	vlt.s32 v3, $0x14;
	s13 =	simm.s32 @!p0 $0x0  }
0xa7: {  	v3 =	vnsel vm0, $0x14, v3;
	s13 =	sadd.s32 s13, s16  }
0xa8: {  	v3 =	vshll.u32 v3, $0xA;
	s17 =	sshll.u32 s13, $0x6  }
0xa9: {  	[smem:s16] =	sst s14;
	v3 =	vor.u32 v0, v3;
	s28 =	sshra.s32 s17, $0x2  }
0xaa: {  	[smem:s13] =	sst s15;
	[tilespmem:s28+$0x8000] =	vst v3;
	s29 =	spop (v2sf)  }
0xab: {  	_ =	swait.ge [sflag:s9], $0x400  }
0xac: {  	[sflag:s9] =	ssyncset.done $0x0  }
0xad: {  	[sflag:s9] =	ssyncadd.s32 $0xFFFFFC00  }
0xae: {  	_ =	swait.ge [sflag:s9], $0x400  }
0xaf: {  	[sflag:s9] =	ssyncset.done $0x0  }
0xb0: {  	[sflag:s9] =	ssyncadd.s32 $0xFFFFFC00  }
0xb1: {  	_ =	swait.ge [sflag:s9], $0x400  }
0xb2: {  	[sflag:s9] =	ssyncset.done $0x0  }
0xb3: {  	[sflag:s9] =	ssyncadd.s32 $0xFFFFFC00  }
0xb4: {  	_ =	swait.ge [sflag:s9], $0x400  }
0xb5: {  	[sflag:s9] =	ssyncset.done $0x0  }
0xb6: {  	[sflag:s9] =	ssyncadd.s32 $0xFFFFFC00  }
0xb7: {  	_ =	swait.ge [sflag:s9], $0x400  }
0xb8: {  	[sflag:s9] =	ssyncset.done $0x0  }
0xb9: {  	[sflag:s9] =	ssyncadd.s32 $0xFFFFFC00  }
0xba: {  	_ =	swait.ge [sflag:s9], $0x400  }
0xbb: {  	[sflag:s9] =	ssyncset.done $0x0  }
0xbc: {  	[sflag:s9] =	ssyncadd.s32 $0xFFFFFC00  }
0xbd: {  	_ =	swait.ge [sflag:s9], $0x400  }
0xbe: {  	[sflag:s9] =	ssyncset.done $0x0  }
0xbf: {  	[sflag:s9] =	ssyncadd.s32 $0xFFFFFC00  }
0xc0: {  	_ =	swait.ge [sflag:s9], $0x400  }
0xc1: {  	[sflag:s9] =	ssyncset.done $0x0  }
0xc2: {  	[sflag:s9] =	ssyncadd.s32 $0xFFFFFC00  }
0xc3: {  	_ =	swait.ge [sflag:s9], $0x400  }
0xc4: {  	[sflag:s9] =	ssyncset.done $0x0  }
0xc5: {  	[sflag:s9] =	ssyncadd.s32 $0xFFFFFC00  }
0xc6: {  	_ =	swait.ge [sflag:s9], $0x400  }
0xc7: {  	[sflag:s9] =	ssyncset.done $0x0  }
0xc8: {  	[sflag:s9] =	ssyncadd.s32 $0xFFFFFC00  }
0xc9: {  	_ =	swait.ge [sflag:s9], $0x400  }
0xca: {  	[sflag:s9] =	ssyncset.done $0x0  }
0xcb: {  	[sflag:s9] =	ssyncadd.s32 $0xFFFFFC00  }
0xcc: {  	_ =	swait.ge [sflag:s9], $0x400  }
0xcd: {  	[sflag:s9] =	ssyncset.done $0x0  }
0xce: {  	[sflag:s9] =	ssyncadd.s32 $0xFFFFFC00  }
0xcf: {  	_ =	swait.ge [sflag:s9], $0x400  }
0xd0: {  	[sflag:s9] =	ssyncset.done $0x0  }
0xd1: {  	[sflag:s9] =	ssyncadd.s32 $0xFFFFFC00  }
0xd2: {  	_ =	swait.ge [sflag:s9], $0x400  }
0xd3: {  	[sflag:s9] =	ssyncset.done $0x0  }
0xd4: {  	[sflag:s9] =	ssyncadd.s32 $0xFFFFFC00  }
0xd5: {  	_ =	swait.ge [sflag:s9], $0x400  }
0xd6: {  	[sflag:s9] =	ssyncset.done $0x0  }
0xd7: {  	[sflag:s9] =	ssyncadd.s32 $0xFFFFFC00  }
0xd8: {  	_ =	swait.ge [sflag:s9], $0x400  }
0xd9: {  	[sflag:s9] =	ssyncset.done $0x0  }
0xda: {  	[sflag:s9] =	ssyncadd.s32 $0xFFFFFC00  }
0xdb: {  	_ =	swait.ge [sflag:s9], $0x400  }
0xdc: {  	[sflag:s9] =	ssyncset.done $0x0  }
0xdd: {  	[sflag:s9] =	ssyncadd.s32 $0xFFFFFC00  }
0xde: {  	_ =	swait.ge [sflag:s9], $0x400  }
0xdf: {  	[sflag:s9] =	ssyncset.done $0x0  }
0xe0: {  	[sflag:s9] =	ssyncadd.s32 $0xFFFFFC00  }
0xe1: {  	_ =	swait.ge [sflag:s9], $0x400  }
0xe2: {  	[sflag:s9] =	ssyncset.done $0x0  }
0xe3: {  	[sflag:s9] =	ssyncadd.s32 $0xFFFFFC00  }
0xe4: {  	_ =	swait.ge [sflag:s9], $0x400  }
0xe5: {  	[sflag:s9] =	ssyncset.done $0x0  }
0xe6: {  	s17 =	simm.s32 $0x2020;
	[sflag:s9] =	ssyncadd.s32 $0xFFFFFC00  }
0xe7: {  	v3 =	vld [tilespmem:s17+$0xFFFFFFE0]  }
0xe8: {  	v4 =	vld [tilespmem:s17+$0x10]  }
0xe9: {  	v5 =	vld [tilespmem:s17+$0x0];
	_ =	sdelay $0x1  }
0xea: {  	v6 =	vld [tilespmem:s17+$0xFFFFFFF0]  }
0xeb: {  	s16 =	simm.s32 $0x2060;
	v7 =	vmul.f32 $2.828427080e+00, v3  }
0xec: {  	v3 =	vld [tilespmem:s16+$0xFFFFFFE0];
	v8 =	vmul.f32 $2.828427080e+00, v4  }
0xed: {  	s14 =	simm.s32 $0x1;
	p0 =	slt.u32 s29, $0x80000014;
	v4 =	vld [tilespmem:s16+$0x10];
	v9 =	vmul.f32 $2.828427080e+00, v5;
	[tilespmem:s17+$0xFFFFFFE0] =	vst v7  }
0xee: {  	s19 =	simm.s32 $0x4;
	s14 =	simm.s32 @!p0 $0x0;
	v5 =	vld [tilespmem:s16+$0x0];
	[tilespmem:s17+$0x10] =	vst v8  }
0xef: {  	s18 =	simm.s32 $0x2060;
	s14 =	sadd.s32 s14, s13;
	s13 =	simm.s32 $0x0;
	v7 =	vmul.f32 $2.828427080e+00, v6;
	v6 =	vld [tilespmem:s16+$0xFFFFFFF0];
	[tilespmem:s17+$0x0] =	vst v9  }
.LBB2_8:
0xf0: {  	s19 =	sadd.s32 $0x4, s19  }
0xf1: {  	[tilespmem:s17+$0xFFFFFFF0] =	vst v7;
	s15 =	simm.s32 $0x7030;
	p0 =	slt.u32 s19, $0x4FC  }
.Ltmp5:
0xf2: {  	s16 =	sadd.s32 $0x40, s16;
	v7 =	vmul.f32 $2.828427080e+00, v3;
	(pc) =	sbr.rel @p0 .LBB2_8-.Ltmp5, $4  }
0xf3: {  	s17 =	smov.u32 s18;
	s18 =	smov.u32 s16;
	v3 =	vld [tilespmem:s16+$0xFFFFFFE0];
	v8 =	vmul.f32 $2.828427080e+00, v4  }
0xf4: {  	v4 =	vld [tilespmem:s16+$0x10];
	[tilespmem:s17+$0xFFFFFFE0] =	vst v7;
	v9 =	vmul.f32 $2.828427080e+00, v5  }
0xf5: {  	v5 =	vld [tilespmem:s16+$0x0];
	v7 =	vmul.f32 $2.828427080e+00, v6;
	[tilespmem:s17+$0x10] =	vst v8  }
0xf6: {  	v6 =	vld [tilespmem:s16+$0xFFFFFFF0];
	[tilespmem:s17+$0x0] =	vst v9  }
0xf7: {  	_ = 	snop  }
0xf8: {  	v3 =	vmul.f32 $2.828427080e+00, v3  }
0xf9: {  	[tilespmem:s17+$0xFFFFFFF0] =	vst v7;
	v4 =	vmul.f32 $2.828427080e+00, v4  }
0xfa: {  	[tilespmem:s18+$0xFFFFFFE0] =	vst v3;
	v3 =	vmul.f32 $2.828427080e+00, v5  }
0xfb: {  	v63 =	vmul.f32 $2.828427080e+00, v6;
	[tilespmem:s18+$0x10] =	vst v4  }
0xfc: {  	[tilespmem:s18+$0x0] =	vst v3  }
0xfd: {  	[tilespmem:s18+$0xFFFFFFF0] =	vst v63  }
0xfe: {  	[tilespmem:s15+$0x0] =	vst v1  }
0xff: {  	s16 =	simm.s32 $0x0;
	[tilespmem:s15+$0xFFFFFFF0] =	vst v1  }
0x100: {  	s17 =	sand.u32 $0x3C0, s16;
	[tilespmem:s15+$0xFFFFFFE0] =	vst v1  }
.LBB2_10:
0x101: {  	s13 =	sadd.s32 $0x4, s13  }
0x102: {  	[tilespmem:s17+$0x7000] =	vst v1;
	s15 =	sadd.s32 $0x40, s15;
	s16 =	sadd.s32 $0x40, s16;
	p0 =	slt.u32 s13, $0x3C  }
.Ltmp6:
0x103: {  	(pc) =	sbr.rel @p0 .LBB2_10-.Ltmp6, $4  }
0x104: {  	_ = 	snop  }
0x105: {  	[tilespmem:s15+$0x0] =	vst v1  }
0x106: {  	[tilespmem:s15+$0xFFFFFFF0] =	vst v1  }
0x107: {  	s17 =	sand.u32 $0x3C0, s16;
	[tilespmem:s15+$0xFFFFFFE0] =	vst v1  }
0x108: {  	s13 =	sshrl.u32 s14, $0x1F  }
0x109: {  	s13 =	sadd.s32 s13, s14  }
0x10a: {  	s13 =	sand.u32 $0xFFFFFFFE, s13  }
0x10b: {  	p0 =	slt.s32 s13, $0x1  }
.Ltmp7:
0x10c: {  	_ = 	snop;
	(pc) =	sbr.rel @p0 .LBB2_14-.Ltmp7, $2  }
0x10d: {  	_ =	sdelay $0x2  }
0x10e: {  	[tilespmem:s17+$0x7000] =	vst v1  }
0x10f: {  	s15 =	simm.s32 $0x8010  }
0x110: {  	v3 =	vld [tilespmem:s15+$0xFFFFFFF0]  }
0x111: {  	s16 =	sld [smem:$0x0];
	v5 =	vld [tilespmem:s15+$0x0];
	_ =	sdelay $0x4  }
0x112: {  	v4 =	vadd.s32 $0xF, v5  }
0x113: {  	v7 =	vadd.s32 $0xC, v5  }
0x114: {  	v8 =	vadd.s32 $0xE, v5  }
0x115: {  	v6 =	vadd.s32 $0xD, v5;
	v17 =	vld.idx.msk [tilespmem:v5+s7+$0x0], $0xffff  }
0x116: {  	v10 =	vadd.s32 $0x7, v5;
	v42 =	vld.idx.msk [tilespmem:v3+s7+$0x0], $0xffff  }
0x117: {  	v12 =	vadd.s32 $0x2, v5;
	v35 =	vld.idx.msk [tilespmem:v4+s7+$0x0], $0xffff  }
0x118: {  	v40 =	vld.idx.msk [tilespmem:v7+s7+$0x0], $0xffff;
	v7 =	vadd.s32 $0x9, v5  }
0x119: {  	v39 =	vld.idx.msk [tilespmem:v8+s7+$0x0], $0xffff;
	v8 =	vadd.s32 $0x8, v5  }
0x11a: {  	v15 =	vadd.s32 $0x4, v5;
	v37 =	vld.idx.msk [tilespmem:v6+s7+$0x0], $0xffff  }
0x11b: {  	v4 =	vadd.s32 $0xB, v5;
	v18 =	vld.idx.msk [tilespmem:v10+s7+$0x0], $0xffff  }
0x11c: {  	v6 =	vadd.s32 $0xA, v5;
	v38 =	vld.idx.msk [tilespmem:v12+s7+$0x0], $0xffff  }
0x11d: {  	v9 =	vld.idx.msk [tilespmem:v7+s7+$0x0], $0xffff;
	v7 =	vadd.s32 $0x6, v5  }
0x11e: {  	p2 =	sgt.s32 s13, $0x2;
	v31 =	vadd.s32 $0x1, v5;
	v14 =	vadd.s32 $0x1, v3;
	v33 =	vld.idx.msk [tilespmem:v8+s7+$0x0], $0xffff;
	v8 =	vadd.s32 $0xE, v3  }
.Ltmp8:
0x11f: {  	v11 =	vadd.s32 $0x2, v3;
	v13 =	vadd.s32 $0x4, v3;
	v16 =	vadd.s32 $0x5, v3;
	v44 =	vld.idx.msk [tilespmem:v15+s7+$0x0], $0xffff;
	(pc) =	sbr.rel @!p2 .LBB2_13-.Ltmp8, $4  }
0x120: {  	s29 =	sshll.u32 s16, $0x4;
	v21 =	vadd.s32 $0x6, v3;
	v29 =	vadd.s32 $0x7, v3;
	v32 =	vadd.s32 $0xA, v3;
	v4 =	vld.idx.msk [tilespmem:v4+s7+$0x0], $0xffff  }
0x121: {  	s16 =	sshll.u32 s16, $0x7;
	s18 =	sand.u32 $0x70, s29;
	v36 =	vadd.s32 $0x8, v3;
	v41 =	vadd.s32 $0x9, v3;
	v43 =	vadd.s32 $0xB, v3;
	v6 =	vld.idx.msk [tilespmem:v6+s7+$0x0], $0xffff  }
0x122: {  	s15 =	sor.u32 s18, s16;
	v45 =	vadd.s32 $0xC, v3;
	v47 =	vadd.s32 $0x3, v5;
	v48 =	vadd.s32 $0x5, v5;
	s24 =	sld [smem:$0x1];
	v46 =	vld.idx.msk [tilespmem:v7+s7+$0x0], $0xffff  }
0x123: {  	p1 =	por $0x0, $0x0;
	s20 =	sand.u32 $0xFFFFFC00, s16;
	v25 =	vadd.s32 $0xF, v3;
	v23 =	vadd.s32 $0xD, v3;
	s23 =	sor.u32 $0x380, s15;
	v10 =	vadd.s32 $0x3, v3;
	v3 =	vld.idx.msk [tilespmem:v8+s7+$0x0], $0xffff  }
0x124: {  	_ =	sdelay $0x3  }
0x125: {  	v20 =	vld.idx.msk [tilespmem:v48+s7+$0x0], $0xffff;
	s17 =	simm.s32 $0x8030  }
0x126: {  	v49 =	vld [tilespmem:s17+$0xFFFFFFF0]  }
0x127: {  	s15 =	sld [smem:$0x2];
	v22 =	vld.idx.msk [tilespmem:v47+s7+$0x0], $0xffff  }
0x128: {  	v24 =	vld.idx.msk [tilespmem:v31+s7+$0x0], $0xffff  }
0x129: {  	v62 =	vld [tilespmem:s17+$0x0]  }
0x12a: {  	v5 =	vld.idx.msk [tilespmem:v45+s7+$0x0], $0xffff  }
0x12b: {  	v7 =	vld.idx.msk [tilespmem:v43+s7+$0x0], $0xffff  }
0x12c: {  	s16 =	sshll.u32 s24, $0x4;
	s19 =	sshll.u32 s24, $0x7;
	v12 =	vld.idx.msk [tilespmem:v41+s7+$0x0], $0xffff  }
0x12d: {  	v15 =	vld.idx.msk [tilespmem:v36+s7+$0x0], $0xffff;
	s16 =	sand.u32 $0x70, s16;
	s21 =	sand.u32 $0xFFFFFC00, s19  }
0x12e: {  	v8 =	vld.idx.msk [tilespmem:v32+s7+$0x0], $0xffff;
	s21 =	sor.u32 s16, s21  }
0x12f: {  	v19 =	vld.idx.msk [tilespmem:v29+s7+$0x0], $0xffff;
	[tilespmem:s21+$0x8B00] =	vst v46  }
0x130: {  	v14 =	vld.idx.msk [tilespmem:v14+s7+$0x0], $0xffff;
	[tilespmem:s21+$0x8A00] =	vst v44  }
0x131: {  	v21 =	vld.idx.msk [tilespmem:v21+s7+$0x0], $0xffff;
	[tilespmem:s21+$0x8800] =	vst v17  }
0x132: {  	v30 =	vld.idx.msk [tilespmem:v16+s7+$0x0], $0xffff;
	[tilespmem:s21+$0x8900] =	vst v38  }
0x133: {  	v13 =	vld.idx.msk [tilespmem:v13+s7+$0x0], $0xffff;
	[tilespmem:s21+$0x8A80] =	vst v20;
	v17 =	vadd.s32 $0xF, v62  }
0x134: {  	v11 =	vld.idx.msk [tilespmem:v11+s7+$0x0], $0xffff;
	s16 =	sor.u32 s16, s19;
	v26 =	vadd.s32 $0xD, v62;
	[tilespmem:s21+$0x8980] =	vst v22  }
0x135: {  	v10 =	vld.idx.msk [tilespmem:v10+s7+$0x0], $0xffff;
	s16 =	sor.u32 $0x380, s16;
	[tilespmem:s21+$0x8880] =	vst v24  }
0x136: {  	v16 =	vadd.s32 $0xC, v62;
	v24 =	vld.idx.msk [tilespmem:v23+s7+$0x0], $0xffff;
	[tilespmem:s16+$0x8800] =	vst v18  }
0x137: {  	[tilespmem:s21+$0xC880] =	vst v9;
	v34 =	vld.idx.msk [tilespmem:v49+s7+$0x0], $0xffff  }
0x138: {  	v23 =	vadd.s32 $0x4, v62;
	[tilespmem:s21+$0xC900] =	vst v6;
	v20 =	vld.idx.msk [tilespmem:v17+s7+$0x0], $0xffff  }
0x139: {  	v18 =	vadd.s32 $0xE, v62;
	[tilespmem:s21+$0xC980] =	vst v4;
	v22 =	vld.idx.msk [tilespmem:v26+s7+$0x0], $0xffff  }
0x13a: {  	v6 =	vadd.s32 $0xB, v62;
	[tilespmem:s21+$0xCA00] =	vst v40;
	v26 =	vld.idx.msk [tilespmem:v25+s7+$0x0], $0xffff  }
0x13b: {  	v9 =	vadd.s32 $0xA, v62;
	[tilespmem:s21+$0xCA80] =	vst v37;
	v28 =	vld.idx.msk [tilespmem:v16+s7+$0x0], $0xffff  }
0x13c: {  	s16 =	sor.u32 s18, s20;
	[tilespmem:s21+$0xCB00] =	vst v39;
	v16 =	vadd.s32 $0x9, v62;
	v17 =	vld.idx.msk [tilespmem:v62+s7+$0x0], $0xffff  }
0x13d: {  	[tilespmem:s16+$0x8A00] =	vst v13;
	v13 =	vadd.s32 $0x8, v62;
	v44 =	vld.idx.msk [tilespmem:v23+s7+$0x0], $0xffff  }
0x13e: {  	[tilespmem:s16+$0x8900] =	vst v11;
	v11 =	vadd.s32 $0x7, v62;
	v27 =	vld.idx.msk [tilespmem:v18+s7+$0x0], $0xffff  }
0x13f: {  	[tilespmem:s16+$0x8B00] =	vst v21;
	v21 =	vadd.s32 $0x2, v62;
	v4 =	vld.idx.msk [tilespmem:v6+s7+$0x0], $0xffff  }
0x140: {  	[tilespmem:s21+$0xCB80] =	vst v35;
	v25 =	vadd.s32 $0x6, v62;
	v6 =	vld.idx.msk [tilespmem:v9+s7+$0x0], $0xffff  }
0x141: {  	p2 =	sgt.s32 s13, $0x4;
	v31 =	vadd.s32 $0x1, v62;
	v63 =	vadd.s32 $0xE, v49;
	v29 =	vadd.s32 $0x7, v49;
	[tilespmem:s21+$0xC800] =	vst v33;
	v9 =	vld.idx.msk [tilespmem:v16+s7+$0x0], $0xffff  }
.Ltmp9:
0x142: {  	v32 =	vadd.s32 $0xA, v49;
	v36 =	vadd.s32 $0x8, v49;
	v48 =	vadd.s32 $0x5, v62;
	[tilespmem:s16+$0x8980] =	vst v10;
	v40 =	vld.idx.msk [tilespmem:v13+s7+$0x0], $0xffff;
	(pc) =	sbr.rel @!p2 .LBB2_69-.Ltmp9, $4  }
0x143: {  	s29 =	sshll.u32 s15, $0x4;
	v41 =	vadd.s32 $0x9, v49;
	v43 =	vadd.s32 $0xB, v49;
	v45 =	vadd.s32 $0xC, v49;
	[tilespmem:s16+$0x8800] =	vst v42;
	v18 =	vld.idx.msk [tilespmem:v11+s7+$0x0], $0xffff  }
0x144: {  	p1 =	por $0x1, $0x1;
	s15 =	sshll.u32 s15, $0x7;
	v47 =	vadd.s32 $0x3, v62;
	s18 =	sand.u32 $0x70, s29;
	[tilespmem:s16+$0x8880] =	vst v14;
	v14 =	vadd.s32 $0x1, v49;
	v10 =	vadd.s32 $0x3, v49;
	v38 =	vld.idx.msk [tilespmem:v21+s7+$0x0], $0xffff  }
0x145: {  	s19 =	simm.s32 $0x4;
	s25 =	sor.u32 s18, s15;
	v23 =	vadd.s32 $0xD, v49;
	v11 =	vadd.s32 $0x2, v49;
	v13 =	vadd.s32 $0x4, v49;
	s24 =	sld [smem:$0x3];
	v46 =	vld.idx.msk [tilespmem:v25+s7+$0x0], $0xffff  }
0x146: {  	s20 =	sand.u32 $0xFFFFFC00, s15;
	s21 =	simm.s32 $0x3;
	s15 =	sor.u32 $0x380, s25;
	v16 =	vadd.s32 $0x5, v49;
	v21 =	vadd.s32 $0x6, v49;
	v25 =	vadd.s32 $0xF, v49;
	v37 =	vld.idx.msk [tilespmem:v63+s7+$0x0], $0xffff  }
.LBB2_70:
0x147: {  	s19 =	sadd.s32 $0x2, s19;
	v39 =	vld.idx.msk [tilespmem:v48+s7+$0x0], $0xffff;
	s17 =	sadd.s32 $0x20, s17;
	s21 =	sadd.s32 $0x2, s21;
	[tilespmem:s16+$0x8A80] =	vst v30;
	v33 =	vmov v40  }
0x148: {  	v35 =	vld [tilespmem:s17+$0xFFFFFFF0];
	p2 =	slt.s32 s19, s13;
	s25 =	sshll.u32 s24, $0x4;
	s26 =	sshll.u32 s24, $0x7;
	[tilespmem:s23+$0x8800] =	vst v19  }
0x149: {  	s28 =	sld [smem:s21+$0xFFFFFFFF];
	v30 =	vld.idx.msk [tilespmem:v47+s7+$0x0], $0xffff;
	s23 =	sand.u32 $0x70, s25;
	s24 =	sand.u32 $0xFFFFFC00, s26;
	[tilespmem:s16+$0xC800] =	vst v15  }
0x14a: {  	v31 =	vld.idx.msk [tilespmem:v31+s7+$0x0], $0xffff;
	s24 =	sor.u32 s23, s24;
	s25 =	sor.u32 s23, s26;
	[tilespmem:s16+$0xC880] =	vst v12;
	s23 =	smov.u32 s15  }
0x14b: {  	v40 =	vld [tilespmem:s17+$0x0];
	[tilespmem:s24+$0x8B00] =	vst v46  }
0x14c: {  	s15 =	sshll.u32 s28, $0x4;
	s26 =	sshll.u32 s28, $0x7;
	v42 =	vld.idx.msk [tilespmem:v45+s7+$0x0], $0xffff;
	[tilespmem:s24+$0x8A00] =	vst v44  }
0x14d: {  	s28 =	sand.u32 $0x70, s15;
	s29 =	sand.u32 $0xFFFFFC00, s26;
	v43 =	vld.idx.msk [tilespmem:v43+s7+$0x0], $0xffff;
	[tilespmem:s24+$0x8800] =	vst v17  }
0x14e: {  	s15 =	sor.u32 s28, s26;
	v12 =	vld.idx.msk [tilespmem:v41+s7+$0x0], $0xffff;
	[tilespmem:s24+$0x8900] =	vst v38  }
0x14f: {  	s15 =	sor.u32 $0x380, s15;
	v15 =	vld.idx.msk [tilespmem:v36+s7+$0x0], $0xffff;
	[tilespmem:s16+$0xCB80] =	vst v26  }
0x150: {  	v17 =	vld.idx.msk [tilespmem:v32+s7+$0x0], $0xffff;
	[tilespmem:s16+$0xCB00] =	vst v3;
	v3 =	vmov v37  }
0x151: {  	v19 =	vld.idx.msk [tilespmem:v29+s7+$0x0], $0xffff;
	[tilespmem:s24+$0x8980] =	vst v30  }
0x152: {  	v37 =	vld.idx.msk [tilespmem:v14+s7+$0x0], $0xffff;
	[tilespmem:s16+$0xCA80] =	vst v24  }
0x153: {  	v14 =	vadd.s32 $0xF, v40;
	v21 =	vld.idx.msk [tilespmem:v21+s7+$0x0], $0xffff;
	[tilespmem:s24+$0x8A80] =	vst v39  }
0x154: {  	v24 =	vadd.s32 $0xD, v40;
	v30 =	vld.idx.msk [tilespmem:v16+s7+$0x0], $0xffff;
	[tilespmem:s16+$0xC980] =	vst v7;
	v7 =	vmov v43  }
0x155: {  	s25 =	sor.u32 $0x380, s25;
	v16 =	vld.idx.msk [tilespmem:v13+s7+$0x0], $0xffff;
	[tilespmem:s24+$0x8880] =	vst v31  }
0x156: {  	v29 =	vld.idx.msk [tilespmem:v11+s7+$0x0], $0xffff;
	[tilespmem:s25+$0x8800] =	vst v18  }
0x157: {  	v13 =	vadd.s32 $0xC, v40;
	v18 =	vld.idx.msk [tilespmem:v10+s7+$0x0], $0xffff;
	[tilespmem:s16+$0xC900] =	vst v8;
	v8 =	vmov v17  }
0x158: {  	v17 =	vadd.s32 $0xE, v40;
	v39 =	vld.idx.msk [tilespmem:v14+s7+$0x0], $0xffff;
	[tilespmem:s16+$0xCA00] =	vst v5;
	v5 =	vmov v42  }
0x159: {  	v38 =	vld.idx.msk [tilespmem:v24+s7+$0x0], $0xffff;
	[tilespmem:s24+$0xC880] =	vst v9  }
0x15a: {  	v26 =	vld.idx.msk [tilespmem:v25+s7+$0x0], $0xffff;
	[tilespmem:s24+$0xC900] =	vst v6  }
0x15b: {  	v31 =	vadd.s32 $0x1, v40;
	v42 =	vadd.s32 $0x2, v40;
	s16 =	sor.u32 s18, s20;
	s18 =	smov.u32 s28;
	s20 =	smov.u32 s29;
	v6 =	vadd.s32 $0xB, v40;
	v24 =	vld.idx.msk [tilespmem:v23+s7+$0x0], $0xffff;
	[tilespmem:s24+$0xC980] =	vst v4  }
0x15c: {  	v11 =	vadd.s32 $0x2, v35;
	v14 =	vadd.s32 $0x1, v35;
	v9 =	vadd.s32 $0xA, v40;
	v23 =	vld.idx.msk [tilespmem:v13+s7+$0x0], $0xffff;
	[tilespmem:s16+$0x8B00] =	vst v21  }
0x15d: {  	v10 =	vadd.s32 $0x3, v35;
	v25 =	vadd.s32 $0x9, v40;
	v13 =	vadd.s32 $0x4, v35;
	v44 =	vld.idx.msk [tilespmem:v17+s7+$0x0], $0xffff;
	[tilespmem:s16+$0x8A00] =	vst v16  }
0x15e: {  	v46 =	vadd.s32 $0x8, v40;
	v21 =	vadd.s32 $0x6, v35;
	v16 =	vadd.s32 $0x5, v35;
	v17 =	vld.idx.msk [tilespmem:v40+s7+$0x0], $0xffff;
	[tilespmem:s16+$0x8900] =	vst v29  }
0x15f: {  	v32 =	vadd.s32 $0xA, v35;
	v50 =	vadd.s32 $0x7, v40;
	v29 =	vadd.s32 $0x7, v35;
	v49 =	vld.idx.msk [tilespmem:v35+s7+$0x0], $0xffff;
	[tilespmem:s16+$0x8980] =	vst v18  }
0x160: {  	v41 =	vadd.s32 $0x9, v35;
	v36 =	vadd.s32 $0x8, v35;
	v51 =	vadd.s32 $0x4, v40;
	v4 =	vld.idx.msk [tilespmem:v6+s7+$0x0], $0xffff;
	[tilespmem:s16+$0x8800] =	vst v34  }
0x161: {  	v45 =	vadd.s32 $0xC, v35;
	v52 =	vadd.s32 $0x6, v40;
	v43 =	vadd.s32 $0xB, v35;
	v6 =	vld.idx.msk [tilespmem:v9+s7+$0x0], $0xffff;
	[tilespmem:s16+$0x8880] =	vst v37  }
0x162: {  	v47 =	vadd.s32 $0x3, v40;
	v48 =	vadd.s32 $0x5, v40;
	v37 =	vadd.s32 $0xE, v35;
	v9 =	vld.idx.msk [tilespmem:v25+s7+$0x0], $0xffff;
	[tilespmem:s24+$0xCA00] =	vst v28;
	v28 =	vmovc v23  }
0x163: {  	v25 =	vadd.s32 $0xF, v35;
	v40 =	vld.idx.msk [tilespmem:v46+s7+$0x0], $0xffff;
	[tilespmem:s24+$0xCA80] =	vst v22;
	v22 =	vmov v38  }
.Ltmp10:
0x164: {  	v23 =	vadd.s32 $0xD, v35;
	v18 =	vld.idx.msk [tilespmem:v50+s7+$0x0], $0xffff;
	[tilespmem:s24+$0xCB00] =	vst v27;
	v27 =	vmov v44;
	(pc) =	sbr.rel @p2 .LBB2_70-.Ltmp10, $4  }
0x165: {  	v34 =	vmov v49;
	v38 =	vld.idx.msk [tilespmem:v42+s7+$0x0], $0xffff;
	[tilespmem:s24+$0xCB80] =	vst v20;
	v20 =	vmov v39  }
0x166: {  	v44 =	vld.idx.msk [tilespmem:v51+s7+$0x0], $0xffff;
	[tilespmem:s24+$0xC800] =	vst v33  }
0x167: {  	s24 =	sld [smem:s21+$0x0];
	v46 =	vld.idx.msk [tilespmem:v52+s7+$0x0], $0xffff  }
0x168: {  	v37 =	vld.idx.msk [tilespmem:v37+s7+$0x0], $0xffff  }
0x169: {  	_ =	sdelay $0x2  }
0x16a: {  	v49 =	vmov v3;
	v33 =	vmov v40;
	v42 =	vmov v34  }
0x16b: {  	s17 =	smov.u32 s23;
	s23 =	smov.u32 s15;
	v40 =	vmovc v28;
	v39 =	vmovc v27;
	v35 =	vmov v20;
	v3 =	vmov v37;
	v37 =	vmov v22  }
.LBB2_72:
0x16c: {  	_ =	sdelay $0x3  }
0x16d: {  	v53 =	vld.idx.msk [tilespmem:v45+s7+$0x0], $0xffff  }
0x16e: {  	v54 =	vld.idx.msk [tilespmem:v43+s7+$0x0], $0xffff  }
0x16f: {  	v22 =	vld.idx.msk [tilespmem:v41+s7+$0x0], $0xffff  }
0x170: {  	v55 =	vld.idx.msk [tilespmem:v36+s7+$0x0], $0xffff  }
0x171: {  	v56 =	vld.idx.msk [tilespmem:v32+s7+$0x0], $0xffff  }
0x172: {  	v57 =	vld.idx.msk [tilespmem:v29+s7+$0x0], $0xffff  }
0x173: {  	v14 =	vld.idx.msk [tilespmem:v14+s7+$0x0], $0xffff  }
0x174: {  	v58 =	vld.idx.msk [tilespmem:v21+s7+$0x0], $0xffff  }
0x175: {  	v59 =	vld.idx.msk [tilespmem:v16+s7+$0x0], $0xffff  }
0x176: {  	v13 =	vld.idx.msk [tilespmem:v13+s7+$0x0], $0xffff  }
0x177: {  	v60 =	vld.idx.msk [tilespmem:v11+s7+$0x0], $0xffff  }
0x178: {  	[tilespmem:s16+$0x8A80] =	vst @p1 v30;
	v61 =	vld.idx.msk [tilespmem:v10+s7+$0x0], $0xffff  }
0x179: {  	v62 =	vld.idx.msk [tilespmem:v25+s7+$0x0], $0xffff;
	s29 =	sor.u32 s18, s20;
	[tilespmem:s17+$0x8800] =	vst @p1 v19  }
0x17a: {  	v63 =	vld.idx.msk [tilespmem:v23+s7+$0x0], $0xffff;
	[tilespmem:s29+$0x8800] =	vst v42  }
0x17b: {  	[tilespmem:s16+$0xC800] =	vst @p1 v15  }
0x17c: {  	[tilespmem:s16+$0xC880] =	vst @p1 v12  }
0x17d: {  	[tilespmem:s16+$0xCB80] =	vst @p1 v26  }
0x17e: {  	[tilespmem:s16+$0xCB00] =	vst @p1 v49  }
0x17f: {  	[tilespmem:s16+$0xCA80] =	vst @p1 v24  }
0x180: {  	s15 =	sshll.u32 s24, $0x4;
	s19 =	sshll.u32 s24, $0x7;
	[tilespmem:s16+$0xC980] =	vst @p1 v7  }
0x181: {  	v20 =	vld.idx.msk [tilespmem:v48+s7+$0x0], $0xffff;
	s15 =	sand.u32 $0x70, s15;
	s28 =	sand.u32 $0xFFFFFC00, s19;
	[tilespmem:s16+$0xC900] =	vst @p1 v8  }
0x182: {  	v51 =	vld.idx.msk [tilespmem:v47+s7+$0x0], $0xffff;
	s17 =	sor.u32 s15, s28;
	[tilespmem:s16+$0xCA00] =	vst @p1 v5  }
0x183: {  	v52 =	vld.idx.msk [tilespmem:v31+s7+$0x0], $0xffff;
	[tilespmem:s17+$0x8B00] =	vst v46  }
0x184: {  	[tilespmem:s17+$0x8A00] =	vst v44  }
0x185: {  	[tilespmem:s17+$0x8800] =	vst v17  }
0x186: {  	[tilespmem:s17+$0x8900] =	vst v38  }
0x187: {  	[tilespmem:s17+$0x8980] =	vst v51  }
0x188: {  	[tilespmem:s17+$0x8A80] =	vst v20  }
0x189: {  	[tilespmem:s17+$0x8880] =	vst v52  }
0x18a: {  	[tilespmem:s29+$0x8B00] =	vst v58  }
0x18b: {  	[tilespmem:s29+$0x8A00] =	vst v13  }
0x18c: {  	[tilespmem:s29+$0x8900] =	vst v60  }
0x18d: {  	[tilespmem:s29+$0x8980] =	vst v61  }
0x18e: {  	s15 =	sor.u32 s15, s19;
	[tilespmem:s29+$0x8880] =	vst v14  }
0x18f: {  	s15 =	sor.u32 $0x380, s15;
	[tilespmem:s29+$0x8A80] =	vst v59  }
0x190: {  	[tilespmem:s15+$0x8800] =	vst v18  }
0x191: {  	[tilespmem:s23+$0x8800] =	vst v57  }
0x192: {  	[tilespmem:s17+$0xC880] =	vst v9  }
0x193: {  	[tilespmem:s17+$0xC900] =	vst v6  }
0x194: {  	[tilespmem:s17+$0xC980] =	vst v4  }
0x195: {  	[tilespmem:s17+$0xCA00] =	vst v40  }
0x196: {  	[tilespmem:s17+$0xCA80] =	vst v37  }
0x197: {  	[tilespmem:s17+$0xCB00] =	vst v39  }
0x198: {  	[tilespmem:s17+$0xCB80] =	vst v35  }
0x199: {  	[tilespmem:s17+$0xC800] =	vst v33  }
0x19a: {  	[tilespmem:s29+$0xC800] =	vst v55  }
0x19b: {  	[tilespmem:s29+$0xC880] =	vst v22  }
0x19c: {  	[tilespmem:s29+$0xCB80] =	vst v62  }
0x19d: {  	[tilespmem:s29+$0xCB00] =	vst v3  }
0x19e: {  	[tilespmem:s29+$0xCA80] =	vst v63  }
0x19f: {  	[tilespmem:s29+$0xC980] =	vst v54  }
0x1a0: {  	[tilespmem:s29+$0xC900] =	vst v56  }
0x1a1: {  	[tilespmem:s29+$0xCA00] =	vst v53  }
.LBB2_14:
0x1a2: {  	p1 =	sge.s32 s13, s14  }
.Ltmp11:
0x1a3: {  	_ = 	snop;
	(pc) =	sbr.rel @p1 .LBB2_17-.Ltmp11, $3  }
0x1a4: {  	_ =	sdelay $0x1  }
0x1a5: {  	s15 =	sshll.u32 s13, $0x6;
	s17 =	sshll.u32 s13, $0x2  }
0x1a6: {  	s14 =	ssub.s32 s14, s13;
	s16 =	sshra.s32 s15, $0x2;
	s15 =	sshra.s32 s17, $0x2  }
0x1a7: {  	s18 =	sadd.s32 $0x8000, s16;
	s19 =	sshra.s32 s17, $0x2;
	s20 =	smov.u32 s14  }
.LBB2_16:
0x1a8: {  	v3 =	vld [tilespmem:s18+$0x0];
	_ =	sdelay $0x4  }
0x1a9: {  	v4 =	vadd.s32 $0x1, v3  }
0x1aa: {  	v5 =	vadd.s32 $0x2, v3  }
0x1ab: {  	v6 =	vadd.s32 $0x3, v3  }
0x1ac: {  	v7 =	vadd.s32 $0x4, v3  }
0x1ad: {  	v9 =	vadd.s32 $0x5, v3;
	v8 =	vld.idx.msk [tilespmem:v3+s7+$0x0], $0xffff  }
0x1ae: {  	v10 =	vadd.s32 $0x6, v3;
	v4 =	vld.idx.msk [tilespmem:v4+s7+$0x0], $0xffff  }
0x1af: {  	v11 =	vadd.s32 $0x7, v3;
	v5 =	vld.idx.msk [tilespmem:v5+s7+$0x0], $0xffff  }
0x1b0: {  	v12 =	vadd.s32 $0x8, v3;
	v6 =	vld.idx.msk [tilespmem:v6+s7+$0x0], $0xffff  }
0x1b1: {  	v13 =	vadd.s32 $0x9, v3;
	v7 =	vld.idx.msk [tilespmem:v7+s7+$0x0], $0xffff  }
0x1b2: {  	v14 =	vadd.s32 $0xA, v3;
	v9 =	vld.idx.msk [tilespmem:v9+s7+$0x0], $0xffff  }
0x1b3: {  	v15 =	vadd.s32 $0xB, v3;
	v10 =	vld.idx.msk [tilespmem:v10+s7+$0x0], $0xffff  }
0x1b4: {  	v16 =	vadd.s32 $0xC, v3;
	v11 =	vld.idx.msk [tilespmem:v11+s7+$0x0], $0xffff  }
0x1b5: {  	v17 =	vadd.s32 $0xD, v3;
	v12 =	vld.idx.msk [tilespmem:v12+s7+$0x0], $0xffff  }
0x1b6: {  	s21 =	sld [smem:s19+$0x0];
	v18 =	vadd.s32 $0xE, v3;
	v13 =	vld.idx.msk [tilespmem:v13+s7+$0x0], $0xffff  }
0x1b7: {  	v3 =	vadd.s32 $0xF, v3;
	v14 =	vld.idx.msk [tilespmem:v14+s7+$0x0], $0xffff  }
0x1b8: {  	v15 =	vld.idx.msk [tilespmem:v15+s7+$0x0], $0xffff  }
0x1b9: {  	s23 =	sshll.u32 s21, $0x4;
	s21 =	sshll.u32 s21, $0x7;
	v16 =	vld.idx.msk [tilespmem:v16+s7+$0x0], $0xffff  }
0x1ba: {  	s23 =	sand.u32 $0x70, s23;
	s24 =	sand.u32 $0xFFFFFC00, s21;
	v17 =	vld.idx.msk [tilespmem:v17+s7+$0x0], $0xffff  }
0x1bb: {  	s24 =	sor.u32 s23, s24;
	v18 =	vld.idx.msk [tilespmem:v18+s7+$0x0], $0xffff  }
0x1bc: {  	v3 =	vld.idx.msk [tilespmem:v3+s7+$0x0], $0xffff;
	[tilespmem:s24+$0x8800] =	vst v8  }
0x1bd: {  	[tilespmem:s24+$0x8880] =	vst v4  }
0x1be: {  	[tilespmem:s24+$0x8900] =	vst v5  }
0x1bf: {  	[tilespmem:s24+$0x8980] =	vst v6  }
0x1c0: {  	[tilespmem:s24+$0x8A00] =	vst v7  }
0x1c1: {  	s21 =	sor.u32 s23, s21;
	[tilespmem:s24+$0x8A80] =	vst v9  }
0x1c2: {  	s21 =	sor.u32 $0x380, s21;
	[tilespmem:s24+$0x8B00] =	vst v10  }
0x1c3: {  	[tilespmem:s21+$0x8800] =	vst v11  }
0x1c4: {  	[tilespmem:s24+$0xC800] =	vst v12  }
0x1c5: {  	[tilespmem:s24+$0xC880] =	vst v13  }
0x1c6: {  	p2 =	sne.s32 s20, $0x1;
	[tilespmem:s24+$0xC900] =	vst v14  }
.Ltmp12:
0x1c7: {  	[tilespmem:s24+$0xC980] =	vst v15;
	(pc) =	sbr.rel @p2 .LBB2_16-.Ltmp12, $4  }
0x1c8: {  	[tilespmem:s24+$0xCA00] =	vst v16  }
0x1c9: {  	[tilespmem:s24+$0xCA80] =	vst v17  }
0x1ca: {  	[tilespmem:s24+$0xCB00] =	vst v18  }
0x1cb: {  	s18 =	sadd.s32 $0x10, s18;
	s19 =	sadd.s32 $0x1, s19;
	s20 =	sadd.s32 $0xFFFFFFFF, s20;
	[tilespmem:s24+$0xCB80] =	vst v3  }
.LBB2_17:
.Ltmp13:
0x1cc: {  	(pc) =	sbr.rel @p0 .LBB2_21-.Ltmp13, $2  }
0x1cd: {  	_ =	sdelay $0x2  }
0x1ce: {  	[hbm4b:s22+s3] =	stream.linear.scatter [tilespmem:s10], [sflag:$0x1], $0x8000, $0x38;
	[tilespmem:$0x18800] =	vst v63  }
0x1cf: {  	s19 =	simm.s32 $0x8010  }
0x1d0: {  	v3 =	vld [tilespmem:s19+$0x0];
	_ =	sdelay $0x4  }
0x1d1: {  	v4 =	vadd.s32 $0x10, v3  }
0x1d2: {  	v5 =	vadd.s32 $0x11, v3  }
0x1d3: {  	v6 =	vadd.s32 $0x12, v3  }
0x1d4: {  	v7 =	vadd.s32 $0x13, v3  }
0x1d5: {  	v25 =	vld [tilespmem:s19+$0xFFFFFFF0];
	v8 =	vadd.s32 $0x14, v3  }
0x1d6: {  	v9 =	vadd.s32 $0x15, v3;
	v4 =	vld.idx.msk [tilespmem:v4+s7+$0x0], $0xffff  }
0x1d7: {  	v10 =	vadd.s32 $0x16, v3;
	v5 =	vld.idx.msk [tilespmem:v5+s7+$0x0], $0xffff  }
0x1d8: {  	v11 =	vadd.s32 $0x17, v3;
	v6 =	vld.idx.msk [tilespmem:v6+s7+$0x0], $0xffff  }
0x1d9: {  	v12 =	vadd.s32 $0x18, v3;
	v7 =	vld.idx.msk [tilespmem:v7+s7+$0x0], $0xffff  }
0x1da: {  	v13 =	vadd.s32 $0x19, v3;
	v8 =	vld.idx.msk [tilespmem:v8+s7+$0x0], $0xffff  }
0x1db: {  	v14 =	vadd.s32 $0x1A, v3;
	v9 =	vld.idx.msk [tilespmem:v9+s7+$0x0], $0xffff  }
0x1dc: {  	v15 =	vadd.s32 $0x1B, v3;
	v10 =	vld.idx.msk [tilespmem:v10+s7+$0x0], $0xffff  }
0x1dd: {  	v16 =	vadd.s32 $0x1C, v3;
	v26 =	vld.idx.msk [tilespmem:v11+s7+$0x0], $0xffff  }
0x1de: {  	v17 =	vadd.s32 $0x1D, v3;
	v11 =	vld.idx.msk [tilespmem:v12+s7+$0x0], $0xffff  }
0x1df: {  	v18 =	vadd.s32 $0x1E, v3;
	s19 =	sld [smem:$0x1];
	v12 =	vld.idx.msk [tilespmem:v13+s7+$0x0], $0xffff  }
0x1e0: {  	v3 =	vadd.s32 $0x1F, v3;
	s21 =	sld [smem:$0x0];
	v13 =	vld.idx.msk [tilespmem:v14+s7+$0x0], $0xffff  }
0x1e1: {  	v19 =	vadd.s32 $0x10, v25;
	v14 =	vld.idx.msk [tilespmem:v15+s7+$0x0], $0xffff  }
0x1e2: {  	v20 =	vadd.s32 $0x11, v25;
	v15 =	vld.idx.msk [tilespmem:v16+s7+$0x0], $0xffff;
	s20 =	sshll.u32 s19, $0x4;
	s19 =	sshll.u32 s19, $0x7  }
0x1e3: {  	v21 =	vadd.s32 $0x12, v25;
	v16 =	vld.idx.msk [tilespmem:v17+s7+$0x0], $0xffff;
	s23 =	sand.u32 $0x70, s20;
	s25 =	sand.u32 $0xFFFFFC00, s19  }
0x1e4: {  	v22 =	vadd.s32 $0x13, v25;
	v17 =	vld.idx.msk [tilespmem:v18+s7+$0x0], $0xffff;
	s24 =	sor.u32 s23, s25  }
0x1e5: {  	v24 =	vadd.s32 $0x16, v25;
	v27 =	vld.idx.msk [tilespmem:v3+s7+$0x0], $0xffff;
	s25 =	sadd.s32 $0x10800, s24;
	[tilespmem:s24+$0x10800] =	vst v4  }
0x1e6: {  	v3 =	vadd.s32 $0x14, v25;
	v18 =	vld.idx.msk [tilespmem:v19+s7+$0x0], $0xffff;
	[tilespmem:s25+$0x80] =	vst v5  }
0x1e7: {  	v20 =	vld.idx.msk [tilespmem:v20+s7+$0x0], $0xffff;
	v4 =	vadd.s32 $0x15, v25;
	[tilespmem:s25+$0x100] =	vst v6  }
0x1e8: {  	p2 =	sgt.s32 s13, $0x2;
	v28 =	vadd.s32 $0x17, v25;
	v21 =	vld.idx.msk [tilespmem:v21+s7+$0x0], $0xffff;
	[tilespmem:s25+$0x180] =	vst v7  }
.Ltmp14:
0x1e9: {  	v19 =	vld.idx.msk [tilespmem:v22+s7+$0x0], $0xffff;
	s26 =	sshll.u32 s21, $0x4;
	[tilespmem:s25+$0x200] =	vst v8;
	(pc) =	sbr.rel @!p2 .LBB2_20-.Ltmp14, $4  }
0x1ea: {  	v24 =	vld.idx.msk [tilespmem:v24+s7+$0x0], $0xffff;
	s21 =	sshll.u32 s21, $0x7;
	s19 =	sor.u32 s23, s19;
	s26 =	sand.u32 $0x70, s26;
	[tilespmem:s25+$0x280] =	vst v9  }
0x1eb: {  	s18 =	simm.s32 $0x1;
	s28 =	sand.u32 $0xFFFFFC00, s21;
	v22 =	vld.idx.msk [tilespmem:v3+s7+$0x0], $0xffff;
	s29 =	sor.u32 $0x380, s19;
	v3 =	vadd.s32 $0x1F, v25;
	v5 =	vadd.s32 $0x18, v25;
	v7 =	vadd.s32 $0x19, v25;
	[tilespmem:s25+$0x300] =	vst v10  }
0x1ec: {  	s20 =	simm.s32 $0x2;
	s21 =	sor.u32 s26, s21;
	s19 =	sor.u32 s26, s28;
	v9 =	vadd.s32 $0x1A, v25;
	v10 =	vadd.s32 $0x1B, v25;
	v8 =	vadd.s32 $0x1C, v25;
	[tilespmem:s29+$0x10800] =	vst v26;
	v23 =	vld.idx.msk [tilespmem:v4+s7+$0x0], $0xffff  }
0x1ed: {  	v6 =	vadd.s32 $0x1E, v25;
	s23 =	sor.u32 $0x380, s21;
	s25 =	sadd.s32 $0x10800, s19;
	s21 =	simm.s32 $0x8030;
	[tilespmem:s24+$0x14B80] =	vst v27;
	v4 =	vadd.s32 $0x1D, v25;
	v25 =	vld.idx.msk [tilespmem:v28+s7+$0x0], $0xffff  }
.LBB2_19:
0x1ee: {  	v26 =	vld [tilespmem:s21+$0x0];
	[tilespmem:s24+$0x14800] =	vst v11  }
0x1ef: {  	v11 =	vld [tilespmem:s21+$0xFFFFFFF0];
	[tilespmem:s24+$0x14880] =	vst v12  }
0x1f0: {  	v12 =	vld.idx.msk [tilespmem:v5+s7+$0x0], $0xffff;
	[tilespmem:s24+$0x14900] =	vst v13  }
0x1f1: {  	v13 =	vld.idx.msk [tilespmem:v7+s7+$0x0], $0xffff;
	[tilespmem:s24+$0x14980] =	vst v14  }
0x1f2: {  	v14 =	vld.idx.msk [tilespmem:v9+s7+$0x0], $0xffff;
	[tilespmem:s24+$0x14A00] =	vst v15  }
0x1f3: {  	v9 =	vadd.s32 $0x10, v26;
	v15 =	vld.idx.msk [tilespmem:v10+s7+$0x0], $0xffff;
	[tilespmem:s24+$0x14A80] =	vst v16  }
0x1f4: {  	v16 =	vadd.s32 $0x11, v26;
	v27 =	vadd.s32 $0x10, v11;
	v28 =	vadd.s32 $0x11, v11;
	v29 =	vld.idx.msk [tilespmem:v8+s7+$0x0], $0xffff;
	[tilespmem:s24+$0x14B00] =	vst v17  }
0x1f5: {  	v30 =	vadd.s32 $0x12, v11;
	v31 =	vadd.s32 $0x13, v11;
	v17 =	vadd.s32 $0x12, v26;
	v32 =	vld.idx.msk [tilespmem:v4+s7+$0x0], $0xffff  }
0x1f6: {  	v35 =	vadd.s32 $0x13, v26;
	v33 =	vadd.s32 $0x14, v11;
	v34 =	vadd.s32 $0x15, v11;
	v36 =	vld.idx.msk [tilespmem:v6+s7+$0x0], $0xffff  }
0x1f7: {  	v39 =	vadd.s32 $0x14, v26;
	v37 =	vadd.s32 $0x16, v11;
	v38 =	vadd.s32 $0x17, v11;
	v40 =	vld.idx.msk [tilespmem:v3+s7+$0x0], $0xffff;
	[tilespmem:s19+$0x10800] =	vst v18  }
0x1f8: {  	v41 =	vadd.s32 $0x15, v26;
	v5 =	vadd.s32 $0x18, v11;
	v7 =	vadd.s32 $0x19, v11;
	v18 =	vld.idx.msk [tilespmem:v9+s7+$0x0], $0xffff;
	[tilespmem:s25+$0x80] =	vst v20  }
0x1f9: {  	v10 =	vadd.s32 $0x1B, v11;
	v9 =	vadd.s32 $0x1A, v11;
	v20 =	vld.idx.msk [tilespmem:v16+s7+$0x0], $0xffff;
	v16 =	vadd.s32 $0x16, v26;
	[tilespmem:s25+$0x100] =	vst v21  }
0x1fa: {  	v8 =	vadd.s32 $0x1C, v11;
	v4 =	vadd.s32 $0x1D, v11;
	v21 =	vld.idx.msk [tilespmem:v17+s7+$0x0], $0xffff;
	v17 =	vadd.s32 $0x17, v26;
	[tilespmem:s25+$0x180] =	vst v19  }
0x1fb: {  	v6 =	vadd.s32 $0x1E, v11;
	v3 =	vadd.s32 $0x1F, v11;
	v11 =	vadd.s32 $0x18, v26;
	v19 =	vld.idx.msk [tilespmem:v35+s7+$0x0], $0xffff;
	[tilespmem:s25+$0x200] =	vst v22  }
0x1fc: {  	v35 =	vadd.s32 $0x19, v26;
	v22 =	vld.idx.msk [tilespmem:v39+s7+$0x0], $0xffff;
	[tilespmem:s25+$0x280] =	vst v23  }
0x1fd: {  	v39 =	vadd.s32 $0x1A, v26;
	v23 =	vld.idx.msk [tilespmem:v41+s7+$0x0], $0xffff;
	[tilespmem:s25+$0x300] =	vst v24  }
0x1fe: {  	v24 =	vld.idx.msk [tilespmem:v16+s7+$0x0], $0xffff;
	v16 =	vadd.s32 $0x1B, v26;
	[tilespmem:s23+$0x10800] =	vst v25  }
0x1ff: {  	s20 =	sadd.s32 $0x2, s20;
	v25 =	vld.idx.msk [tilespmem:v17+s7+$0x0], $0xffff;
	v17 =	vadd.s32 $0x1C, v26;
	[tilespmem:s19+$0x14800] =	vst v12  }
0x200: {  	s18 =	sadd.s32 $0x2, s18;
	p2 =	slt.s32 s20, s13;
	v41 =	vadd.s32 $0x1D, v26;
	v11 =	vld.idx.msk [tilespmem:v11+s7+$0x0], $0xffff;
	[tilespmem:s19+$0x14880] =	vst v13  }
0x201: {  	s23 =	sld [smem:s18+$0x0];
	v12 =	vld.idx.msk [tilespmem:v35+s7+$0x0], $0xffff;
	v35 =	vadd.s32 $0x1E, v26;
	[tilespmem:s19+$0x14900] =	vst v14  }
0x202: {  	v26 =	vadd.s32 $0x1F, v26;
	s24 =	sld [smem:s18+$0xFFFFFFFF];
	v13 =	vld.idx.msk [tilespmem:v39+s7+$0x0], $0xffff;
	[tilespmem:s19+$0x14980] =	vst v15  }
0x203: {  	v14 =	vld.idx.msk [tilespmem:v16+s7+$0x0], $0xffff;
	[tilespmem:s19+$0x14A00] =	vst v29  }
0x204: {  	s25 =	sshll.u32 s23, $0x4;
	v15 =	vld.idx.msk [tilespmem:v17+s7+$0x0], $0xffff;
	s26 =	sshll.u32 s23, $0x7;
	[tilespmem:s19+$0x14A80] =	vst v32  }
0x205: {  	s23 =	sshll.u32 s24, $0x4;
	v16 =	vld.idx.msk [tilespmem:v41+s7+$0x0], $0xffff;
	s28 =	sand.u32 $0x70, s25;
	s25 =	sand.u32 $0xFFFFFC00, s26;
	[tilespmem:s19+$0x14B00] =	vst v36  }
0x206: {  	s29 =	sshll.u32 s24, $0x7;
	s23 =	sand.u32 $0x70, s23;
	v17 =	vld.idx.msk [tilespmem:v35+s7+$0x0], $0xffff;
	s24 =	sor.u32 s28, s25;
	[tilespmem:s19+$0x14B80] =	vst v40  }
0x207: {  	s19 =	sand.u32 $0xFFFFFC00, s29;
	s25 =	sor.u32 s23, s29;
	v26 =	vld.idx.msk [tilespmem:v26+s7+$0x0], $0xffff;
	s29 =	sadd.s32 $0x10800, s24;
	[tilespmem:s24+$0x10800] =	vst v18  }
0x208: {  	s19 =	sor.u32 s23, s19;
	v18 =	vld.idx.msk [tilespmem:v27+s7+$0x0], $0xffff;
	s23 =	sor.u32 $0x380, s25;
	[tilespmem:s29+$0x80] =	vst v20  }
0x209: {  	s25 =	sadd.s32 $0x10800, s19;
	v20 =	vld.idx.msk [tilespmem:v28+s7+$0x0], $0xffff;
	[tilespmem:s29+$0x100] =	vst v21  }
0x20a: {  	v21 =	vld.idx.msk [tilespmem:v30+s7+$0x0], $0xffff;
	[tilespmem:s29+$0x180] =	vst v19  }
.Ltmp15:
0x20b: {  	v19 =	vld.idx.msk [tilespmem:v31+s7+$0x0], $0xffff;
	[tilespmem:s29+$0x200] =	vst v22;
	(pc) =	sbr.rel @p2 .LBB2_19-.Ltmp15, $4  }
0x20c: {  	s26 =	sor.u32 s28, s26;
	v22 =	vld.idx.msk [tilespmem:v33+s7+$0x0], $0xffff;
	[tilespmem:s29+$0x280] =	vst v23  }
0x20d: {  	s26 =	sor.u32 $0x380, s26;
	v23 =	vld.idx.msk [tilespmem:v34+s7+$0x0], $0xffff;
	[tilespmem:s29+$0x300] =	vst v24  }
0x20e: {  	v24 =	vld.idx.msk [tilespmem:v37+s7+$0x0], $0xffff;
	[tilespmem:s26+$0x10800] =	vst v25  }
0x20f: {  	s21 =	sadd.s32 $0x20, s21;
	v25 =	vld.idx.msk [tilespmem:v38+s7+$0x0], $0xffff;
	[tilespmem:s24+$0x14B80] =	vst v26  }
.LBB2_20:
0x210: {  	_ =	sdelay $0x3  }
0x211: {  	v5 =	vld.idx.msk [tilespmem:v5+s7+$0x0], $0xffff;
	[tilespmem:s24+$0x14800] =	vst v11  }
0x212: {  	v7 =	vld.idx.msk [tilespmem:v7+s7+$0x0], $0xffff;
	[tilespmem:s24+$0x14880] =	vst v12  }
0x213: {  	v9 =	vld.idx.msk [tilespmem:v9+s7+$0x0], $0xffff;
	[tilespmem:s24+$0x14900] =	vst v13  }
0x214: {  	v10 =	vld.idx.msk [tilespmem:v10+s7+$0x0], $0xffff;
	[tilespmem:s24+$0x14980] =	vst v14  }
0x215: {  	v8 =	vld.idx.msk [tilespmem:v8+s7+$0x0], $0xffff;
	[tilespmem:s24+$0x14A00] =	vst v15  }
0x216: {  	v4 =	vld.idx.msk [tilespmem:v4+s7+$0x0], $0xffff;
	[tilespmem:s24+$0x14A80] =	vst v16  }
0x217: {  	v6 =	vld.idx.msk [tilespmem:v6+s7+$0x0], $0xffff;
	[tilespmem:s24+$0x14B00] =	vst v17  }
0x218: {  	v3 =	vld.idx.msk [tilespmem:v3+s7+$0x0], $0xffff;
	[tilespmem:s19+$0x10800] =	vst v18  }
0x219: {  	[tilespmem:s25+$0x80] =	vst v20  }
0x21a: {  	[tilespmem:s25+$0x100] =	vst v21  }
0x21b: {  	[tilespmem:s25+$0x180] =	vst v19  }
0x21c: {  	[tilespmem:s25+$0x200] =	vst v22  }
0x21d: {  	[tilespmem:s25+$0x280] =	vst v23  }
0x21e: {  	[tilespmem:s25+$0x300] =	vst v24  }
0x21f: {  	[tilespmem:s23+$0x10800] =	vst v25  }
0x220: {  	[tilespmem:s19+$0x14800] =	vst v5  }
0x221: {  	[tilespmem:s19+$0x14880] =	vst v7  }
0x222: {  	[tilespmem:s19+$0x14900] =	vst v9  }
0x223: {  	[tilespmem:s19+$0x14980] =	vst v10  }
0x224: {  	[tilespmem:s19+$0x14A00] =	vst v8  }
0x225: {  	[tilespmem:s19+$0x14A80] =	vst v4  }
0x226: {  	[tilespmem:s19+$0x14B00] =	vst v6  }
0x227: {  	[tilespmem:s19+$0x14B80] =	vst v3  }
.LBB2_21:
.Ltmp16:
0x228: {  	(pc) =	sbr.rel @p1 .LBB2_24-.Ltmp16, $1  }
0x229: {  	_ =	sdelay $0x3  }
0x22a: {  	s18 =	sadd.s32 $0x8000, s16;
	s19 =	sshra.s32 s17, $0x2;
	s20 =	smov.u32 s14  }
.LBB2_23:
0x22b: {  	v3 =	vld [tilespmem:s18+$0x0];
	_ =	sdelay $0x4  }
0x22c: {  	v4 =	vadd.s32 $0x10, v3  }
0x22d: {  	v5 =	vadd.s32 $0x11, v3  }
0x22e: {  	v6 =	vadd.s32 $0x12, v3  }
0x22f: {  	v7 =	vadd.s32 $0x13, v3  }
0x230: {  	v8 =	vadd.s32 $0x14, v3  }
0x231: {  	v9 =	vadd.s32 $0x15, v3;
	v4 =	vld.idx.msk [tilespmem:v4+s7+$0x0], $0xffff  }
0x232: {  	v10 =	vadd.s32 $0x16, v3;
	v5 =	vld.idx.msk [tilespmem:v5+s7+$0x0], $0xffff  }
0x233: {  	v11 =	vadd.s32 $0x17, v3;
	v6 =	vld.idx.msk [tilespmem:v6+s7+$0x0], $0xffff  }
0x234: {  	v12 =	vadd.s32 $0x18, v3;
	v7 =	vld.idx.msk [tilespmem:v7+s7+$0x0], $0xffff  }
0x235: {  	v13 =	vadd.s32 $0x19, v3;
	v8 =	vld.idx.msk [tilespmem:v8+s7+$0x0], $0xffff  }
0x236: {  	v14 =	vadd.s32 $0x1A, v3;
	v9 =	vld.idx.msk [tilespmem:v9+s7+$0x0], $0xffff  }
0x237: {  	v15 =	vadd.s32 $0x1B, v3;
	v10 =	vld.idx.msk [tilespmem:v10+s7+$0x0], $0xffff  }
0x238: {  	v16 =	vadd.s32 $0x1C, v3;
	v11 =	vld.idx.msk [tilespmem:v11+s7+$0x0], $0xffff  }
0x239: {  	v17 =	vadd.s32 $0x1D, v3;
	v12 =	vld.idx.msk [tilespmem:v12+s7+$0x0], $0xffff  }
0x23a: {  	s21 =	sld [smem:s19+$0x0];
	v18 =	vadd.s32 $0x1E, v3;
	v13 =	vld.idx.msk [tilespmem:v13+s7+$0x0], $0xffff  }
0x23b: {  	v3 =	vadd.s32 $0x1F, v3;
	v14 =	vld.idx.msk [tilespmem:v14+s7+$0x0], $0xffff  }
0x23c: {  	v15 =	vld.idx.msk [tilespmem:v15+s7+$0x0], $0xffff  }
0x23d: {  	s23 =	sshll.u32 s21, $0x4;
	s21 =	sshll.u32 s21, $0x7;
	v16 =	vld.idx.msk [tilespmem:v16+s7+$0x0], $0xffff  }
0x23e: {  	s23 =	sand.u32 $0x70, s23;
	s24 =	sand.u32 $0xFFFFFC00, s21;
	v17 =	vld.idx.msk [tilespmem:v17+s7+$0x0], $0xffff  }
0x23f: {  	s24 =	sor.u32 s23, s24;
	v18 =	vld.idx.msk [tilespmem:v18+s7+$0x0], $0xffff  }
0x240: {  	s25 =	sadd.s32 $0x10800, s24;
	v3 =	vld.idx.msk [tilespmem:v3+s7+$0x0], $0xffff;
	[tilespmem:s24+$0x10800] =	vst v4  }
0x241: {  	[tilespmem:s25+$0x80] =	vst v5  }
0x242: {  	[tilespmem:s25+$0x100] =	vst v6  }
0x243: {  	[tilespmem:s25+$0x180] =	vst v7  }
0x244: {  	[tilespmem:s25+$0x200] =	vst v8  }
0x245: {  	s21 =	sor.u32 s23, s21;
	[tilespmem:s25+$0x280] =	vst v9  }
0x246: {  	s21 =	sor.u32 $0x380, s21;
	[tilespmem:s25+$0x300] =	vst v10  }
0x247: {  	[tilespmem:s21+$0x10800] =	vst v11  }
0x248: {  	[tilespmem:s24+$0x14800] =	vst v12  }
0x249: {  	[tilespmem:s24+$0x14880] =	vst v13  }
0x24a: {  	p2 =	sne.s32 s20, $0x1;
	[tilespmem:s24+$0x14900] =	vst v14  }
.Ltmp17:
0x24b: {  	[tilespmem:s24+$0x14980] =	vst v15;
	(pc) =	sbr.rel @p2 .LBB2_23-.Ltmp17, $4  }
0x24c: {  	[tilespmem:s24+$0x14A00] =	vst v16  }
0x24d: {  	[tilespmem:s24+$0x14A80] =	vst v17  }
0x24e: {  	[tilespmem:s24+$0x14B00] =	vst v18  }
0x24f: {  	s18 =	sadd.s32 $0x10, s18;
	s19 =	sadd.s32 $0x1, s19;
	s20 =	sadd.s32 $0xFFFFFFFF, s20;
	[tilespmem:s24+$0x14B80] =	vst v3  }
.LBB2_24:
.Ltmp18:
0x250: {  	s18 =	rddreg [dreg:$0x19];
	(pc) =	sbr.rel @p0 .LBB2_28-.Ltmp18, $4  }
0x251: {  	[hbm4b:s18+s3] =	stream.linear.scatter [tilespmem:s11], [sflag:$0x2], $0x8000, $0x38;
	[tilespmem:$0x18800] =	vst v63  }
0x252: {  	_ =	swait.ge [sflag:s9], $0x8000  }
0x253: {  	[sflag:s9] =	ssyncset.done $0x0  }
0x254: {  	[sflag:s9] =	ssyncadd.s32 $0xFFFF8000  }
0x255: {  	s19 =	simm.s32 $0x8010  }
0x256: {  	v3 =	vld [tilespmem:s19+$0x0];
	_ =	sdelay $0x4  }
0x257: {  	v4 =	vadd.s32 $0x20, v3  }
0x258: {  	v5 =	vadd.s32 $0x21, v3  }
0x259: {  	v6 =	vadd.s32 $0x22, v3  }
0x25a: {  	v7 =	vadd.s32 $0x23, v3  }
0x25b: {  	v25 =	vld [tilespmem:s19+$0xFFFFFFF0];
	v8 =	vadd.s32 $0x24, v3  }
0x25c: {  	v9 =	vadd.s32 $0x25, v3;
	v4 =	vld.idx.msk [tilespmem:v4+s7+$0x0], $0xffff  }
0x25d: {  	v10 =	vadd.s32 $0x26, v3;
	v5 =	vld.idx.msk [tilespmem:v5+s7+$0x0], $0xffff  }
0x25e: {  	v11 =	vadd.s32 $0x27, v3;
	v6 =	vld.idx.msk [tilespmem:v6+s7+$0x0], $0xffff  }
0x25f: {  	v12 =	vadd.s32 $0x28, v3;
	v7 =	vld.idx.msk [tilespmem:v7+s7+$0x0], $0xffff  }
0x260: {  	v13 =	vadd.s32 $0x29, v3;
	v8 =	vld.idx.msk [tilespmem:v8+s7+$0x0], $0xffff  }
0x261: {  	v14 =	vadd.s32 $0x2A, v3;
	v9 =	vld.idx.msk [tilespmem:v9+s7+$0x0], $0xffff  }
0x262: {  	v15 =	vadd.s32 $0x2B, v3;
	v10 =	vld.idx.msk [tilespmem:v10+s7+$0x0], $0xffff  }
0x263: {  	v16 =	vadd.s32 $0x2C, v3;
	v26 =	vld.idx.msk [tilespmem:v11+s7+$0x0], $0xffff  }
0x264: {  	v17 =	vadd.s32 $0x2D, v3;
	v11 =	vld.idx.msk [tilespmem:v12+s7+$0x0], $0xffff  }
0x265: {  	v19 =	vadd.s32 $0x2E, v3;
	s19 =	sld [smem:$0x1];
	v12 =	vld.idx.msk [tilespmem:v13+s7+$0x0], $0xffff  }
0x266: {  	v3 =	vadd.s32 $0x2F, v3;
	s21 =	sld [smem:$0x0];
	v13 =	vld.idx.msk [tilespmem:v14+s7+$0x0], $0xffff  }
0x267: {  	v20 =	vadd.s32 $0x20, v25;
	v14 =	vld.idx.msk [tilespmem:v15+s7+$0x0], $0xffff  }
0x268: {  	v15 =	vld.idx.msk [tilespmem:v16+s7+$0x0], $0xffff;
	v16 =	vadd.s32 $0x21, v25;
	s20 =	sshll.u32 s19, $0x4;
	s19 =	sshll.u32 s19, $0x7  }
0x269: {  	v18 =	vld.idx.msk [tilespmem:v17+s7+$0x0], $0xffff;
	v17 =	vadd.s32 $0x22, v25;
	s23 =	sand.u32 $0x70, s20;
	s26 =	sand.u32 $0xFFFFFC00, s19  }
0x26a: {  	v23 =	vadd.s32 $0x23, v25;
	v22 =	vld.idx.msk [tilespmem:v19+s7+$0x0], $0xffff;
	s24 =	sor.u32 s23, s26  }
0x26b: {  	v27 =	vld.idx.msk [tilespmem:v3+s7+$0x0], $0xffff;
	v3 =	vadd.s32 $0x24, v25;
	[tilespmem:s24+$0x8800] =	vst v4  }
0x26c: {  	v19 =	vld.idx.msk [tilespmem:v20+s7+$0x0], $0xffff;
	v4 =	vadd.s32 $0x25, v25;
	[tilespmem:s24+$0x8880] =	vst v5  }
0x26d: {  	v5 =	vadd.s32 $0x26, v25;
	v21 =	vld.idx.msk [tilespmem:v16+s7+$0x0], $0xffff;
	[tilespmem:s24+$0x8900] =	vst v6  }
0x26e: {  	p2 =	sgt.s32 s13, $0x2;
	v28 =	vadd.s32 $0x27, v25;
	v20 =	vld.idx.msk [tilespmem:v17+s7+$0x0], $0xffff;
	[tilespmem:s24+$0x8980] =	vst v7  }
.Ltmp19:
0x26f: {  	v16 =	vld.idx.msk [tilespmem:v23+s7+$0x0], $0xffff;
	[tilespmem:s24+$0x8A00] =	vst v8;
	(pc) =	sbr.rel @!p2 .LBB2_27-.Ltmp19, $4  }
0x270: {  	s18 =	simm.s32 $0x1;
	s25 =	sshll.u32 s21, $0x4;
	s19 =	sor.u32 s23, s19;
	v17 =	vld.idx.msk [tilespmem:v3+s7+$0x0], $0xffff;
	[tilespmem:s24+$0x8A80] =	vst v9  }
0x271: {  	s21 =	sshll.u32 s21, $0x7;
	s28 =	sand.u32 $0x70, s25;
	v9 =	vadd.s32 $0x28, v25;
	v6 =	vadd.s32 $0x29, v25;
	[tilespmem:s24+$0x8B00] =	vst v10;
	s19 =	sor.u32 $0x380, s19;
	v23 =	vld.idx.msk [tilespmem:v4+s7+$0x0], $0xffff  }
0x272: {  	s20 =	simm.s32 $0x2;
	s29 =	sand.u32 $0xFFFFFC00, s21;
	v10 =	vadd.s32 $0x2A, v25;
	v8 =	vadd.s32 $0x2B, v25;
	v7 =	vadd.s32 $0x2C, v25;
	s21 =	sor.u32 s28, s21;
	[tilespmem:s19+$0x8800] =	vst v26;
	v24 =	vld.idx.msk [tilespmem:v5+s7+$0x0], $0xffff  }
0x273: {  	v3 =	vadd.s32 $0x2F, v25;
	s19 =	sor.u32 s28, s29;
	s23 =	sor.u32 $0x380, s21;
	s21 =	simm.s32 $0x8030;
	[tilespmem:s24+$0xCB80] =	vst v27;
	v5 =	vadd.s32 $0x2D, v25;
	v4 =	vadd.s32 $0x2E, v25;
	v25 =	vld.idx.msk [tilespmem:v28+s7+$0x0], $0xffff  }
.LBB2_26:
0x274: {  	v26 =	vld [tilespmem:s21+$0x0];
	[tilespmem:s24+$0xC800] =	vst v11  }
0x275: {  	v11 =	vld [tilespmem:s21+$0xFFFFFFF0];
	[tilespmem:s24+$0xC880] =	vst v12  }
0x276: {  	v12 =	vld.idx.msk [tilespmem:v9+s7+$0x0], $0xffff;
	[tilespmem:s24+$0xC900] =	vst v13  }
0x277: {  	v13 =	vld.idx.msk [tilespmem:v6+s7+$0x0], $0xffff;
	[tilespmem:s24+$0xC980] =	vst v14  }
0x278: {  	v14 =	vld.idx.msk [tilespmem:v10+s7+$0x0], $0xffff;
	[tilespmem:s24+$0xCA00] =	vst v15  }
0x279: {  	v10 =	vadd.s32 $0x20, v26;
	v15 =	vld.idx.msk [tilespmem:v8+s7+$0x0], $0xffff;
	[tilespmem:s24+$0xCA80] =	vst v18  }
0x27a: {  	v18 =	vadd.s32 $0x21, v26;
	v27 =	vadd.s32 $0x20, v11;
	v28 =	vadd.s32 $0x21, v11;
	v29 =	vld.idx.msk [tilespmem:v7+s7+$0x0], $0xffff;
	[tilespmem:s24+$0xCB00] =	vst v22  }
0x27b: {  	v30 =	vadd.s32 $0x22, v11;
	v31 =	vadd.s32 $0x23, v11;
	v22 =	vadd.s32 $0x22, v26;
	v32 =	vld.idx.msk [tilespmem:v5+s7+$0x0], $0xffff  }
0x27c: {  	v35 =	vadd.s32 $0x23, v26;
	v33 =	vadd.s32 $0x24, v11;
	v34 =	vadd.s32 $0x25, v11;
	v36 =	vld.idx.msk [tilespmem:v4+s7+$0x0], $0xffff  }
0x27d: {  	v39 =	vadd.s32 $0x24, v26;
	v37 =	vadd.s32 $0x26, v11;
	v38 =	vadd.s32 $0x27, v11;
	v40 =	vld.idx.msk [tilespmem:v3+s7+$0x0], $0xffff;
	[tilespmem:s19+$0x8800] =	vst v19  }
0x27e: {  	v41 =	vadd.s32 $0x25, v26;
	v9 =	vadd.s32 $0x28, v11;
	v6 =	vadd.s32 $0x29, v11;
	v19 =	vld.idx.msk [tilespmem:v10+s7+$0x0], $0xffff;
	[tilespmem:s19+$0x8880] =	vst v21  }
0x27f: {  	v8 =	vadd.s32 $0x2B, v11;
	v10 =	vadd.s32 $0x2A, v11;
	v21 =	vld.idx.msk [tilespmem:v18+s7+$0x0], $0xffff;
	v18 =	vadd.s32 $0x26, v26;
	[tilespmem:s19+$0x8900] =	vst v20  }
0x280: {  	v7 =	vadd.s32 $0x2C, v11;
	v5 =	vadd.s32 $0x2D, v11;
	v20 =	vld.idx.msk [tilespmem:v22+s7+$0x0], $0xffff;
	v22 =	vadd.s32 $0x27, v26;
	[tilespmem:s19+$0x8980] =	vst v16  }
0x281: {  	v4 =	vadd.s32 $0x2E, v11;
	v3 =	vadd.s32 $0x2F, v11;
	v11 =	vadd.s32 $0x28, v26;
	v16 =	vld.idx.msk [tilespmem:v35+s7+$0x0], $0xffff;
	[tilespmem:s19+$0x8A00] =	vst v17  }
0x282: {  	v35 =	vadd.s32 $0x29, v26;
	v17 =	vld.idx.msk [tilespmem:v39+s7+$0x0], $0xffff;
	[tilespmem:s19+$0x8A80] =	vst v23  }
0x283: {  	v39 =	vadd.s32 $0x2A, v26;
	v23 =	vld.idx.msk [tilespmem:v41+s7+$0x0], $0xffff;
	[tilespmem:s19+$0x8B00] =	vst v24  }
0x284: {  	v24 =	vld.idx.msk [tilespmem:v18+s7+$0x0], $0xffff;
	v18 =	vadd.s32 $0x2B, v26;
	[tilespmem:s23+$0x8800] =	vst v25  }
0x285: {  	s20 =	sadd.s32 $0x2, s20;
	v25 =	vld.idx.msk [tilespmem:v22+s7+$0x0], $0xffff;
	v22 =	vadd.s32 $0x2C, v26;
	[tilespmem:s19+$0xC800] =	vst v12  }
0x286: {  	s18 =	sadd.s32 $0x2, s18;
	p2 =	slt.s32 s20, s13;
	v41 =	vadd.s32 $0x2D, v26;
	v11 =	vld.idx.msk [tilespmem:v11+s7+$0x0], $0xffff;
	[tilespmem:s19+$0xC880] =	vst v13  }
0x287: {  	s23 =	sld [smem:s18+$0x0];
	v12 =	vld.idx.msk [tilespmem:v35+s7+$0x0], $0xffff;
	v35 =	vadd.s32 $0x2E, v26;
	[tilespmem:s19+$0xC900] =	vst v14  }
0x288: {  	v26 =	vadd.s32 $0x2F, v26;
	s24 =	sld [smem:s18+$0xFFFFFFFF];
	v13 =	vld.idx.msk [tilespmem:v39+s7+$0x0], $0xffff;
	[tilespmem:s19+$0xC980] =	vst v15  }
0x289: {  	v14 =	vld.idx.msk [tilespmem:v18+s7+$0x0], $0xffff;
	[tilespmem:s19+$0xCA00] =	vst v29  }
0x28a: {  	s25 =	sshll.u32 s23, $0x4;
	v15 =	vld.idx.msk [tilespmem:v22+s7+$0x0], $0xffff;
	s26 =	sshll.u32 s23, $0x7;
	[tilespmem:s19+$0xCA80] =	vst v32  }
0x28b: {  	s23 =	sshll.u32 s24, $0x4;
	v18 =	vld.idx.msk [tilespmem:v41+s7+$0x0], $0xffff;
	s25 =	sand.u32 $0x70, s25;
	s28 =	sand.u32 $0xFFFFFC00, s26;
	[tilespmem:s19+$0xCB00] =	vst v36  }
0x28c: {  	s29 =	sshll.u32 s24, $0x7;
	s23 =	sand.u32 $0x70, s23;
	v22 =	vld.idx.msk [tilespmem:v35+s7+$0x0], $0xffff;
	s24 =	sor.u32 s25, s28;
	[tilespmem:s19+$0xCB80] =	vst v40  }
0x28d: {  	s19 =	sand.u32 $0xFFFFFC00, s29;
	s28 =	sor.u32 s23, s29;
	v26 =	vld.idx.msk [tilespmem:v26+s7+$0x0], $0xffff;
	[tilespmem:s24+$0x8800] =	vst v19  }
0x28e: {  	s19 =	sor.u32 s23, s19;
	v19 =	vld.idx.msk [tilespmem:v27+s7+$0x0], $0xffff;
	s23 =	sor.u32 $0x380, s28;
	[tilespmem:s24+$0x8880] =	vst v21  }
0x28f: {  	v21 =	vld.idx.msk [tilespmem:v28+s7+$0x0], $0xffff;
	[tilespmem:s24+$0x8900] =	vst v20  }
0x290: {  	v20 =	vld.idx.msk [tilespmem:v30+s7+$0x0], $0xffff;
	[tilespmem:s24+$0x8980] =	vst v16  }
.Ltmp20:
0x291: {  	v16 =	vld.idx.msk [tilespmem:v31+s7+$0x0], $0xffff;
	[tilespmem:s24+$0x8A00] =	vst v17;
	(pc) =	sbr.rel @p2 .LBB2_26-.Ltmp20, $4  }
0x292: {  	s25 =	sor.u32 s25, s26;
	v17 =	vld.idx.msk [tilespmem:v33+s7+$0x0], $0xffff;
	[tilespmem:s24+$0x8A80] =	vst v23  }
0x293: {  	s25 =	sor.u32 $0x380, s25;
	v23 =	vld.idx.msk [tilespmem:v34+s7+$0x0], $0xffff;
	[tilespmem:s24+$0x8B00] =	vst v24  }
0x294: {  	v24 =	vld.idx.msk [tilespmem:v37+s7+$0x0], $0xffff;
	[tilespmem:s25+$0x8800] =	vst v25  }
0x295: {  	s21 =	sadd.s32 $0x20, s21;
	v25 =	vld.idx.msk [tilespmem:v38+s7+$0x0], $0xffff;
	[tilespmem:s24+$0xCB80] =	vst v26  }
.LBB2_27:
0x296: {  	_ =	sdelay $0x3  }
0x297: {  	v9 =	vld.idx.msk [tilespmem:v9+s7+$0x0], $0xffff;
	[tilespmem:s24+$0xC800] =	vst v11  }
0x298: {  	v6 =	vld.idx.msk [tilespmem:v6+s7+$0x0], $0xffff;
	[tilespmem:s24+$0xC880] =	vst v12  }
0x299: {  	v10 =	vld.idx.msk [tilespmem:v10+s7+$0x0], $0xffff;
	[tilespmem:s24+$0xC900] =	vst v13  }
0x29a: {  	v8 =	vld.idx.msk [tilespmem:v8+s7+$0x0], $0xffff;
	[tilespmem:s24+$0xC980] =	vst v14  }
0x29b: {  	v7 =	vld.idx.msk [tilespmem:v7+s7+$0x0], $0xffff;
	[tilespmem:s24+$0xCA00] =	vst v15  }
0x29c: {  	v5 =	vld.idx.msk [tilespmem:v5+s7+$0x0], $0xffff;
	[tilespmem:s24+$0xCA80] =	vst v18  }
0x29d: {  	v4 =	vld.idx.msk [tilespmem:v4+s7+$0x0], $0xffff;
	[tilespmem:s24+$0xCB00] =	vst v22  }
0x29e: {  	v3 =	vld.idx.msk [tilespmem:v3+s7+$0x0], $0xffff;
	[tilespmem:s19+$0x8800] =	vst v19  }
0x29f: {  	[tilespmem:s19+$0x8880] =	vst v21  }
0x2a0: {  	[tilespmem:s19+$0x8900] =	vst v20  }
0x2a1: {  	[tilespmem:s19+$0x8980] =	vst v16  }
0x2a2: {  	[tilespmem:s19+$0x8A00] =	vst v17  }
0x2a3: {  	[tilespmem:s19+$0x8A80] =	vst v23  }
0x2a4: {  	[tilespmem:s19+$0x8B00] =	vst v24  }
0x2a5: {  	[tilespmem:s23+$0x8800] =	vst v25  }
0x2a6: {  	[tilespmem:s19+$0xC800] =	vst v9  }
0x2a7: {  	[tilespmem:s19+$0xC880] =	vst v6  }
0x2a8: {  	[tilespmem:s19+$0xC900] =	vst v10  }
0x2a9: {  	[tilespmem:s19+$0xC980] =	vst v8  }
0x2aa: {  	[tilespmem:s19+$0xCA00] =	vst v7  }
0x2ab: {  	[tilespmem:s19+$0xCA80] =	vst v5  }
0x2ac: {  	[tilespmem:s19+$0xCB00] =	vst v4  }
0x2ad: {  	[tilespmem:s19+$0xCB80] =	vst v3  }
.LBB2_28:
.Ltmp21:
0x2ae: {  	(pc) =	sbr.rel @p1 .LBB2_31-.Ltmp21, $1  }
0x2af: {  	_ =	sdelay $0x3  }
0x2b0: {  	s18 =	sadd.s32 $0x8000, s16;
	s19 =	sshra.s32 s17, $0x2;
	s20 =	smov.u32 s14  }
.LBB2_30:
0x2b1: {  	v3 =	vld [tilespmem:s18+$0x0];
	_ =	sdelay $0x4  }
0x2b2: {  	v4 =	vadd.s32 $0x20, v3  }
0x2b3: {  	v5 =	vadd.s32 $0x21, v3  }
0x2b4: {  	v6 =	vadd.s32 $0x22, v3  }
0x2b5: {  	v7 =	vadd.s32 $0x23, v3  }
0x2b6: {  	v8 =	vadd.s32 $0x24, v3  }
0x2b7: {  	v9 =	vadd.s32 $0x25, v3;
	v4 =	vld.idx.msk [tilespmem:v4+s7+$0x0], $0xffff  }
0x2b8: {  	v10 =	vadd.s32 $0x26, v3;
	v5 =	vld.idx.msk [tilespmem:v5+s7+$0x0], $0xffff  }
0x2b9: {  	v11 =	vadd.s32 $0x27, v3;
	v6 =	vld.idx.msk [tilespmem:v6+s7+$0x0], $0xffff  }
0x2ba: {  	v12 =	vadd.s32 $0x28, v3;
	v7 =	vld.idx.msk [tilespmem:v7+s7+$0x0], $0xffff  }
0x2bb: {  	v13 =	vadd.s32 $0x29, v3;
	v8 =	vld.idx.msk [tilespmem:v8+s7+$0x0], $0xffff  }
0x2bc: {  	v14 =	vadd.s32 $0x2A, v3;
	v9 =	vld.idx.msk [tilespmem:v9+s7+$0x0], $0xffff  }
0x2bd: {  	v15 =	vadd.s32 $0x2B, v3;
	v10 =	vld.idx.msk [tilespmem:v10+s7+$0x0], $0xffff  }
0x2be: {  	v16 =	vadd.s32 $0x2C, v3;
	v11 =	vld.idx.msk [tilespmem:v11+s7+$0x0], $0xffff  }
0x2bf: {  	v17 =	vadd.s32 $0x2D, v3;
	v12 =	vld.idx.msk [tilespmem:v12+s7+$0x0], $0xffff  }
0x2c0: {  	s21 =	sld [smem:s19+$0x0];
	v18 =	vadd.s32 $0x2E, v3;
	v13 =	vld.idx.msk [tilespmem:v13+s7+$0x0], $0xffff  }
0x2c1: {  	v3 =	vadd.s32 $0x2F, v3;
	v14 =	vld.idx.msk [tilespmem:v14+s7+$0x0], $0xffff  }
0x2c2: {  	v15 =	vld.idx.msk [tilespmem:v15+s7+$0x0], $0xffff  }
0x2c3: {  	s23 =	sshll.u32 s21, $0x4;
	s21 =	sshll.u32 s21, $0x7;
	v16 =	vld.idx.msk [tilespmem:v16+s7+$0x0], $0xffff  }
0x2c4: {  	s23 =	sand.u32 $0x70, s23;
	s24 =	sand.u32 $0xFFFFFC00, s21;
	v17 =	vld.idx.msk [tilespmem:v17+s7+$0x0], $0xffff  }
0x2c5: {  	s24 =	sor.u32 s23, s24;
	v18 =	vld.idx.msk [tilespmem:v18+s7+$0x0], $0xffff  }
0x2c6: {  	v3 =	vld.idx.msk [tilespmem:v3+s7+$0x0], $0xffff;
	[tilespmem:s24+$0x8800] =	vst v4  }
0x2c7: {  	[tilespmem:s24+$0x8880] =	vst v5  }
0x2c8: {  	[tilespmem:s24+$0x8900] =	vst v6  }
0x2c9: {  	[tilespmem:s24+$0x8980] =	vst v7  }
0x2ca: {  	[tilespmem:s24+$0x8A00] =	vst v8  }
0x2cb: {  	s21 =	sor.u32 s23, s21;
	[tilespmem:s24+$0x8A80] =	vst v9  }
0x2cc: {  	s21 =	sor.u32 $0x380, s21;
	[tilespmem:s24+$0x8B00] =	vst v10  }
0x2cd: {  	[tilespmem:s21+$0x8800] =	vst v11  }
0x2ce: {  	[tilespmem:s24+$0xC800] =	vst v12  }
0x2cf: {  	[tilespmem:s24+$0xC880] =	vst v13  }
0x2d0: {  	p2 =	sne.s32 s20, $0x1;
	[tilespmem:s24+$0xC900] =	vst v14  }
.Ltmp22:
0x2d1: {  	[tilespmem:s24+$0xC980] =	vst v15;
	(pc) =	sbr.rel @p2 .LBB2_30-.Ltmp22, $4  }
0x2d2: {  	[tilespmem:s24+$0xCA00] =	vst v16  }
0x2d3: {  	[tilespmem:s24+$0xCA80] =	vst v17  }
0x2d4: {  	[tilespmem:s24+$0xCB00] =	vst v18  }
0x2d5: {  	s18 =	sadd.s32 $0x10, s18;
	s19 =	sadd.s32 $0x1, s19;
	s20 =	sadd.s32 $0xFFFFFFFF, s20;
	[tilespmem:s24+$0xCB80] =	vst v3  }
.LBB2_31:
.Ltmp23:
0x2d6: {  	s18 =	rddreg [dreg:$0x1a];
	(pc) =	sbr.rel @p0 .LBB2_35-.Ltmp23, $4  }
0x2d7: {  	[hbm4b:s18+s3] =	stream.linear.scatter [tilespmem:s10], [sflag:$0x1], $0x8000, $0x38;
	[tilespmem:$0x18800] =	vst v63  }
0x2d8: {  	_ =	swait.ge [sflag:s8], $0x8000  }
0x2d9: {  	[sflag:s8] =	ssyncset.done $0x0  }
0x2da: {  	[sflag:s8] =	ssyncadd.s32 $0xFFFF8000  }
0x2db: {  	s19 =	simm.s32 $0x8010  }
0x2dc: {  	v3 =	vld [tilespmem:s19+$0x0];
	_ =	sdelay $0x4  }
0x2dd: {  	v4 =	vadd.s32 $0x30, v3  }
0x2de: {  	v5 =	vadd.s32 $0x31, v3  }
0x2df: {  	v6 =	vadd.s32 $0x32, v3  }
0x2e0: {  	v7 =	vadd.s32 $0x33, v3  }
0x2e1: {  	v25 =	vld [tilespmem:s19+$0xFFFFFFF0];
	v8 =	vadd.s32 $0x34, v3  }
0x2e2: {  	v9 =	vadd.s32 $0x35, v3;
	v4 =	vld.idx.msk [tilespmem:v4+s7+$0x0], $0xffff  }
0x2e3: {  	v10 =	vadd.s32 $0x36, v3;
	v5 =	vld.idx.msk [tilespmem:v5+s7+$0x0], $0xffff  }
0x2e4: {  	v11 =	vadd.s32 $0x37, v3;
	v6 =	vld.idx.msk [tilespmem:v6+s7+$0x0], $0xffff  }
0x2e5: {  	v12 =	vadd.s32 $0x38, v3;
	v7 =	vld.idx.msk [tilespmem:v7+s7+$0x0], $0xffff  }
0x2e6: {  	v13 =	vadd.s32 $0x39, v3;
	v8 =	vld.idx.msk [tilespmem:v8+s7+$0x0], $0xffff  }
0x2e7: {  	v14 =	vadd.s32 $0x3A, v3;
	v9 =	vld.idx.msk [tilespmem:v9+s7+$0x0], $0xffff  }
0x2e8: {  	v15 =	vadd.s32 $0x3B, v3;
	v10 =	vld.idx.msk [tilespmem:v10+s7+$0x0], $0xffff  }
0x2e9: {  	v16 =	vadd.s32 $0x3C, v3;
	v26 =	vld.idx.msk [tilespmem:v11+s7+$0x0], $0xffff  }
0x2ea: {  	v17 =	vadd.s32 $0x3D, v3;
	v11 =	vld.idx.msk [tilespmem:v12+s7+$0x0], $0xffff  }
0x2eb: {  	v18 =	vadd.s32 $0x3E, v3;
	s19 =	sld [smem:$0x1];
	v12 =	vld.idx.msk [tilespmem:v13+s7+$0x0], $0xffff  }
0x2ec: {  	v3 =	vadd.s32 $0x3F, v3;
	s21 =	sld [smem:$0x0];
	v13 =	vld.idx.msk [tilespmem:v14+s7+$0x0], $0xffff  }
0x2ed: {  	v19 =	vadd.s32 $0x30, v25;
	v14 =	vld.idx.msk [tilespmem:v15+s7+$0x0], $0xffff  }
0x2ee: {  	v20 =	vadd.s32 $0x31, v25;
	v15 =	vld.idx.msk [tilespmem:v16+s7+$0x0], $0xffff;
	s20 =	sshll.u32 s19, $0x4;
	s19 =	sshll.u32 s19, $0x7  }
0x2ef: {  	v21 =	vadd.s32 $0x32, v25;
	v16 =	vld.idx.msk [tilespmem:v17+s7+$0x0], $0xffff;
	s23 =	sand.u32 $0x70, s20;
	s25 =	sand.u32 $0xFFFFFC00, s19  }
0x2f0: {  	v22 =	vadd.s32 $0x33, v25;
	v17 =	vld.idx.msk [tilespmem:v18+s7+$0x0], $0xffff;
	s24 =	sor.u32 s23, s25  }
0x2f1: {  	v24 =	vadd.s32 $0x36, v25;
	v27 =	vld.idx.msk [tilespmem:v3+s7+$0x0], $0xffff;
	s25 =	sadd.s32 $0x10800, s24;
	[tilespmem:s24+$0x10800] =	vst v4  }
0x2f2: {  	v3 =	vadd.s32 $0x34, v25;
	v18 =	vld.idx.msk [tilespmem:v19+s7+$0x0], $0xffff;
	[tilespmem:s25+$0x80] =	vst v5  }
0x2f3: {  	v20 =	vld.idx.msk [tilespmem:v20+s7+$0x0], $0xffff;
	v4 =	vadd.s32 $0x35, v25;
	[tilespmem:s25+$0x100] =	vst v6  }
0x2f4: {  	p2 =	sgt.s32 s13, $0x2;
	v28 =	vadd.s32 $0x37, v25;
	v21 =	vld.idx.msk [tilespmem:v21+s7+$0x0], $0xffff;
	[tilespmem:s25+$0x180] =	vst v7  }
.Ltmp24:
0x2f5: {  	v19 =	vld.idx.msk [tilespmem:v22+s7+$0x0], $0xffff;
	s26 =	sshll.u32 s21, $0x4;
	[tilespmem:s25+$0x200] =	vst v8;
	(pc) =	sbr.rel @!p2 .LBB2_34-.Ltmp24, $4  }
0x2f6: {  	v24 =	vld.idx.msk [tilespmem:v24+s7+$0x0], $0xffff;
	s21 =	sshll.u32 s21, $0x7;
	s19 =	sor.u32 s23, s19;
	s26 =	sand.u32 $0x70, s26;
	[tilespmem:s25+$0x280] =	vst v9  }
0x2f7: {  	s18 =	simm.s32 $0x1;
	s28 =	sand.u32 $0xFFFFFC00, s21;
	v22 =	vld.idx.msk [tilespmem:v3+s7+$0x0], $0xffff;
	s29 =	sor.u32 $0x380, s19;
	v3 =	vadd.s32 $0x3F, v25;
	v5 =	vadd.s32 $0x38, v25;
	v7 =	vadd.s32 $0x39, v25;
	[tilespmem:s25+$0x300] =	vst v10  }
0x2f8: {  	s20 =	simm.s32 $0x2;
	s21 =	sor.u32 s26, s21;
	s19 =	sor.u32 s26, s28;
	v9 =	vadd.s32 $0x3A, v25;
	v10 =	vadd.s32 $0x3B, v25;
	v8 =	vadd.s32 $0x3C, v25;
	[tilespmem:s29+$0x10800] =	vst v26;
	v23 =	vld.idx.msk [tilespmem:v4+s7+$0x0], $0xffff  }
0x2f9: {  	v6 =	vadd.s32 $0x3E, v25;
	s23 =	sor.u32 $0x380, s21;
	s25 =	sadd.s32 $0x10800, s19;
	s21 =	simm.s32 $0x8030;
	[tilespmem:s24+$0x14B80] =	vst v27;
	v4 =	vadd.s32 $0x3D, v25;
	v25 =	vld.idx.msk [tilespmem:v28+s7+$0x0], $0xffff  }
.LBB2_33:
0x2fa: {  	v26 =	vld [tilespmem:s21+$0x0];
	[tilespmem:s24+$0x14800] =	vst v11  }
0x2fb: {  	v11 =	vld [tilespmem:s21+$0xFFFFFFF0];
	[tilespmem:s24+$0x14880] =	vst v12  }
0x2fc: {  	v12 =	vld.idx.msk [tilespmem:v5+s7+$0x0], $0xffff;
	[tilespmem:s24+$0x14900] =	vst v13  }
0x2fd: {  	v13 =	vld.idx.msk [tilespmem:v7+s7+$0x0], $0xffff;
	[tilespmem:s24+$0x14980] =	vst v14  }
0x2fe: {  	v14 =	vld.idx.msk [tilespmem:v9+s7+$0x0], $0xffff;
	[tilespmem:s24+$0x14A00] =	vst v15  }
0x2ff: {  	v9 =	vadd.s32 $0x30, v26;
	v15 =	vld.idx.msk [tilespmem:v10+s7+$0x0], $0xffff;
	[tilespmem:s24+$0x14A80] =	vst v16  }
0x300: {  	v16 =	vadd.s32 $0x31, v26;
	v27 =	vadd.s32 $0x30, v11;
	v28 =	vadd.s32 $0x31, v11;
	v29 =	vld.idx.msk [tilespmem:v8+s7+$0x0], $0xffff;
	[tilespmem:s24+$0x14B00] =	vst v17  }
0x301: {  	v30 =	vadd.s32 $0x32, v11;
	v31 =	vadd.s32 $0x33, v11;
	v17 =	vadd.s32 $0x32, v26;
	v32 =	vld.idx.msk [tilespmem:v4+s7+$0x0], $0xffff  }
0x302: {  	v35 =	vadd.s32 $0x33, v26;
	v33 =	vadd.s32 $0x34, v11;
	v34 =	vadd.s32 $0x35, v11;
	v36 =	vld.idx.msk [tilespmem:v6+s7+$0x0], $0xffff  }
0x303: {  	v39 =	vadd.s32 $0x34, v26;
	v37 =	vadd.s32 $0x36, v11;
	v38 =	vadd.s32 $0x37, v11;
	v40 =	vld.idx.msk [tilespmem:v3+s7+$0x0], $0xffff;
	[tilespmem:s19+$0x10800] =	vst v18  }
0x304: {  	v41 =	vadd.s32 $0x35, v26;
	v5 =	vadd.s32 $0x38, v11;
	v7 =	vadd.s32 $0x39, v11;
	v18 =	vld.idx.msk [tilespmem:v9+s7+$0x0], $0xffff;
	[tilespmem:s25+$0x80] =	vst v20  }
0x305: {  	v10 =	vadd.s32 $0x3B, v11;
	v9 =	vadd.s32 $0x3A, v11;
	v20 =	vld.idx.msk [tilespmem:v16+s7+$0x0], $0xffff;
	v16 =	vadd.s32 $0x36, v26;
	[tilespmem:s25+$0x100] =	vst v21  }
0x306: {  	v8 =	vadd.s32 $0x3C, v11;
	v4 =	vadd.s32 $0x3D, v11;
	v21 =	vld.idx.msk [tilespmem:v17+s7+$0x0], $0xffff;
	v17 =	vadd.s32 $0x37, v26;
	[tilespmem:s25+$0x180] =	vst v19  }
0x307: {  	v6 =	vadd.s32 $0x3E, v11;
	v3 =	vadd.s32 $0x3F, v11;
	v11 =	vadd.s32 $0x38, v26;
	v19 =	vld.idx.msk [tilespmem:v35+s7+$0x0], $0xffff;
	[tilespmem:s25+$0x200] =	vst v22  }
0x308: {  	v35 =	vadd.s32 $0x39, v26;
	v22 =	vld.idx.msk [tilespmem:v39+s7+$0x0], $0xffff;
	[tilespmem:s25+$0x280] =	vst v23  }
0x309: {  	v39 =	vadd.s32 $0x3A, v26;
	v23 =	vld.idx.msk [tilespmem:v41+s7+$0x0], $0xffff;
	[tilespmem:s25+$0x300] =	vst v24  }
0x30a: {  	v24 =	vld.idx.msk [tilespmem:v16+s7+$0x0], $0xffff;
	v16 =	vadd.s32 $0x3B, v26;
	[tilespmem:s23+$0x10800] =	vst v25  }
0x30b: {  	s20 =	sadd.s32 $0x2, s20;
	v25 =	vld.idx.msk [tilespmem:v17+s7+$0x0], $0xffff;
	v17 =	vadd.s32 $0x3C, v26;
	[tilespmem:s19+$0x14800] =	vst v12  }
0x30c: {  	s18 =	sadd.s32 $0x2, s18;
	p2 =	slt.s32 s20, s13;
	v41 =	vadd.s32 $0x3D, v26;
	v11 =	vld.idx.msk [tilespmem:v11+s7+$0x0], $0xffff;
	[tilespmem:s19+$0x14880] =	vst v13  }
0x30d: {  	s23 =	sld [smem:s18+$0x0];
	v12 =	vld.idx.msk [tilespmem:v35+s7+$0x0], $0xffff;
	v35 =	vadd.s32 $0x3E, v26;
	[tilespmem:s19+$0x14900] =	vst v14  }
0x30e: {  	v26 =	vadd.s32 $0x3F, v26;
	s24 =	sld [smem:s18+$0xFFFFFFFF];
	v13 =	vld.idx.msk [tilespmem:v39+s7+$0x0], $0xffff;
	[tilespmem:s19+$0x14980] =	vst v15  }
0x30f: {  	v14 =	vld.idx.msk [tilespmem:v16+s7+$0x0], $0xffff;
	[tilespmem:s19+$0x14A00] =	vst v29  }
0x310: {  	s25 =	sshll.u32 s23, $0x4;
	v15 =	vld.idx.msk [tilespmem:v17+s7+$0x0], $0xffff;
	s26 =	sshll.u32 s23, $0x7;
	[tilespmem:s19+$0x14A80] =	vst v32  }
0x311: {  	s23 =	sshll.u32 s24, $0x4;
	v16 =	vld.idx.msk [tilespmem:v41+s7+$0x0], $0xffff;
	s28 =	sand.u32 $0x70, s25;
	s25 =	sand.u32 $0xFFFFFC00, s26;
	[tilespmem:s19+$0x14B00] =	vst v36  }
0x312: {  	s29 =	sshll.u32 s24, $0x7;
	s23 =	sand.u32 $0x70, s23;
	v17 =	vld.idx.msk [tilespmem:v35+s7+$0x0], $0xffff;
	s24 =	sor.u32 s28, s25;
	[tilespmem:s19+$0x14B80] =	vst v40  }
0x313: {  	s19 =	sand.u32 $0xFFFFFC00, s29;
	s25 =	sor.u32 s23, s29;
	v26 =	vld.idx.msk [tilespmem:v26+s7+$0x0], $0xffff;
	s29 =	sadd.s32 $0x10800, s24;
	[tilespmem:s24+$0x10800] =	vst v18  }
0x314: {  	s19 =	sor.u32 s23, s19;
	v18 =	vld.idx.msk [tilespmem:v27+s7+$0x0], $0xffff;
	s23 =	sor.u32 $0x380, s25;
	[tilespmem:s29+$0x80] =	vst v20  }
0x315: {  	s25 =	sadd.s32 $0x10800, s19;
	v20 =	vld.idx.msk [tilespmem:v28+s7+$0x0], $0xffff;
	[tilespmem:s29+$0x100] =	vst v21  }
0x316: {  	v21 =	vld.idx.msk [tilespmem:v30+s7+$0x0], $0xffff;
	[tilespmem:s29+$0x180] =	vst v19  }
.Ltmp25:
0x317: {  	v19 =	vld.idx.msk [tilespmem:v31+s7+$0x0], $0xffff;
	[tilespmem:s29+$0x200] =	vst v22;
	(pc) =	sbr.rel @p2 .LBB2_33-.Ltmp25, $4  }
0x318: {  	s26 =	sor.u32 s28, s26;
	v22 =	vld.idx.msk [tilespmem:v33+s7+$0x0], $0xffff;
	[tilespmem:s29+$0x280] =	vst v23  }
0x319: {  	s26 =	sor.u32 $0x380, s26;
	v23 =	vld.idx.msk [tilespmem:v34+s7+$0x0], $0xffff;
	[tilespmem:s29+$0x300] =	vst v24  }
0x31a: {  	v24 =	vld.idx.msk [tilespmem:v37+s7+$0x0], $0xffff;
	[tilespmem:s26+$0x10800] =	vst v25  }
0x31b: {  	s21 =	sadd.s32 $0x20, s21;
	v25 =	vld.idx.msk [tilespmem:v38+s7+$0x0], $0xffff;
	[tilespmem:s24+$0x14B80] =	vst v26  }
.LBB2_34:
0x31c: {  	_ =	sdelay $0x3  }
0x31d: {  	v5 =	vld.idx.msk [tilespmem:v5+s7+$0x0], $0xffff;
	[tilespmem:s24+$0x14800] =	vst v11  }
0x31e: {  	v7 =	vld.idx.msk [tilespmem:v7+s7+$0x0], $0xffff;
	[tilespmem:s24+$0x14880] =	vst v12  }
0x31f: {  	v9 =	vld.idx.msk [tilespmem:v9+s7+$0x0], $0xffff;
	[tilespmem:s24+$0x14900] =	vst v13  }
0x320: {  	v10 =	vld.idx.msk [tilespmem:v10+s7+$0x0], $0xffff;
	[tilespmem:s24+$0x14980] =	vst v14  }
0x321: {  	v8 =	vld.idx.msk [tilespmem:v8+s7+$0x0], $0xffff;
	[tilespmem:s24+$0x14A00] =	vst v15  }
0x322: {  	v4 =	vld.idx.msk [tilespmem:v4+s7+$0x0], $0xffff;
	[tilespmem:s24+$0x14A80] =	vst v16  }
0x323: {  	v6 =	vld.idx.msk [tilespmem:v6+s7+$0x0], $0xffff;
	[tilespmem:s24+$0x14B00] =	vst v17  }
0x324: {  	v3 =	vld.idx.msk [tilespmem:v3+s7+$0x0], $0xffff;
	[tilespmem:s19+$0x10800] =	vst v18  }
0x325: {  	[tilespmem:s25+$0x80] =	vst v20  }
0x326: {  	[tilespmem:s25+$0x100] =	vst v21  }
0x327: {  	[tilespmem:s25+$0x180] =	vst v19  }
0x328: {  	[tilespmem:s25+$0x200] =	vst v22  }
0x329: {  	[tilespmem:s25+$0x280] =	vst v23  }
0x32a: {  	[tilespmem:s25+$0x300] =	vst v24  }
0x32b: {  	[tilespmem:s23+$0x10800] =	vst v25  }
0x32c: {  	[tilespmem:s19+$0x14800] =	vst v5  }
0x32d: {  	[tilespmem:s19+$0x14880] =	vst v7  }
0x32e: {  	[tilespmem:s19+$0x14900] =	vst v9  }
0x32f: {  	[tilespmem:s19+$0x14980] =	vst v10  }
0x330: {  	[tilespmem:s19+$0x14A00] =	vst v8  }
0x331: {  	[tilespmem:s19+$0x14A80] =	vst v4  }
0x332: {  	[tilespmem:s19+$0x14B00] =	vst v6  }
0x333: {  	[tilespmem:s19+$0x14B80] =	vst v3  }
.LBB2_35:
.Ltmp26:
0x334: {  	(pc) =	sbr.rel @p1 .LBB2_38-.Ltmp26, $1  }
0x335: {  	_ =	sdelay $0x3  }
0x336: {  	s18 =	sadd.s32 $0x8000, s16;
	s19 =	sshra.s32 s17, $0x2;
	s20 =	smov.u32 s14  }
.LBB2_37:
0x337: {  	v3 =	vld [tilespmem:s18+$0x0];
	_ =	sdelay $0x4  }
0x338: {  	v4 =	vadd.s32 $0x30, v3  }
0x339: {  	v5 =	vadd.s32 $0x31, v3  }
0x33a: {  	v6 =	vadd.s32 $0x32, v3  }
0x33b: {  	v7 =	vadd.s32 $0x33, v3  }
0x33c: {  	v8 =	vadd.s32 $0x34, v3  }
0x33d: {  	v9 =	vadd.s32 $0x35, v3;
	v4 =	vld.idx.msk [tilespmem:v4+s7+$0x0], $0xffff  }
0x33e: {  	v10 =	vadd.s32 $0x36, v3;
	v5 =	vld.idx.msk [tilespmem:v5+s7+$0x0], $0xffff  }
0x33f: {  	v11 =	vadd.s32 $0x37, v3;
	v6 =	vld.idx.msk [tilespmem:v6+s7+$0x0], $0xffff  }
0x340: {  	v12 =	vadd.s32 $0x38, v3;
	v7 =	vld.idx.msk [tilespmem:v7+s7+$0x0], $0xffff  }
0x341: {  	v13 =	vadd.s32 $0x39, v3;
	v8 =	vld.idx.msk [tilespmem:v8+s7+$0x0], $0xffff  }
0x342: {  	v14 =	vadd.s32 $0x3A, v3;
	v9 =	vld.idx.msk [tilespmem:v9+s7+$0x0], $0xffff  }
0x343: {  	v15 =	vadd.s32 $0x3B, v3;
	v10 =	vld.idx.msk [tilespmem:v10+s7+$0x0], $0xffff  }
0x344: {  	v16 =	vadd.s32 $0x3C, v3;
	v11 =	vld.idx.msk [tilespmem:v11+s7+$0x0], $0xffff  }
0x345: {  	v17 =	vadd.s32 $0x3D, v3;
	v12 =	vld.idx.msk [tilespmem:v12+s7+$0x0], $0xffff  }
0x346: {  	s21 =	sld [smem:s19+$0x0];
	v18 =	vadd.s32 $0x3E, v3;
	v13 =	vld.idx.msk [tilespmem:v13+s7+$0x0], $0xffff  }
0x347: {  	v3 =	vadd.s32 $0x3F, v3;
	v14 =	vld.idx.msk [tilespmem:v14+s7+$0x0], $0xffff  }
0x348: {  	v15 =	vld.idx.msk [tilespmem:v15+s7+$0x0], $0xffff  }
0x349: {  	s23 =	sshll.u32 s21, $0x4;
	s21 =	sshll.u32 s21, $0x7;
	v16 =	vld.idx.msk [tilespmem:v16+s7+$0x0], $0xffff  }
0x34a: {  	s23 =	sand.u32 $0x70, s23;
	s24 =	sand.u32 $0xFFFFFC00, s21;
	v17 =	vld.idx.msk [tilespmem:v17+s7+$0x0], $0xffff  }
0x34b: {  	s24 =	sor.u32 s23, s24;
	v18 =	vld.idx.msk [tilespmem:v18+s7+$0x0], $0xffff  }
0x34c: {  	s25 =	sadd.s32 $0x10800, s24;
	v3 =	vld.idx.msk [tilespmem:v3+s7+$0x0], $0xffff;
	[tilespmem:s24+$0x10800] =	vst v4  }
0x34d: {  	[tilespmem:s25+$0x80] =	vst v5  }
0x34e: {  	[tilespmem:s25+$0x100] =	vst v6  }
0x34f: {  	[tilespmem:s25+$0x180] =	vst v7  }
0x350: {  	[tilespmem:s25+$0x200] =	vst v8  }
0x351: {  	s21 =	sor.u32 s23, s21;
	[tilespmem:s25+$0x280] =	vst v9  }
0x352: {  	s21 =	sor.u32 $0x380, s21;
	[tilespmem:s25+$0x300] =	vst v10  }
0x353: {  	[tilespmem:s21+$0x10800] =	vst v11  }
0x354: {  	[tilespmem:s24+$0x14800] =	vst v12  }
0x355: {  	[tilespmem:s24+$0x14880] =	vst v13  }
0x356: {  	p2 =	sne.s32 s20, $0x1;
	[tilespmem:s24+$0x14900] =	vst v14  }
.Ltmp27:
0x357: {  	[tilespmem:s24+$0x14980] =	vst v15;
	(pc) =	sbr.rel @p2 .LBB2_37-.Ltmp27, $4  }
0x358: {  	[tilespmem:s24+$0x14A00] =	vst v16  }
0x359: {  	[tilespmem:s24+$0x14A80] =	vst v17  }
0x35a: {  	[tilespmem:s24+$0x14B00] =	vst v18  }
0x35b: {  	s18 =	sadd.s32 $0x10, s18;
	s19 =	sadd.s32 $0x1, s19;
	s20 =	sadd.s32 $0xFFFFFFFF, s20;
	[tilespmem:s24+$0x14B80] =	vst v3  }
.LBB2_38:
.Ltmp28:
0x35c: {  	(pc) =	sbr.rel @p0 .LBB2_42-.Ltmp28, $4  }
0x35d: {  	[hbm4b:s30+s3] =	stream.linear.scatter [tilespmem:s11], [sflag:$0x2], $0x8000, $0x38;
	[tilespmem:$0x18800] =	vst v63  }
0x35e: {  	_ =	swait.ge [sflag:s9], $0x8000  }
0x35f: {  	[sflag:s9] =	ssyncset.done $0x0  }
0x360: {  	[sflag:s9] =	ssyncadd.s32 $0xFFFF8000  }
0x361: {  	s19 =	simm.s32 $0x8010  }
0x362: {  	v3 =	vld [tilespmem:s19+$0x0];
	_ =	sdelay $0x4  }
0x363: {  	v4 =	vadd.s32 $0x40, v3  }
0x364: {  	v5 =	vadd.s32 $0x41, v3  }
0x365: {  	v6 =	vadd.s32 $0x42, v3  }
0x366: {  	v7 =	vadd.s32 $0x43, v3  }
0x367: {  	v25 =	vld [tilespmem:s19+$0xFFFFFFF0];
	v8 =	vadd.s32 $0x44, v3  }
0x368: {  	v9 =	vadd.s32 $0x45, v3;
	v4 =	vld.idx.msk [tilespmem:v4+s7+$0x0], $0xffff  }
0x369: {  	v10 =	vadd.s32 $0x46, v3;
	v5 =	vld.idx.msk [tilespmem:v5+s7+$0x0], $0xffff  }
0x36a: {  	v11 =	vadd.s32 $0x47, v3;
	v6 =	vld.idx.msk [tilespmem:v6+s7+$0x0], $0xffff  }
0x36b: {  	v12 =	vadd.s32 $0x48, v3;
	v7 =	vld.idx.msk [tilespmem:v7+s7+$0x0], $0xffff  }
0x36c: {  	v13 =	vadd.s32 $0x49, v3;
	v8 =	vld.idx.msk [tilespmem:v8+s7+$0x0], $0xffff  }
0x36d: {  	v14 =	vadd.s32 $0x4A, v3;
	v9 =	vld.idx.msk [tilespmem:v9+s7+$0x0], $0xffff  }
0x36e: {  	v15 =	vadd.s32 $0x4B, v3;
	v10 =	vld.idx.msk [tilespmem:v10+s7+$0x0], $0xffff  }
0x36f: {  	v16 =	vadd.s32 $0x4C, v3;
	v26 =	vld.idx.msk [tilespmem:v11+s7+$0x0], $0xffff  }
0x370: {  	v17 =	vadd.s32 $0x4D, v3;
	v11 =	vld.idx.msk [tilespmem:v12+s7+$0x0], $0xffff  }
0x371: {  	v19 =	vadd.s32 $0x4E, v3;
	s19 =	sld [smem:$0x1];
	v12 =	vld.idx.msk [tilespmem:v13+s7+$0x0], $0xffff  }
0x372: {  	v3 =	vadd.s32 $0x4F, v3;
	s21 =	sld [smem:$0x0];
	v13 =	vld.idx.msk [tilespmem:v14+s7+$0x0], $0xffff  }
0x373: {  	v20 =	vadd.s32 $0x40, v25;
	v14 =	vld.idx.msk [tilespmem:v15+s7+$0x0], $0xffff  }
0x374: {  	v15 =	vld.idx.msk [tilespmem:v16+s7+$0x0], $0xffff;
	v16 =	vadd.s32 $0x41, v25;
	s20 =	sshll.u32 s19, $0x4;
	s19 =	sshll.u32 s19, $0x7  }
0x375: {  	v18 =	vld.idx.msk [tilespmem:v17+s7+$0x0], $0xffff;
	v17 =	vadd.s32 $0x42, v25;
	s23 =	sand.u32 $0x70, s20;
	s26 =	sand.u32 $0xFFFFFC00, s19  }
0x376: {  	v23 =	vadd.s32 $0x43, v25;
	v22 =	vld.idx.msk [tilespmem:v19+s7+$0x0], $0xffff;
	s24 =	sor.u32 s23, s26  }
0x377: {  	v27 =	vld.idx.msk [tilespmem:v3+s7+$0x0], $0xffff;
	v3 =	vadd.s32 $0x44, v25;
	[tilespmem:s24+$0x8800] =	vst v4  }
0x378: {  	v19 =	vld.idx.msk [tilespmem:v20+s7+$0x0], $0xffff;
	v4 =	vadd.s32 $0x45, v25;
	[tilespmem:s24+$0x8880] =	vst v5  }
0x379: {  	v5 =	vadd.s32 $0x46, v25;
	v21 =	vld.idx.msk [tilespmem:v16+s7+$0x0], $0xffff;
	[tilespmem:s24+$0x8900] =	vst v6  }
0x37a: {  	p2 =	sgt.s32 s13, $0x2;
	v28 =	vadd.s32 $0x47, v25;
	v20 =	vld.idx.msk [tilespmem:v17+s7+$0x0], $0xffff;
	[tilespmem:s24+$0x8980] =	vst v7  }
.Ltmp29:
0x37b: {  	v16 =	vld.idx.msk [tilespmem:v23+s7+$0x0], $0xffff;
	[tilespmem:s24+$0x8A00] =	vst v8;
	(pc) =	sbr.rel @!p2 .LBB2_41-.Ltmp29, $4  }
0x37c: {  	s18 =	simm.s32 $0x1;
	s25 =	sshll.u32 s21, $0x4;
	s19 =	sor.u32 s23, s19;
	v17 =	vld.idx.msk [tilespmem:v3+s7+$0x0], $0xffff;
	[tilespmem:s24+$0x8A80] =	vst v9  }
0x37d: {  	s21 =	sshll.u32 s21, $0x7;
	s28 =	sand.u32 $0x70, s25;
	v9 =	vadd.s32 $0x48, v25;
	v6 =	vadd.s32 $0x49, v25;
	[tilespmem:s24+$0x8B00] =	vst v10;
	s19 =	sor.u32 $0x380, s19;
	v23 =	vld.idx.msk [tilespmem:v4+s7+$0x0], $0xffff  }
0x37e: {  	s20 =	simm.s32 $0x2;
	s29 =	sand.u32 $0xFFFFFC00, s21;
	v10 =	vadd.s32 $0x4A, v25;
	v8 =	vadd.s32 $0x4B, v25;
	v7 =	vadd.s32 $0x4C, v25;
	s21 =	sor.u32 s28, s21;
	[tilespmem:s19+$0x8800] =	vst v26;
	v24 =	vld.idx.msk [tilespmem:v5+s7+$0x0], $0xffff  }
0x37f: {  	v3 =	vadd.s32 $0x4F, v25;
	s19 =	sor.u32 s28, s29;
	s23 =	sor.u32 $0x380, s21;
	s21 =	simm.s32 $0x8030;
	[tilespmem:s24+$0xCB80] =	vst v27;
	v5 =	vadd.s32 $0x4D, v25;
	v4 =	vadd.s32 $0x4E, v25;
	v25 =	vld.idx.msk [tilespmem:v28+s7+$0x0], $0xffff  }
.LBB2_40:
0x380: {  	v26 =	vld [tilespmem:s21+$0x0];
	[tilespmem:s24+$0xC800] =	vst v11  }
0x381: {  	v11 =	vld [tilespmem:s21+$0xFFFFFFF0];
	[tilespmem:s24+$0xC880] =	vst v12  }
0x382: {  	v12 =	vld.idx.msk [tilespmem:v9+s7+$0x0], $0xffff;
	[tilespmem:s24+$0xC900] =	vst v13  }
0x383: {  	v13 =	vld.idx.msk [tilespmem:v6+s7+$0x0], $0xffff;
	[tilespmem:s24+$0xC980] =	vst v14  }
0x384: {  	v14 =	vld.idx.msk [tilespmem:v10+s7+$0x0], $0xffff;
	[tilespmem:s24+$0xCA00] =	vst v15  }
0x385: {  	v10 =	vadd.s32 $0x40, v26;
	v15 =	vld.idx.msk [tilespmem:v8+s7+$0x0], $0xffff;
	[tilespmem:s24+$0xCA80] =	vst v18  }
0x386: {  	v18 =	vadd.s32 $0x41, v26;
	v27 =	vadd.s32 $0x40, v11;
	v28 =	vadd.s32 $0x41, v11;
	v29 =	vld.idx.msk [tilespmem:v7+s7+$0x0], $0xffff;
	[tilespmem:s24+$0xCB00] =	vst v22  }
0x387: {  	v30 =	vadd.s32 $0x42, v11;
	v31 =	vadd.s32 $0x43, v11;
	v22 =	vadd.s32 $0x42, v26;
	v32 =	vld.idx.msk [tilespmem:v5+s7+$0x0], $0xffff  }
0x388: {  	v35 =	vadd.s32 $0x43, v26;
	v33 =	vadd.s32 $0x44, v11;
	v34 =	vadd.s32 $0x45, v11;
	v36 =	vld.idx.msk [tilespmem:v4+s7+$0x0], $0xffff  }
0x389: {  	v39 =	vadd.s32 $0x44, v26;
	v37 =	vadd.s32 $0x46, v11;
	v38 =	vadd.s32 $0x47, v11;
	v40 =	vld.idx.msk [tilespmem:v3+s7+$0x0], $0xffff;
	[tilespmem:s19+$0x8800] =	vst v19  }
0x38a: {  	v41 =	vadd.s32 $0x45, v26;
	v9 =	vadd.s32 $0x48, v11;
	v6 =	vadd.s32 $0x49, v11;
	v19 =	vld.idx.msk [tilespmem:v10+s7+$0x0], $0xffff;
	[tilespmem:s19+$0x8880] =	vst v21  }
0x38b: {  	v8 =	vadd.s32 $0x4B, v11;
	v10 =	vadd.s32 $0x4A, v11;
	v21 =	vld.idx.msk [tilespmem:v18+s7+$0x0], $0xffff;
	v18 =	vadd.s32 $0x46, v26;
	[tilespmem:s19+$0x8900] =	vst v20  }
0x38c: {  	v7 =	vadd.s32 $0x4C, v11;
	v5 =	vadd.s32 $0x4D, v11;
	v20 =	vld.idx.msk [tilespmem:v22+s7+$0x0], $0xffff;
	v22 =	vadd.s32 $0x47, v26;
	[tilespmem:s19+$0x8980] =	vst v16  }
0x38d: {  	v4 =	vadd.s32 $0x4E, v11;
	v3 =	vadd.s32 $0x4F, v11;
	v11 =	vadd.s32 $0x48, v26;
	v16 =	vld.idx.msk [tilespmem:v35+s7+$0x0], $0xffff;
	[tilespmem:s19+$0x8A00] =	vst v17  }
0x38e: {  	v35 =	vadd.s32 $0x49, v26;
	v17 =	vld.idx.msk [tilespmem:v39+s7+$0x0], $0xffff;
	[tilespmem:s19+$0x8A80] =	vst v23  }
0x38f: {  	v39 =	vadd.s32 $0x4A, v26;
	v23 =	vld.idx.msk [tilespmem:v41+s7+$0x0], $0xffff;
	[tilespmem:s19+$0x8B00] =	vst v24  }
0x390: {  	v24 =	vld.idx.msk [tilespmem:v18+s7+$0x0], $0xffff;
	v18 =	vadd.s32 $0x4B, v26;
	[tilespmem:s23+$0x8800] =	vst v25  }
0x391: {  	s20 =	sadd.s32 $0x2, s20;
	v25 =	vld.idx.msk [tilespmem:v22+s7+$0x0], $0xffff;
	v22 =	vadd.s32 $0x4C, v26;
	[tilespmem:s19+$0xC800] =	vst v12  }
0x392: {  	s18 =	sadd.s32 $0x2, s18;
	p2 =	slt.s32 s20, s13;
	v41 =	vadd.s32 $0x4D, v26;
	v11 =	vld.idx.msk [tilespmem:v11+s7+$0x0], $0xffff;
	[tilespmem:s19+$0xC880] =	vst v13  }
0x393: {  	s23 =	sld [smem:s18+$0x0];
	v12 =	vld.idx.msk [tilespmem:v35+s7+$0x0], $0xffff;
	v35 =	vadd.s32 $0x4E, v26;
	[tilespmem:s19+$0xC900] =	vst v14  }
0x394: {  	v26 =	vadd.s32 $0x4F, v26;
	s24 =	sld [smem:s18+$0xFFFFFFFF];
	v13 =	vld.idx.msk [tilespmem:v39+s7+$0x0], $0xffff;
	[tilespmem:s19+$0xC980] =	vst v15  }
0x395: {  	v14 =	vld.idx.msk [tilespmem:v18+s7+$0x0], $0xffff;
	[tilespmem:s19+$0xCA00] =	vst v29  }
0x396: {  	s25 =	sshll.u32 s23, $0x4;
	v15 =	vld.idx.msk [tilespmem:v22+s7+$0x0], $0xffff;
	s26 =	sshll.u32 s23, $0x7;
	[tilespmem:s19+$0xCA80] =	vst v32  }
0x397: {  	s23 =	sshll.u32 s24, $0x4;
	v18 =	vld.idx.msk [tilespmem:v41+s7+$0x0], $0xffff;
	s25 =	sand.u32 $0x70, s25;
	s28 =	sand.u32 $0xFFFFFC00, s26;
	[tilespmem:s19+$0xCB00] =	vst v36  }
0x398: {  	s29 =	sshll.u32 s24, $0x7;
	s23 =	sand.u32 $0x70, s23;
	v22 =	vld.idx.msk [tilespmem:v35+s7+$0x0], $0xffff;
	s24 =	sor.u32 s25, s28;
	[tilespmem:s19+$0xCB80] =	vst v40  }
0x399: {  	s19 =	sand.u32 $0xFFFFFC00, s29;
	s28 =	sor.u32 s23, s29;
	v26 =	vld.idx.msk [tilespmem:v26+s7+$0x0], $0xffff;
	[tilespmem:s24+$0x8800] =	vst v19  }
0x39a: {  	s19 =	sor.u32 s23, s19;
	v19 =	vld.idx.msk [tilespmem:v27+s7+$0x0], $0xffff;
	s23 =	sor.u32 $0x380, s28;
	[tilespmem:s24+$0x8880] =	vst v21  }
0x39b: {  	v21 =	vld.idx.msk [tilespmem:v28+s7+$0x0], $0xffff;
	[tilespmem:s24+$0x8900] =	vst v20  }
0x39c: {  	v20 =	vld.idx.msk [tilespmem:v30+s7+$0x0], $0xffff;
	[tilespmem:s24+$0x8980] =	vst v16  }
.Ltmp30:
0x39d: {  	v16 =	vld.idx.msk [tilespmem:v31+s7+$0x0], $0xffff;
	[tilespmem:s24+$0x8A00] =	vst v17;
	(pc) =	sbr.rel @p2 .LBB2_40-.Ltmp30, $4  }
0x39e: {  	s25 =	sor.u32 s25, s26;
	v17 =	vld.idx.msk [tilespmem:v33+s7+$0x0], $0xffff;
	[tilespmem:s24+$0x8A80] =	vst v23  }
0x39f: {  	s25 =	sor.u32 $0x380, s25;
	v23 =	vld.idx.msk [tilespmem:v34+s7+$0x0], $0xffff;
	[tilespmem:s24+$0x8B00] =	vst v24  }
0x3a0: {  	v24 =	vld.idx.msk [tilespmem:v37+s7+$0x0], $0xffff;
	[tilespmem:s25+$0x8800] =	vst v25  }
0x3a1: {  	s21 =	sadd.s32 $0x20, s21;
	v25 =	vld.idx.msk [tilespmem:v38+s7+$0x0], $0xffff;
	[tilespmem:s24+$0xCB80] =	vst v26  }
.LBB2_41:
0x3a2: {  	_ =	sdelay $0x3  }
0x3a3: {  	v9 =	vld.idx.msk [tilespmem:v9+s7+$0x0], $0xffff;
	[tilespmem:s24+$0xC800] =	vst v11  }
0x3a4: {  	v6 =	vld.idx.msk [tilespmem:v6+s7+$0x0], $0xffff;
	[tilespmem:s24+$0xC880] =	vst v12  }
0x3a5: {  	v10 =	vld.idx.msk [tilespmem:v10+s7+$0x0], $0xffff;
	[tilespmem:s24+$0xC900] =	vst v13  }
0x3a6: {  	v8 =	vld.idx.msk [tilespmem:v8+s7+$0x0], $0xffff;
	[tilespmem:s24+$0xC980] =	vst v14  }
0x3a7: {  	v7 =	vld.idx.msk [tilespmem:v7+s7+$0x0], $0xffff;
	[tilespmem:s24+$0xCA00] =	vst v15  }
0x3a8: {  	v5 =	vld.idx.msk [tilespmem:v5+s7+$0x0], $0xffff;
	[tilespmem:s24+$0xCA80] =	vst v18  }
0x3a9: {  	v4 =	vld.idx.msk [tilespmem:v4+s7+$0x0], $0xffff;
	[tilespmem:s24+$0xCB00] =	vst v22  }
0x3aa: {  	v3 =	vld.idx.msk [tilespmem:v3+s7+$0x0], $0xffff;
	[tilespmem:s19+$0x8800] =	vst v19  }
0x3ab: {  	[tilespmem:s19+$0x8880] =	vst v21  }
0x3ac: {  	[tilespmem:s19+$0x8900] =	vst v20  }
0x3ad: {  	[tilespmem:s19+$0x8980] =	vst v16  }
0x3ae: {  	[tilespmem:s19+$0x8A00] =	vst v17  }
0x3af: {  	[tilespmem:s19+$0x8A80] =	vst v23  }
0x3b0: {  	[tilespmem:s19+$0x8B00] =	vst v24  }
0x3b1: {  	[tilespmem:s23+$0x8800] =	vst v25  }
0x3b2: {  	[tilespmem:s19+$0xC800] =	vst v9  }
0x3b3: {  	[tilespmem:s19+$0xC880] =	vst v6  }
0x3b4: {  	[tilespmem:s19+$0xC900] =	vst v10  }
0x3b5: {  	[tilespmem:s19+$0xC980] =	vst v8  }
0x3b6: {  	[tilespmem:s19+$0xCA00] =	vst v7  }
0x3b7: {  	[tilespmem:s19+$0xCA80] =	vst v5  }
0x3b8: {  	[tilespmem:s19+$0xCB00] =	vst v4  }
0x3b9: {  	[tilespmem:s19+$0xCB80] =	vst v3  }
.LBB2_42:
.Ltmp31:
0x3ba: {  	(pc) =	sbr.rel @p1 .LBB2_45-.Ltmp31, $1  }
0x3bb: {  	_ =	sdelay $0x3  }
0x3bc: {  	s18 =	sadd.s32 $0x8000, s16;
	s19 =	sshra.s32 s17, $0x2;
	s20 =	smov.u32 s14  }
.LBB2_44:
0x3bd: {  	v3 =	vld [tilespmem:s18+$0x0];
	_ =	sdelay $0x4  }
0x3be: {  	v4 =	vadd.s32 $0x40, v3  }
0x3bf: {  	v5 =	vadd.s32 $0x41, v3  }
0x3c0: {  	v6 =	vadd.s32 $0x42, v3  }
0x3c1: {  	v7 =	vadd.s32 $0x43, v3  }
0x3c2: {  	v8 =	vadd.s32 $0x44, v3  }
0x3c3: {  	v9 =	vadd.s32 $0x45, v3;
	v4 =	vld.idx.msk [tilespmem:v4+s7+$0x0], $0xffff  }
0x3c4: {  	v10 =	vadd.s32 $0x46, v3;
	v5 =	vld.idx.msk [tilespmem:v5+s7+$0x0], $0xffff  }
0x3c5: {  	v11 =	vadd.s32 $0x47, v3;
	v6 =	vld.idx.msk [tilespmem:v6+s7+$0x0], $0xffff  }
0x3c6: {  	v12 =	vadd.s32 $0x48, v3;
	v7 =	vld.idx.msk [tilespmem:v7+s7+$0x0], $0xffff  }
0x3c7: {  	v13 =	vadd.s32 $0x49, v3;
	v8 =	vld.idx.msk [tilespmem:v8+s7+$0x0], $0xffff  }
0x3c8: {  	v14 =	vadd.s32 $0x4A, v3;
	v9 =	vld.idx.msk [tilespmem:v9+s7+$0x0], $0xffff  }
0x3c9: {  	v15 =	vadd.s32 $0x4B, v3;
	v10 =	vld.idx.msk [tilespmem:v10+s7+$0x0], $0xffff  }
0x3ca: {  	v16 =	vadd.s32 $0x4C, v3;
	v11 =	vld.idx.msk [tilespmem:v11+s7+$0x0], $0xffff  }
0x3cb: {  	v17 =	vadd.s32 $0x4D, v3;
	v12 =	vld.idx.msk [tilespmem:v12+s7+$0x0], $0xffff  }
0x3cc: {  	s21 =	sld [smem:s19+$0x0];
	v18 =	vadd.s32 $0x4E, v3;
	v13 =	vld.idx.msk [tilespmem:v13+s7+$0x0], $0xffff  }
0x3cd: {  	v3 =	vadd.s32 $0x4F, v3;
	v14 =	vld.idx.msk [tilespmem:v14+s7+$0x0], $0xffff  }
0x3ce: {  	v15 =	vld.idx.msk [tilespmem:v15+s7+$0x0], $0xffff  }
0x3cf: {  	s23 =	sshll.u32 s21, $0x4;
	s21 =	sshll.u32 s21, $0x7;
	v16 =	vld.idx.msk [tilespmem:v16+s7+$0x0], $0xffff  }
0x3d0: {  	s23 =	sand.u32 $0x70, s23;
	s24 =	sand.u32 $0xFFFFFC00, s21;
	v17 =	vld.idx.msk [tilespmem:v17+s7+$0x0], $0xffff  }
0x3d1: {  	s24 =	sor.u32 s23, s24;
	v18 =	vld.idx.msk [tilespmem:v18+s7+$0x0], $0xffff  }
0x3d2: {  	v3 =	vld.idx.msk [tilespmem:v3+s7+$0x0], $0xffff;
	[tilespmem:s24+$0x8800] =	vst v4  }
0x3d3: {  	[tilespmem:s24+$0x8880] =	vst v5  }
0x3d4: {  	[tilespmem:s24+$0x8900] =	vst v6  }
0x3d5: {  	[tilespmem:s24+$0x8980] =	vst v7  }
0x3d6: {  	[tilespmem:s24+$0x8A00] =	vst v8  }
0x3d7: {  	s21 =	sor.u32 s23, s21;
	[tilespmem:s24+$0x8A80] =	vst v9  }
0x3d8: {  	s21 =	sor.u32 $0x380, s21;
	[tilespmem:s24+$0x8B00] =	vst v10  }
0x3d9: {  	[tilespmem:s21+$0x8800] =	vst v11  }
0x3da: {  	[tilespmem:s24+$0xC800] =	vst v12  }
0x3db: {  	[tilespmem:s24+$0xC880] =	vst v13  }
0x3dc: {  	p2 =	sne.s32 s20, $0x1;
	[tilespmem:s24+$0xC900] =	vst v14  }
.Ltmp32:
0x3dd: {  	[tilespmem:s24+$0xC980] =	vst v15;
	(pc) =	sbr.rel @p2 .LBB2_44-.Ltmp32, $4  }
0x3de: {  	[tilespmem:s24+$0xCA00] =	vst v16  }
0x3df: {  	[tilespmem:s24+$0xCA80] =	vst v17  }
0x3e0: {  	[tilespmem:s24+$0xCB00] =	vst v18  }
0x3e1: {  	s18 =	sadd.s32 $0x10, s18;
	s19 =	sadd.s32 $0x1, s19;
	s20 =	sadd.s32 $0xFFFFFFFF, s20;
	[tilespmem:s24+$0xCB80] =	vst v3  }
.LBB2_45:
.Ltmp33:
0x3e2: {  	(pc) =	sbr.rel @p0 .LBB2_49-.Ltmp33, $4  }
0x3e3: {  	[hbm4b:s31+s3] =	stream.linear.scatter [tilespmem:s10], [sflag:$0x1], $0x8000, $0x38;
	[tilespmem:$0x18800] =	vst v63  }
0x3e4: {  	_ =	swait.ge [sflag:s8], $0x8000  }
0x3e5: {  	[sflag:s8] =	ssyncset.done $0x0  }
0x3e6: {  	[sflag:s8] =	ssyncadd.s32 $0xFFFF8000  }
0x3e7: {  	s19 =	simm.s32 $0x8010  }
0x3e8: {  	v3 =	vld [tilespmem:s19+$0x0];
	_ =	sdelay $0x4  }
0x3e9: {  	v4 =	vadd.s32 $0x50, v3  }
0x3ea: {  	v5 =	vadd.s32 $0x51, v3  }
0x3eb: {  	v6 =	vadd.s32 $0x52, v3  }
0x3ec: {  	v7 =	vadd.s32 $0x53, v3  }
0x3ed: {  	v25 =	vld [tilespmem:s19+$0xFFFFFFF0];
	v8 =	vadd.s32 $0x54, v3  }
0x3ee: {  	v9 =	vadd.s32 $0x55, v3;
	v4 =	vld.idx.msk [tilespmem:v4+s7+$0x0], $0xffff  }
0x3ef: {  	v10 =	vadd.s32 $0x56, v3;
	v5 =	vld.idx.msk [tilespmem:v5+s7+$0x0], $0xffff  }
0x3f0: {  	v11 =	vadd.s32 $0x57, v3;
	v6 =	vld.idx.msk [tilespmem:v6+s7+$0x0], $0xffff  }
0x3f1: {  	v12 =	vadd.s32 $0x58, v3;
	v7 =	vld.idx.msk [tilespmem:v7+s7+$0x0], $0xffff  }
0x3f2: {  	v13 =	vadd.s32 $0x59, v3;
	v8 =	vld.idx.msk [tilespmem:v8+s7+$0x0], $0xffff  }
0x3f3: {  	v14 =	vadd.s32 $0x5A, v3;
	v9 =	vld.idx.msk [tilespmem:v9+s7+$0x0], $0xffff  }
0x3f4: {  	v15 =	vadd.s32 $0x5B, v3;
	v10 =	vld.idx.msk [tilespmem:v10+s7+$0x0], $0xffff  }
0x3f5: {  	v16 =	vadd.s32 $0x5C, v3;
	v26 =	vld.idx.msk [tilespmem:v11+s7+$0x0], $0xffff  }
0x3f6: {  	v17 =	vadd.s32 $0x5D, v3;
	v11 =	vld.idx.msk [tilespmem:v12+s7+$0x0], $0xffff  }
0x3f7: {  	v18 =	vadd.s32 $0x5E, v3;
	s19 =	sld [smem:$0x1];
	v12 =	vld.idx.msk [tilespmem:v13+s7+$0x0], $0xffff  }
0x3f8: {  	v3 =	vadd.s32 $0x5F, v3;
	s21 =	sld [smem:$0x0];
	v13 =	vld.idx.msk [tilespmem:v14+s7+$0x0], $0xffff  }
0x3f9: {  	v19 =	vadd.s32 $0x50, v25;
	v14 =	vld.idx.msk [tilespmem:v15+s7+$0x0], $0xffff  }
0x3fa: {  	v20 =	vadd.s32 $0x51, v25;
	v15 =	vld.idx.msk [tilespmem:v16+s7+$0x0], $0xffff;
	s20 =	sshll.u32 s19, $0x4;
	s19 =	sshll.u32 s19, $0x7  }
0x3fb: {  	v21 =	vadd.s32 $0x52, v25;
	v16 =	vld.idx.msk [tilespmem:v17+s7+$0x0], $0xffff;
	s23 =	sand.u32 $0x70, s20;
	s25 =	sand.u32 $0xFFFFFC00, s19  }
0x3fc: {  	v22 =	vadd.s32 $0x53, v25;
	v17 =	vld.idx.msk [tilespmem:v18+s7+$0x0], $0xffff;
	s24 =	sor.u32 s23, s25  }
0x3fd: {  	v24 =	vadd.s32 $0x56, v25;
	v27 =	vld.idx.msk [tilespmem:v3+s7+$0x0], $0xffff;
	s25 =	sadd.s32 $0x10800, s24;
	[tilespmem:s24+$0x10800] =	vst v4  }
0x3fe: {  	v3 =	vadd.s32 $0x54, v25;
	v18 =	vld.idx.msk [tilespmem:v19+s7+$0x0], $0xffff;
	[tilespmem:s25+$0x80] =	vst v5  }
0x3ff: {  	v20 =	vld.idx.msk [tilespmem:v20+s7+$0x0], $0xffff;
	v4 =	vadd.s32 $0x55, v25;
	[tilespmem:s25+$0x100] =	vst v6  }
0x400: {  	p2 =	sgt.s32 s13, $0x2;
	v28 =	vadd.s32 $0x57, v25;
	v21 =	vld.idx.msk [tilespmem:v21+s7+$0x0], $0xffff;
	[tilespmem:s25+$0x180] =	vst v7  }
.Ltmp34:
0x401: {  	v19 =	vld.idx.msk [tilespmem:v22+s7+$0x0], $0xffff;
	s26 =	sshll.u32 s21, $0x4;
	[tilespmem:s25+$0x200] =	vst v8;
	(pc) =	sbr.rel @!p2 .LBB2_48-.Ltmp34, $4  }
0x402: {  	v24 =	vld.idx.msk [tilespmem:v24+s7+$0x0], $0xffff;
	s21 =	sshll.u32 s21, $0x7;
	s19 =	sor.u32 s23, s19;
	s26 =	sand.u32 $0x70, s26;
	[tilespmem:s25+$0x280] =	vst v9  }
0x403: {  	s18 =	simm.s32 $0x1;
	s28 =	sand.u32 $0xFFFFFC00, s21;
	v22 =	vld.idx.msk [tilespmem:v3+s7+$0x0], $0xffff;
	s29 =	sor.u32 $0x380, s19;
	v3 =	vadd.s32 $0x5F, v25;
	v5 =	vadd.s32 $0x58, v25;
	v7 =	vadd.s32 $0x59, v25;
	[tilespmem:s25+$0x300] =	vst v10  }
0x404: {  	s20 =	simm.s32 $0x2;
	s21 =	sor.u32 s26, s21;
	s19 =	sor.u32 s26, s28;
	v9 =	vadd.s32 $0x5A, v25;
	v10 =	vadd.s32 $0x5B, v25;
	v8 =	vadd.s32 $0x5C, v25;
	[tilespmem:s29+$0x10800] =	vst v26;
	v23 =	vld.idx.msk [tilespmem:v4+s7+$0x0], $0xffff  }
0x405: {  	v6 =	vadd.s32 $0x5E, v25;
	s23 =	sor.u32 $0x380, s21;
	s25 =	sadd.s32 $0x10800, s19;
	s21 =	simm.s32 $0x8030;
	[tilespmem:s24+$0x14B80] =	vst v27;
	v4 =	vadd.s32 $0x5D, v25;
	v25 =	vld.idx.msk [tilespmem:v28+s7+$0x0], $0xffff  }
.LBB2_47:
0x406: {  	v26 =	vld [tilespmem:s21+$0x0];
	[tilespmem:s24+$0x14800] =	vst v11  }
0x407: {  	v11 =	vld [tilespmem:s21+$0xFFFFFFF0];
	[tilespmem:s24+$0x14880] =	vst v12  }
0x408: {  	v12 =	vld.idx.msk [tilespmem:v5+s7+$0x0], $0xffff;
	[tilespmem:s24+$0x14900] =	vst v13  }
0x409: {  	v13 =	vld.idx.msk [tilespmem:v7+s7+$0x0], $0xffff;
	[tilespmem:s24+$0x14980] =	vst v14  }
0x40a: {  	v14 =	vld.idx.msk [tilespmem:v9+s7+$0x0], $0xffff;
	[tilespmem:s24+$0x14A00] =	vst v15  }
0x40b: {  	v9 =	vadd.s32 $0x50, v26;
	v15 =	vld.idx.msk [tilespmem:v10+s7+$0x0], $0xffff;
	[tilespmem:s24+$0x14A80] =	vst v16  }
0x40c: {  	v16 =	vadd.s32 $0x51, v26;
	v27 =	vadd.s32 $0x50, v11;
	v28 =	vadd.s32 $0x51, v11;
	v29 =	vld.idx.msk [tilespmem:v8+s7+$0x0], $0xffff;
	[tilespmem:s24+$0x14B00] =	vst v17  }
0x40d: {  	v30 =	vadd.s32 $0x52, v11;
	v31 =	vadd.s32 $0x53, v11;
	v17 =	vadd.s32 $0x52, v26;
	v32 =	vld.idx.msk [tilespmem:v4+s7+$0x0], $0xffff  }
0x40e: {  	v35 =	vadd.s32 $0x53, v26;
	v33 =	vadd.s32 $0x54, v11;
	v34 =	vadd.s32 $0x55, v11;
	v36 =	vld.idx.msk [tilespmem:v6+s7+$0x0], $0xffff  }
0x40f: {  	v39 =	vadd.s32 $0x54, v26;
	v37 =	vadd.s32 $0x56, v11;
	v38 =	vadd.s32 $0x57, v11;
	v40 =	vld.idx.msk [tilespmem:v3+s7+$0x0], $0xffff;
	[tilespmem:s19+$0x10800] =	vst v18  }
0x410: {  	v41 =	vadd.s32 $0x55, v26;
	v5 =	vadd.s32 $0x58, v11;
	v7 =	vadd.s32 $0x59, v11;
	v18 =	vld.idx.msk [tilespmem:v9+s7+$0x0], $0xffff;
	[tilespmem:s25+$0x80] =	vst v20  }
0x411: {  	v10 =	vadd.s32 $0x5B, v11;
	v9 =	vadd.s32 $0x5A, v11;
	v20 =	vld.idx.msk [tilespmem:v16+s7+$0x0], $0xffff;
	v16 =	vadd.s32 $0x56, v26;
	[tilespmem:s25+$0x100] =	vst v21  }
0x412: {  	v8 =	vadd.s32 $0x5C, v11;
	v4 =	vadd.s32 $0x5D, v11;
	v21 =	vld.idx.msk [tilespmem:v17+s7+$0x0], $0xffff;
	v17 =	vadd.s32 $0x57, v26;
	[tilespmem:s25+$0x180] =	vst v19  }
0x413: {  	v6 =	vadd.s32 $0x5E, v11;
	v3 =	vadd.s32 $0x5F, v11;
	v11 =	vadd.s32 $0x58, v26;
	v19 =	vld.idx.msk [tilespmem:v35+s7+$0x0], $0xffff;
	[tilespmem:s25+$0x200] =	vst v22  }
0x414: {  	v35 =	vadd.s32 $0x59, v26;
	v22 =	vld.idx.msk [tilespmem:v39+s7+$0x0], $0xffff;
	[tilespmem:s25+$0x280] =	vst v23  }
0x415: {  	v39 =	vadd.s32 $0x5A, v26;
	v23 =	vld.idx.msk [tilespmem:v41+s7+$0x0], $0xffff;
	[tilespmem:s25+$0x300] =	vst v24  }
0x416: {  	v24 =	vld.idx.msk [tilespmem:v16+s7+$0x0], $0xffff;
	v16 =	vadd.s32 $0x5B, v26;
	[tilespmem:s23+$0x10800] =	vst v25  }
0x417: {  	s20 =	sadd.s32 $0x2, s20;
	v25 =	vld.idx.msk [tilespmem:v17+s7+$0x0], $0xffff;
	v17 =	vadd.s32 $0x5C, v26;
	[tilespmem:s19+$0x14800] =	vst v12  }
0x418: {  	s18 =	sadd.s32 $0x2, s18;
	p2 =	slt.s32 s20, s13;
	v41 =	vadd.s32 $0x5D, v26;
	v11 =	vld.idx.msk [tilespmem:v11+s7+$0x0], $0xffff;
	[tilespmem:s19+$0x14880] =	vst v13  }
0x419: {  	s23 =	sld [smem:s18+$0x0];
	v12 =	vld.idx.msk [tilespmem:v35+s7+$0x0], $0xffff;
	v35 =	vadd.s32 $0x5E, v26;
	[tilespmem:s19+$0x14900] =	vst v14  }
0x41a: {  	v26 =	vadd.s32 $0x5F, v26;
	s24 =	sld [smem:s18+$0xFFFFFFFF];
	v13 =	vld.idx.msk [tilespmem:v39+s7+$0x0], $0xffff;
	[tilespmem:s19+$0x14980] =	vst v15  }
0x41b: {  	v14 =	vld.idx.msk [tilespmem:v16+s7+$0x0], $0xffff;
	[tilespmem:s19+$0x14A00] =	vst v29  }
0x41c: {  	s25 =	sshll.u32 s23, $0x4;
	v15 =	vld.idx.msk [tilespmem:v17+s7+$0x0], $0xffff;
	s26 =	sshll.u32 s23, $0x7;
	[tilespmem:s19+$0x14A80] =	vst v32  }
0x41d: {  	s23 =	sshll.u32 s24, $0x4;
	v16 =	vld.idx.msk [tilespmem:v41+s7+$0x0], $0xffff;
	s28 =	sand.u32 $0x70, s25;
	s25 =	sand.u32 $0xFFFFFC00, s26;
	[tilespmem:s19+$0x14B00] =	vst v36  }
0x41e: {  	s29 =	sshll.u32 s24, $0x7;
	s23 =	sand.u32 $0x70, s23;
	v17 =	vld.idx.msk [tilespmem:v35+s7+$0x0], $0xffff;
	s24 =	sor.u32 s28, s25;
	[tilespmem:s19+$0x14B80] =	vst v40  }
0x41f: {  	s19 =	sand.u32 $0xFFFFFC00, s29;
	s25 =	sor.u32 s23, s29;
	v26 =	vld.idx.msk [tilespmem:v26+s7+$0x0], $0xffff;
	s29 =	sadd.s32 $0x10800, s24;
	[tilespmem:s24+$0x10800] =	vst v18  }
0x420: {  	s19 =	sor.u32 s23, s19;
	v18 =	vld.idx.msk [tilespmem:v27+s7+$0x0], $0xffff;
	s23 =	sor.u32 $0x380, s25;
	[tilespmem:s29+$0x80] =	vst v20  }
0x421: {  	s25 =	sadd.s32 $0x10800, s19;
	v20 =	vld.idx.msk [tilespmem:v28+s7+$0x0], $0xffff;
	[tilespmem:s29+$0x100] =	vst v21  }
0x422: {  	v21 =	vld.idx.msk [tilespmem:v30+s7+$0x0], $0xffff;
	[tilespmem:s29+$0x180] =	vst v19  }
.Ltmp35:
0x423: {  	v19 =	vld.idx.msk [tilespmem:v31+s7+$0x0], $0xffff;
	[tilespmem:s29+$0x200] =	vst v22;
	(pc) =	sbr.rel @p2 .LBB2_47-.Ltmp35, $4  }
0x424: {  	s26 =	sor.u32 s28, s26;
	v22 =	vld.idx.msk [tilespmem:v33+s7+$0x0], $0xffff;
	[tilespmem:s29+$0x280] =	vst v23  }
0x425: {  	s26 =	sor.u32 $0x380, s26;
	v23 =	vld.idx.msk [tilespmem:v34+s7+$0x0], $0xffff;
	[tilespmem:s29+$0x300] =	vst v24  }
0x426: {  	v24 =	vld.idx.msk [tilespmem:v37+s7+$0x0], $0xffff;
	[tilespmem:s26+$0x10800] =	vst v25  }
0x427: {  	s21 =	sadd.s32 $0x20, s21;
	v25 =	vld.idx.msk [tilespmem:v38+s7+$0x0], $0xffff;
	[tilespmem:s24+$0x14B80] =	vst v26  }
.LBB2_48:
0x428: {  	_ =	sdelay $0x3  }
0x429: {  	v5 =	vld.idx.msk [tilespmem:v5+s7+$0x0], $0xffff;
	[tilespmem:s24+$0x14800] =	vst v11  }
0x42a: {  	v7 =	vld.idx.msk [tilespmem:v7+s7+$0x0], $0xffff;
	[tilespmem:s24+$0x14880] =	vst v12  }
0x42b: {  	v9 =	vld.idx.msk [tilespmem:v9+s7+$0x0], $0xffff;
	[tilespmem:s24+$0x14900] =	vst v13  }
0x42c: {  	v10 =	vld.idx.msk [tilespmem:v10+s7+$0x0], $0xffff;
	[tilespmem:s24+$0x14980] =	vst v14  }
0x42d: {  	v8 =	vld.idx.msk [tilespmem:v8+s7+$0x0], $0xffff;
	[tilespmem:s24+$0x14A00] =	vst v15  }
0x42e: {  	v4 =	vld.idx.msk [tilespmem:v4+s7+$0x0], $0xffff;
	[tilespmem:s24+$0x14A80] =	vst v16  }
0x42f: {  	v6 =	vld.idx.msk [tilespmem:v6+s7+$0x0], $0xffff;
	[tilespmem:s24+$0x14B00] =	vst v17  }
0x430: {  	v3 =	vld.idx.msk [tilespmem:v3+s7+$0x0], $0xffff;
	[tilespmem:s19+$0x10800] =	vst v18  }
0x431: {  	[tilespmem:s25+$0x80] =	vst v20  }
0x432: {  	[tilespmem:s25+$0x100] =	vst v21  }
0x433: {  	[tilespmem:s25+$0x180] =	vst v19  }
0x434: {  	[tilespmem:s25+$0x200] =	vst v22  }
0x435: {  	[tilespmem:s25+$0x280] =	vst v23  }
0x436: {  	[tilespmem:s25+$0x300] =	vst v24  }
0x437: {  	[tilespmem:s23+$0x10800] =	vst v25  }
0x438: {  	[tilespmem:s19+$0x14800] =	vst v5  }
0x439: {  	[tilespmem:s19+$0x14880] =	vst v7  }
0x43a: {  	[tilespmem:s19+$0x14900] =	vst v9  }
0x43b: {  	[tilespmem:s19+$0x14980] =	vst v10  }
0x43c: {  	[tilespmem:s19+$0x14A00] =	vst v8  }
0x43d: {  	[tilespmem:s19+$0x14A80] =	vst v4  }
0x43e: {  	[tilespmem:s19+$0x14B00] =	vst v6  }
0x43f: {  	[tilespmem:s19+$0x14B80] =	vst v3  }
.LBB2_49:
.Ltmp36:
0x440: {  	(pc) =	sbr.rel @p1 .LBB2_52-.Ltmp36, $1  }
0x441: {  	_ =	sdelay $0x3  }
0x442: {  	s18 =	sadd.s32 $0x8000, s16;
	s19 =	sshra.s32 s17, $0x2;
	s20 =	smov.u32 s14  }
.LBB2_51:
0x443: {  	v3 =	vld [tilespmem:s18+$0x0];
	_ =	sdelay $0x4  }
0x444: {  	v4 =	vadd.s32 $0x50, v3  }
0x445: {  	v5 =	vadd.s32 $0x51, v3  }
0x446: {  	v6 =	vadd.s32 $0x52, v3  }
0x447: {  	v7 =	vadd.s32 $0x53, v3  }
0x448: {  	v8 =	vadd.s32 $0x54, v3  }
0x449: {  	v9 =	vadd.s32 $0x55, v3;
	v4 =	vld.idx.msk [tilespmem:v4+s7+$0x0], $0xffff  }
0x44a: {  	v10 =	vadd.s32 $0x56, v3;
	v5 =	vld.idx.msk [tilespmem:v5+s7+$0x0], $0xffff  }
0x44b: {  	v11 =	vadd.s32 $0x57, v3;
	v6 =	vld.idx.msk [tilespmem:v6+s7+$0x0], $0xffff  }
0x44c: {  	v12 =	vadd.s32 $0x58, v3;
	v7 =	vld.idx.msk [tilespmem:v7+s7+$0x0], $0xffff  }
0x44d: {  	v13 =	vadd.s32 $0x59, v3;
	v8 =	vld.idx.msk [tilespmem:v8+s7+$0x0], $0xffff  }
0x44e: {  	v14 =	vadd.s32 $0x5A, v3;
	v9 =	vld.idx.msk [tilespmem:v9+s7+$0x0], $0xffff  }
0x44f: {  	v15 =	vadd.s32 $0x5B, v3;
	v10 =	vld.idx.msk [tilespmem:v10+s7+$0x0], $0xffff  }
0x450: {  	v16 =	vadd.s32 $0x5C, v3;
	v11 =	vld.idx.msk [tilespmem:v11+s7+$0x0], $0xffff  }
0x451: {  	v17 =	vadd.s32 $0x5D, v3;
	v12 =	vld.idx.msk [tilespmem:v12+s7+$0x0], $0xffff  }
0x452: {  	s21 =	sld [smem:s19+$0x0];
	v18 =	vadd.s32 $0x5E, v3;
	v13 =	vld.idx.msk [tilespmem:v13+s7+$0x0], $0xffff  }
0x453: {  	v3 =	vadd.s32 $0x5F, v3;
	v14 =	vld.idx.msk [tilespmem:v14+s7+$0x0], $0xffff  }
0x454: {  	v15 =	vld.idx.msk [tilespmem:v15+s7+$0x0], $0xffff  }
0x455: {  	s23 =	sshll.u32 s21, $0x4;
	s21 =	sshll.u32 s21, $0x7;
	v16 =	vld.idx.msk [tilespmem:v16+s7+$0x0], $0xffff  }
0x456: {  	s23 =	sand.u32 $0x70, s23;
	s24 =	sand.u32 $0xFFFFFC00, s21;
	v17 =	vld.idx.msk [tilespmem:v17+s7+$0x0], $0xffff  }
0x457: {  	s24 =	sor.u32 s23, s24;
	v18 =	vld.idx.msk [tilespmem:v18+s7+$0x0], $0xffff  }
0x458: {  	s25 =	sadd.s32 $0x10800, s24;
	v3 =	vld.idx.msk [tilespmem:v3+s7+$0x0], $0xffff;
	[tilespmem:s24+$0x10800] =	vst v4  }
0x459: {  	[tilespmem:s25+$0x80] =	vst v5  }
0x45a: {  	[tilespmem:s25+$0x100] =	vst v6  }
0x45b: {  	[tilespmem:s25+$0x180] =	vst v7  }
0x45c: {  	[tilespmem:s25+$0x200] =	vst v8  }
0x45d: {  	s21 =	sor.u32 s23, s21;
	[tilespmem:s25+$0x280] =	vst v9  }
0x45e: {  	s21 =	sor.u32 $0x380, s21;
	[tilespmem:s25+$0x300] =	vst v10  }
0x45f: {  	[tilespmem:s21+$0x10800] =	vst v11  }
0x460: {  	[tilespmem:s24+$0x14800] =	vst v12  }
0x461: {  	[tilespmem:s24+$0x14880] =	vst v13  }
0x462: {  	p2 =	sne.s32 s20, $0x1;
	[tilespmem:s24+$0x14900] =	vst v14  }
.Ltmp37:
0x463: {  	[tilespmem:s24+$0x14980] =	vst v15;
	(pc) =	sbr.rel @p2 .LBB2_51-.Ltmp37, $4  }
0x464: {  	[tilespmem:s24+$0x14A00] =	vst v16  }
0x465: {  	[tilespmem:s24+$0x14A80] =	vst v17  }
0x466: {  	[tilespmem:s24+$0x14B00] =	vst v18  }
0x467: {  	s18 =	sadd.s32 $0x10, s18;
	s19 =	sadd.s32 $0x1, s19;
	s20 =	sadd.s32 $0xFFFFFFFF, s20;
	[tilespmem:s24+$0x14B80] =	vst v3  }
.LBB2_52:
.Ltmp38:
0x468: {  	(pc) =	sbr.rel @p0 .LBB2_56-.Ltmp38, $4  }
0x469: {  	[hbm4b:s0+s3] =	stream.linear.scatter [tilespmem:s11], [sflag:$0x2], $0x8000, $0x38;
	[tilespmem:$0x18800] =	vst v63  }
0x46a: {  	_ =	swait.ge [sflag:s9], $0x8000  }
0x46b: {  	[sflag:s9] =	ssyncset.done $0x0  }
0x46c: {  	[sflag:s9] =	ssyncadd.s32 $0xFFFF8000  }
0x46d: {  	s19 =	simm.s32 $0x8010  }
0x46e: {  	v3 =	vld [tilespmem:s19+$0x0];
	_ =	sdelay $0x4  }
0x46f: {  	v4 =	vadd.s32 $0x60, v3  }
0x470: {  	v5 =	vadd.s32 $0x61, v3  }
0x471: {  	v6 =	vadd.s32 $0x62, v3  }
0x472: {  	v7 =	vadd.s32 $0x63, v3  }
0x473: {  	v25 =	vld [tilespmem:s19+$0xFFFFFFF0];
	v8 =	vadd.s32 $0x64, v3  }
0x474: {  	v9 =	vadd.s32 $0x65, v3;
	v4 =	vld.idx.msk [tilespmem:v4+s7+$0x0], $0xffff  }
0x475: {  	v10 =	vadd.s32 $0x66, v3;
	v5 =	vld.idx.msk [tilespmem:v5+s7+$0x0], $0xffff  }
0x476: {  	v11 =	vadd.s32 $0x67, v3;
	v6 =	vld.idx.msk [tilespmem:v6+s7+$0x0], $0xffff  }
0x477: {  	v12 =	vadd.s32 $0x68, v3;
	v7 =	vld.idx.msk [tilespmem:v7+s7+$0x0], $0xffff  }
0x478: {  	v13 =	vadd.s32 $0x69, v3;
	v8 =	vld.idx.msk [tilespmem:v8+s7+$0x0], $0xffff  }
0x479: {  	v14 =	vadd.s32 $0x6A, v3;
	v9 =	vld.idx.msk [tilespmem:v9+s7+$0x0], $0xffff  }
0x47a: {  	v15 =	vadd.s32 $0x6B, v3;
	v10 =	vld.idx.msk [tilespmem:v10+s7+$0x0], $0xffff  }
0x47b: {  	v16 =	vadd.s32 $0x6C, v3;
	v26 =	vld.idx.msk [tilespmem:v11+s7+$0x0], $0xffff  }
0x47c: {  	v17 =	vadd.s32 $0x6D, v3;
	v11 =	vld.idx.msk [tilespmem:v12+s7+$0x0], $0xffff  }
0x47d: {  	v19 =	vadd.s32 $0x6E, v3;
	s19 =	sld [smem:$0x1];
	v12 =	vld.idx.msk [tilespmem:v13+s7+$0x0], $0xffff  }
0x47e: {  	v3 =	vadd.s32 $0x6F, v3;
	s21 =	sld [smem:$0x0];
	v13 =	vld.idx.msk [tilespmem:v14+s7+$0x0], $0xffff  }
0x47f: {  	v20 =	vadd.s32 $0x60, v25;
	v14 =	vld.idx.msk [tilespmem:v15+s7+$0x0], $0xffff  }
0x480: {  	v15 =	vld.idx.msk [tilespmem:v16+s7+$0x0], $0xffff;
	v16 =	vadd.s32 $0x61, v25;
	s20 =	sshll.u32 s19, $0x4;
	s19 =	sshll.u32 s19, $0x7  }
0x481: {  	v18 =	vld.idx.msk [tilespmem:v17+s7+$0x0], $0xffff;
	v17 =	vadd.s32 $0x62, v25;
	s23 =	sand.u32 $0x70, s20;
	s26 =	sand.u32 $0xFFFFFC00, s19  }
0x482: {  	v23 =	vadd.s32 $0x63, v25;
	v22 =	vld.idx.msk [tilespmem:v19+s7+$0x0], $0xffff;
	s24 =	sor.u32 s23, s26  }
0x483: {  	v27 =	vld.idx.msk [tilespmem:v3+s7+$0x0], $0xffff;
	v3 =	vadd.s32 $0x64, v25;
	[tilespmem:s24+$0x8800] =	vst v4  }
0x484: {  	v19 =	vld.idx.msk [tilespmem:v20+s7+$0x0], $0xffff;
	v4 =	vadd.s32 $0x65, v25;
	[tilespmem:s24+$0x8880] =	vst v5  }
0x485: {  	v5 =	vadd.s32 $0x66, v25;
	v21 =	vld.idx.msk [tilespmem:v16+s7+$0x0], $0xffff;
	[tilespmem:s24+$0x8900] =	vst v6  }
0x486: {  	p2 =	sgt.s32 s13, $0x2;
	v28 =	vadd.s32 $0x67, v25;
	v20 =	vld.idx.msk [tilespmem:v17+s7+$0x0], $0xffff;
	[tilespmem:s24+$0x8980] =	vst v7  }
.Ltmp39:
0x487: {  	v16 =	vld.idx.msk [tilespmem:v23+s7+$0x0], $0xffff;
	[tilespmem:s24+$0x8A00] =	vst v8;
	(pc) =	sbr.rel @!p2 .LBB2_55-.Ltmp39, $4  }
0x488: {  	s18 =	simm.s32 $0x1;
	s25 =	sshll.u32 s21, $0x4;
	s19 =	sor.u32 s23, s19;
	v17 =	vld.idx.msk [tilespmem:v3+s7+$0x0], $0xffff;
	[tilespmem:s24+$0x8A80] =	vst v9  }
0x489: {  	s21 =	sshll.u32 s21, $0x7;
	s28 =	sand.u32 $0x70, s25;
	v9 =	vadd.s32 $0x68, v25;
	v6 =	vadd.s32 $0x69, v25;
	[tilespmem:s24+$0x8B00] =	vst v10;
	s19 =	sor.u32 $0x380, s19;
	v23 =	vld.idx.msk [tilespmem:v4+s7+$0x0], $0xffff  }
0x48a: {  	s20 =	simm.s32 $0x2;
	s29 =	sand.u32 $0xFFFFFC00, s21;
	v10 =	vadd.s32 $0x6A, v25;
	v8 =	vadd.s32 $0x6B, v25;
	v7 =	vadd.s32 $0x6C, v25;
	s21 =	sor.u32 s28, s21;
	[tilespmem:s19+$0x8800] =	vst v26;
	v24 =	vld.idx.msk [tilespmem:v5+s7+$0x0], $0xffff  }
0x48b: {  	v3 =	vadd.s32 $0x6F, v25;
	s19 =	sor.u32 s28, s29;
	s23 =	sor.u32 $0x380, s21;
	s21 =	simm.s32 $0x8030;
	[tilespmem:s24+$0xCB80] =	vst v27;
	v5 =	vadd.s32 $0x6D, v25;
	v4 =	vadd.s32 $0x6E, v25;
	v25 =	vld.idx.msk [tilespmem:v28+s7+$0x0], $0xffff  }
.LBB2_54:
0x48c: {  	v26 =	vld [tilespmem:s21+$0x0];
	[tilespmem:s24+$0xC800] =	vst v11  }
0x48d: {  	v11 =	vld [tilespmem:s21+$0xFFFFFFF0];
	[tilespmem:s24+$0xC880] =	vst v12  }
0x48e: {  	v12 =	vld.idx.msk [tilespmem:v9+s7+$0x0], $0xffff;
	[tilespmem:s24+$0xC900] =	vst v13  }
0x48f: {  	v13 =	vld.idx.msk [tilespmem:v6+s7+$0x0], $0xffff;
	[tilespmem:s24+$0xC980] =	vst v14  }
0x490: {  	v14 =	vld.idx.msk [tilespmem:v10+s7+$0x0], $0xffff;
	[tilespmem:s24+$0xCA00] =	vst v15  }
0x491: {  	v10 =	vadd.s32 $0x60, v26;
	v15 =	vld.idx.msk [tilespmem:v8+s7+$0x0], $0xffff;
	[tilespmem:s24+$0xCA80] =	vst v18  }
0x492: {  	v18 =	vadd.s32 $0x61, v26;
	v27 =	vadd.s32 $0x60, v11;
	v28 =	vadd.s32 $0x61, v11;
	v29 =	vld.idx.msk [tilespmem:v7+s7+$0x0], $0xffff;
	[tilespmem:s24+$0xCB00] =	vst v22  }
0x493: {  	v30 =	vadd.s32 $0x62, v11;
	v31 =	vadd.s32 $0x63, v11;
	v22 =	vadd.s32 $0x62, v26;
	v32 =	vld.idx.msk [tilespmem:v5+s7+$0x0], $0xffff  }
0x494: {  	v35 =	vadd.s32 $0x63, v26;
	v33 =	vadd.s32 $0x64, v11;
	v34 =	vadd.s32 $0x65, v11;
	v36 =	vld.idx.msk [tilespmem:v4+s7+$0x0], $0xffff  }
0x495: {  	v39 =	vadd.s32 $0x64, v26;
	v37 =	vadd.s32 $0x66, v11;
	v38 =	vadd.s32 $0x67, v11;
	v40 =	vld.idx.msk [tilespmem:v3+s7+$0x0], $0xffff;
	[tilespmem:s19+$0x8800] =	vst v19  }
0x496: {  	v41 =	vadd.s32 $0x65, v26;
	v9 =	vadd.s32 $0x68, v11;
	v6 =	vadd.s32 $0x69, v11;
	v19 =	vld.idx.msk [tilespmem:v10+s7+$0x0], $0xffff;
	[tilespmem:s19+$0x8880] =	vst v21  }
0x497: {  	v8 =	vadd.s32 $0x6B, v11;
	v10 =	vadd.s32 $0x6A, v11;
	v21 =	vld.idx.msk [tilespmem:v18+s7+$0x0], $0xffff;
	v18 =	vadd.s32 $0x66, v26;
	[tilespmem:s19+$0x8900] =	vst v20  }
0x498: {  	v7 =	vadd.s32 $0x6C, v11;
	v5 =	vadd.s32 $0x6D, v11;
	v20 =	vld.idx.msk [tilespmem:v22+s7+$0x0], $0xffff;
	v22 =	vadd.s32 $0x67, v26;
	[tilespmem:s19+$0x8980] =	vst v16  }
0x499: {  	v4 =	vadd.s32 $0x6E, v11;
	v3 =	vadd.s32 $0x6F, v11;
	v11 =	vadd.s32 $0x68, v26;
	v16 =	vld.idx.msk [tilespmem:v35+s7+$0x0], $0xffff;
	[tilespmem:s19+$0x8A00] =	vst v17  }
0x49a: {  	v35 =	vadd.s32 $0x69, v26;
	v17 =	vld.idx.msk [tilespmem:v39+s7+$0x0], $0xffff;
	[tilespmem:s19+$0x8A80] =	vst v23  }
0x49b: {  	v39 =	vadd.s32 $0x6A, v26;
	v23 =	vld.idx.msk [tilespmem:v41+s7+$0x0], $0xffff;
	[tilespmem:s19+$0x8B00] =	vst v24  }
0x49c: {  	v24 =	vld.idx.msk [tilespmem:v18+s7+$0x0], $0xffff;
	v18 =	vadd.s32 $0x6B, v26;
	[tilespmem:s23+$0x8800] =	vst v25  }
0x49d: {  	s20 =	sadd.s32 $0x2, s20;
	v25 =	vld.idx.msk [tilespmem:v22+s7+$0x0], $0xffff;
	v22 =	vadd.s32 $0x6C, v26;
	[tilespmem:s19+$0xC800] =	vst v12  }
0x49e: {  	s18 =	sadd.s32 $0x2, s18;
	p2 =	slt.s32 s20, s13;
	v41 =	vadd.s32 $0x6D, v26;
	v11 =	vld.idx.msk [tilespmem:v11+s7+$0x0], $0xffff;
	[tilespmem:s19+$0xC880] =	vst v13  }
0x49f: {  	s23 =	sld [smem:s18+$0x0];
	v12 =	vld.idx.msk [tilespmem:v35+s7+$0x0], $0xffff;
	v35 =	vadd.s32 $0x6E, v26;
	[tilespmem:s19+$0xC900] =	vst v14  }
0x4a0: {  	v26 =	vadd.s32 $0x6F, v26;
	s24 =	sld [smem:s18+$0xFFFFFFFF];
	v13 =	vld.idx.msk [tilespmem:v39+s7+$0x0], $0xffff;
	[tilespmem:s19+$0xC980] =	vst v15  }
0x4a1: {  	v14 =	vld.idx.msk [tilespmem:v18+s7+$0x0], $0xffff;
	[tilespmem:s19+$0xCA00] =	vst v29  }
0x4a2: {  	s25 =	sshll.u32 s23, $0x4;
	v15 =	vld.idx.msk [tilespmem:v22+s7+$0x0], $0xffff;
	s26 =	sshll.u32 s23, $0x7;
	[tilespmem:s19+$0xCA80] =	vst v32  }
0x4a3: {  	s23 =	sshll.u32 s24, $0x4;
	v18 =	vld.idx.msk [tilespmem:v41+s7+$0x0], $0xffff;
	s25 =	sand.u32 $0x70, s25;
	s28 =	sand.u32 $0xFFFFFC00, s26;
	[tilespmem:s19+$0xCB00] =	vst v36  }
0x4a4: {  	s29 =	sshll.u32 s24, $0x7;
	s23 =	sand.u32 $0x70, s23;
	v22 =	vld.idx.msk [tilespmem:v35+s7+$0x0], $0xffff;
	s24 =	sor.u32 s25, s28;
	[tilespmem:s19+$0xCB80] =	vst v40  }
0x4a5: {  	s19 =	sand.u32 $0xFFFFFC00, s29;
	s28 =	sor.u32 s23, s29;
	v26 =	vld.idx.msk [tilespmem:v26+s7+$0x0], $0xffff;
	[tilespmem:s24+$0x8800] =	vst v19  }
0x4a6: {  	s19 =	sor.u32 s23, s19;
	v19 =	vld.idx.msk [tilespmem:v27+s7+$0x0], $0xffff;
	s23 =	sor.u32 $0x380, s28;
	[tilespmem:s24+$0x8880] =	vst v21  }
0x4a7: {  	v21 =	vld.idx.msk [tilespmem:v28+s7+$0x0], $0xffff;
	[tilespmem:s24+$0x8900] =	vst v20  }
0x4a8: {  	v20 =	vld.idx.msk [tilespmem:v30+s7+$0x0], $0xffff;
	[tilespmem:s24+$0x8980] =	vst v16  }
.Ltmp40:
0x4a9: {  	v16 =	vld.idx.msk [tilespmem:v31+s7+$0x0], $0xffff;
	[tilespmem:s24+$0x8A00] =	vst v17;
	(pc) =	sbr.rel @p2 .LBB2_54-.Ltmp40, $4  }
0x4aa: {  	s25 =	sor.u32 s25, s26;
	v17 =	vld.idx.msk [tilespmem:v33+s7+$0x0], $0xffff;
	[tilespmem:s24+$0x8A80] =	vst v23  }
0x4ab: {  	s25 =	sor.u32 $0x380, s25;
	v23 =	vld.idx.msk [tilespmem:v34+s7+$0x0], $0xffff;
	[tilespmem:s24+$0x8B00] =	vst v24  }
0x4ac: {  	v24 =	vld.idx.msk [tilespmem:v37+s7+$0x0], $0xffff;
	[tilespmem:s25+$0x8800] =	vst v25  }
0x4ad: {  	s21 =	sadd.s32 $0x20, s21;
	v25 =	vld.idx.msk [tilespmem:v38+s7+$0x0], $0xffff;
	[tilespmem:s24+$0xCB80] =	vst v26  }
.LBB2_55:
0x4ae: {  	_ =	sdelay $0x3  }
0x4af: {  	v9 =	vld.idx.msk [tilespmem:v9+s7+$0x0], $0xffff;
	[tilespmem:s24+$0xC800] =	vst v11  }
0x4b0: {  	v6 =	vld.idx.msk [tilespmem:v6+s7+$0x0], $0xffff;
	[tilespmem:s24+$0xC880] =	vst v12  }
0x4b1: {  	v10 =	vld.idx.msk [tilespmem:v10+s7+$0x0], $0xffff;
	[tilespmem:s24+$0xC900] =	vst v13  }
0x4b2: {  	v8 =	vld.idx.msk [tilespmem:v8+s7+$0x0], $0xffff;
	[tilespmem:s24+$0xC980] =	vst v14  }
0x4b3: {  	v7 =	vld.idx.msk [tilespmem:v7+s7+$0x0], $0xffff;
	[tilespmem:s24+$0xCA00] =	vst v15  }
0x4b4: {  	v5 =	vld.idx.msk [tilespmem:v5+s7+$0x0], $0xffff;
	[tilespmem:s24+$0xCA80] =	vst v18  }
0x4b5: {  	v4 =	vld.idx.msk [tilespmem:v4+s7+$0x0], $0xffff;
	[tilespmem:s24+$0xCB00] =	vst v22  }
0x4b6: {  	v3 =	vld.idx.msk [tilespmem:v3+s7+$0x0], $0xffff;
	[tilespmem:s19+$0x8800] =	vst v19  }
0x4b7: {  	[tilespmem:s19+$0x8880] =	vst v21  }
0x4b8: {  	[tilespmem:s19+$0x8900] =	vst v20  }
0x4b9: {  	[tilespmem:s19+$0x8980] =	vst v16  }
0x4ba: {  	[tilespmem:s19+$0x8A00] =	vst v17  }
0x4bb: {  	[tilespmem:s19+$0x8A80] =	vst v23  }
0x4bc: {  	[tilespmem:s19+$0x8B00] =	vst v24  }
0x4bd: {  	[tilespmem:s23+$0x8800] =	vst v25  }
0x4be: {  	[tilespmem:s19+$0xC800] =	vst v9  }
0x4bf: {  	[tilespmem:s19+$0xC880] =	vst v6  }
0x4c0: {  	[tilespmem:s19+$0xC900] =	vst v10  }
0x4c1: {  	[tilespmem:s19+$0xC980] =	vst v8  }
0x4c2: {  	[tilespmem:s19+$0xCA00] =	vst v7  }
0x4c3: {  	[tilespmem:s19+$0xCA80] =	vst v5  }
0x4c4: {  	[tilespmem:s19+$0xCB00] =	vst v4  }
0x4c5: {  	[tilespmem:s19+$0xCB80] =	vst v3  }
.LBB2_56:
.Ltmp41:
0x4c6: {  	(pc) =	sbr.rel @p1 .LBB2_59-.Ltmp41, $1  }
0x4c7: {  	_ =	sdelay $0x3  }
0x4c8: {  	s18 =	sadd.s32 $0x8000, s16;
	s17 =	sshra.s32 s17, $0x2;
	s19 =	smov.u32 s14  }
.LBB2_58:
0x4c9: {  	v3 =	vld [tilespmem:s18+$0x0];
	_ =	sdelay $0x4  }
0x4ca: {  	v4 =	vadd.s32 $0x60, v3  }
0x4cb: {  	v5 =	vadd.s32 $0x61, v3  }
0x4cc: {  	v6 =	vadd.s32 $0x62, v3  }
0x4cd: {  	v7 =	vadd.s32 $0x63, v3  }
0x4ce: {  	v8 =	vadd.s32 $0x64, v3  }
0x4cf: {  	v9 =	vadd.s32 $0x65, v3;
	v4 =	vld.idx.msk [tilespmem:v4+s7+$0x0], $0xffff  }
0x4d0: {  	v10 =	vadd.s32 $0x66, v3;
	v5 =	vld.idx.msk [tilespmem:v5+s7+$0x0], $0xffff  }
0x4d1: {  	v11 =	vadd.s32 $0x67, v3;
	v6 =	vld.idx.msk [tilespmem:v6+s7+$0x0], $0xffff  }
0x4d2: {  	v12 =	vadd.s32 $0x68, v3;
	v7 =	vld.idx.msk [tilespmem:v7+s7+$0x0], $0xffff  }
0x4d3: {  	v13 =	vadd.s32 $0x69, v3;
	v8 =	vld.idx.msk [tilespmem:v8+s7+$0x0], $0xffff  }
0x4d4: {  	v14 =	vadd.s32 $0x6A, v3;
	v9 =	vld.idx.msk [tilespmem:v9+s7+$0x0], $0xffff  }
0x4d5: {  	v15 =	vadd.s32 $0x6B, v3;
	v10 =	vld.idx.msk [tilespmem:v10+s7+$0x0], $0xffff  }
0x4d6: {  	v16 =	vadd.s32 $0x6C, v3;
	v11 =	vld.idx.msk [tilespmem:v11+s7+$0x0], $0xffff  }
0x4d7: {  	v17 =	vadd.s32 $0x6D, v3;
	v12 =	vld.idx.msk [tilespmem:v12+s7+$0x0], $0xffff  }
0x4d8: {  	s20 =	sld [smem:s17+$0x0];
	v18 =	vadd.s32 $0x6E, v3;
	v13 =	vld.idx.msk [tilespmem:v13+s7+$0x0], $0xffff  }
0x4d9: {  	v3 =	vadd.s32 $0x6F, v3;
	v14 =	vld.idx.msk [tilespmem:v14+s7+$0x0], $0xffff  }
0x4da: {  	v15 =	vld.idx.msk [tilespmem:v15+s7+$0x0], $0xffff  }
0x4db: {  	s21 =	sshll.u32 s20, $0x4;
	s20 =	sshll.u32 s20, $0x7;
	v16 =	vld.idx.msk [tilespmem:v16+s7+$0x0], $0xffff  }
0x4dc: {  	s21 =	sand.u32 $0x70, s21;
	s23 =	sand.u32 $0xFFFFFC00, s20;
	v17 =	vld.idx.msk [tilespmem:v17+s7+$0x0], $0xffff  }
0x4dd: {  	s23 =	sor.u32 s21, s23;
	v18 =	vld.idx.msk [tilespmem:v18+s7+$0x0], $0xffff  }
0x4de: {  	v3 =	vld.idx.msk [tilespmem:v3+s7+$0x0], $0xffff;
	[tilespmem:s23+$0x8800] =	vst v4  }
0x4df: {  	[tilespmem:s23+$0x8880] =	vst v5  }
0x4e0: {  	[tilespmem:s23+$0x8900] =	vst v6  }
0x4e1: {  	[tilespmem:s23+$0x8980] =	vst v7  }
0x4e2: {  	[tilespmem:s23+$0x8A00] =	vst v8  }
0x4e3: {  	s20 =	sor.u32 s21, s20;
	[tilespmem:s23+$0x8A80] =	vst v9  }
0x4e4: {  	s20 =	sor.u32 $0x380, s20;
	[tilespmem:s23+$0x8B00] =	vst v10  }
0x4e5: {  	[tilespmem:s20+$0x8800] =	vst v11  }
0x4e6: {  	[tilespmem:s23+$0xC800] =	vst v12  }
0x4e7: {  	[tilespmem:s23+$0xC880] =	vst v13  }
0x4e8: {  	p2 =	sne.s32 s19, $0x1;
	[tilespmem:s23+$0xC900] =	vst v14  }
.Ltmp42:
0x4e9: {  	[tilespmem:s23+$0xC980] =	vst v15;
	(pc) =	sbr.rel @p2 .LBB2_58-.Ltmp42, $4  }
0x4ea: {  	[tilespmem:s23+$0xCA00] =	vst v16  }
0x4eb: {  	[tilespmem:s23+$0xCA80] =	vst v17  }
0x4ec: {  	[tilespmem:s23+$0xCB00] =	vst v18  }
0x4ed: {  	s18 =	sadd.s32 $0x10, s18;
	s17 =	sadd.s32 $0x1, s17;
	s19 =	sadd.s32 $0xFFFFFFFF, s19;
	[tilespmem:s23+$0xCB80] =	vst v3  }
.LBB2_59:
.Ltmp43:
0x4ee: {  	(pc) =	sbr.rel @p0 .LBB2_63-.Ltmp43, $4  }
0x4ef: {  	[hbm4b:s2+s3] =	stream.linear.scatter [tilespmem:s10], [sflag:$0x1], $0x8000, $0x38;
	[tilespmem:$0x18800] =	vst v63  }
0x4f0: {  	_ =	swait.ge [sflag:s8], $0x8000  }
0x4f1: {  	[sflag:s8] =	ssyncset.done $0x0  }
0x4f2: {  	[sflag:s8] =	ssyncadd.s32 $0xFFFF8000  }
0x4f3: {  	s18 =	simm.s32 $0x8010  }
0x4f4: {  	v3 =	vld [tilespmem:s18+$0x0];
	_ =	sdelay $0x4  }
0x4f5: {  	v4 =	vadd.s32 $0x70, v3  }
0x4f6: {  	v5 =	vadd.s32 $0x71, v3  }
0x4f7: {  	v6 =	vadd.s32 $0x72, v3  }
0x4f8: {  	v7 =	vadd.s32 $0x73, v3  }
0x4f9: {  	v25 =	vld [tilespmem:s18+$0xFFFFFFF0];
	v8 =	vadd.s32 $0x74, v3  }
0x4fa: {  	v9 =	vadd.s32 $0x75, v3;
	v4 =	vld.idx.msk [tilespmem:v4+s7+$0x0], $0xffff  }
0x4fb: {  	v10 =	vadd.s32 $0x76, v3;
	v5 =	vld.idx.msk [tilespmem:v5+s7+$0x0], $0xffff  }
0x4fc: {  	v11 =	vadd.s32 $0x77, v3;
	v6 =	vld.idx.msk [tilespmem:v6+s7+$0x0], $0xffff  }
0x4fd: {  	v12 =	vadd.s32 $0x78, v3;
	v7 =	vld.idx.msk [tilespmem:v7+s7+$0x0], $0xffff  }
0x4fe: {  	v13 =	vadd.s32 $0x79, v3;
	v8 =	vld.idx.msk [tilespmem:v8+s7+$0x0], $0xffff  }
0x4ff: {  	v14 =	vadd.s32 $0x7A, v3;
	v9 =	vld.idx.msk [tilespmem:v9+s7+$0x0], $0xffff  }
0x500: {  	v15 =	vadd.s32 $0x7B, v3;
	v10 =	vld.idx.msk [tilespmem:v10+s7+$0x0], $0xffff  }
0x501: {  	v16 =	vadd.s32 $0x7C, v3;
	v26 =	vld.idx.msk [tilespmem:v11+s7+$0x0], $0xffff  }
0x502: {  	v17 =	vadd.s32 $0x7D, v3;
	v11 =	vld.idx.msk [tilespmem:v12+s7+$0x0], $0xffff  }
0x503: {  	v18 =	vadd.s32 $0x7E, v3;
	s18 =	sld [smem:$0x1];
	v12 =	vld.idx.msk [tilespmem:v13+s7+$0x0], $0xffff  }
0x504: {  	v3 =	vadd.s32 $0x7F, v3;
	s20 =	sld [smem:$0x0];
	v13 =	vld.idx.msk [tilespmem:v14+s7+$0x0], $0xffff  }
0x505: {  	v19 =	vadd.s32 $0x70, v25;
	v14 =	vld.idx.msk [tilespmem:v15+s7+$0x0], $0xffff  }
0x506: {  	v20 =	vadd.s32 $0x71, v25;
	v15 =	vld.idx.msk [tilespmem:v16+s7+$0x0], $0xffff;
	s19 =	sshll.u32 s18, $0x4;
	s18 =	sshll.u32 s18, $0x7  }
0x507: {  	v21 =	vadd.s32 $0x72, v25;
	v16 =	vld.idx.msk [tilespmem:v17+s7+$0x0], $0xffff;
	s21 =	sand.u32 $0x70, s19;
	s25 =	sand.u32 $0xFFFFFC00, s18  }
0x508: {  	v22 =	vadd.s32 $0x73, v25;
	v17 =	vld.idx.msk [tilespmem:v18+s7+$0x0], $0xffff;
	s23 =	sor.u32 s21, s25  }
0x509: {  	v24 =	vadd.s32 $0x76, v25;
	v27 =	vld.idx.msk [tilespmem:v3+s7+$0x0], $0xffff;
	s24 =	sadd.s32 $0x10800, s23;
	[tilespmem:s23+$0x10800] =	vst v4  }
0x50a: {  	v3 =	vadd.s32 $0x74, v25;
	v18 =	vld.idx.msk [tilespmem:v19+s7+$0x0], $0xffff;
	[tilespmem:s24+$0x80] =	vst v5  }
0x50b: {  	v20 =	vld.idx.msk [tilespmem:v20+s7+$0x0], $0xffff;
	v4 =	vadd.s32 $0x75, v25;
	[tilespmem:s24+$0x100] =	vst v6  }
0x50c: {  	p0 =	sgt.s32 s13, $0x2;
	v28 =	vadd.s32 $0x77, v25;
	v21 =	vld.idx.msk [tilespmem:v21+s7+$0x0], $0xffff;
	[tilespmem:s24+$0x180] =	vst v7  }
.Ltmp44:
0x50d: {  	v19 =	vld.idx.msk [tilespmem:v22+s7+$0x0], $0xffff;
	s25 =	sshll.u32 s20, $0x4;
	[tilespmem:s24+$0x200] =	vst v8;
	(pc) =	sbr.rel @!p0 .LBB2_62-.Ltmp44, $4  }
0x50e: {  	v24 =	vld.idx.msk [tilespmem:v24+s7+$0x0], $0xffff;
	s20 =	sshll.u32 s20, $0x7;
	s18 =	sor.u32 s21, s18;
	s26 =	sand.u32 $0x70, s25;
	[tilespmem:s24+$0x280] =	vst v9  }
0x50f: {  	s17 =	simm.s32 $0x1;
	v22 =	vld.idx.msk [tilespmem:v3+s7+$0x0], $0xffff;
	s28 =	sand.u32 $0xFFFFFC00, s20;
	s29 =	sor.u32 $0x380, s18;
	v3 =	vadd.s32 $0x7F, v25;
	v5 =	vadd.s32 $0x78, v25;
	v7 =	vadd.s32 $0x79, v25;
	[tilespmem:s24+$0x300] =	vst v10  }
0x510: {  	s19 =	simm.s32 $0x2;
	v9 =	vadd.s32 $0x7A, v25;
	v10 =	vadd.s32 $0x7B, v25;
	v8 =	vadd.s32 $0x7C, v25;
	s20 =	sor.u32 s26, s20;
	s18 =	sor.u32 s26, s28;
	[tilespmem:s29+$0x10800] =	vst v26;
	v23 =	vld.idx.msk [tilespmem:v4+s7+$0x0], $0xffff  }
0x511: {  	v6 =	vadd.s32 $0x7E, v25;
	s21 =	sor.u32 $0x380, s20;
	s24 =	sadd.s32 $0x10800, s18;
	s20 =	simm.s32 $0x8030;
	[tilespmem:s23+$0x14B80] =	vst v27;
	v4 =	vadd.s32 $0x7D, v25;
	v25 =	vld.idx.msk [tilespmem:v28+s7+$0x0], $0xffff  }
.LBB2_61:
0x512: {  	v26 =	vld [tilespmem:s20+$0x0];
	[tilespmem:s23+$0x14800] =	vst v11  }
0x513: {  	v11 =	vld [tilespmem:s20+$0xFFFFFFF0];
	[tilespmem:s23+$0x14880] =	vst v12  }
0x514: {  	v12 =	vld.idx.msk [tilespmem:v5+s7+$0x0], $0xffff;
	[tilespmem:s23+$0x14900] =	vst v13  }
0x515: {  	v13 =	vld.idx.msk [tilespmem:v7+s7+$0x0], $0xffff;
	[tilespmem:s23+$0x14980] =	vst v14  }
0x516: {  	v14 =	vld.idx.msk [tilespmem:v9+s7+$0x0], $0xffff;
	[tilespmem:s23+$0x14A00] =	vst v15  }
0x517: {  	v9 =	vadd.s32 $0x70, v26;
	v15 =	vld.idx.msk [tilespmem:v10+s7+$0x0], $0xffff;
	[tilespmem:s23+$0x14A80] =	vst v16  }
0x518: {  	v16 =	vadd.s32 $0x71, v26;
	v27 =	vadd.s32 $0x70, v11;
	v28 =	vadd.s32 $0x71, v11;
	v29 =	vld.idx.msk [tilespmem:v8+s7+$0x0], $0xffff;
	[tilespmem:s23+$0x14B00] =	vst v17  }
0x519: {  	v30 =	vadd.s32 $0x72, v11;
	v31 =	vadd.s32 $0x73, v11;
	v17 =	vadd.s32 $0x72, v26;
	v32 =	vld.idx.msk [tilespmem:v4+s7+$0x0], $0xffff  }
0x51a: {  	v35 =	vadd.s32 $0x73, v26;
	v33 =	vadd.s32 $0x74, v11;
	v34 =	vadd.s32 $0x75, v11;
	v36 =	vld.idx.msk [tilespmem:v6+s7+$0x0], $0xffff  }
0x51b: {  	v39 =	vadd.s32 $0x74, v26;
	v37 =	vadd.s32 $0x76, v11;
	v38 =	vadd.s32 $0x77, v11;
	v40 =	vld.idx.msk [tilespmem:v3+s7+$0x0], $0xffff;
	[tilespmem:s18+$0x10800] =	vst v18  }
0x51c: {  	v41 =	vadd.s32 $0x75, v26;
	v5 =	vadd.s32 $0x78, v11;
	v7 =	vadd.s32 $0x79, v11;
	v18 =	vld.idx.msk [tilespmem:v9+s7+$0x0], $0xffff;
	[tilespmem:s24+$0x80] =	vst v20  }
0x51d: {  	v10 =	vadd.s32 $0x7B, v11;
	v9 =	vadd.s32 $0x7A, v11;
	v20 =	vld.idx.msk [tilespmem:v16+s7+$0x0], $0xffff;
	v16 =	vadd.s32 $0x76, v26;
	[tilespmem:s24+$0x100] =	vst v21  }
0x51e: {  	v8 =	vadd.s32 $0x7C, v11;
	v4 =	vadd.s32 $0x7D, v11;
	v21 =	vld.idx.msk [tilespmem:v17+s7+$0x0], $0xffff;
	v17 =	vadd.s32 $0x77, v26;
	[tilespmem:s24+$0x180] =	vst v19  }
0x51f: {  	v6 =	vadd.s32 $0x7E, v11;
	v3 =	vadd.s32 $0x7F, v11;
	v11 =	vadd.s32 $0x78, v26;
	v19 =	vld.idx.msk [tilespmem:v35+s7+$0x0], $0xffff;
	[tilespmem:s24+$0x200] =	vst v22  }
0x520: {  	v35 =	vadd.s32 $0x79, v26;
	v22 =	vld.idx.msk [tilespmem:v39+s7+$0x0], $0xffff;
	[tilespmem:s24+$0x280] =	vst v23  }
0x521: {  	v39 =	vadd.s32 $0x7A, v26;
	v23 =	vld.idx.msk [tilespmem:v41+s7+$0x0], $0xffff;
	[tilespmem:s24+$0x300] =	vst v24  }
0x522: {  	v24 =	vld.idx.msk [tilespmem:v16+s7+$0x0], $0xffff;
	v16 =	vadd.s32 $0x7B, v26;
	[tilespmem:s21+$0x10800] =	vst v25  }
0x523: {  	s19 =	sadd.s32 $0x2, s19;
	v25 =	vld.idx.msk [tilespmem:v17+s7+$0x0], $0xffff;
	v17 =	vadd.s32 $0x7C, v26;
	[tilespmem:s18+$0x14800] =	vst v12  }
0x524: {  	s17 =	sadd.s32 $0x2, s17;
	p0 =	slt.s32 s19, s13;
	v41 =	vadd.s32 $0x7D, v26;
	v11 =	vld.idx.msk [tilespmem:v11+s7+$0x0], $0xffff;
	[tilespmem:s18+$0x14880] =	vst v13  }
0x525: {  	s21 =	sld [smem:s17+$0x0];
	v12 =	vld.idx.msk [tilespmem:v35+s7+$0x0], $0xffff;
	v35 =	vadd.s32 $0x7E, v26;
	[tilespmem:s18+$0x14900] =	vst v14  }
0x526: {  	v26 =	vadd.s32 $0x7F, v26;
	s23 =	sld [smem:s17+$0xFFFFFFFF];
	v13 =	vld.idx.msk [tilespmem:v39+s7+$0x0], $0xffff;
	[tilespmem:s18+$0x14980] =	vst v15  }
0x527: {  	v14 =	vld.idx.msk [tilespmem:v16+s7+$0x0], $0xffff;
	[tilespmem:s18+$0x14A00] =	vst v29  }
0x528: {  	s24 =	sshll.u32 s21, $0x4;
	v15 =	vld.idx.msk [tilespmem:v17+s7+$0x0], $0xffff;
	s25 =	sshll.u32 s21, $0x7;
	[tilespmem:s18+$0x14A80] =	vst v32  }
0x529: {  	s21 =	sshll.u32 s23, $0x4;
	v16 =	vld.idx.msk [tilespmem:v41+s7+$0x0], $0xffff;
	s26 =	sand.u32 $0x70, s24;
	s24 =	sand.u32 $0xFFFFFC00, s25;
	[tilespmem:s18+$0x14B00] =	vst v36  }
0x52a: {  	s28 =	sshll.u32 s23, $0x7;
	s21 =	sand.u32 $0x70, s21;
	v17 =	vld.idx.msk [tilespmem:v35+s7+$0x0], $0xffff;
	s23 =	sor.u32 s26, s24;
	[tilespmem:s18+$0x14B80] =	vst v40  }
0x52b: {  	s18 =	sand.u32 $0xFFFFFC00, s28;
	s24 =	sor.u32 s21, s28;
	v26 =	vld.idx.msk [tilespmem:v26+s7+$0x0], $0xffff;
	s28 =	sadd.s32 $0x10800, s23;
	[tilespmem:s23+$0x10800] =	vst v18  }
0x52c: {  	s18 =	sor.u32 s21, s18;
	v18 =	vld.idx.msk [tilespmem:v27+s7+$0x0], $0xffff;
	s21 =	sor.u32 $0x380, s24;
	[tilespmem:s28+$0x80] =	vst v20  }
0x52d: {  	s24 =	sadd.s32 $0x10800, s18;
	v20 =	vld.idx.msk [tilespmem:v28+s7+$0x0], $0xffff;
	[tilespmem:s28+$0x100] =	vst v21  }
0x52e: {  	v21 =	vld.idx.msk [tilespmem:v30+s7+$0x0], $0xffff;
	[tilespmem:s28+$0x180] =	vst v19  }
.Ltmp45:
0x52f: {  	v19 =	vld.idx.msk [tilespmem:v31+s7+$0x0], $0xffff;
	[tilespmem:s28+$0x200] =	vst v22;
	(pc) =	sbr.rel @p0 .LBB2_61-.Ltmp45, $4  }
0x530: {  	s25 =	sor.u32 s26, s25;
	v22 =	vld.idx.msk [tilespmem:v33+s7+$0x0], $0xffff;
	[tilespmem:s28+$0x280] =	vst v23  }
0x531: {  	s25 =	sor.u32 $0x380, s25;
	v23 =	vld.idx.msk [tilespmem:v34+s7+$0x0], $0xffff;
	[tilespmem:s28+$0x300] =	vst v24  }
0x532: {  	v24 =	vld.idx.msk [tilespmem:v37+s7+$0x0], $0xffff;
	[tilespmem:s25+$0x10800] =	vst v25  }
0x533: {  	s20 =	sadd.s32 $0x20, s20;
	v25 =	vld.idx.msk [tilespmem:v38+s7+$0x0], $0xffff;
	[tilespmem:s23+$0x14B80] =	vst v26  }
.LBB2_62:
0x534: {  	_ =	sdelay $0x3  }
0x535: {  	v5 =	vld.idx.msk [tilespmem:v5+s7+$0x0], $0xffff;
	[tilespmem:s23+$0x14800] =	vst v11  }
0x536: {  	v7 =	vld.idx.msk [tilespmem:v7+s7+$0x0], $0xffff;
	[tilespmem:s23+$0x14880] =	vst v12  }
0x537: {  	v9 =	vld.idx.msk [tilespmem:v9+s7+$0x0], $0xffff;
	[tilespmem:s23+$0x14900] =	vst v13  }
0x538: {  	v10 =	vld.idx.msk [tilespmem:v10+s7+$0x0], $0xffff;
	[tilespmem:s23+$0x14980] =	vst v14  }
0x539: {  	v8 =	vld.idx.msk [tilespmem:v8+s7+$0x0], $0xffff;
	[tilespmem:s23+$0x14A00] =	vst v15  }
0x53a: {  	v4 =	vld.idx.msk [tilespmem:v4+s7+$0x0], $0xffff;
	[tilespmem:s23+$0x14A80] =	vst v16  }
0x53b: {  	v6 =	vld.idx.msk [tilespmem:v6+s7+$0x0], $0xffff;
	[tilespmem:s23+$0x14B00] =	vst v17  }
0x53c: {  	v3 =	vld.idx.msk [tilespmem:v3+s7+$0x0], $0xffff;
	[tilespmem:s18+$0x10800] =	vst v18  }
0x53d: {  	[tilespmem:s24+$0x80] =	vst v20  }
0x53e: {  	[tilespmem:s24+$0x100] =	vst v21  }
0x53f: {  	[tilespmem:s24+$0x180] =	vst v19  }
0x540: {  	[tilespmem:s24+$0x200] =	vst v22  }
0x541: {  	[tilespmem:s24+$0x280] =	vst v23  }
0x542: {  	[tilespmem:s24+$0x300] =	vst v24  }
0x543: {  	[tilespmem:s21+$0x10800] =	vst v25  }
0x544: {  	[tilespmem:s18+$0x14800] =	vst v5  }
0x545: {  	[tilespmem:s18+$0x14880] =	vst v7  }
0x546: {  	[tilespmem:s18+$0x14900] =	vst v9  }
0x547: {  	[tilespmem:s18+$0x14980] =	vst v10  }
0x548: {  	[tilespmem:s18+$0x14A00] =	vst v8  }
0x549: {  	[tilespmem:s18+$0x14A80] =	vst v4  }
0x54a: {  	[tilespmem:s18+$0x14B00] =	vst v6  }
0x54b: {  	[tilespmem:s18+$0x14B80] =	vst v3  }
.LBB2_63:
.Ltmp46:
0x54c: {  	(pc) =	sbr.rel @p1 .LBB2_66-.Ltmp46, $1  }
0x54d: {  	_ =	sdelay $0x3  }
0x54e: {  	s13 =	sadd.s32 $0x8000, s16  }
.LBB2_65:
0x54f: {  	v3 =	vld [tilespmem:s13+$0x0];
	_ =	sdelay $0x4  }
0x550: {  	v4 =	vadd.s32 $0x70, v3  }
0x551: {  	v5 =	vadd.s32 $0x71, v3  }
0x552: {  	v6 =	vadd.s32 $0x72, v3  }
0x553: {  	v7 =	vadd.s32 $0x73, v3  }
0x554: {  	v8 =	vadd.s32 $0x74, v3  }
0x555: {  	v9 =	vadd.s32 $0x75, v3;
	v4 =	vld.idx.msk [tilespmem:v4+s7+$0x0], $0xffff  }
0x556: {  	v10 =	vadd.s32 $0x76, v3;
	v5 =	vld.idx.msk [tilespmem:v5+s7+$0x0], $0xffff  }
0x557: {  	v11 =	vadd.s32 $0x77, v3;
	v6 =	vld.idx.msk [tilespmem:v6+s7+$0x0], $0xffff  }
0x558: {  	v12 =	vadd.s32 $0x78, v3;
	v7 =	vld.idx.msk [tilespmem:v7+s7+$0x0], $0xffff  }
0x559: {  	v13 =	vadd.s32 $0x79, v3;
	v8 =	vld.idx.msk [tilespmem:v8+s7+$0x0], $0xffff  }
0x55a: {  	v14 =	vadd.s32 $0x7A, v3;
	v9 =	vld.idx.msk [tilespmem:v9+s7+$0x0], $0xffff  }
0x55b: {  	v15 =	vadd.s32 $0x7B, v3;
	v10 =	vld.idx.msk [tilespmem:v10+s7+$0x0], $0xffff  }
0x55c: {  	v16 =	vadd.s32 $0x7C, v3;
	v11 =	vld.idx.msk [tilespmem:v11+s7+$0x0], $0xffff  }
0x55d: {  	v17 =	vadd.s32 $0x7D, v3;
	v12 =	vld.idx.msk [tilespmem:v12+s7+$0x0], $0xffff  }
0x55e: {  	s16 =	sld [smem:s15+$0x0];
	v18 =	vadd.s32 $0x7E, v3;
	v13 =	vld.idx.msk [tilespmem:v13+s7+$0x0], $0xffff  }
0x55f: {  	v3 =	vadd.s32 $0x7F, v3;
	v14 =	vld.idx.msk [tilespmem:v14+s7+$0x0], $0xffff  }
0x560: {  	v15 =	vld.idx.msk [tilespmem:v15+s7+$0x0], $0xffff  }
0x561: {  	s17 =	sshll.u32 s16, $0x4;
	s16 =	sshll.u32 s16, $0x7;
	v16 =	vld.idx.msk [tilespmem:v16+s7+$0x0], $0xffff  }
0x562: {  	s17 =	sand.u32 $0x70, s17;
	s18 =	sand.u32 $0xFFFFFC00, s16;
	v17 =	vld.idx.msk [tilespmem:v17+s7+$0x0], $0xffff  }
0x563: {  	s18 =	sor.u32 s17, s18;
	v18 =	vld.idx.msk [tilespmem:v18+s7+$0x0], $0xffff  }
0x564: {  	s19 =	sadd.s32 $0x10800, s18;
	v3 =	vld.idx.msk [tilespmem:v3+s7+$0x0], $0xffff;
	[tilespmem:s18+$0x10800] =	vst v4  }
0x565: {  	[tilespmem:s19+$0x80] =	vst v5  }
0x566: {  	[tilespmem:s19+$0x100] =	vst v6  }
0x567: {  	[tilespmem:s19+$0x180] =	vst v7  }
0x568: {  	[tilespmem:s19+$0x200] =	vst v8  }
0x569: {  	s16 =	sor.u32 s17, s16;
	[tilespmem:s19+$0x280] =	vst v9  }
0x56a: {  	s16 =	sor.u32 $0x380, s16;
	[tilespmem:s19+$0x300] =	vst v10  }
0x56b: {  	[tilespmem:s16+$0x10800] =	vst v11  }
0x56c: {  	[tilespmem:s18+$0x14800] =	vst v12  }
0x56d: {  	[tilespmem:s18+$0x14880] =	vst v13  }
0x56e: {  	p0 =	sne.s32 s14, $0x1;
	[tilespmem:s18+$0x14900] =	vst v14  }
.Ltmp47:
0x56f: {  	[tilespmem:s18+$0x14980] =	vst v15;
	(pc) =	sbr.rel @p0 .LBB2_65-.Ltmp47, $4  }
0x570: {  	[tilespmem:s18+$0x14A00] =	vst v16  }
0x571: {  	[tilespmem:s18+$0x14A80] =	vst v17  }
0x572: {  	[tilespmem:s18+$0x14B00] =	vst v18  }
0x573: {  	s13 =	sadd.s32 $0x10, s13;
	s15 =	sadd.s32 $0x1, s15;
	s14 =	sadd.s32 $0xFFFFFFFF, s14;
	[tilespmem:s18+$0x14B80] =	vst v3  }
.Ltmp48:
0x574: {  	_ = 	snop;
	(pc) =	sbr.rel .LBB2_66-.Ltmp48, $1  }
0x575: {  	_ =	sdelay $0x3  }
.LBB2_13:
.Ltmp49:
0x576: {  	(pc) =	sbr.rel .LBB2_72-.Ltmp49, $2  }
0x577: {  	_ =	sdelay $0x2  }
0x578: {  	_ = 	snop  }
.LBB2_69:
.Ltmp50:
0x579: {  	_ = 	snop;
	(pc) =	sbr.rel .LBB2_72-.Ltmp50, $3  }
0x57a: {  	_ =	sdelay $0x1  }
0x57b: {  	v49 =	vmov v3;
	v33 =	vmov v40;
	v42 =	vmov v34  }
0x57c: {  	s17 =	smov.u32 s23;
	s23 =	smov.u32 s15;
	v40 =	vmovc v28;
	v39 =	vmovc v27;
	v35 =	vmov v20;
	v3 =	vmov v37;
	v37 =	vmov v22  }
.LBB2_67:
0x57d: {  	_ =	sfence.sel $0x180000  }
0x57e: {  	[bflag:$0x0] =	sbarrier.arrive $0xFFFF  }
0x57f: {  	_ =	strace $0x90000047  }
0x580: {  	s0 =	stileid.u32;
	[bflag:$0x2] =	sbarrier.arrive $0xFFFF  }
0x581: {  	p0 =	sne.s32 s0, $0x0;
	s0 =	rddreg [dreg:$0x3]  }
0x582: {  	s0 =	sadd.s32 @!p0 $0x100000, s0  }
0x583: {  	[sflag:s0] =	ssyncadd.tile.s32 @!p0 $0x1;
	_ =	shalt  }
.Lfunc_end2:
_tile_overlayer_lowered:
.L_overlay_start_2:
0x584: {  	(tag) =	ssettag $0x2  }
0x585: {  	s0 =	rddreg [dreg:$0x0];
	s2 =	stileid.u32  }
0x586: {  	s1 =	rddreg [dreg:$0x1];
	p0 =	sne.s32 s2, $0x0  }
0x587: {  	s3 =	rddreg [dreg:$0x2];
	[bflag:$0x3] =	sbarrier.arrive $0xFFFF;
	s2 =	simm.s32 @!p0 $0x1C03  }
0x588: {  	[timem:s3], [sflag:s2] =	dma.local @!p0 [hbm:s0], s1  }
0x589: {  	s0 =	simm.s32 @!p0 $0x3  }
0x58a: {  	_ =	swait.ge @!p0 [sflag:s0], s1  }
0x58b: {  	s1 =	ssub.s32 @!p0 $0x0, s1;
	[sflag:s0] =	ssyncset.done @!p0 $0x0  }
0x58c: {  	[sflag:s0] =	ssyncadd.s32 @!p0 s1  }
0x58d: {  	[bflag:$0x3] =	sbarrier.arrive $0xFFFF  }
0x58e: {  	_ =	shalt  }

</sc_bundles>
